<compile_context>
chip_gen: v7x
topology: tpu7x:2x2x1
jax: 0.10.2.dev20260603
libtpu: 0.0.44.dev20260713+nightly
codegen_flags: <defaults>
</compile_context>

<pallas_src>
import functools

import jax
import jax.numpy as jnp
from jax import lax
from jax.experimental import pallas as pl
from jax.experimental.pallas import tpu as pltpu
from jax.experimental.pallas import tpu_sc as plsc

KNN = 16
EPS = 1e-5
SLOPE = 0.2


def _knn(x, sq, nt=256):
    B, N, Cp = x.shape

    def body(xb_ref, xa_ref, sq_ref, idx_ref):
        b = pl.program_id(0)
        i = pl.program_id(1)
        xb = xb_ref[0]
        xa = xa_ref[0]
        inner = lax.dot_general(xb, xa, (((1,), (1,)), ((), ())),
                                preferred_element_type=jnp.float32)
        sqa = sq_ref[0, 0]
        sqb = sq_ref[0, 0, pl.ds(i * nt, nt)]
        d = (2.0 * inner - sqb[:, None]) - sqa[None, :]
        iota = lax.broadcasted_iota(jnp.int32, (nt, N), 1)
        kio = lax.broadcasted_iota(jnp.int32, (nt, KNN), 1)
        idx_acc = jnp.zeros((nt, KNN), jnp.int32)
        neg = jnp.float32(-jnp.inf)
        for t in range(KNN):
            m = jnp.max(d, axis=1, keepdims=True)
            am = jnp.min(jnp.where(d == m, iota, jnp.int32(N)), axis=1,
                         keepdims=True)
            idx_acc = jnp.where(kio == t, am, idx_acc)
            d = jnp.where(iota == am, neg, d)
        idx_ref[0] = idx_acc + b * N

    return pl.pallas_call(
        body,
        grid=(B, N // nt),
        in_specs=[
            pl.BlockSpec((1, nt, Cp), lambda b, i: (b, i, 0)),
            pl.BlockSpec((1, N, Cp), lambda b, i: (b, 0, 0)),
            pl.BlockSpec((1, 1, N), lambda b, i: (b, 0, 0)),
        ],
        out_specs=pl.BlockSpec((1, nt, KNN), lambda b, i: (b, i, 0)),
        out_shape=jax.ShapeDtypeStruct((B, N, KNN), jnp.int32),
    )(x, x, sq[:, None, :])


def _sc_gather(gidx, x2d):
    BN, Cp = x2d.shape
    info = plsc.get_sparse_core_info()
    NC, NS = info.num_cores, info.num_subcores
    NW = NC * NS
    PTS = BN // NW
    CH = 8
    NCH = PTS // CH
    mesh = plsc.VectorSubcoreMesh(core_axis_name="c", subcore_axis_name="s")

    @functools.partial(
        pl.kernel, mesh=mesh,
        out_type=jax.ShapeDtypeStruct((BN * KNN, Cp), jnp.float32),
        scratch_types=[
            pltpu.VMEM((2, CH * KNN), jnp.int32),
            pltpu.VMEM((2, CH * KNN, Cp), jnp.float32),
            pltpu.SemaphoreType.DMA,
            pltpu.SemaphoreType.DMA,
        ],
    )
    def k(gidx_hbm, x_hbm, xg_hbm, idx_v, rows_v, gsem, ssem):
        wid = lax.axis_index("s") * NC + lax.axis_index("c")
        base = wid * PTS

        def fire(c, slot):
            pb = base + c * CH
            pltpu.sync_copy(gidx_hbm.at[pl.ds(pb * KNN, CH * KNN)],
                            idx_v.at[slot])
            pltpu.async_copy(x_hbm.at[idx_v.at[slot]], rows_v.at[slot], gsem)

        fire(0, 0)

        def chunk(c, carry):
            slot = lax.rem(c, 2)
            pb = base + c * CH

            @pl.when(c + 1 < NCH)
            def _():
                fire(c + 1, 1 - slot)

            pltpu.make_async_copy(x_hbm.at[idx_v.at[slot]],
                                  rows_v.at[slot], gsem).wait()
            pltpu.async_copy(rows_v.at[slot],
                             xg_hbm.at[pl.ds(pb * KNN, CH * KNN)],
                             ssem).wait()
            return carry

        lax.fori_loop(0, NCH, chunk, 0)

    return k(gidx, x2d)


def _edge_pool(xg, x2d, w, cin, dp, nt=128):
    BNK, Cp = xg.shape
    BN = BNK // KNN
    G = BN // nt

    def body(xg_ref, x_ref, w_ref, m_ref):
        xgv = xg_ref[...]
        xc = x_ref[...]
        cb = jnp.broadcast_to(xc[:, None, :], (nt, KNN, Cp))
        cb = cb.reshape(nt * KNN, Cp)
        diff = xgv - cb
        if cin == Cp:
            feat = jnp.concatenate([diff, cb], axis=1)
        else:
            feat = jnp.concatenate([diff[:, :cin], cb[:, :cin]], axis=1)
        out = jnp.dot(feat, w_ref[...], preferred_element_type=jnp.float32)
        o3 = out.reshape(nt, KNN, dp)
        m_ref[...] = jnp.max(o3, axis=1)

    return pl.pallas_call(
        body,
        grid=(G,),
        in_specs=[
            pl.BlockSpec((nt * KNN, Cp), lambda i: (i, 0)),
            pl.BlockSpec((nt, Cp), lambda i: (i, 0)),
            pl.BlockSpec((2 * cin, dp), lambda i: (0, 0)),
        ],
        out_specs=pl.BlockSpec((nt, dp), lambda i: (i, 0)),
        out_shape=jax.ShapeDtypeStruct((BN, dp), jnp.float32),
    )(xg, x2d, w)


def _pointwise(M, ss, rows=1024):
    BN, D = M.shape
    G = BN // rows

    def body(m_ref, ss_ref, o_ref):
        mean = ss_ref[0, :]
        sc = ss_ref[1, :]
        beta = ss_ref[2, :]
        y = (m_ref[...] - mean[None, :]) * sc[None, :] + beta[None, :]
        o_ref[...] = jnp.where(y > 0, y, SLOPE * y)

    return pl.pallas_call(
        body,
        grid=(G,),
        in_specs=[
            pl.BlockSpec((rows, D), lambda i: (i, 0)),
            pl.BlockSpec((8, D), lambda i: (0, 0)),
        ],
        out_specs=pl.BlockSpec((rows, D), lambda i: (i, 0)),
        out_shape=jax.ShapeDtypeStruct((BN, D), jnp.float32),
    )(M, ss)


def _edge_conv(x, W, g, b, cin, cout, dp):
    B, N, Cp = x.shape
    wpad = jnp.zeros((2 * cin, dp), jnp.float32)
    wpad = wpad.at[:, :cout].set(W.T)
    xu = x[..., :cin]
    sq = jnp.sum(xu * xu, axis=-1)
    gidx = _knn(x, sq)
    BN = B * N
    x2d = x.reshape(BN, Cp)
    xg = _sc_gather(gidx.reshape(BN * KNN), x2d)
    M = _edge_pool(xg, x2d, wpad, cin, dp)
    neigh = xg.reshape(B, N, KNN, Cp)
    if cin != Cp:
        neigh = neigh[..., :cin]
    center = jnp.broadcast_to(xu[:, :, None, :], neigh.shape)
    feat = jnp.concatenate([neigh - center, center], axis=-1)
    out_s = jnp.einsum('bnkc,oc->bnko', feat, W)
    mean = jnp.mean(out_s, axis=(0, 1, 2))
    var = jnp.var(out_s, axis=(0, 1, 2))
    scale = g * jax.lax.rsqrt(var + EPS)
    ss = jnp.zeros((8, dp), jnp.float32)
    ss = ss.at[0, :cout].set(mean).at[1, :cout].set(scale).at[2, :cout].set(b)
    y = _pointwise(M, ss)
    return y.reshape(B, N, dp)


def kernel(xyz, feature, vw1, vg1, vb1, vw2, vg2, vb2, vw3, vg3, vb3,
           cw1, cg1, cb1, cw2, cg2, cb2, cw3, cg3, cb3,
           bw1, bg1, bb1, bw2, bg2, bb2, bw3, bg3, bb3):
    xt = jnp.transpose(feature, (0, 2, 1))
    xyz_t = jnp.transpose(xyz, (0, 2, 1))

    cx = jnp.concatenate([xyz_t, xt], axis=-1)
    cx = jnp.pad(cx, ((0, 0), (0, 0), (0, 125)))
    yv = _edge_conv(xt, vw1, vg1, vb1, 128, 128, 128)
    yc = _edge_conv(cx, cw1, cg1, cb1, 131, 64, 128)
    yv = _edge_conv(yv, vw2, vg2, vb2, 128, 128, 128)
    yc = _edge_conv(yc, cw2, cg2, cb2, 64, 64, 128)
    vy = _edge_conv(yv, vw3, vg3, vb3, 128, 131, 256)
    cla_y = _edge_conv(yc, cw3, cg3, cb3, 64, 1, 128)
    score = jax.nn.sigmoid(cla_y[..., :1])

    vote_xyz = xyz_t + vy[..., :3]
    bx = jnp.concatenate([vote_xyz, vy[..., 3:131], score], axis=-1)
    bx = jnp.pad(bx, ((0, 0), (0, 0), (0, 124)))
    y = _edge_conv(bx, bw1, bg1, bb1, 132, 64, 128)
    y = _edge_conv(y, bw2, bg2, bb2, 64, 32, 128)
    by = _edge_conv(y, bw3, bg3, bb3, 32, 5, 128)

    box = jnp.transpose(by[..., :5], (0, 2, 1))
    cla = jnp.transpose(cla_y[..., :1], (0, 2, 1))
    return (box, cla)

# --- scband reference (transcript-rebuilt; emitter-appended) ---
"""Pipeline reference for scband-dynamic-graph-rpn-4509715661539 (READ-ONLY COPY).

The authoritative reference and input builder live on the scoring server;
editing this copy changes nothing except your own understanding.
"""

import jax, jax.numpy as jnp
import numpy as np

K = 16
EPS = 1e-5
NEG_SLOPE = 0.2


def knn(x, k):
    # x: (B, C, N) -> idx (B, N, k) of nearest neighbors in feature space
    xt = jnp.transpose(x, (0, 2, 1))
    inner = jnp.einsum('bnc,bmc->bnm', xt, xt)
    sq = jnp.sum(xt * xt, axis=-1)
    neg_dist = 2.0 * inner - sq[:, :, None] - sq[:, None, :]
    _, idx = jax.lax.top_k(neg_dist, k)
    return idx


def get_graph_feature(x, k):
    # x: (B, C, N) -> (B, N, k, 2C) edge features cat(x_j - x_i, x_i)
    idx = knn(x, k)
    xt = jnp.transpose(x, (0, 2, 1))
    neigh = jax.vmap(lambda xb, ib: xb[ib])(xt, idx)
    center = jnp.broadcast_to(xt[:, :, None, :], neigh.shape)
    return jnp.concatenate([neigh - center, center], axis=-1)


def edge_conv(x, W, gamma, beta):
    # DGCNN EdgeConv: knn graph feature -> 1x1 conv -> BN (batch stats) -> LeakyReLU(0.2) -> max over k
    feat = get_graph_feature(x, K)
    out = jnp.einsum('bnkc,oc->bnko', feat, W)
    mean = jnp.mean(out, axis=(0, 1, 2), keepdims=True)
    var = jnp.var(out, axis=(0, 1, 2), keepdims=True)
    out = (out - mean) * jax.lax.rsqrt(var + EPS)
    out = out * gamma + beta
    out = jnp.where(out > 0, out, NEG_SLOPE * out)
    out = jnp.max(out, axis=2)
    return jnp.transpose(out, (0, 2, 1))


def _mk_params(key):
    FC, VC = 128, 128
    dims = [
        (2 * FC, VC), (2 * VC, VC), (2 * VC, VC + 3),
        (2 * (FC + 3), FC // 2), (2 * (FC // 2), FC // 2), (2 * (FC // 2), 1),
        (2 * (VC + 4), VC // 2), (2 * (VC // 2), VC // 4), (2 * (VC // 4), 5),
    ]
    names = ['vw1', 'vw2', 'vw3', 'cw1', 'cw2', 'cw3', 'bw1', 'bw2', 'bw3']
    p = {}
    for i, ((cin, cout), nm) in enumerate(zip(dims, names)):
        k = jax.random.fold_in(key, i + 10)
        p[nm] = jax.random.normal(k, (cout, cin), dtype=jnp.float32) / np.sqrt(cin)
        p[nm.replace('w', 'g')] = jnp.ones((cout,), dtype=jnp.float32)
        p[nm.replace('w', 'b')] = jnp.zeros((cout,), dtype=jnp.float32)
    return p


def setup_inputs(seed: int = 0):
    key = jax.random.key(seed)
    B, N, FC = 4, 2048, 128
    inp = {
        'xyz': jax.random.normal(jax.random.fold_in(key, 1), (B, 3, N), dtype=jnp.float32),
        'feature': jax.random.normal(jax.random.fold_in(key, 2), (B, FC, N), dtype=jnp.float32),
    }
    inp.update(_mk_params(key))
    return inp


def reference(xyz, feature, vw1, vg1, vb1, vw2, vg2, vb2, vw3, vg3, vb3,
              cw1, cg1, cb1, cw2, cg2, cb2, cw3, cg3, cb3,
              bw1, bg1, bb1, bw2, bg2, bb2, bw3, bg3, bb3):
    vote = edge_conv(edge_conv(edge_conv(feature, vw1, vg1, vb1), vw2, vg2, vb2), vw3, vg3, vb3)
    voteOffset = vote[:, :3, :]
    voteFeature = vote[:, 3:, :]
    vote_xyz = xyz + voteOffset
    xyz_feature = jnp.concatenate((xyz, feature), axis=1)
    cla = edge_conv(edge_conv(edge_conv(xyz_feature, cw1, cg1, cb1), cw2, cg2, cb2), cw3, cg3, cb3)
    score = jax.nn.sigmoid(cla)
    voteFeature = jnp.concatenate((voteFeature, score), axis=1)
    vote_xyz_feature = jnp.concatenate((vote_xyz, voteFeature), axis=1)
    box = edge_conv(edge_conv(edge_conv(vote_xyz_feature, bw1, bg1, bb1), bw2, bg2, bb2), bw3, bg3, bb3)
    return (box, cla)

if __name__ == "__main__":
    import jax
    _d = setup_inputs()
    print(jax.jit(kernel)(*tuple(_d.values())))

</pallas_src>

<mosaic_0001>
#map = affine_map<(d0, d1) -> (0)>
#map1 = affine_map<(d0, d1) -> (0, 0)>
module attributes {stable_mosaic.version = 14 : i64} {
  func.func @k(%arg0: i32, %arg1: i32, %arg2: memref<131072xi32, #tpu.memory_space<hbm>>, %arg3: memref<8192x256xf32, #tpu.memory_space<hbm>>, %arg4: memref<131072x256xf32, #tpu.memory_space<hbm>>, %arg5: memref<2x128xi32, #tpu.memory_space<vmem>>, %arg6: memref<2x128x256xf32, #tpu.memory_space<vmem>>, %arg7: memref<!tpu.dma_semaphore, #tpu.memory_space<semaphore_mem>>, %arg8: memref<!tpu.dma_semaphore, #tpu.memory_space<semaphore_mem>>) attributes {dimension_semantics = [#tpu.dimension_semantics<core_parallel>, #tpu.dimension_semantics<subcore_parallel>], iteration_bounds = array<i64: 2, 16>, scalar_prefetch = 0 : i64, scratch_operands = 4 : i64, tpu.core_type = #tpu.core_type<sc_vector_subcore>, window_params = [{transform_indices = #map}, {transform_indices = #map1}, {transform_indices = #map1}]} {
    %mul3A = arith.constant 2 : i32
    %mul3A_0 = arith.muli %arg1, %mul3A : i32
    %add3A = arith.addi %mul3A_0, %arg0 : i32
    %mul3A_1 = arith.constant 256 : i32
    %mul3A_2 = arith.muli %add3A, %mul3A_1 : i32
    %add3A_3 = arith.constant 0 : i32
    %add3A_4 = arith.addi %mul3A_2, %add3A_3 : i32
    %mul3A_5 = arith.constant 16 : i32
    %mul3A_6 = arith.muli %add3A_4, %mul3A_5 : i32
    %run_scoped3A = arith.constant 0 : i32
    "tpu.region"() ({
      %run_scoped3A_23 = tpu.sem_alloc : memref<!tpu.dma_semaphore, #tpu.memory_space<semaphore_mem>>
      %dma_start3A_24 = arith.constant 0 : i32
      %dma_start3A_25 = tpu.memref_slice %arg5[%run_scoped3A, %dma_start3A_24] : memref<2x128xi32, #tpu.memory_space<vmem>> -> memref<1x128xi32, #tpu.memory_space<vmem>>
      %dma_start3A_26 = tpu.memref_squeeze %dma_start3A_25 : memref<1x128xi32, #tpu.memory_space<vmem>> -> memref<128xi32, #tpu.memory_space<vmem>>
      %dma_start3A_27 = tpu.memref_slice %arg2[%mul3A_6] : memref<131072xi32, #tpu.memory_space<hbm>> -> memref<128xi32, #tpu.memory_space<hbm>>
      %dma_start3A_28 = arith.constant 0 : i32
      %dma_start3A_29 = tpu.memref_slice %arg5[%run_scoped3A, %dma_start3A_28] : memref<2x128xi32, #tpu.memory_space<vmem>> -> memref<1x128xi32, #tpu.memory_space<vmem>>
      %dma_start3A_30 = tpu.memref_squeeze %dma_start3A_29 : memref<1x128xi32, #tpu.memory_space<vmem>> -> memref<128xi32, #tpu.memory_space<vmem>>
      %dma_start3A_31 = tpu.memref_slice %arg2[%mul3A_6] : memref<131072xi32, #tpu.memory_space<hbm>> -> memref<128xi32, #tpu.memory_space<hbm>>
      tpu.enqueue_dma source(%dma_start3A_31 : memref<128xi32, #tpu.memory_space<hbm>>) target(%dma_start3A_30 : memref<128xi32, #tpu.memory_space<vmem>>) target_semaphore(%run_scoped3A_23 : memref<!tpu.dma_semaphore, #tpu.memory_space<semaphore_mem>>)
      %dma_wait3A = arith.constant 0 : i32
      %dma_wait3A_32 = tpu.memref_slice %arg5[%run_scoped3A, %dma_wait3A] : memref<2x128xi32, #tpu.memory_space<vmem>> -> memref<1x128xi32, #tpu.memory_space<vmem>>
      %dma_wait3A_33 = tpu.memref_squeeze %dma_wait3A_32 : memref<1x128xi32, #tpu.memory_space<vmem>> -> memref<128xi32, #tpu.memory_space<vmem>>
      %dma_wait3A_34 = tpu.memref_slice %arg2[%mul3A_6] : memref<131072xi32, #tpu.memory_space<hbm>> -> memref<128xi32, #tpu.memory_space<hbm>>
      %dma_wait3A_35 = arith.constant 0 : i32
      %dma_wait3A_36 = tpu.memref_slice %arg5[%run_scoped3A, %dma_wait3A_35] : memref<2x128xi32, #tpu.memory_space<vmem>> -> memref<1x128xi32, #tpu.memory_space<vmem>>
      %dma_wait3A_37 = tpu.memref_squeeze %dma_wait3A_36 : memref<1x128xi32, #tpu.memory_space<vmem>> -> memref<128xi32, #tpu.memory_space<vmem>>
      %dma_wait3A_38 = tpu.memref_slice %arg2[%mul3A_6] : memref<131072xi32, #tpu.memory_space<hbm>> -> memref<128xi32, #tpu.memory_space<hbm>>
      tpu.wait_dma2 semaphore(%run_scoped3A_23 : memref<!tpu.dma_semaphore, #tpu.memory_space<semaphore_mem>>) src(%dma_wait3A_38 : memref<128xi32, #tpu.memory_space<hbm>>) dst(%dma_wait3A_37 : memref<128xi32, #tpu.memory_space<vmem>>)
      tpu.yield
    }) : () -> ()
    %dma_start3A = arith.constant 0 : i32
    %dma_start3A_7 = arith.constant 0 : i32
    %dma_start3A_8 = arith.constant 0 : i32
    %dma_start3A_9 = arith.constant 0 : i32
    %dma_start3A_10 = tpu.memref_slice %arg6[%dma_start3A_7, %dma_start3A_8, %dma_start3A_9] : memref<2x128x256xf32, #tpu.memory_space<vmem>> -> memref<1x128x256xf32, #tpu.memory_space<vmem>>
    %dma_start3A_11 = tpu.memref_squeeze %dma_start3A_10 : memref<1x128x256xf32, #tpu.memory_space<vmem>> -> memref<128x256xf32, #tpu.memory_space<vmem>>
    %dma_start3A_12 = arith.constant 0 : i32
    %dma_start3A_13 = tpu.memref_slice %arg5[%dma_start3A, %dma_start3A_12] : memref<2x128xi32, #tpu.memory_space<vmem>> -> memref<1x128xi32, #tpu.memory_space<vmem>>
    %dma_start3A_14 = tpu.memref_squeeze %dma_start3A_13 : memref<1x128xi32, #tpu.memory_space<vmem>> -> memref<128xi32, #tpu.memory_space<vmem>>
    %dma_start3A_15 = arith.constant 0 : i32
    %dma_start3A_16 = arith.constant 0 : i32
    %dma_start3A_17 = tpu.memref_slice %arg3[%dma_start3A_15, %dma_start3A_16] : memref<8192x256xf32, #tpu.memory_space<hbm>> -> memref<8192x256xf32, #tpu.memory_space<hbm>>
    tpu.enqueue_indirect_dma source(%dma_start3A_17 : memref<8192x256xf32, #tpu.memory_space<hbm>>) target(%dma_start3A_11 : memref<128x256xf32, #tpu.memory_space<vmem>>) offsets(%dma_start3A_14 : memref<128xi32, #tpu.memory_space<vmem>>) semaphore(%arg7 : memref<!tpu.dma_semaphore, #tpu.memory_space<semaphore_mem>>)
    %scan3A = arith.constant 0 : i32
    %scan3A_18 = arith.constant 0 : i32
    %scan3A_19 = arith.constant 32 : i32
    %scan3A_20 = arith.addi %scan3A_18, %scan3A_19 : i32
    %scan3A_21 = arith.constant 1 : i32
    scf.for %scan3A_23 = %scan3A_18 to %scan3A_20 step %scan3A_21  : i32 {
      %rem3A = arith.constant 2 : i32
      %rem3A_24 = arith.remsi %scan3A_23, %rem3A : i32
      %mul3A_25 = arith.constant 8 : i32
      %mul3A_26 = arith.muli %scan3A_23, %mul3A_25 : i32
      %add3A_27 = arith.addi %mul3A_2, %mul3A_26 : i32
      %add3A_28 = arith.constant 1 : i32
      %add3A_29 = arith.addi %scan3A_23, %add3A_28 : i32
      %lt3A = arith.constant 32 : i32
      %lt3A_30 = arith.cmpi slt, %add3A_29, %lt3A : i32
      %convert_element_type3A = arith.extui %lt3A_30 : i1 to i32
      %cond3A = arith.constant 0 : i32
      %cond3A_31 = arith.cmpi ne, %convert_element_type3A, %cond3A : i32
      scf.if %cond3A_31 {
        %add3A_67 = arith.constant 1 : i32
        %add3A_68 = arith.addi %scan3A_23, %add3A_67 : i32
        %sub3A = arith.constant 1 : i32
        %sub3A_69 = arith.subi %sub3A, %rem3A_24 : i32
        %mul3A_70 = arith.constant 8 : i32
        %mul3A_71 = arith.muli %add3A_68, %mul3A_70 : i32
        %add3A_72 = arith.addi %mul3A_2, %mul3A_71 : i32
        %mul3A_73 = arith.constant 16 : i32
        %mul3A_74 = arith.muli %add3A_72, %mul3A_73 : i32
        "tpu.region"() ({
          %run_scoped3A_85 = tpu.sem_alloc : memref<!tpu.dma_semaphore, #tpu.memory_space<semaphore_mem>>
          %dma_start3A_86 = arith.constant 0 : i32
          %dma_start3A_87 = tpu.memref_slice %arg5[%sub3A_69, %dma_start3A_86] : memref<2x128xi32, #tpu.memory_space<vmem>> -> memref<1x128xi32, #tpu.memory_space<vmem>>
          %dma_start3A_88 = tpu.memref_squeeze %dma_start3A_87 : memref<1x128xi32, #tpu.memory_space<vmem>> -> memref<128xi32, #tpu.memory_space<vmem>>
          %dma_start3A_89 = tpu.memref_slice %arg2[%mul3A_74] : memref<131072xi32, #tpu.memory_space<hbm>> -> memref<128xi32, #tpu.memory_space<hbm>>
          %dma_start3A_90 = arith.constant 0 : i32
          %dma_start3A_91 = tpu.memref_slice %arg5[%sub3A_69, %dma_start3A_90] : memref<2x128xi32, #tpu.memory_space<vmem>> -> memref<1x128xi32, #tpu.memory_space<vmem>>
          %dma_start3A_92 = tpu.memref_squeeze %dma_start3A_91 : memref<1x128xi32, #tpu.memory_space<vmem>> -> memref<128xi32, #tpu.memory_space<vmem>>
          %dma_start3A_93 = tpu.memref_slice %arg2[%mul3A_74] : memref<131072xi32, #tpu.memory_space<hbm>> -> memref<128xi32, #tpu.memory_space<hbm>>
          tpu.enqueue_dma source(%dma_start3A_93 : memref<128xi32, #tpu.memory_space<hbm>>) target(%dma_start3A_92 : memref<128xi32, #tpu.memory_space<vmem>>) target_semaphore(%run_scoped3A_85 : memref<!tpu.dma_semaphore, #tpu.memory_space<semaphore_mem>>)
          %dma_wait3A_94 = arith.constant 0 : i32
          %dma_wait3A_95 = tpu.memref_slice %arg5[%sub3A_69, %dma_wait3A_94] : memref<2x128xi32, #tpu.memory_space<vmem>> -> memref<1x128xi32, #tpu.memory_space<vmem>>
          %dma_wait3A_96 = tpu.memref_squeeze %dma_wait3A_95 : memref<1x128xi32, #tpu.memory_space<vmem>> -> memref<128xi32, #tpu.memory_space<vmem>>
          %dma_wait3A_97 = tpu.memref_slice %arg2[%mul3A_74] : memref<131072xi32, #tpu.memory_space<hbm>> -> memref<128xi32, #tpu.memory_space<hbm>>
          %dma_wait3A_98 = arith.constant 0 : i32
          %dma_wait3A_99 = tpu.memref_slice %arg5[%sub3A_69, %dma_wait3A_98] : memref<2x128xi32, #tpu.memory_space<vmem>> -> memref<1x128xi32, #tpu.memory_space<vmem>>
          %dma_wait3A_100 = tpu.memref_squeeze %dma_wait3A_99 : memref<1x128xi32, #tpu.memory_space<vmem>> -> memref<128xi32, #tpu.memory_space<vmem>>
          %dma_wait3A_101 = tpu.memref_slice %arg2[%mul3A_74] : memref<131072xi32, #tpu.memory_space<hbm>> -> memref<128xi32, #tpu.memory_space<hbm>>
          tpu.wait_dma2 semaphore(%run_scoped3A_85 : memref<!tpu.dma_semaphore, #tpu.memory_space<semaphore_mem>>) src(%dma_wait3A_101 : memref<128xi32, #tpu.memory_space<hbm>>) dst(%dma_wait3A_100 : memref<128xi32, #tpu.memory_space<vmem>>)
          tpu.yield
        }) : () -> ()
        %dma_start3A_75 = arith.constant 0 : i32
        %dma_start3A_76 = arith.constant 0 : i32
        %dma_start3A_77 = tpu.memref_slice %arg6[%sub3A_69, %dma_start3A_75, %dma_start3A_76] : memref<2x128x256xf32, #tpu.memory_space<vmem>> -> memref<1x128x256xf32, #tpu.memory_space<vmem>>
        %dma_start3A_78 = tpu.memref_squeeze %dma_start3A_77 : memref<1x128x256xf32, #tpu.memory_space<vmem>> -> memref<128x256xf32, #tpu.memory_space<vmem>>
        %dma_start3A_79 = arith.constant 0 : i32
        %dma_start3A_80 = tpu.memref_slice %arg5[%sub3A_69, %dma_start3A_79] : memref<2x128xi32, #tpu.memory_space<vmem>> -> memref<1x128xi32, #tpu.memory_space<vmem>>
        %dma_start3A_81 = tpu.memref_squeeze %dma_start3A_80 : memref<1x128xi32, #tpu.memory_space<vmem>> -> memref<128xi32, #tpu.memory_space<vmem>>
        %dma_start3A_82 = arith.constant 0 : i32
        %dma_start3A_83 = arith.constant 0 : i32
        %dma_start3A_84 = tpu.memref_slice %arg3[%dma_start3A_82, %dma_start3A_83] : memref<8192x256xf32, #tpu.memory_space<hbm>> -> memref<8192x256xf32, #tpu.memory_space<hbm>>
        tpu.enqueue_indirect_dma source(%dma_start3A_84 : memref<8192x256xf32, #tpu.memory_space<hbm>>) target(%dma_start3A_78 : memref<128x256xf32, #tpu.memory_space<vmem>>) offsets(%dma_start3A_81 : memref<128xi32, #tpu.memory_space<vmem>>) semaphore(%arg7 : memref<!tpu.dma_semaphore, #tpu.memory_space<semaphore_mem>>)
      } else {
      }
      %dma_wait3A = arith.constant 0 : i32
      %dma_wait3A_32 = arith.constant 0 : i32
      %dma_wait3A_33 = tpu.memref_slice %arg6[%rem3A_24, %dma_wait3A, %dma_wait3A_32] : memref<2x128x256xf32, #tpu.memory_space<vmem>> -> memref<1x128x256xf32, #tpu.memory_space<vmem>>
      %dma_wait3A_34 = tpu.memref_squeeze %dma_wait3A_33 : memref<1x128x256xf32, #tpu.memory_space<vmem>> -> memref<128x256xf32, #tpu.memory_space<vmem>>
      %dma_wait3A_35 = arith.constant 0 : i32
      %dma_wait3A_36 = tpu.memref_slice %arg5[%rem3A_24, %dma_wait3A_35] : memref<2x128xi32, #tpu.memory_space<vmem>> -> memref<1x128xi32, #tpu.memory_space<vmem>>
      %dma_wait3A_37 = tpu.memref_squeeze %dma_wait3A_36 : memref<1x128xi32, #tpu.memory_space<vmem>> -> memref<128xi32, #tpu.memory_space<vmem>>
      %dma_wait3A_38 = arith.constant 0 : i32
      %dma_wait3A_39 = arith.constant 0 : i32
      %dma_wait3A_40 = tpu.memref_slice %arg3[%dma_wait3A_38, %dma_wait3A_39] : memref<8192x256xf32, #tpu.memory_space<hbm>> -> memref<8192x256xf32, #tpu.memory_space<hbm>>
      tpu.wait_indirect_dma semaphore(%arg7 : memref<!tpu.dma_semaphore, #tpu.memory_space<semaphore_mem>>) src(%dma_wait3A_40 : memref<8192x256xf32, #tpu.memory_space<hbm>>) dst(%dma_wait3A_34 : memref<128x256xf32, #tpu.memory_space<vmem>>)
      %mul3A_41 = arith.constant 16 : i32
      %mul3A_42 = arith.muli %add3A_27, %mul3A_41 : i32
      %dma_start3A_43 = arith.constant 0 : i32
      %dma_start3A_44 = arith.constant 0 : i32
      %dma_start3A_45 = tpu.memref_slice %arg6[%rem3A_24, %dma_start3A_43, %dma_start3A_44] : memref<2x128x256xf32, #tpu.memory_space<vmem>> -> memref<1x128x256xf32, #tpu.memory_space<vmem>>
      %dma_start3A_46 = tpu.memref_squeeze %dma_start3A_45 : memref<1x128x256xf32, #tpu.memory_space<vmem>> -> memref<128x256xf32, #tpu.memory_space<vmem>>
      %dma_start3A_47 = arith.constant 0 : i32
      %dma_start3A_48 = tpu.memref_slice %arg4[%mul3A_42, %dma_start3A_47] : memref<131072x256xf32, #tpu.memory_space<hbm>> -> memref<128x256xf32, #tpu.memory_space<hbm>>
      %dma_start3A_49 = arith.constant 0 : i32
      %dma_start3A_50 = tpu.memref_slice %arg4[%mul3A_42, %dma_start3A_49] : memref<131072x256xf32, #tpu.memory_space<hbm>> -> memref<128x256xf32, #tpu.memory_space<hbm>>
      %dma_start3A_51 = arith.constant 0 : i32
      %dma_start3A_52 = arith.constant 0 : i32
      %dma_start3A_53 = tpu.memref_slice %arg6[%rem3A_24, %dma_start3A_51, %dma_start3A_52] : memref<2x128x256xf32, #tpu.memory_space<vmem>> -> memref<1x128x256xf32, #tpu.memory_space<vmem>>
      %dma_start3A_54 = tpu.memref_squeeze %dma_start3A_53 : memref<1x128x256xf32, #tpu.memory_space<vmem>> -> memref<128x256xf32, #tpu.memory_space<vmem>>
      tpu.enqueue_dma source(%dma_start3A_54 : memref<128x256xf32, #tpu.memory_space<vmem>>) target(%dma_start3A_50 : memref<128x256xf32, #tpu.memory_space<hbm>>) target_semaphore(%arg8 : memref<!tpu.dma_semaphore, #tpu.memory_space<semaphore_mem>>)
      %dma_wait3A_55 = arith.constant 0 : i32
      %dma_wait3A_56 = arith.constant 0 : i32
      %dma_wait3A_57 = tpu.memref_slice %arg6[%rem3A_24, %dma_wait3A_55, %dma_wait3A_56] : memref<2x128x256xf32, #tpu.memory_space<vmem>> -> memref<1x128x256xf32, #tpu.memory_space<vmem>>
      %dma_wait3A_58 = tpu.memref_squeeze %dma_wait3A_57 : memref<1x128x256xf32, #tpu.memory_space<vmem>> -> memref<128x256xf32, #tpu.memory_space<vmem>>
      %dma_wait3A_59 = arith.constant 0 : i32
      %dma_wait3A_60 = tpu.memref_slice %arg4[%mul3A_42, %dma_wait3A_59] : memref<131072x256xf32, #tpu.memory_space<hbm>> -> memref<128x256xf32, #tpu.memory_space<hbm>>
      %dma_wait3A_61 = arith.constant 0 : i32
      %dma_wait3A_62 = tpu.memref_slice %arg4[%mul3A_42, %dma_wait3A_61] : memref<131072x256xf32, #tpu.memory_space<hbm>> -> memref<128x256xf32, #tpu.memory_space<hbm>>
      %dma_wait3A_63 = arith.constant 0 : i32
      %dma_wait3A_64 = arith.constant 0 : i32
      %dma_wait3A_65 = tpu.memref_slice %arg6[%rem3A_24, %dma_wait3A_63, %dma_wait3A_64] : memref<2x128x256xf32, #tpu.memory_space<vmem>> -> memref<1x128x256xf32, #tpu.memory_space<vmem>>
      %dma_wait3A_66 = tpu.memref_squeeze %dma_wait3A_65 : memref<1x128x256xf32, #tpu.memory_space<vmem>> -> memref<128x256xf32, #tpu.memory_space<vmem>>
      tpu.wait_dma2 semaphore(%arg8 : memref<!tpu.dma_semaphore, #tpu.memory_space<semaphore_mem>>) src(%dma_wait3A_66 : memref<128x256xf32, #tpu.memory_space<vmem>>) dst(%dma_wait3A_62 : memref<128x256xf32, #tpu.memory_space<hbm>>)
    }
    %scan3A_22 = arith.constant 32 : i32
    return
  }
}

#map = affine_map<(d0, d1) -> (0)>
#map1 = affine_map<(d0, d1) -> (0, 0)>
module attributes {stable_mosaic.version = 14 : i64} {
  func.func @k(%arg0: i32, %arg1: i32, %arg2: memref<131072xi32, #tpu.memory_space<hbm>>, %arg3: memref<8192x128xf32, #tpu.memory_space<hbm>>, %arg4: memref<131072x128xf32, #tpu.memory_space<hbm>>, %arg5: memref<2x128xi32, #tpu.memory_space<vmem>>, %arg6: memref<2x128x128xf32, #tpu.memory_space<vmem>>, %arg7: memref<!tpu.dma_semaphore, #tpu.memory_space<semaphore_mem>>, %arg8: memref<!tpu.dma_semaphore, #tpu.memory_space<semaphore_mem>>) attributes {dimension_semantics = [#tpu.dimension_semantics<core_parallel>, #tpu.dimension_semantics<subcore_parallel>], iteration_bounds = array<i64: 2, 16>, scalar_prefetch = 0 : i64, scratch_operands = 4 : i64, tpu.core_type = #tpu.core_type<sc_vector_subcore>, window_params = [{transform_indices = #map}, {transform_indices = #map1}, {transform_indices = #map1}]} {
    %mul3A = arith.constant 2 : i32
    %mul3A_0 = arith.muli %arg1, %mul3A : i32
    %add3A = arith.addi %mul3A_0, %arg0 : i32
    %mul3A_1 = arith.constant 256 : i32
    %mul3A_2 = arith.muli %add3A, %mul3A_1 : i32
    %add3A_3 = arith.constant 0 : i32
    %add3A_4 = arith.addi %mul3A_2, %add3A_3 : i32
    %mul3A_5 = arith.constant 16 : i32
    %mul3A_6 = arith.muli %add3A_4, %mul3A_5 : i32
    %run_scoped3A = arith.constant 0 : i32
    "tpu.region"() ({
      %run_scoped3A_23 = tpu.sem_alloc : memref<!tpu.dma_semaphore, #tpu.memory_space<semaphore_mem>>
      %dma_start3A_24 = arith.constant 0 : i32
      %dma_start3A_25 = tpu.memref_slice %arg5[%run_scoped3A, %dma_start3A_24] : memref<2x128xi32, #tpu.memory_space<vmem>> -> memref<1x128xi32, #tpu.memory_space<vmem>>
      %dma_start3A_26 = tpu.memref_squeeze %dma_start3A_25 : memref<1x128xi32, #tpu.memory_space<vmem>> -> memref<128xi32, #tpu.memory_space<vmem>>
      %dma_start3A_27 = tpu.memref_slice %arg2[%mul3A_6] : memref<131072xi32, #tpu.memory_space<hbm>> -> memref<128xi32, #tpu.memory_space<hbm>>
      %dma_start3A_28 = arith.constant 0 : i32
      %dma_start3A_29 = tpu.memref_slice %arg5[%run_scoped3A, %dma_start3A_28] : memref<2x128xi32, #tpu.memory_space<vmem>> -> memref<1x128xi32, #tpu.memory_space<vmem>>
      %dma_start3A_30 = tpu.memref_squeeze %dma_start3A_29 : memref<1x128xi32, #tpu.memory_space<vmem>> -> memref<128xi32, #tpu.memory_space<vmem>>
      %dma_start3A_31 = tpu.memref_slice %arg2[%mul3A_6] : memref<131072xi32, #tpu.memory_space<hbm>> -> memref<128xi32, #tpu.memory_space<hbm>>
      tpu.enqueue_dma source(%dma_start3A_31 : memref<128xi32, #tpu.memory_space<hbm>>) target(%dma_start3A_30 : memref<128xi32, #tpu.memory_space<vmem>>) target_semaphore(%run_scoped3A_23 : memref<!tpu.dma_semaphore, #tpu.memory_space<semaphore_mem>>)
      %dma_wait3A = arith.constant 0 : i32
      %dma_wait3A_32 = tpu.memref_slice %arg5[%run_scoped3A, %dma_wait3A] : memref<2x128xi32, #tpu.memory_space<vmem>> -> memref<1x128xi32, #tpu.memory_space<vmem>>
      %dma_wait3A_33 = tpu.memref_squeeze %dma_wait3A_32 : memref<1x128xi32, #tpu.memory_space<vmem>> -> memref<128xi32, #tpu.memory_space<vmem>>
      %dma_wait3A_34 = tpu.memref_slice %arg2[%mul3A_6] : memref<131072xi32, #tpu.memory_space<hbm>> -> memref<128xi32, #tpu.memory_space<hbm>>
      %dma_wait3A_35 = arith.constant 0 : i32
      %dma_wait3A_36 = tpu.memref_slice %arg5[%run_scoped3A, %dma_wait3A_35] : memref<2x128xi32, #tpu.memory_space<vmem>> -> memref<1x128xi32, #tpu.memory_space<vmem>>
      %dma_wait3A_37 = tpu.memref_squeeze %dma_wait3A_36 : memref<1x128xi32, #tpu.memory_space<vmem>> -> memref<128xi32, #tpu.memory_space<vmem>>
      %dma_wait3A_38 = tpu.memref_slice %arg2[%mul3A_6] : memref<131072xi32, #tpu.memory_space<hbm>> -> memref<128xi32, #tpu.memory_space<hbm>>
      tpu.wait_dma2 semaphore(%run_scoped3A_23 : memref<!tpu.dma_semaphore, #tpu.memory_space<semaphore_mem>>) src(%dma_wait3A_38 : memref<128xi32, #tpu.memory_space<hbm>>) dst(%dma_wait3A_37 : memref<128xi32, #tpu.memory_space<vmem>>)
      tpu.yield
    }) : () -> ()
    %dma_start3A = arith.constant 0 : i32
    %dma_start3A_7 = arith.constant 0 : i32
    %dma_start3A_8 = arith.constant 0 : i32
    %dma_start3A_9 = arith.constant 0 : i32
    %dma_start3A_10 = tpu.memref_slice %arg6[%dma_start3A_7, %dma_start3A_8, %dma_start3A_9] : memref<2x128x128xf32, #tpu.memory_space<vmem>> -> memref<1x128x128xf32, #tpu.memory_space<vmem>>
    %dma_start3A_11 = tpu.memref_squeeze %dma_start3A_10 : memref<1x128x128xf32, #tpu.memory_space<vmem>> -> memref<128x128xf32, #tpu.memory_space<vmem>>
    %dma_start3A_12 = arith.constant 0 : i32
    %dma_start3A_13 = tpu.memref_slice %arg5[%dma_start3A, %dma_start3A_12] : memref<2x128xi32, #tpu.memory_space<vmem>> -> memref<1x128xi32, #tpu.memory_space<vmem>>
    %dma_start3A_14 = tpu.memref_squeeze %dma_start3A_13 : memref<1x128xi32, #tpu.memory_space<vmem>> -> memref<128xi32, #tpu.memory_space<vmem>>
    %dma_start3A_15 = arith.constant 0 : i32
    %dma_start3A_16 = arith.constant 0 : i32
    %dma_start3A_17 = tpu.memref_slice %arg3[%dma_start3A_15, %dma_start3A_16] : memref<8192x128xf32, #tpu.memory_space<hbm>> -> memref<8192x128xf32, #tpu.memory_space<hbm>>
    tpu.enqueue_indirect_dma source(%dma_start3A_17 : memref<8192x128xf32, #tpu.memory_space<hbm>>) target(%dma_start3A_11 : memref<128x128xf32, #tpu.memory_space<vmem>>) offsets(%dma_start3A_14 : memref<128xi32, #tpu.memory_space<vmem>>) semaphore(%arg7 : memref<!tpu.dma_semaphore, #tpu.memory_space<semaphore_mem>>)
    %scan3A = arith.constant 0 : i32
    %scan3A_18 = arith.constant 0 : i32
    %scan3A_19 = arith.constant 32 : i32
    %scan3A_20 = arith.addi %scan3A_18, %scan3A_19 : i32
    %scan3A_21 = arith.constant 1 : i32
    scf.for %scan3A_23 = %scan3A_18 to %scan3A_20 step %scan3A_21  : i32 {
      %rem3A = arith.constant 2 : i32
      %rem3A_24 = arith.remsi %scan3A_23, %rem3A : i32
      %mul3A_25 = arith.constant 8 : i32
      %mul3A_26 = arith.muli %scan3A_23, %mul3A_25 : i32
      %add3A_27 = arith.addi %mul3A_2, %mul3A_26 : i32
      %add3A_28 = arith.constant 1 : i32
      %add3A_29 = arith.addi %scan3A_23, %add3A_28 : i32
      %lt3A = arith.constant 32 : i32
      %lt3A_30 = arith.cmpi slt, %add3A_29, %lt3A : i32
      %convert_element_type3A = arith.extui %lt3A_30 : i1 to i32
      %cond3A = arith.constant 0 : i32
      %cond3A_31 = arith.cmpi ne, %convert_element_type3A, %cond3A : i32
      scf.if %cond3A_31 {
        %add3A_67 = arith.constant 1 : i32
        %add3A_68 = arith.addi %scan3A_23, %add3A_67 : i32
        %sub3A = arith.constant 1 : i32
        %sub3A_69 = arith.subi %sub3A, %rem3A_24 : i32
        %mul3A_70 = arith.constant 8 : i32
        %mul3A_71 = arith.muli %add3A_68, %mul3A_70 : i32
        %add3A_72 = arith.addi %mul3A_2, %mul3A_71 : i32
        %mul3A_73 = arith.constant 16 : i32
        %mul3A_74 = arith.muli %add3A_72, %mul3A_73 : i32
        "tpu.region"() ({
          %run_scoped3A_85 = tpu.sem_alloc : memref<!tpu.dma_semaphore, #tpu.memory_space<semaphore_mem>>
          %dma_start3A_86 = arith.constant 0 : i32
          %dma_start3A_87 = tpu.memref_slice %arg5[%sub3A_69, %dma_start3A_86] : memref<2x128xi32, #tpu.memory_space<vmem>> -> memref<1x128xi32, #tpu.memory_space<vmem>>
          %dma_start3A_88 = tpu.memref_squeeze %dma_start3A_87 : memref<1x128xi32, #tpu.memory_space<vmem>> -> memref<128xi32, #tpu.memory_space<vmem>>
          %dma_start3A_89 = tpu.memref_slice %arg2[%mul3A_74] : memref<131072xi32, #tpu.memory_space<hbm>> -> memref<128xi32, #tpu.memory_space<hbm>>
          %dma_start3A_90 = arith.constant 0 : i32
          %dma_start3A_91 = tpu.memref_slice %arg5[%sub3A_69, %dma_start3A_90] : memref<2x128xi32, #tpu.memory_space<vmem>> -> memref<1x128xi32, #tpu.memory_space<vmem>>
          %dma_start3A_92 = tpu.memref_squeeze %dma_start3A_91 : memref<1x128xi32, #tpu.memory_space<vmem>> -> memref<128xi32, #tpu.memory_space<vmem>>
          %dma_start3A_93 = tpu.memref_slice %arg2[%mul3A_74] : memref<131072xi32, #tpu.memory_space<hbm>> -> memref<128xi32, #tpu.memory_space<hbm>>
          tpu.enqueue_dma source(%dma_start3A_93 : memref<128xi32, #tpu.memory_space<hbm>>) target(%dma_start3A_92 : memref<128xi32, #tpu.memory_space<vmem>>) target_semaphore(%run_scoped3A_85 : memref<!tpu.dma_semaphore, #tpu.memory_space<semaphore_mem>>)
          %dma_wait3A_94 = arith.constant 0 : i32
          %dma_wait3A_95 = tpu.memref_slice %arg5[%sub3A_69, %dma_wait3A_94] : memref<2x128xi32, #tpu.memory_space<vmem>> -> memref<1x128xi32, #tpu.memory_space<vmem>>
          %dma_wait3A_96 = tpu.memref_squeeze %dma_wait3A_95 : memref<1x128xi32, #tpu.memory_space<vmem>> -> memref<128xi32, #tpu.memory_space<vmem>>
          %dma_wait3A_97 = tpu.memref_slice %arg2[%mul3A_74] : memref<131072xi32, #tpu.memory_space<hbm>> -> memref<128xi32, #tpu.memory_space<hbm>>
          %dma_wait3A_98 = arith.constant 0 : i32
          %dma_wait3A_99 = tpu.memref_slice %arg5[%sub3A_69, %dma_wait3A_98] : memref<2x128xi32, #tpu.memory_space<vmem>> -> memref<1x128xi32, #tpu.memory_space<vmem>>
          %dma_wait3A_100 = tpu.memref_squeeze %dma_wait3A_99 : memref<1x128xi32, #tpu.memory_space<vmem>> -> memref<128xi32, #tpu.memory_space<vmem>>
          %dma_wait3A_101 = tpu.memref_slice %arg2[%mul3A_74] : memref<131072xi32, #tpu.memory_space<hbm>> -> memref<128xi32, #tpu.memory_space<hbm>>
          tpu.wait_dma2 semaphore(%run_scoped3A_85 : memref<!tpu.dma_semaphore, #tpu.memory_space<semaphore_mem>>) src(%dma_wait3A_101 : memref<128xi32, #tpu.memory_space<hbm>>) dst(%dma_wait3A_100 : memref<128xi32, #tpu.memory_space<vmem>>)
          tpu.yield
        }) : () -> ()
        %dma_start3A_75 = arith.constant 0 : i32
        %dma_start3A_76 = arith.constant 0 : i32
        %dma_start3A_77 = tpu.memref_slice %arg6[%sub3A_69, %dma_start3A_75, %dma_start3A_76] : memref<2x128x128xf32, #tpu.memory_space<vmem>> -> memref<1x128x128xf32, #tpu.memory_space<vmem>>
        %dma_start3A_78 = tpu.memref_squeeze %dma_start3A_77 : memref<1x128x128xf32, #tpu.memory_space<vmem>> -> memref<128x128xf32, #tpu.memory_space<vmem>>
        %dma_start3A_79 = arith.constant 0 : i32
        %dma_start3A_80 = tpu.memref_slice %arg5[%sub3A_69, %dma_start3A_79] : memref<2x128xi32, #tpu.memory_space<vmem>> -> memref<1x128xi32, #tpu.memory_space<vmem>>
        %dma_start3A_81 = tpu.memref_squeeze %dma_start3A_80 : memref<1x128xi32, #tpu.memory_space<vmem>> -> memref<128xi32, #tpu.memory_space<vmem>>
        %dma_start3A_82 = arith.constant 0 : i32
        %dma_start3A_83 = arith.constant 0 : i32
        %dma_start3A_84 = tpu.memref_slice %arg3[%dma_start3A_82, %dma_start3A_83] : memref<8192x128xf32, #tpu.memory_space<hbm>> -> memref<8192x128xf32, #tpu.memory_space<hbm>>
        tpu.enqueue_indirect_dma source(%dma_start3A_84 : memref<8192x128xf32, #tpu.memory_space<hbm>>) target(%dma_start3A_78 : memref<128x128xf32, #tpu.memory_space<vmem>>) offsets(%dma_start3A_81 : memref<128xi32, #tpu.memory_space<vmem>>) semaphore(%arg7 : memref<!tpu.dma_semaphore, #tpu.memory_space<semaphore_mem>>)
      } else {
      }
      %dma_wait3A = arith.constant 0 : i32
      %dma_wait3A_32 = arith.constant 0 : i32
      %dma_wait3A_33 = tpu.memref_slice %arg6[%rem3A_24, %dma_wait3A, %dma_wait3A_32] : memref<2x128x128xf32, #tpu.memory_space<vmem>> -> memref<1x128x128xf32, #tpu.memory_space<vmem>>
      %dma_wait3A_34 = tpu.memref_squeeze %dma_wait3A_33 : memref<1x128x128xf32, #tpu.memory_space<vmem>> -> memref<128x128xf32, #tpu.memory_space<vmem>>
      %dma_wait3A_35 = arith.constant 0 : i32
      %dma_wait3A_36 = tpu.memref_slice %arg5[%rem3A_24, %dma_wait3A_35] : memref<2x128xi32, #tpu.memory_space<vmem>> -> memref<1x128xi32, #tpu.memory_space<vmem>>
      %dma_wait3A_37 = tpu.memref_squeeze %dma_wait3A_36 : memref<1x128xi32, #tpu.memory_space<vmem>> -> memref<128xi32, #tpu.memory_space<vmem>>
      %dma_wait3A_38 = arith.constant 0 : i32
      %dma_wait3A_39 = arith.constant 0 : i32
      %dma_wait3A_40 = tpu.memref_slice %arg3[%dma_wait3A_38, %dma_wait3A_39] : memref<8192x128xf32, #tpu.memory_space<hbm>> -> memref<8192x128xf32, #tpu.memory_space<hbm>>
      tpu.wait_indirect_dma semaphore(%arg7 : memref<!tpu.dma_semaphore, #tpu.memory_space<semaphore_mem>>) src(%dma_wait3A_40 : memref<8192x128xf32, #tpu.memory_space<hbm>>) dst(%dma_wait3A_34 : memref<128x128xf32, #tpu.memory_space<vmem>>)
      %mul3A_41 = arith.constant 16 : i32
      %mul3A_42 = arith.muli %add3A_27, %mul3A_41 : i32
      %dma_start3A_43 = arith.constant 0 : i32
      %dma_start3A_44 = arith.constant 0 : i32
      %dma_start3A_45 = tpu.memref_slice %arg6[%rem3A_24, %dma_start3A_43, %dma_start3A_44] : memref<2x128x128xf32, #tpu.memory_space<vmem>> -> memref<1x128x128xf32, #tpu.memory_space<vmem>>
      %dma_start3A_46 = tpu.memref_squeeze %dma_start3A_45 : memref<1x128x128xf32, #tpu.memory_space<vmem>> -> memref<128x128xf32, #tpu.memory_space<vmem>>
      %dma_start3A_47 = arith.constant 0 : i32
      %dma_start3A_48 = tpu.memref_slice %arg4[%mul3A_42, %dma_start3A_47] : memref<131072x128xf32, #tpu.memory_space<hbm>> -> memref<128x128xf32, #tpu.memory_space<hbm>>
      %dma_start3A_49 = arith.constant 0 : i32
      %dma_start3A_50 = tpu.memref_slice %arg4[%mul3A_42, %dma_start3A_49] : memref<131072x128xf32, #tpu.memory_space<hbm>> -> memref<128x128xf32, #tpu.memory_space<hbm>>
      %dma_start3A_51 = arith.constant 0 : i32
      %dma_start3A_52 = arith.constant 0 : i32
      %dma_start3A_53 = tpu.memref_slice %arg6[%rem3A_24, %dma_start3A_51, %dma_start3A_52] : memref<2x128x128xf32, #tpu.memory_space<vmem>> -> memref<1x128x128xf32, #tpu.memory_space<vmem>>
      %dma_start3A_54 = tpu.memref_squeeze %dma_start3A_53 : memref<1x128x128xf32, #tpu.memory_space<vmem>> -> memref<128x128xf32, #tpu.memory_space<vmem>>
      tpu.enqueue_dma source(%dma_start3A_54 : memref<128x128xf32, #tpu.memory_space<vmem>>) target(%dma_start3A_50 : memref<128x128xf32, #tpu.memory_space<hbm>>) target_semaphore(%arg8 : memref<!tpu.dma_semaphore, #tpu.memory_space<semaphore_mem>>)
      %dma_wait3A_55 = arith.constant 0 : i32
      %dma_wait3A_56 = arith.constant 0 : i32
      %dma_wait3A_57 = tpu.memref_slice %arg6[%rem3A_24, %dma_wait3A_55, %dma_wait3A_56] : memref<2x128x128xf32, #tpu.memory_space<vmem>> -> memref<1x128x128xf32, #tpu.memory_space<vmem>>
      %dma_wait3A_58 = tpu.memref_squeeze %dma_wait3A_57 : memref<1x128x128xf32, #tpu.memory_space<vmem>> -> memref<128x128xf32, #tpu.memory_space<vmem>>
      %dma_wait3A_59 = arith.constant 0 : i32
      %dma_wait3A_60 = tpu.memref_slice %arg4[%mul3A_42, %dma_wait3A_59] : memref<131072x128xf32, #tpu.memory_space<hbm>> -> memref<128x128xf32, #tpu.memory_space<hbm>>
      %dma_wait3A_61 = arith.constant 0 : i32
      %dma_wait3A_62 = tpu.memref_slice %arg4[%mul3A_42, %dma_wait3A_61] : memref<131072x128xf32, #tpu.memory_space<hbm>> -> memref<128x128xf32, #tpu.memory_space<hbm>>
      %dma_wait3A_63 = arith.constant 0 : i32
      %dma_wait3A_64 = arith.constant 0 : i32
      %dma_wait3A_65 = tpu.memref_slice %arg6[%rem3A_24, %dma_wait3A_63, %dma_wait3A_64] : memref<2x128x128xf32, #tpu.memory_space<vmem>> -> memref<1x128x128xf32, #tpu.memory_space<vmem>>
      %dma_wait3A_66 = tpu.memref_squeeze %dma_wait3A_65 : memref<1x128x128xf32, #tpu.memory_space<vmem>> -> memref<128x128xf32, #tpu.memory_space<vmem>>
      tpu.wait_dma2 semaphore(%arg8 : memref<!tpu.dma_semaphore, #tpu.memory_space<semaphore_mem>>) src(%dma_wait3A_66 : memref<128x128xf32, #tpu.memory_space<vmem>>) dst(%dma_wait3A_62 : memref<128x128xf32, #tpu.memory_space<hbm>>)
    }
    %scan3A_22 = arith.constant 32 : i32
    return
  }
}

#map = affine_map<(d0, d1) -> (0)>
#map1 = affine_map<(d0, d1) -> (0, 0)>
module attributes {stable_mosaic.version = 14 : i64} {
  func.func @k(%arg0: i32, %arg1: i32, %arg2: memref<131072xi32, #tpu.memory_space<hbm>>, %arg3: memref<8192x128xf32, #tpu.memory_space<hbm>>, %arg4: memref<131072x128xf32, #tpu.memory_space<hbm>>, %arg5: memref<2x128xi32, #tpu.memory_space<vmem>>, %arg6: memref<2x128x128xf32, #tpu.memory_space<vmem>>, %arg7: memref<!tpu.dma_semaphore, #tpu.memory_space<semaphore_mem>>, %arg8: memref<!tpu.dma_semaphore, #tpu.memory_space<semaphore_mem>>) attributes {dimension_semantics = [#tpu.dimension_semantics<core_parallel>, #tpu.dimension_semantics<subcore_parallel>], iteration_bounds = array<i64: 2, 16>, scalar_prefetch = 0 : i64, scratch_operands = 4 : i64, tpu.core_type = #tpu.core_type<sc_vector_subcore>, window_params = [{transform_indices = #map}, {transform_indices = #map1}, {transform_indices = #map1}]} {
    %mul3A = arith.constant 2 : i32
    %mul3A_0 = arith.muli %arg1, %mul3A : i32
    %add3A = arith.addi %mul3A_0, %arg0 : i32
    %mul3A_1 = arith.constant 256 : i32
    %mul3A_2 = arith.muli %add3A, %mul3A_1 : i32
    %add3A_3 = arith.constant 0 : i32
    %add3A_4 = arith.addi %mul3A_2, %add3A_3 : i32
    %mul3A_5 = arith.constant 16 : i32
    %mul3A_6 = arith.muli %add3A_4, %mul3A_5 : i32
    %run_scoped3A = arith.constant 0 : i32
    "tpu.region"() ({
      %run_scoped3A_23 = tpu.sem_alloc : memref<!tpu.dma_semaphore, #tpu.memory_space<semaphore_mem>>
      %dma_start3A_24 = arith.constant 0 : i32
      %dma_start3A_25 = tpu.memref_slice %arg5[%run_scoped3A, %dma_start3A_24] : memref<2x128xi32, #tpu.memory_space<vmem>> -> memref<1x128xi32, #tpu.memory_space<vmem>>
      %dma_start3A_26 = tpu.memref_squeeze %dma_start3A_25 : memref<1x128xi32, #tpu.memory_space<vmem>> -> memref<128xi32, #tpu.memory_space<vmem>>
      %dma_start3A_27 = tpu.memref_slice %arg2[%mul3A_6] : memref<131072xi32, #tpu.memory_space<hbm>> -> memref<128xi32, #tpu.memory_space<hbm>>
      %dma_start3A_28 = arith.constant 0 : i32
      %dma_start3A_29 = tpu.memref_slice %arg5[%run_scoped3A, %dma_start3A_28] : memref<2x128xi32, #tpu.memory_space<vmem>> -> memref<1x128xi32, #tpu.memory_space<vmem>>
      %dma_start3A_30 = tpu.memref_squeeze %dma_start3A_29 : memref<1x128xi32, #tpu.memory_space<vmem>> -> memref<128xi32, #tpu.memory_space<vmem>>
      %dma_start3A_31 = tpu.memref_slice %arg2[%mul3A_6] : memref<131072xi32, #tpu.memory_space<hbm>> -> memref<128xi32, #tpu.memory_space<hbm>>
      tpu.enqueue_dma source(%dma_start3A_31 : memref<128xi32, #tpu.memory_space<hbm>>) target(%dma_start3A_30 : memref<128xi32, #tpu.memory_space<vmem>>) target_semaphore(%run_scoped3A_23 : memref<!tpu.dma_semaphore, #tpu.memory_space<semaphore_mem>>)
      %dma_wait3A = arith.constant 0 : i32
      %dma_wait3A_32 = tpu.memref_slice %arg5[%run_scoped3A, %dma_wait3A] : memref<2x128xi32, #tpu.memory_space<vmem>> -> memref<1x128xi32, #tpu.memory_space<vmem>>
      %dma_wait3A_33 = tpu.memref_squeeze %dma_wait3A_32 : memref<1x128xi32, #tpu.memory_space<vmem>> -> memref<128xi32, #tpu.memory_space<vmem>>
      %dma_wait3A_34 = tpu.memref_slice %arg2[%mul3A_6] : memref<131072xi32, #tpu.memory_space<hbm>> -> memref<128xi32, #tpu.memory_space<hbm>>
      %dma_wait3A_35 = arith.constant 0 : i32
      %dma_wait3A_36 = tpu.memref_slice %arg5[%run_scoped3A, %dma_wait3A_35] : memref<2x128xi32, #tpu.memory_space<vmem>> -> memref<1x128xi32, #tpu.memory_space<vmem>>
      %dma_wait3A_37 = tpu.memref_squeeze %dma_wait3A_36 : memref<1x128xi32, #tpu.memory_space<vmem>> -> memref<128xi32, #tpu.memory_space<vmem>>
      %dma_wait3A_38 = tpu.memref_slice %arg2[%mul3A_6] : memref<131072xi32, #tpu.memory_space<hbm>> -> memref<128xi32, #tpu.memory_space<hbm>>
      tpu.wait_dma2 semaphore(%run_scoped3A_23 : memref<!tpu.dma_semaphore, #tpu.memory_space<semaphore_mem>>) src(%dma_wait3A_38 : memref<128xi32, #tpu.memory_space<hbm>>) dst(%dma_wait3A_37 : memref<128xi32, #tpu.memory_space<vmem>>)
      tpu.yield
    }) : () -> ()
    %dma_start3A = arith.constant 0 : i32
    %dma_start3A_7 = arith.constant 0 : i32
    %dma_start3A_8 = arith.constant 0 : i32
    %dma_start3A_9 = arith.constant 0 : i32
    %dma_start3A_10 = tpu.memref_slice %arg6[%dma_start3A_7, %dma_start3A_8, %dma_start3A_9] : memref<2x128x128xf32, #tpu.memory_space<vmem>> -> memref<1x128x128xf32, #tpu.memory_space<vmem>>
    %dma_start3A_11 = tpu.memref_squeeze %dma_start3A_10 : memref<1x128x128xf32, #tpu.memory_space<vmem>> -> memref<128x128xf32, #tpu.memory_space<vmem>>
    %dma_start3A_12 = arith.constant 0 : i32
    %dma_start3A_13 = tpu.memref_slice %arg5[%dma_start3A, %dma_start3A_12] : memref<2x128xi32, #tpu.memory_space<vmem>> -> memref<1x128xi32, #tpu.memory_space<vmem>>
    %dma_start3A_14 = tpu.memref_squeeze %dma_start3A_13 : memref<1x128xi32, #tpu.memory_space<vmem>> -> memref<128xi32, #tpu.memory_space<vmem>>
    %dma_start3A_15 = arith.constant 0 : i32
    %dma_start3A_16 = arith.constant 0 : i32
    %dma_start3A_17 = tpu.memref_slice %arg3[%dma_start3A_15, %dma_start3A_16] : memref<8192x128xf32, #tpu.memory_space<hbm>> -> memref<8192x128xf32, #tpu.memory_space<hbm>>
    tpu.enqueue_indirect_dma source(%dma_start3A_17 : memref<8192x128xf32, #tpu.memory_space<hbm>>) target(%dma_start3A_11 : memref<128x128xf32, #tpu.memory_space<vmem>>) offsets(%dma_start3A_14 : memref<128xi32, #tpu.memory_space<vmem>>) semaphore(%arg7 : memref<!tpu.dma_semaphore, #tpu.memory_space<semaphore_mem>>)
    %scan3A = arith.constant 0 : i32
    %scan3A_18 = arith.constant 0 : i32
    %scan3A_19 = arith.constant 32 : i32
    %scan3A_20 = arith.addi %scan3A_18, %scan3A_19 : i32
    %scan3A_21 = arith.constant 1 : i32
    scf.for %scan3A_23 = %scan3A_18 to %scan3A_20 step %scan3A_21  : i32 {
      %rem3A = arith.constant 2 : i32
      %rem3A_24 = arith.remsi %scan3A_23, %rem3A : i32
      %mul3A_25 = arith.constant 8 : i32
      %mul3A_26 = arith.muli %scan3A_23, %mul3A_25 : i32
      %add3A_27 = arith.addi %mul3A_2, %mul3A_26 : i32
      %add3A_28 = arith.constant 1 : i32
      %add3A_29 = arith.addi %scan3A_23, %add3A_28 : i32
      %lt3A = arith.constant 32 : i32
      %lt3A_30 = arith.cmpi slt, %add3A_29, %lt3A : i32
      %convert_element_type3A = arith.extui %lt3A_30 : i1 to i32
      %cond3A = arith.constant 0 : i32
      %cond3A_31 = arith.cmpi ne, %convert_element_type3A, %cond3A : i32
      scf.if %cond3A_31 {
        %add3A_67 = arith.constant 1 : i32
        %add3A_68 = arith.addi %scan3A_23, %add3A_67 : i32
        %sub3A = arith.constant 1 : i32
        %sub3A_69 = arith.subi %sub3A, %rem3A_24 : i32
        %mul3A_70 = arith.constant 8 : i32
        %mul3A_71 = arith.muli %add3A_68, %mul3A_70 : i32
        %add3A_72 = arith.addi %mul3A_2, %mul3A_71 : i32
        %mul3A_73 = arith.constant 16 : i32
        %mul3A_74 = arith.muli %add3A_72, %mul3A_73 : i32
        "tpu.region"() ({
          %run_scoped3A_85 = tpu.sem_alloc : memref<!tpu.dma_semaphore, #tpu.memory_space<semaphore_mem>>
          %dma_start3A_86 = arith.constant 0 : i32
          %dma_start3A_87 = tpu.memref_slice %arg5[%sub3A_69, %dma_start3A_86] : memref<2x128xi32, #tpu.memory_space<vmem>> -> memref<1x128xi32, #tpu.memory_space<vmem>>
          %dma_start3A_88 = tpu.memref_squeeze %dma_start3A_87 : memref<1x128xi32, #tpu.memory_space<vmem>> -> memref<128xi32, #tpu.memory_space<vmem>>
          %dma_start3A_89 = tpu.memref_slice %arg2[%mul3A_74] : memref<131072xi32, #tpu.memory_space<hbm>> -> memref<128xi32, #tpu.memory_space<hbm>>
          %dma_start3A_90 = arith.constant 0 : i32
          %dma_start3A_91 = tpu.memref_slice %arg5[%sub3A_69, %dma_start3A_90] : memref<2x128xi32, #tpu.memory_space<vmem>> -> memref<1x128xi32, #tpu.memory_space<vmem>>
          %dma_start3A_92 = tpu.memref_squeeze %dma_start3A_91 : memref<1x128xi32, #tpu.memory_space<vmem>> -> memref<128xi32, #tpu.memory_space<vmem>>
          %dma_start3A_93 = tpu.memref_slice %arg2[%mul3A_74] : memref<131072xi32, #tpu.memory_space<hbm>> -> memref<128xi32, #tpu.memory_space<hbm>>
          tpu.enqueue_dma source(%dma_start3A_93 : memref<128xi32, #tpu.memory_space<hbm>>) target(%dma_start3A_92 : memref<128xi32, #tpu.memory_space<vmem>>) target_semaphore(%run_scoped3A_85 : memref<!tpu.dma_semaphore, #tpu.memory_space<semaphore_mem>>)
          %dma_wait3A_94 = arith.constant 0 : i32
          %dma_wait3A_95 = tpu.memref_slice %arg5[%sub3A_69, %dma_wait3A_94] : memref<2x128xi32, #tpu.memory_space<vmem>> -> memref<1x128xi32, #tpu.memory_space<vmem>>
          %dma_wait3A_96 = tpu.memref_squeeze %dma_wait3A_95 : memref<1x128xi32, #tpu.memory_space<vmem>> -> memref<128xi32, #tpu.memory_space<vmem>>
          %dma_wait3A_97 = tpu.memref_slice %arg2[%mul3A_74] : memref<131072xi32, #tpu.memory_space<hbm>> -> memref<128xi32, #tpu.memory_space<hbm>>
          %dma_wait3A_98 = arith.constant 0 : i32
          %dma_wait3A_99 = tpu.memref_slice %arg5[%sub3A_69, %dma_wait3A_98] : memref<2x128xi32, #tpu.memory_space<vmem>> -> memref<1x128xi32, #tpu.memory_space<vmem>>
          %dma_wait3A_100 = tpu.memref_squeeze %dma_wait3A_99 : memref<1x128xi32, #tpu.memory_space<vmem>> -> memref<128xi32, #tpu.memory_space<vmem>>
          %dma_wait3A_101 = tpu.memref_slice %arg2[%mul3A_74] : memref<131072xi32, #tpu.memory_space<hbm>> -> memref<128xi32, #tpu.memory_space<hbm>>
          tpu.wait_dma2 semaphore(%run_scoped3A_85 : memref<!tpu.dma_semaphore, #tpu.memory_space<semaphore_mem>>) src(%dma_wait3A_101 : memref<128xi32, #tpu.memory_space<hbm>>) dst(%dma_wait3A_100 : memref<128xi32, #tpu.memory_space<vmem>>)
          tpu.yield
        }) : () -> ()
        %dma_start3A_75 = arith.constant 0 : i32
        %dma_start3A_76 = arith.constant 0 : i32
        %dma_start3A_77 = tpu.memref_slice %arg6[%sub3A_69, %dma_start3A_75, %dma_start3A_76] : memref<2x128x128xf32, #tpu.memory_space<vmem>> -> memref<1x128x128xf32, #tpu.memory_space<vmem>>
        %dma_start3A_78 = tpu.memref_squeeze %dma_start3A_77 : memref<1x128x128xf32, #tpu.memory_space<vmem>> -> memref<128x128xf32, #tpu.memory_space<vmem>>
        %dma_start3A_79 = arith.constant 0 : i32
        %dma_start3A_80 = tpu.memref_slice %arg5[%sub3A_69, %dma_start3A_79] : memref<2x128xi32, #tpu.memory_space<vmem>> -> memref<1x128xi32, #tpu.memory_space<vmem>>
        %dma_start3A_81 = tpu.memref_squeeze %dma_start3A_80 : memref<1x128xi32, #tpu.memory_space<vmem>> -> memref<128xi32, #tpu.memory_space<vmem>>
        %dma_start3A_82 = arith.constant 0 : i32
        %dma_start3A_83 = arith.constant 0 : i32
        %dma_start3A_84 = tpu.memref_slice %arg3[%dma_start3A_82, %dma_start3A_83] : memref<8192x128xf32, #tpu.memory_space<hbm>> -> memref<8192x128xf32, #tpu.memory_space<hbm>>
        tpu.enqueue_indirect_dma source(%dma_start3A_84 : memref<8192x128xf32, #tpu.memory_space<hbm>>) target(%dma_start3A_78 : memref<128x128xf32, #tpu.memory_space<vmem>>) offsets(%dma_start3A_81 : memref<128xi32, #tpu.memory_space<vmem>>) semaphore(%arg7 : memref<!tpu.dma_semaphore, #tpu.memory_space<semaphore_mem>>)
      } else {
      }
      %dma_wait3A = arith.constant 0 : i32
      %dma_wait3A_32 = arith.constant 0 : i32
      %dma_wait3A_33 = tpu.memref_slice %arg6[%rem3A_24, %dma_wait3A, %dma_wait3A_32] : memref<2x128x128xf32, #tpu.memory_space<vmem>> -> memref<1x128x128xf32, #tpu.memory_space<vmem>>
      %dma_wait3A_34 = tpu.memref_squeeze %dma_wait3A_33 : memref<1x128x128xf32, #tpu.memory_space<vmem>> -> memref<128x128xf32, #tpu.memory_space<vmem>>
      %dma_wait3A_35 = arith.constant 0 : i32
      %dma_wait3A_36 = tpu.memref_slice %arg5[%rem3A_24, %dma_wait3A_35] : memref<2x128xi32, #tpu.memory_space<vmem>> -> memref<1x128xi32, #tpu.memory_space<vmem>>
      %dma_wait3A_37 = tpu.memref_squeeze %dma_wait3A_36 : memref<1x128xi32, #tpu.memory_space<vmem>> -> memref<128xi32, #tpu.memory_space<vmem>>
      %dma_wait3A_38 = arith.constant 0 : i32
      %dma_wait3A_39 = arith.constant 0 : i32
      %dma_wait3A_40 = tpu.memref_slice %arg3[%dma_wait3A_38, %dma_wait3A_39] : memref<8192x128xf32, #tpu.memory_space<hbm>> -> memref<8192x128xf32, #tpu.memory_space<hbm>>
      tpu.wait_indirect_dma semaphore(%arg7 : memref<!tpu.dma_semaphore, #tpu.memory_space<semaphore_mem>>) src(%dma_wait3A_40 : memref<8192x128xf32, #tpu.memory_space<hbm>>) dst(%dma_wait3A_34 : memref<128x128xf32, #tpu.memory_space<vmem>>)
      %mul3A_41 = arith.constant 16 : i32
      %mul3A_42 = arith.muli %add3A_27, %mul3A_41 : i32
      %dma_start3A_43 = arith.constant 0 : i32
      %dma_start3A_44 = arith.constant 0 : i32
      %dma_start3A_45 = tpu.memref_slice %arg6[%rem3A_24, %dma_start3A_43, %dma_start3A_44] : memref<2x128x128xf32, #tpu.memory_space<vmem>> -> memref<1x128x128xf32, #tpu.memory_space<vmem>>
      %dma_start3A_46 = tpu.memref_squeeze %dma_start3A_45 : memref<1x128x128xf32, #tpu.memory_space<vmem>> -> memref<128x128xf32, #tpu.memory_space<vmem>>
      %dma_start3A_47 = arith.constant 0 : i32
      %dma_start3A_48 = tpu.memref_slice %arg4[%mul3A_42, %dma_start3A_47] : memref<131072x128xf32, #tpu.memory_space<hbm>> -> memref<128x128xf32, #tpu.memory_space<hbm>>
      %dma_start3A_49 = arith.constant 0 : i32
      %dma_start3A_50 = tpu.memref_slice %arg4[%mul3A_42, %dma_start3A_49] : memref<131072x128xf32, #tpu.memory_space<hbm>> -> memref<128x128xf32, #tpu.memory_space<hbm>>
      %dma_start3A_51 = arith.constant 0 : i32
      %dma_start3A_52 = arith.constant 0 : i32
      %dma_start3A_53 = tpu.memref_slice %arg6[%rem3A_24, %dma_start3A_51, %dma_start3A_52] : memref<2x128x128xf32, #tpu.memory_space<vmem>> -> memref<1x128x128xf32, #tpu.memory_space<vmem>>
      %dma_start3A_54 = tpu.memref_squeeze %dma_start3A_53 : memref<1x128x128xf32, #tpu.memory_space<vmem>> -> memref<128x128xf32, #tpu.memory_space<vmem>>
      tpu.enqueue_dma source(%dma_start3A_54 : memref<128x128xf32, #tpu.memory_space<vmem>>) target(%dma_start3A_50 : memref<128x128xf32, #tpu.memory_space<hbm>>) target_semaphore(%arg8 : memref<!tpu.dma_semaphore, #tpu.memory_space<semaphore_mem>>)
      %dma_wait3A_55 = arith.constant 0 : i32
      %dma_wait3A_56 = arith.constant 0 : i32
      %dma_wait3A_57 = tpu.memref_slice %arg6[%rem3A_24, %dma_wait3A_55, %dma_wait3A_56] : memref<2x128x128xf32, #tpu.memory_space<vmem>> -> memref<1x128x128xf32, #tpu.memory_space<vmem>>
      %dma_wait3A_58 = tpu.memref_squeeze %dma_wait3A_57 : memref<1x128x128xf32, #tpu.memory_space<vmem>> -> memref<128x128xf32, #tpu.memory_space<vmem>>
      %dma_wait3A_59 = arith.constant 0 : i32
      %dma_wait3A_60 = tpu.memref_slice %arg4[%mul3A_42, %dma_wait3A_59] : memref<131072x128xf32, #tpu.memory_space<hbm>> -> memref<128x128xf32, #tpu.memory_space<hbm>>
      %dma_wait3A_61 = arith.constant 0 : i32
      %dma_wait3A_62 = tpu.memref_slice %arg4[%mul3A_42, %dma_wait3A_61] : memref<131072x128xf32, #tpu.memory_space<hbm>> -> memref<128x128xf32, #tpu.memory_space<hbm>>
      %dma_wait3A_63 = arith.constant 0 : i32
      %dma_wait3A_64 = arith.constant 0 : i32
      %dma_wait3A_65 = tpu.memref_slice %arg6[%rem3A_24, %dma_wait3A_63, %dma_wait3A_64] : memref<2x128x128xf32, #tpu.memory_space<vmem>> -> memref<1x128x128xf32, #tpu.memory_space<vmem>>
      %dma_wait3A_66 = tpu.memref_squeeze %dma_wait3A_65 : memref<1x128x128xf32, #tpu.memory_space<vmem>> -> memref<128x128xf32, #tpu.memory_space<vmem>>
      tpu.wait_dma2 semaphore(%arg8 : memref<!tpu.dma_semaphore, #tpu.memory_space<semaphore_mem>>) src(%dma_wait3A_66 : memref<128x128xf32, #tpu.memory_space<vmem>>) dst(%dma_wait3A_62 : memref<128x128xf32, #tpu.memory_space<hbm>>)
    }
    %scan3A_22 = arith.constant 32 : i32
    return
  }
}

#map = affine_map<(d0, d1) -> (0)>
#map1 = affine_map<(d0, d1) -> (0, 0)>
module attributes {stable_mosaic.version = 14 : i64} {
  func.func @k(%arg0: i32, %arg1: i32, %arg2: memref<131072xi32, #tpu.memory_space<hbm>>, %arg3: memref<8192x128xf32, #tpu.memory_space<hbm>>, %arg4: memref<131072x128xf32, #tpu.memory_space<hbm>>, %arg5: memref<2x128xi32, #tpu.memory_space<vmem>>, %arg6: memref<2x128x128xf32, #tpu.memory_space<vmem>>, %arg7: memref<!tpu.dma_semaphore, #tpu.memory_space<semaphore_mem>>, %arg8: memref<!tpu.dma_semaphore, #tpu.memory_space<semaphore_mem>>) attributes {dimension_semantics = [#tpu.dimension_semantics<core_parallel>, #tpu.dimension_semantics<subcore_parallel>], iteration_bounds = array<i64: 2, 16>, scalar_prefetch = 0 : i64, scratch_operands = 4 : i64, tpu.core_type = #tpu.core_type<sc_vector_subcore>, window_params = [{transform_indices = #map}, {transform_indices = #map1}, {transform_indices = #map1}]} {
    %mul3A = arith.constant 2 : i32
    %mul3A_0 = arith.muli %arg1, %mul3A : i32
    %add3A = arith.addi %mul3A_0, %arg0 : i32
    %mul3A_1 = arith.constant 256 : i32
    %mul3A_2 = arith.muli %add3A, %mul3A_1 : i32
    %add3A_3 = arith.constant 0 : i32
    %add3A_4 = arith.addi %mul3A_2, %add3A_3 : i32
    %mul3A_5 = arith.constant 16 : i32
    %mul3A_6 = arith.muli %add3A_4, %mul3A_5 : i32
    %run_scoped3A = arith.constant 0 : i32
    "tpu.region"() ({
      %run_scoped3A_23 = tpu.sem_alloc : memref<!tpu.dma_semaphore, #tpu.memory_space<semaphore_mem>>
      %dma_start3A_24 = arith.constant 0 : i32
      %dma_start3A_25 = tpu.memref_slice %arg5[%run_scoped3A, %dma_start3A_24] : memref<2x128xi32, #tpu.memory_space<vmem>> -> memref<1x128xi32, #tpu.memory_space<vmem>>
      %dma_start3A_26 = tpu.memref_squeeze %dma_start3A_25 : memref<1x128xi32, #tpu.memory_space<vmem>> -> memref<128xi32, #tpu.memory_space<vmem>>
      %dma_start3A_27 = tpu.memref_slice %arg2[%mul3A_6] : memref<131072xi32, #tpu.memory_space<hbm>> -> memref<128xi32, #tpu.memory_space<hbm>>
      %dma_start3A_28 = arith.constant 0 : i32
      %dma_start3A_29 = tpu.memref_slice %arg5[%run_scoped3A, %dma_start3A_28] : memref<2x128xi32, #tpu.memory_space<vmem>> -> memref<1x128xi32, #tpu.memory_space<vmem>>
      %dma_start3A_30 = tpu.memref_squeeze %dma_start3A_29 : memref<1x128xi32, #tpu.memory_space<vmem>> -> memref<128xi32, #tpu.memory_space<vmem>>
      %dma_start3A_31 = tpu.memref_slice %arg2[%mul3A_6] : memref<131072xi32, #tpu.memory_space<hbm>> -> memref<128xi32, #tpu.memory_space<hbm>>
      tpu.enqueue_dma source(%dma_start3A_31 : memref<128xi32, #tpu.memory_space<hbm>>) target(%dma_start3A_30 : memref<128xi32, #tpu.memory_space<vmem>>) target_semaphore(%run_scoped3A_23 : memref<!tpu.dma_semaphore, #tpu.memory_space<semaphore_mem>>)
      %dma_wait3A = arith.constant 0 : i32
      %dma_wait3A_32 = tpu.memref_slice %arg5[%run_scoped3A, %dma_wait3A] : memref<2x128xi32, #tpu.memory_space<vmem>> -> memref<1x128xi32, #tpu.memory_space<vmem>>
      %dma_wait3A_33 = tpu.memref_squeeze %dma_wait3A_32 : memref<1x128xi32, #tpu.memory_space<vmem>> -> memref<128xi32, #tpu.memory_space<vmem>>
      %dma_wait3A_34 = tpu.memref_slice %arg2[%mul3A_6] : memref<131072xi32, #tpu.memory_space<hbm>> -> memref<128xi32, #tpu.memory_space<hbm>>
      %dma_wait3A_35 = arith.constant 0 : i32
      %dma_wait3A_36 = tpu.memref_slice %arg5[%run_scoped3A, %dma_wait3A_35] : memref<2x128xi32, #tpu.memory_space<vmem>> -> memref<1x128xi32, #tpu.memory_space<vmem>>
      %dma_wait3A_37 = tpu.memref_squeeze %dma_wait3A_36 : memref<1x128xi32, #tpu.memory_space<vmem>> -> memref<128xi32, #tpu.memory_space<vmem>>
      %dma_wait3A_38 = tpu.memref_slice %arg2[%mul3A_6] : memref<131072xi32, #tpu.memory_space<hbm>> -> memref<128xi32, #tpu.memory_space<hbm>>
      tpu.wait_dma2 semaphore(%run_scoped3A_23 : memref<!tpu.dma_semaphore, #tpu.memory_space<semaphore_mem>>) src(%dma_wait3A_38 : memref<128xi32, #tpu.memory_space<hbm>>) dst(%dma_wait3A_37 : memref<128xi32, #tpu.memory_space<vmem>>)
      tpu.yield
    }) : () -> ()
    %dma_start3A = arith.constant 0 : i32
    %dma_start3A_7 = arith.constant 0 : i32
    %dma_start3A_8 = arith.constant 0 : i32
    %dma_start3A_9 = arith.constant 0 : i32
    %dma_start3A_10 = tpu.memref_slice %arg6[%dma_start3A_7, %dma_start3A_8, %dma_start3A_9] : memref<2x128x128xf32, #tpu.memory_space<vmem>> -> memref<1x128x128xf32, #tpu.memory_space<vmem>>
    %dma_start3A_11 = tpu.memref_squeeze %dma_start3A_10 : memref<1x128x128xf32, #tpu.memory_space<vmem>> -> memref<128x128xf32, #tpu.memory_space<vmem>>
    %dma_start3A_12 = arith.constant 0 : i32
    %dma_start3A_13 = tpu.memref_slice %arg5[%dma_start3A, %dma_start3A_12] : memref<2x128xi32, #tpu.memory_space<vmem>> -> memref<1x128xi32, #tpu.memory_space<vmem>>
    %dma_start3A_14 = tpu.memref_squeeze %dma_start3A_13 : memref<1x128xi32, #tpu.memory_space<vmem>> -> memref<128xi32, #tpu.memory_space<vmem>>
    %dma_start3A_15 = arith.constant 0 : i32
    %dma_start3A_16 = arith.constant 0 : i32
    %dma_start3A_17 = tpu.memref_slice %arg3[%dma_start3A_15, %dma_start3A_16] : memref<8192x128xf32, #tpu.memory_space<hbm>> -> memref<8192x128xf32, #tpu.memory_space<hbm>>
    tpu.enqueue_indirect_dma source(%dma_start3A_17 : memref<8192x128xf32, #tpu.memory_space<hbm>>) target(%dma_start3A_11 : memref<128x128xf32, #tpu.memory_space<vmem>>) offsets(%dma_start3A_14 : memref<128xi32, #tpu.memory_space<vmem>>) semaphore(%arg7 : memref<!tpu.dma_semaphore, #tpu.memory_space<semaphore_mem>>)
    %scan3A = arith.constant 0 : i32
    %scan3A_18 = arith.constant 0 : i32
    %scan3A_19 = arith.constant 32 : i32
    %scan3A_20 = arith.addi %scan3A_18, %scan3A_19 : i32
    %scan3A_21 = arith.constant 1 : i32
    scf.for %scan3A_23 = %scan3A_18 to %scan3A_20 step %scan3A_21  : i32 {
      %rem3A = arith.constant 2 : i32
      %rem3A_24 = arith.remsi %scan3A_23, %rem3A : i32
      %mul3A_25 = arith.constant 8 : i32
      %mul3A_26 = arith.muli %scan3A_23, %mul3A_25 : i32
      %add3A_27 = arith.addi %mul3A_2, %mul3A_26 : i32
      %add3A_28 = arith.constant 1 : i32
      %add3A_29 = arith.addi %scan3A_23, %add3A_28 : i32
      %lt3A = arith.constant 32 : i32
      %lt3A_30 = arith.cmpi slt, %add3A_29, %lt3A : i32
      %convert_element_type3A = arith.extui %lt3A_30 : i1 to i32
      %cond3A = arith.constant 0 : i32
      %cond3A_31 = arith.cmpi ne, %convert_element_type3A, %cond3A : i32
      scf.if %cond3A_31 {
        %add3A_67 = arith.constant 1 : i32
        %add3A_68 = arith.addi %scan3A_23, %add3A_67 : i32
        %sub3A = arith.constant 1 : i32
        %sub3A_69 = arith.subi %sub3A, %rem3A_24 : i32
        %mul3A_70 = arith.constant 8 : i32
        %mul3A_71 = arith.muli %add3A_68, %mul3A_70 : i32
        %add3A_72 = arith.addi %mul3A_2, %mul3A_71 : i32
        %mul3A_73 = arith.constant 16 : i32
        %mul3A_74 = arith.muli %add3A_72, %mul3A_73 : i32
        "tpu.region"() ({
          %run_scoped3A_85 = tpu.sem_alloc : memref<!tpu.dma_semaphore, #tpu.memory_space<semaphore_mem>>
          %dma_start3A_86 = arith.constant 0 : i32
          %dma_start3A_87 = tpu.memref_slice %arg5[%sub3A_69, %dma_start3A_86] : memref<2x128xi32, #tpu.memory_space<vmem>> -> memref<1x128xi32, #tpu.memory_space<vmem>>
          %dma_start3A_88 = tpu.memref_squeeze %dma_start3A_87 : memref<1x128xi32, #tpu.memory_space<vmem>> -> memref<128xi32, #tpu.memory_space<vmem>>
          %dma_start3A_89 = tpu.memref_slice %arg2[%mul3A_74] : memref<131072xi32, #tpu.memory_space<hbm>> -> memref<128xi32, #tpu.memory_space<hbm>>
          %dma_start3A_90 = arith.constant 0 : i32
          %dma_start3A_91 = tpu.memref_slice %arg5[%sub3A_69, %dma_start3A_90] : memref<2x128xi32, #tpu.memory_space<vmem>> -> memref<1x128xi32, #tpu.memory_space<vmem>>
          %dma_start3A_92 = tpu.memref_squeeze %dma_start3A_91 : memref<1x128xi32, #tpu.memory_space<vmem>> -> memref<128xi32, #tpu.memory_space<vmem>>
          %dma_start3A_93 = tpu.memref_slice %arg2[%mul3A_74] : memref<131072xi32, #tpu.memory_space<hbm>> -> memref<128xi32, #tpu.memory_space<hbm>>
          tpu.enqueue_dma source(%dma_start3A_93 : memref<128xi32, #tpu.memory_space<hbm>>) target(%dma_start3A_92 : memref<128xi32, #tpu.memory_space<vmem>>) target_semaphore(%run_scoped3A_85 : memref<!tpu.dma_semaphore, #tpu.memory_space<semaphore_mem>>)
          %dma_wait3A_94 = arith.constant 0 : i32
          %dma_wait3A_95 = tpu.memref_slice %arg5[%sub3A_69, %dma_wait3A_94] : memref<2x128xi32, #tpu.memory_space<vmem>> -> memref<1x128xi32, #tpu.memory_space<vmem>>
          %dma_wait3A_96 = tpu.memref_squeeze %dma_wait3A_95 : memref<1x128xi32, #tpu.memory_space<vmem>> -> memref<128xi32, #tpu.memory_space<vmem>>
          %dma_wait3A_97 = tpu.memref_slice %arg2[%mul3A_74] : memref<131072xi32, #tpu.memory_space<hbm>> -> memref<128xi32, #tpu.memory_space<hbm>>
          %dma_wait3A_98 = arith.constant 0 : i32
          %dma_wait3A_99 = tpu.memref_slice %arg5[%sub3A_69, %dma_wait3A_98] : memref<2x128xi32, #tpu.memory_space<vmem>> -> memref<1x128xi32, #tpu.memory_space<vmem>>
          %dma_wait3A_100 = tpu.memref_squeeze %dma_wait3A_99 : memref<1x128xi32, #tpu.memory_space<vmem>> -> memref<128xi32, #tpu.memory_space<vmem>>
          %dma_wait3A_101 = tpu.memref_slice %arg2[%mul3A_74] : memref<131072xi32, #tpu.memory_space<hbm>> -> memref<128xi32, #tpu.memory_space<hbm>>
          tpu.wait_dma2 semaphore(%run_scoped3A_85 : memref<!tpu.dma_semaphore, #tpu.memory_space<semaphore_mem>>) src(%dma_wait3A_101 : memref<128xi32, #tpu.memory_space<hbm>>) dst(%dma_wait3A_100 : memref<128xi32, #tpu.memory_space<vmem>>)
          tpu.yield
        }) : () -> ()
        %dma_start3A_75 = arith.constant 0 : i32
        %dma_start3A_76 = arith.constant 0 : i32
        %dma_start3A_77 = tpu.memref_slice %arg6[%sub3A_69, %dma_start3A_75, %dma_start3A_76] : memref<2x128x128xf32, #tpu.memory_space<vmem>> -> memref<1x128x128xf32, #tpu.memory_space<vmem>>
        %dma_start3A_78 = tpu.memref_squeeze %dma_start3A_77 : memref<1x128x128xf32, #tpu.memory_space<vmem>> -> memref<128x128xf32, #tpu.memory_space<vmem>>
        %dma_start3A_79 = arith.constant 0 : i32
        %dma_start3A_80 = tpu.memref_slice %arg5[%sub3A_69, %dma_start3A_79] : memref<2x128xi32, #tpu.memory_space<vmem>> -> memref<1x128xi32, #tpu.memory_space<vmem>>
        %dma_start3A_81 = tpu.memref_squeeze %dma_start3A_80 : memref<1x128xi32, #tpu.memory_space<vmem>> -> memref<128xi32, #tpu.memory_space<vmem>>
        %dma_start3A_82 = arith.constant 0 : i32
        %dma_start3A_83 = arith.constant 0 : i32
        %dma_start3A_84 = tpu.memref_slice %arg3[%dma_start3A_82, %dma_start3A_83] : memref<8192x128xf32, #tpu.memory_space<hbm>> -> memref<8192x128xf32, #tpu.memory_space<hbm>>
        tpu.enqueue_indirect_dma source(%dma_start3A_84 : memref<8192x128xf32, #tpu.memory_space<hbm>>) target(%dma_start3A_78 : memref<128x128xf32, #tpu.memory_space<vmem>>) offsets(%dma_start3A_81 : memref<128xi32, #tpu.memory_space<vmem>>) semaphore(%arg7 : memref<!tpu.dma_semaphore, #tpu.memory_space<semaphore_mem>>)
      } else {
      }
      %dma_wait3A = arith.constant 0 : i32
      %dma_wait3A_32 = arith.constant 0 : i32
      %dma_wait3A_33 = tpu.memref_slice %arg6[%rem3A_24, %dma_wait3A, %dma_wait3A_32] : memref<2x128x128xf32, #tpu.memory_space<vmem>> -> memref<1x128x128xf32, #tpu.memory_space<vmem>>
      %dma_wait3A_34 = tpu.memref_squeeze %dma_wait3A_33 : memref<1x128x128xf32, #tpu.memory_space<vmem>> -> memref<128x128xf32, #tpu.memory_space<vmem>>
      %dma_wait3A_35 = arith.constant 0 : i32
      %dma_wait3A_36 = tpu.memref_slice %arg5[%rem3A_24, %dma_wait3A_35] : memref<2x128xi32, #tpu.memory_space<vmem>> -> memref<1x128xi32, #tpu.memory_space<vmem>>
      %dma_wait3A_37 = tpu.memref_squeeze %dma_wait3A_36 : memref<1x128xi32, #tpu.memory_space<vmem>> -> memref<128xi32, #tpu.memory_space<vmem>>
      %dma_wait3A_38 = arith.constant 0 : i32
      %dma_wait3A_39 = arith.constant 0 : i32
      %dma_wait3A_40 = tpu.memref_slice %arg3[%dma_wait3A_38, %dma_wait3A_39] : memref<8192x128xf32, #tpu.memory_space<hbm>> -> memref<8192x128xf32, #tpu.memory_space<hbm>>
      tpu.wait_indirect_dma semaphore(%arg7 : memref<!tpu.dma_semaphore, #tpu.memory_space<semaphore_mem>>) src(%dma_wait3A_40 : memref<8192x128xf32, #tpu.memory_space<hbm>>) dst(%dma_wait3A_34 : memref<128x128xf32, #tpu.memory_space<vmem>>)
      %mul3A_41 = arith.constant 16 : i32
      %mul3A_42 = arith.muli %add3A_27, %mul3A_41 : i32
      %dma_start3A_43 = arith.constant 0 : i32
      %dma_start3A_44 = arith.constant 0 : i32
      %dma_start3A_45 = tpu.memref_slice %arg6[%rem3A_24, %dma_start3A_43, %dma_start3A_44] : memref<2x128x128xf32, #tpu.memory_space<vmem>> -> memref<1x128x128xf32, #tpu.memory_space<vmem>>
      %dma_start3A_46 = tpu.memref_squeeze %dma_start3A_45 : memref<1x128x128xf32, #tpu.memory_space<vmem>> -> memref<128x128xf32, #tpu.memory_space<vmem>>
      %dma_start3A_47 = arith.constant 0 : i32
      %dma_start3A_48 = tpu.memref_slice %arg4[%mul3A_42, %dma_start3A_47] : memref<131072x128xf32, #tpu.memory_space<hbm>> -> memref<128x128xf32, #tpu.memory_space<hbm>>
      %dma_start3A_49 = arith.constant 0 : i32
      %dma_start3A_50 = tpu.memref_slice %arg4[%mul3A_42, %dma_start3A_49] : memref<131072x128xf32, #tpu.memory_space<hbm>> -> memref<128x128xf32, #tpu.memory_space<hbm>>
      %dma_start3A_51 = arith.constant 0 : i32
      %dma_start3A_52 = arith.constant 0 : i32
      %dma_start3A_53 = tpu.memref_slice %arg6[%rem3A_24, %dma_start3A_51, %dma_start3A_52] : memref<2x128x128xf32, #tpu.memory_space<vmem>> -> memref<1x128x128xf32, #tpu.memory_space<vmem>>
      %dma_start3A_54 = tpu.memref_squeeze %dma_start3A_53 : memref<1x128x128xf32, #tpu.memory_space<vmem>> -> memref<128x128xf32, #tpu.memory_space<vmem>>
      tpu.enqueue_dma source(%dma_start3A_54 : memref<128x128xf32, #tpu.memory_space<vmem>>) target(%dma_start3A_50 : memref<128x128xf32, #tpu.memory_space<hbm>>) target_semaphore(%arg8 : memref<!tpu.dma_semaphore, #tpu.memory_space<semaphore_mem>>)
      %dma_wait3A_55 = arith.constant 0 : i32
      %dma_wait3A_56 = arith.constant 0 : i32
      %dma_wait3A_57 = tpu.memref_slice %arg6[%rem3A_24, %dma_wait3A_55, %dma_wait3A_56] : memref<2x128x128xf32, #tpu.memory_space<vmem>> -> memref<1x128x128xf32, #tpu.memory_space<vmem>>
      %dma_wait3A_58 = tpu.memref_squeeze %dma_wait3A_57 : memref<1x128x128xf32, #tpu.memory_space<vmem>> -> memref<128x128xf32, #tpu.memory_space<vmem>>
      %dma_wait3A_59 = arith.constant 0 : i32
      %dma_wait3A_60 = tpu.memref_slice %arg4[%mul3A_42, %dma_wait3A_59] : memref<131072x128xf32, #tpu.memory_space<hbm>> -> memref<128x128xf32, #tpu.memory_space<hbm>>
      %dma_wait3A_61 = arith.constant 0 : i32
      %dma_wait3A_62 = tpu.memref_slice %arg4[%mul3A_42, %dma_wait3A_61] : memref<131072x128xf32, #tpu.memory_space<hbm>> -> memref<128x128xf32, #tpu.memory_space<hbm>>
      %dma_wait3A_63 = arith.constant 0 : i32
      %dma_wait3A_64 = arith.constant 0 : i32
      %dma_wait3A_65 = tpu.memref_slice %arg6[%rem3A_24, %dma_wait3A_63, %dma_wait3A_64] : memref<2x128x128xf32, #tpu.memory_space<vmem>> -> memref<1x128x128xf32, #tpu.memory_space<vmem>>
      %dma_wait3A_66 = tpu.memref_squeeze %dma_wait3A_65 : memref<1x128x128xf32, #tpu.memory_space<vmem>> -> memref<128x128xf32, #tpu.memory_space<vmem>>
      tpu.wait_dma2 semaphore(%arg8 : memref<!tpu.dma_semaphore, #tpu.memory_space<semaphore_mem>>) src(%dma_wait3A_66 : memref<128x128xf32, #tpu.memory_space<vmem>>) dst(%dma_wait3A_62 : memref<128x128xf32, #tpu.memory_space<hbm>>)
    }
    %scan3A_22 = arith.constant 32 : i32
    return
  }
}

#map = affine_map<(d0, d1) -> (0)>
#map1 = affine_map<(d0, d1) -> (0, 0)>
module attributes {stable_mosaic.version = 14 : i64} {
  func.func @k(%arg0: i32, %arg1: i32, %arg2: memref<131072xi32, #tpu.memory_space<hbm>>, %arg3: memref<8192x128xf32, #tpu.memory_space<hbm>>, %arg4: memref<131072x128xf32, #tpu.memory_space<hbm>>, %arg5: memref<2x128xi32, #tpu.memory_space<vmem>>, %arg6: memref<2x128x128xf32, #tpu.memory_space<vmem>>, %arg7: memref<!tpu.dma_semaphore, #tpu.memory_space<semaphore_mem>>, %arg8: memref<!tpu.dma_semaphore, #tpu.memory_space<semaphore_mem>>) attributes {dimension_semantics = [#tpu.dimension_semantics<core_parallel>, #tpu.dimension_semantics<subcore_parallel>], iteration_bounds = array<i64: 2, 16>, scalar_prefetch = 0 : i64, scratch_operands = 4 : i64, tpu.core_type = #tpu.core_type<sc_vector_subcore>, window_params = [{transform_indices = #map}, {transform_indices = #map1}, {transform_indices = #map1}]} {
    %mul3A = arith.constant 2 : i32
    %mul3A_0 = arith.muli %arg1, %mul3A : i32
    %add3A = arith.addi %mul3A_0, %arg0 : i32
    %mul3A_1 = arith.constant 256 : i32
    %mul3A_2 = arith.muli %add3A, %mul3A_1 : i32
    %add3A_3 = arith.constant 0 : i32
    %add3A_4 = arith.addi %mul3A_2, %add3A_3 : i32
    %mul3A_5 = arith.constant 16 : i32
    %mul3A_6 = arith.muli %add3A_4, %mul3A_5 : i32
    %run_scoped3A = arith.constant 0 : i32
    "tpu.region"() ({
      %run_scoped3A_23 = tpu.sem_alloc : memref<!tpu.dma_semaphore, #tpu.memory_space<semaphore_mem>>
      %dma_start3A_24 = arith.constant 0 : i32
      %dma_start3A_25 = tpu.memref_slice %arg5[%run_scoped3A, %dma_start3A_24] : memref<2x128xi32, #tpu.memory_space<vmem>> -> memref<1x128xi32, #tpu.memory_space<vmem>>
      %dma_start3A_26 = tpu.memref_squeeze %dma_start3A_25 : memref<1x128xi32, #tpu.memory_space<vmem>> -> memref<128xi32, #tpu.memory_space<vmem>>
      %dma_start3A_27 = tpu.memref_slice %arg2[%mul3A_6] : memref<131072xi32, #tpu.memory_space<hbm>> -> memref<128xi32, #tpu.memory_space<hbm>>
      %dma_start3A_28 = arith.constant 0 : i32
      %dma_start3A_29 = tpu.memref_slice %arg5[%run_scoped3A, %dma_start3A_28] : memref<2x128xi32, #tpu.memory_space<vmem>> -> memref<1x128xi32, #tpu.memory_space<vmem>>
      %dma_start3A_30 = tpu.memref_squeeze %dma_start3A_29 : memref<1x128xi32, #tpu.memory_space<vmem>> -> memref<128xi32, #tpu.memory_space<vmem>>
      %dma_start3A_31 = tpu.memref_slice %arg2[%mul3A_6] : memref<131072xi32, #tpu.memory_space<hbm>> -> memref<128xi32, #tpu.memory_space<hbm>>
      tpu.enqueue_dma source(%dma_start3A_31 : memref<128xi32, #tpu.memory_space<hbm>>) target(%dma_start3A_30 : memref<128xi32, #tpu.memory_space<vmem>>) target_semaphore(%run_scoped3A_23 : memref<!tpu.dma_semaphore, #tpu.memory_space<semaphore_mem>>)
      %dma_wait3A = arith.constant 0 : i32
      %dma_wait3A_32 = tpu.memref_slice %arg5[%run_scoped3A, %dma_wait3A] : memref<2x128xi32, #tpu.memory_space<vmem>> -> memref<1x128xi32, #tpu.memory_space<vmem>>
      %dma_wait3A_33 = tpu.memref_squeeze %dma_wait3A_32 : memref<1x128xi32, #tpu.memory_space<vmem>> -> memref<128xi32, #tpu.memory_space<vmem>>
      %dma_wait3A_34 = tpu.memref_slice %arg2[%mul3A_6] : memref<131072xi32, #tpu.memory_space<hbm>> -> memref<128xi32, #tpu.memory_space<hbm>>
      %dma_wait3A_35 = arith.constant 0 : i32
      %dma_wait3A_36 = tpu.memref_slice %arg5[%run_scoped3A, %dma_wait3A_35] : memref<2x128xi32, #tpu.memory_space<vmem>> -> memref<1x128xi32, #tpu.memory_space<vmem>>
      %dma_wait3A_37 = tpu.memref_squeeze %dma_wait3A_36 : memref<1x128xi32, #tpu.memory_space<vmem>> -> memref<128xi32, #tpu.memory_space<vmem>>
      %dma_wait3A_38 = tpu.memref_slice %arg2[%mul3A_6] : memref<131072xi32, #tpu.memory_space<hbm>> -> memref<128xi32, #tpu.memory_space<hbm>>
      tpu.wait_dma2 semaphore(%run_scoped3A_23 : memref<!tpu.dma_semaphore, #tpu.memory_space<semaphore_mem>>) src(%dma_wait3A_38 : memref<128xi32, #tpu.memory_space<hbm>>) dst(%dma_wait3A_37 : memref<128xi32, #tpu.memory_space<vmem>>)
      tpu.yield
    }) : () -> ()
    %dma_start3A = arith.constant 0 : i32
    %dma_start3A_7 = arith.constant 0 : i32
    %dma_start3A_8 = arith.constant 0 : i32
    %dma_start3A_9 = arith.constant 0 : i32
    %dma_start3A_10 = tpu.memref_slice %arg6[%dma_start3A_7, %dma_start3A_8, %dma_start3A_9] : memref<2x128x128xf32, #tpu.memory_space<vmem>> -> memref<1x128x128xf32, #tpu.memory_space<vmem>>
    %dma_start3A_11 = tpu.memref_squeeze %dma_start3A_10 : memref<1x128x128xf32, #tpu.memory_space<vmem>> -> memref<128x128xf32, #tpu.memory_space<vmem>>
    %dma_start3A_12 = arith.constant 0 : i32
    %dma_start3A_13 = tpu.memref_slice %arg5[%dma_start3A, %dma_start3A_12] : memref<2x128xi32, #tpu.memory_space<vmem>> -> memref<1x128xi32, #tpu.memory_space<vmem>>
    %dma_start3A_14 = tpu.memref_squeeze %dma_start3A_13 : memref<1x128xi32, #tpu.memory_space<vmem>> -> memref<128xi32, #tpu.memory_space<vmem>>
    %dma_start3A_15 = arith.constant 0 : i32
    %dma_start3A_16 = arith.constant 0 : i32
    %dma_start3A_17 = tpu.memref_slice %arg3[%dma_start3A_15, %dma_start3A_16] : memref<8192x128xf32, #tpu.memory_space<hbm>> -> memref<8192x128xf32, #tpu.memory_space<hbm>>
    tpu.enqueue_indirect_dma source(%dma_start3A_17 : memref<8192x128xf32, #tpu.memory_space<hbm>>) target(%dma_start3A_11 : memref<128x128xf32, #tpu.memory_space<vmem>>) offsets(%dma_start3A_14 : memref<128xi32, #tpu.memory_space<vmem>>) semaphore(%arg7 : memref<!tpu.dma_semaphore, #tpu.memory_space<semaphore_mem>>)
    %scan3A = arith.constant 0 : i32
    %scan3A_18 = arith.constant 0 : i32
    %scan3A_19 = arith.constant 32 : i32
    %scan3A_20 = arith.addi %scan3A_18, %scan3A_19 : i32
    %scan3A_21 = arith.constant 1 : i32
    scf.for %scan3A_23 = %scan3A_18 to %scan3A_20 step %scan3A_21  : i32 {
      %rem3A = arith.constant 2 : i32
      %rem3A_24 = arith.remsi %scan3A_23, %rem3A : i32
      %mul3A_25 = arith.constant 8 : i32
      %mul3A_26 = arith.muli %scan3A_23, %mul3A_25 : i32
      %add3A_27 = arith.addi %mul3A_2, %mul3A_26 : i32
      %add3A_28 = arith.constant 1 : i32
      %add3A_29 = arith.addi %scan3A_23, %add3A_28 : i32
      %lt3A = arith.constant 32 : i32
      %lt3A_30 = arith.cmpi slt, %add3A_29, %lt3A : i32
      %convert_element_type3A = arith.extui %lt3A_30 : i1 to i32
      %cond3A = arith.constant 0 : i32
      %cond3A_31 = arith.cmpi ne, %convert_element_type3A, %cond3A : i32
      scf.if %cond3A_31 {
        %add3A_67 = arith.constant 1 : i32
        %add3A_68 = arith.addi %scan3A_23, %add3A_67 : i32
        %sub3A = arith.constant 1 : i32
        %sub3A_69 = arith.subi %sub3A, %rem3A_24 : i32
        %mul3A_70 = arith.constant 8 : i32
        %mul3A_71 = arith.muli %add3A_68, %mul3A_70 : i32
        %add3A_72 = arith.addi %mul3A_2, %mul3A_71 : i32
        %mul3A_73 = arith.constant 16 : i32
        %mul3A_74 = arith.muli %add3A_72, %mul3A_73 : i32
        "tpu.region"() ({
          %run_scoped3A_85 = tpu.sem_alloc : memref<!tpu.dma_semaphore, #tpu.memory_space<semaphore_mem>>
          %dma_start3A_86 = arith.constant 0 : i32
          %dma_start3A_87 = tpu.memref_slice %arg5[%sub3A_69, %dma_start3A_86] : memref<2x128xi32, #tpu.memory_space<vmem>> -> memref<1x128xi32, #tpu.memory_space<vmem>>
          %dma_start3A_88 = tpu.memref_squeeze %dma_start3A_87 : memref<1x128xi32, #tpu.memory_space<vmem>> -> memref<128xi32, #tpu.memory_space<vmem>>
          %dma_start3A_89 = tpu.memref_slice %arg2[%mul3A_74] : memref<131072xi32, #tpu.memory_space<hbm>> -> memref<128xi32, #tpu.memory_space<hbm>>
          %dma_start3A_90 = arith.constant 0 : i32
          %dma_start3A_91 = tpu.memref_slice %arg5[%sub3A_69, %dma_start3A_90] : memref<2x128xi32, #tpu.memory_space<vmem>> -> memref<1x128xi32, #tpu.memory_space<vmem>>
          %dma_start3A_92 = tpu.memref_squeeze %dma_start3A_91 : memref<1x128xi32, #tpu.memory_space<vmem>> -> memref<128xi32, #tpu.memory_space<vmem>>
          %dma_start3A_93 = tpu.memref_slice %arg2[%mul3A_74] : memref<131072xi32, #tpu.memory_space<hbm>> -> memref<128xi32, #tpu.memory_space<hbm>>
          tpu.enqueue_dma source(%dma_start3A_93 : memref<128xi32, #tpu.memory_space<hbm>>) target(%dma_start3A_92 : memref<128xi32, #tpu.memory_space<vmem>>) target_semaphore(%run_scoped3A_85 : memref<!tpu.dma_semaphore, #tpu.memory_space<semaphore_mem>>)
          %dma_wait3A_94 = arith.constant 0 : i32
          %dma_wait3A_95 = tpu.memref_slice %arg5[%sub3A_69, %dma_wait3A_94] : memref<2x128xi32, #tpu.memory_space<vmem>> -> memref<1x128xi32, #tpu.memory_space<vmem>>
          %dma_wait3A_96 = tpu.memref_squeeze %dma_wait3A_95 : memref<1x128xi32, #tpu.memory_space<vmem>> -> memref<128xi32, #tpu.memory_space<vmem>>
          %dma_wait3A_97 = tpu.memref_slice %arg2[%mul3A_74] : memref<131072xi32, #tpu.memory_space<hbm>> -> memref<128xi32, #tpu.memory_space<hbm>>
          %dma_wait3A_98 = arith.constant 0 : i32
          %dma_wait3A_99 = tpu.memref_slice %arg5[%sub3A_69, %dma_wait3A_98] : memref<2x128xi32, #tpu.memory_space<vmem>> -> memref<1x128xi32, #tpu.memory_space<vmem>>
          %dma_wait3A_100 = tpu.memref_squeeze %dma_wait3A_99 : memref<1x128xi32, #tpu.memory_space<vmem>> -> memref<128xi32, #tpu.memory_space<vmem>>
          %dma_wait3A_101 = tpu.memref_slice %arg2[%mul3A_74] : memref<131072xi32, #tpu.memory_space<hbm>> -> memref<128xi32, #tpu.memory_space<hbm>>
          tpu.wait_dma2 semaphore(%run_scoped3A_85 : memref<!tpu.dma_semaphore, #tpu.memory_space<semaphore_mem>>) src(%dma_wait3A_101 : memref<128xi32, #tpu.memory_space<hbm>>) dst(%dma_wait3A_100 : memref<128xi32, #tpu.memory_space<vmem>>)
          tpu.yield
        }) : () -> ()
        %dma_start3A_75 = arith.constant 0 : i32
        %dma_start3A_76 = arith.constant 0 : i32
        %dma_start3A_77 = tpu.memref_slice %arg6[%sub3A_69, %dma_start3A_75, %dma_start3A_76] : memref<2x128x128xf32, #tpu.memory_space<vmem>> -> memref<1x128x128xf32, #tpu.memory_space<vmem>>
        %dma_start3A_78 = tpu.memref_squeeze %dma_start3A_77 : memref<1x128x128xf32, #tpu.memory_space<vmem>> -> memref<128x128xf32, #tpu.memory_space<vmem>>
        %dma_start3A_79 = arith.constant 0 : i32
        %dma_start3A_80 = tpu.memref_slice %arg5[%sub3A_69, %dma_start3A_79] : memref<2x128xi32, #tpu.memory_space<vmem>> -> memref<1x128xi32, #tpu.memory_space<vmem>>
        %dma_start3A_81 = tpu.memref_squeeze %dma_start3A_80 : memref<1x128xi32, #tpu.memory_space<vmem>> -> memref<128xi32, #tpu.memory_space<vmem>>
        %dma_start3A_82 = arith.constant 0 : i32
        %dma_start3A_83 = arith.constant 0 : i32
        %dma_start3A_84 = tpu.memref_slice %arg3[%dma_start3A_82, %dma_start3A_83] : memref<8192x128xf32, #tpu.memory_space<hbm>> -> memref<8192x128xf32, #tpu.memory_space<hbm>>
        tpu.enqueue_indirect_dma source(%dma_start3A_84 : memref<8192x128xf32, #tpu.memory_space<hbm>>) target(%dma_start3A_78 : memref<128x128xf32, #tpu.memory_space<vmem>>) offsets(%dma_start3A_81 : memref<128xi32, #tpu.memory_space<vmem>>) semaphore(%arg7 : memref<!tpu.dma_semaphore, #tpu.memory_space<semaphore_mem>>)
      } else {
      }
      %dma_wait3A = arith.constant 0 : i32
      %dma_wait3A_32 = arith.constant 0 : i32
      %dma_wait3A_33 = tpu.memref_slice %arg6[%rem3A_24, %dma_wait3A, %dma_wait3A_32] : memref<2x128x128xf32, #tpu.memory_space<vmem>> -> memref<1x128x128xf32, #tpu.memory_space<vmem>>
      %dma_wait3A_34 = tpu.memref_squeeze %dma_wait3A_33 : memref<1x128x128xf32, #tpu.memory_space<vmem>> -> memref<128x128xf32, #tpu.memory_space<vmem>>
      %dma_wait3A_35 = arith.constant 0 : i32
      %dma_wait3A_36 = tpu.memref_slice %arg5[%rem3A_24, %dma_wait3A_35] : memref<2x128xi32, #tpu.memory_space<vmem>> -> memref<1x128xi32, #tpu.memory_space<vmem>>
      %dma_wait3A_37 = tpu.memref_squeeze %dma_wait3A_36 : memref<1x128xi32, #tpu.memory_space<vmem>> -> memref<128xi32, #tpu.memory_space<vmem>>
      %dma_wait3A_38 = arith.constant 0 : i32
      %dma_wait3A_39 = arith.constant 0 : i32
      %dma_wait3A_40 = tpu.memref_slice %arg3[%dma_wait3A_38, %dma_wait3A_39] : memref<8192x128xf32, #tpu.memory_space<hbm>> -> memref<8192x128xf32, #tpu.memory_space<hbm>>
      tpu.wait_indirect_dma semaphore(%arg7 : memref<!tpu.dma_semaphore, #tpu.memory_space<semaphore_mem>>) src(%dma_wait3A_40 : memref<8192x128xf32, #tpu.memory_space<hbm>>) dst(%dma_wait3A_34 : memref<128x128xf32, #tpu.memory_space<vmem>>)
      %mul3A_41 = arith.constant 16 : i32
      %mul3A_42 = arith.muli %add3A_27, %mul3A_41 : i32
      %dma_start3A_43 = arith.constant 0 : i32
      %dma_start3A_44 = arith.constant 0 : i32
      %dma_start3A_45 = tpu.memref_slice %arg6[%rem3A_24, %dma_start3A_43, %dma_start3A_44] : memref<2x128x128xf32, #tpu.memory_space<vmem>> -> memref<1x128x128xf32, #tpu.memory_space<vmem>>
      %dma_start3A_46 = tpu.memref_squeeze %dma_start3A_45 : memref<1x128x128xf32, #tpu.memory_space<vmem>> -> memref<128x128xf32, #tpu.memory_space<vmem>>
      %dma_start3A_47 = arith.constant 0 : i32
      %dma_start3A_48 = tpu.memref_slice %arg4[%mul3A_42, %dma_start3A_47] : memref<131072x128xf32, #tpu.memory_space<hbm>> -> memref<128x128xf32, #tpu.memory_space<hbm>>
      %dma_start3A_49 = arith.constant 0 : i32
      %dma_start3A_50 = tpu.memref_slice %arg4[%mul3A_42, %dma_start3A_49] : memref<131072x128xf32, #tpu.memory_space<hbm>> -> memref<128x128xf32, #tpu.memory_space<hbm>>
      %dma_start3A_51 = arith.constant 0 : i32
      %dma_start3A_52 = arith.constant 0 : i32
      %dma_start3A_53 = tpu.memref_slice %arg6[%rem3A_24, %dma_start3A_51, %dma_start3A_52] : memref<2x128x128xf32, #tpu.memory_space<vmem>> -> memref<1x128x128xf32, #tpu.memory_space<vmem>>
      %dma_start3A_54 = tpu.memref_squeeze %dma_start3A_53 : memref<1x128x128xf32, #tpu.memory_space<vmem>> -> memref<128x128xf32, #tpu.memory_space<vmem>>
      tpu.enqueue_dma source(%dma_start3A_54 : memref<128x128xf32, #tpu.memory_space<vmem>>) target(%dma_start3A_50 : memref<128x128xf32, #tpu.memory_space<hbm>>) target_semaphore(%arg8 : memref<!tpu.dma_semaphore, #tpu.memory_space<semaphore_mem>>)
      %dma_wait3A_55 = arith.constant 0 : i32
      %dma_wait3A_56 = arith.constant 0 : i32
      %dma_wait3A_57 = tpu.memref_slice %arg6[%rem3A_24, %dma_wait3A_55, %dma_wait3A_56] : memref<2x128x128xf32, #tpu.memory_space<vmem>> -> memref<1x128x128xf32, #tpu.memory_space<vmem>>
      %dma_wait3A_58 = tpu.memref_squeeze %dma_wait3A_57 : memref<1x128x128xf32, #tpu.memory_space<vmem>> -> memref<128x128xf32, #tpu.memory_space<vmem>>
      %dma_wait3A_59 = arith.constant 0 : i32
      %dma_wait3A_60 = tpu.memref_slice %arg4[%mul3A_42, %dma_wait3A_59] : memref<131072x128xf32, #tpu.memory_space<hbm>> -> memref<128x128xf32, #tpu.memory_space<hbm>>
      %dma_wait3A_61 = arith.constant 0 : i32
      %dma_wait3A_62 = tpu.memref_slice %arg4[%mul3A_42, %dma_wait3A_61] : memref<131072x128xf32, #tpu.memory_space<hbm>> -> memref<128x128xf32, #tpu.memory_space<hbm>>
      %dma_wait3A_63 = arith.constant 0 : i32
      %dma_wait3A_64 = arith.constant 0 : i32
      %dma_wait3A_65 = tpu.memref_slice %arg6[%rem3A_24, %dma_wait3A_63, %dma_wait3A_64] : memref<2x128x128xf32, #tpu.memory_space<vmem>> -> memref<1x128x128xf32, #tpu.memory_space<vmem>>
      %dma_wait3A_66 = tpu.memref_squeeze %dma_wait3A_65 : memref<1x128x128xf32, #tpu.memory_space<vmem>> -> memref<128x128xf32, #tpu.memory_space<vmem>>
      tpu.wait_dma2 semaphore(%arg8 : memref<!tpu.dma_semaphore, #tpu.memory_space<semaphore_mem>>) src(%dma_wait3A_66 : memref<128x128xf32, #tpu.memory_space<vmem>>) dst(%dma_wait3A_62 : memref<128x128xf32, #tpu.memory_space<hbm>>)
    }
    %scan3A_22 = arith.constant 32 : i32
    return
  }
}

#map = affine_map<(d0, d1) -> (0)>
#map1 = affine_map<(d0, d1) -> (0, 0)>
module attributes {stable_mosaic.version = 14 : i64} {
  func.func @k(%arg0: i32, %arg1: i32, %arg2: memref<131072xi32, #tpu.memory_space<hbm>>, %arg3: memref<8192x128xf32, #tpu.memory_space<hbm>>, %arg4: memref<131072x128xf32, #tpu.memory_space<hbm>>, %arg5: memref<2x128xi32, #tpu.memory_space<vmem>>, %arg6: memref<2x128x128xf32, #tpu.memory_space<vmem>>, %arg7: memref<!tpu.dma_semaphore, #tpu.memory_space<semaphore_mem>>, %arg8: memref<!tpu.dma_semaphore, #tpu.memory_space<semaphore_mem>>) attributes {dimension_semantics = [#tpu.dimension_semantics<core_parallel>, #tpu.dimension_semantics<subcore_parallel>], iteration_bounds = array<i64: 2, 16>, scalar_prefetch = 0 : i64, scratch_operands = 4 : i64, tpu.core_type = #tpu.core_type<sc_vector_subcore>, window_params = [{transform_indices = #map}, {transform_indices = #map1}, {transform_indices = #map1}]} {
    %mul3A = arith.constant 2 : i32
    %mul3A_0 = arith.muli %arg1, %mul3A : i32
    %add3A = arith.addi %mul3A_0, %arg0 : i32
    %mul3A_1 = arith.constant 256 : i32
    %mul3A_2 = arith.muli %add3A, %mul3A_1 : i32
    %add3A_3 = arith.constant 0 : i32
    %add3A_4 = arith.addi %mul3A_2, %add3A_3 : i32
    %mul3A_5 = arith.constant 16 : i32
    %mul3A_6 = arith.muli %add3A_4, %mul3A_5 : i32
    %run_scoped3A = arith.constant 0 : i32
    "tpu.region"() ({
      %run_scoped3A_23 = tpu.sem_alloc : memref<!tpu.dma_semaphore, #tpu.memory_space<semaphore_mem>>
      %dma_start3A_24 = arith.constant 0 : i32
      %dma_start3A_25 = tpu.memref_slice %arg5[%run_scoped3A, %dma_start3A_24] : memref<2x128xi32, #tpu.memory_space<vmem>> -> memref<1x128xi32, #tpu.memory_space<vmem>>
      %dma_start3A_26 = tpu.memref_squeeze %dma_start3A_25 : memref<1x128xi32, #tpu.memory_space<vmem>> -> memref<128xi32, #tpu.memory_space<vmem>>
      %dma_start3A_27 = tpu.memref_slice %arg2[%mul3A_6] : memref<131072xi32, #tpu.memory_space<hbm>> -> memref<128xi32, #tpu.memory_space<hbm>>
      %dma_start3A_28 = arith.constant 0 : i32
      %dma_start3A_29 = tpu.memref_slice %arg5[%run_scoped3A, %dma_start3A_28] : memref<2x128xi32, #tpu.memory_space<vmem>> -> memref<1x128xi32, #tpu.memory_space<vmem>>
      %dma_start3A_30 = tpu.memref_squeeze %dma_start3A_29 : memref<1x128xi32, #tpu.memory_space<vmem>> -> memref<128xi32, #tpu.memory_space<vmem>>
      %dma_start3A_31 = tpu.memref_slice %arg2[%mul3A_6] : memref<131072xi32, #tpu.memory_space<hbm>> -> memref<128xi32, #tpu.memory_space<hbm>>
      tpu.enqueue_dma source(%dma_start3A_31 : memref<128xi32, #tpu.memory_space<hbm>>) target(%dma_start3A_30 : memref<128xi32, #tpu.memory_space<vmem>>) target_semaphore(%run_scoped3A_23 : memref<!tpu.dma_semaphore, #tpu.memory_space<semaphore_mem>>)
      %dma_wait3A = arith.constant 0 : i32
      %dma_wait3A_32 = tpu.memref_slice %arg5[%run_scoped3A, %dma_wait3A] : memref<2x128xi32, #tpu.memory_space<vmem>> -> memref<1x128xi32, #tpu.memory_space<vmem>>
      %dma_wait3A_33 = tpu.memref_squeeze %dma_wait3A_32 : memref<1x128xi32, #tpu.memory_space<vmem>> -> memref<128xi32, #tpu.memory_space<vmem>>
      %dma_wait3A_34 = tpu.memref_slice %arg2[%mul3A_6] : memref<131072xi32, #tpu.memory_space<hbm>> -> memref<128xi32, #tpu.memory_space<hbm>>
      %dma_wait3A_35 = arith.constant 0 : i32
      %dma_wait3A_36 = tpu.memref_slice %arg5[%run_scoped3A, %dma_wait3A_35] : memref<2x128xi32, #tpu.memory_space<vmem>> -> memref<1x128xi32, #tpu.memory_space<vmem>>
      %dma_wait3A_37 = tpu.memref_squeeze %dma_wait3A_36 : memref<1x128xi32, #tpu.memory_space<vmem>> -> memref<128xi32, #tpu.memory_space<vmem>>
      %dma_wait3A_38 = tpu.memref_slice %arg2[%mul3A_6] : memref<131072xi32, #tpu.memory_space<hbm>> -> memref<128xi32, #tpu.memory_space<hbm>>
      tpu.wait_dma2 semaphore(%run_scoped3A_23 : memref<!tpu.dma_semaphore, #tpu.memory_space<semaphore_mem>>) src(%dma_wait3A_38 : memref<128xi32, #tpu.memory_space<hbm>>) dst(%dma_wait3A_37 : memref<128xi32, #tpu.memory_space<vmem>>)
      tpu.yield
    }) : () -> ()
    %dma_start3A = arith.constant 0 : i32
    %dma_start3A_7 = arith.constant 0 : i32
    %dma_start3A_8 = arith.constant 0 : i32
    %dma_start3A_9 = arith.constant 0 : i32
    %dma_start3A_10 = tpu.memref_slice %arg6[%dma_start3A_7, %dma_start3A_8, %dma_start3A_9] : memref<2x128x128xf32, #tpu.memory_space<vmem>> -> memref<1x128x128xf32, #tpu.memory_space<vmem>>
    %dma_start3A_11 = tpu.memref_squeeze %dma_start3A_10 : memref<1x128x128xf32, #tpu.memory_space<vmem>> -> memref<128x128xf32, #tpu.memory_space<vmem>>
    %dma_start3A_12 = arith.constant 0 : i32
    %dma_start3A_13 = tpu.memref_slice %arg5[%dma_start3A, %dma_start3A_12] : memref<2x128xi32, #tpu.memory_space<vmem>> -> memref<1x128xi32, #tpu.memory_space<vmem>>
    %dma_start3A_14 = tpu.memref_squeeze %dma_start3A_13 : memref<1x128xi32, #tpu.memory_space<vmem>> -> memref<128xi32, #tpu.memory_space<vmem>>
    %dma_start3A_15 = arith.constant 0 : i32
    %dma_start3A_16 = arith.constant 0 : i32
    %dma_start3A_17 = tpu.memref_slice %arg3[%dma_start3A_15, %dma_start3A_16] : memref<8192x128xf32, #tpu.memory_space<hbm>> -> memref<8192x128xf32, #tpu.memory_space<hbm>>
    tpu.enqueue_indirect_dma source(%dma_start3A_17 : memref<8192x128xf32, #tpu.memory_space<hbm>>) target(%dma_start3A_11 : memref<128x128xf32, #tpu.memory_space<vmem>>) offsets(%dma_start3A_14 : memref<128xi32, #tpu.memory_space<vmem>>) semaphore(%arg7 : memref<!tpu.dma_semaphore, #tpu.memory_space<semaphore_mem>>)
    %scan3A = arith.constant 0 : i32
    %scan3A_18 = arith.constant 0 : i32
    %scan3A_19 = arith.constant 32 : i32
    %scan3A_20 = arith.addi %scan3A_18, %scan3A_19 : i32
    %scan3A_21 = arith.constant 1 : i32
    scf.for %scan3A_23 = %scan3A_18 to %scan3A_20 step %scan3A_21  : i32 {
      %rem3A = arith.constant 2 : i32
      %rem3A_24 = arith.remsi %scan3A_23, %rem3A : i32
      %mul3A_25 = arith.constant 8 : i32
      %mul3A_26 = arith.muli %scan3A_23, %mul3A_25 : i32
      %add3A_27 = arith.addi %mul3A_2, %mul3A_26 : i32
      %add3A_28 = arith.constant 1 : i32
      %add3A_29 = arith.addi %scan3A_23, %add3A_28 : i32
      %lt3A = arith.constant 32 : i32
      %lt3A_30 = arith.cmpi slt, %add3A_29, %lt3A : i32
      %convert_element_type3A = arith.extui %lt3A_30 : i1 to i32
      %cond3A = arith.constant 0 : i32
      %cond3A_31 = arith.cmpi ne, %convert_element_type3A, %cond3A : i32
      scf.if %cond3A_31 {
        %add3A_67 = arith.constant 1 : i32
        %add3A_68 = arith.addi %scan3A_23, %add3A_67 : i32
        %sub3A = arith.constant 1 : i32
        %sub3A_69 = arith.subi %sub3A, %rem3A_24 : i32
        %mul3A_70 = arith.constant 8 : i32
        %mul3A_71 = arith.muli %add3A_68, %mul3A_70 : i32
        %add3A_72 = arith.addi %mul3A_2, %mul3A_71 : i32
        %mul3A_73 = arith.constant 16 : i32
        %mul3A_74 = arith.muli %add3A_72, %mul3A_73 : i32
        "tpu.region"() ({
          %run_scoped3A_85 = tpu.sem_alloc : memref<!tpu.dma_semaphore, #tpu.memory_space<semaphore_mem>>
          %dma_start3A_86 = arith.constant 0 : i32
          %dma_start3A_87 = tpu.memref_slice %arg5[%sub3A_69, %dma_start3A_86] : memref<2x128xi32, #tpu.memory_space<vmem>> -> memref<1x128xi32, #tpu.memory_space<vmem>>
          %dma_start3A_88 = tpu.memref_squeeze %dma_start3A_87 : memref<1x128xi32, #tpu.memory_space<vmem>> -> memref<128xi32, #tpu.memory_space<vmem>>
          %dma_start3A_89 = tpu.memref_slice %arg2[%mul3A_74] : memref<131072xi32, #tpu.memory_space<hbm>> -> memref<128xi32, #tpu.memory_space<hbm>>
          %dma_start3A_90 = arith.constant 0 : i32
          %dma_start3A_91 = tpu.memref_slice %arg5[%sub3A_69, %dma_start3A_90] : memref<2x128xi32, #tpu.memory_space<vmem>> -> memref<1x128xi32, #tpu.memory_space<vmem>>
          %dma_start3A_92 = tpu.memref_squeeze %dma_start3A_91 : memref<1x128xi32, #tpu.memory_space<vmem>> -> memref<128xi32, #tpu.memory_space<vmem>>
          %dma_start3A_93 = tpu.memref_slice %arg2[%mul3A_74] : memref<131072xi32, #tpu.memory_space<hbm>> -> memref<128xi32, #tpu.memory_space<hbm>>
          tpu.enqueue_dma source(%dma_start3A_93 : memref<128xi32, #tpu.memory_space<hbm>>) target(%dma_start3A_92 : memref<128xi32, #tpu.memory_space<vmem>>) target_semaphore(%run_scoped3A_85 : memref<!tpu.dma_semaphore, #tpu.memory_space<semaphore_mem>>)
          %dma_wait3A_94 = arith.constant 0 : i32
          %dma_wait3A_95 = tpu.memref_slice %arg5[%sub3A_69, %dma_wait3A_94] : memref<2x128xi32, #tpu.memory_space<vmem>> -> memref<1x128xi32, #tpu.memory_space<vmem>>
          %dma_wait3A_96 = tpu.memref_squeeze %dma_wait3A_95 : memref<1x128xi32, #tpu.memory_space<vmem>> -> memref<128xi32, #tpu.memory_space<vmem>>
          %dma_wait3A_97 = tpu.memref_slice %arg2[%mul3A_74] : memref<131072xi32, #tpu.memory_space<hbm>> -> memref<128xi32, #tpu.memory_space<hbm>>
          %dma_wait3A_98 = arith.constant 0 : i32
          %dma_wait3A_99 = tpu.memref_slice %arg5[%sub3A_69, %dma_wait3A_98] : memref<2x128xi32, #tpu.memory_space<vmem>> -> memref<1x128xi32, #tpu.memory_space<vmem>>
          %dma_wait3A_100 = tpu.memref_squeeze %dma_wait3A_99 : memref<1x128xi32, #tpu.memory_space<vmem>> -> memref<128xi32, #tpu.memory_space<vmem>>
          %dma_wait3A_101 = tpu.memref_slice %arg2[%mul3A_74] : memref<131072xi32, #tpu.memory_space<hbm>> -> memref<128xi32, #tpu.memory_space<hbm>>
          tpu.wait_dma2 semaphore(%run_scoped3A_85 : memref<!tpu.dma_semaphore, #tpu.memory_space<semaphore_mem>>) src(%dma_wait3A_101 : memref<128xi32, #tpu.memory_space<hbm>>) dst(%dma_wait3A_100 : memref<128xi32, #tpu.memory_space<vmem>>)
          tpu.yield
        }) : () -> ()
        %dma_start3A_75 = arith.constant 0 : i32
        %dma_start3A_76 = arith.constant 0 : i32
        %dma_start3A_77 = tpu.memref_slice %arg6[%sub3A_69, %dma_start3A_75, %dma_start3A_76] : memref<2x128x128xf32, #tpu.memory_space<vmem>> -> memref<1x128x128xf32, #tpu.memory_space<vmem>>
        %dma_start3A_78 = tpu.memref_squeeze %dma_start3A_77 : memref<1x128x128xf32, #tpu.memory_space<vmem>> -> memref<128x128xf32, #tpu.memory_space<vmem>>
        %dma_start3A_79 = arith.constant 0 : i32
        %dma_start3A_80 = tpu.memref_slice %arg5[%sub3A_69, %dma_start3A_79] : memref<2x128xi32, #tpu.memory_space<vmem>> -> memref<1x128xi32, #tpu.memory_space<vmem>>
        %dma_start3A_81 = tpu.memref_squeeze %dma_start3A_80 : memref<1x128xi32, #tpu.memory_space<vmem>> -> memref<128xi32, #tpu.memory_space<vmem>>
        %dma_start3A_82 = arith.constant 0 : i32
        %dma_start3A_83 = arith.constant 0 : i32
        %dma_start3A_84 = tpu.memref_slice %arg3[%dma_start3A_82, %dma_start3A_83] : memref<8192x128xf32, #tpu.memory_space<hbm>> -> memref<8192x128xf32, #tpu.memory_space<hbm>>
        tpu.enqueue_indirect_dma source(%dma_start3A_84 : memref<8192x128xf32, #tpu.memory_space<hbm>>) target(%dma_start3A_78 : memref<128x128xf32, #tpu.memory_space<vmem>>) offsets(%dma_start3A_81 : memref<128xi32, #tpu.memory_space<vmem>>) semaphore(%arg7 : memref<!tpu.dma_semaphore, #tpu.memory_space<semaphore_mem>>)
      } else {
      }
      %dma_wait3A = arith.constant 0 : i32
      %dma_wait3A_32 = arith.constant 0 : i32
      %dma_wait3A_33 = tpu.memref_slice %arg6[%rem3A_24, %dma_wait3A, %dma_wait3A_32] : memref<2x128x128xf32, #tpu.memory_space<vmem>> -> memref<1x128x128xf32, #tpu.memory_space<vmem>>
      %dma_wait3A_34 = tpu.memref_squeeze %dma_wait3A_33 : memref<1x128x128xf32, #tpu.memory_space<vmem>> -> memref<128x128xf32, #tpu.memory_space<vmem>>
      %dma_wait3A_35 = arith.constant 0 : i32
      %dma_wait3A_36 = tpu.memref_slice %arg5[%rem3A_24, %dma_wait3A_35] : memref<2x128xi32, #tpu.memory_space<vmem>> -> memref<1x128xi32, #tpu.memory_space<vmem>>
      %dma_wait3A_37 = tpu.memref_squeeze %dma_wait3A_36 : memref<1x128xi32, #tpu.memory_space<vmem>> -> memref<128xi32, #tpu.memory_space<vmem>>
      %dma_wait3A_38 = arith.constant 0 : i32
      %dma_wait3A_39 = arith.constant 0 : i32
      %dma_wait3A_40 = tpu.memref_slice %arg3[%dma_wait3A_38, %dma_wait3A_39] : memref<8192x128xf32, #tpu.memory_space<hbm>> -> memref<8192x128xf32, #tpu.memory_space<hbm>>
      tpu.wait_indirect_dma semaphore(%arg7 : memref<!tpu.dma_semaphore, #tpu.memory_space<semaphore_mem>>) src(%dma_wait3A_40 : memref<8192x128xf32, #tpu.memory_space<hbm>>) dst(%dma_wait3A_34 : memref<128x128xf32, #tpu.memory_space<vmem>>)
      %mul3A_41 = arith.constant 16 : i32
      %mul3A_42 = arith.muli %add3A_27, %mul3A_41 : i32
      %dma_start3A_43 = arith.constant 0 : i32
      %dma_start3A_44 = arith.constant 0 : i32
      %dma_start3A_45 = tpu.memref_slice %arg6[%rem3A_24, %dma_start3A_43, %dma_start3A_44] : memref<2x128x128xf32, #tpu.memory_space<vmem>> -> memref<1x128x128xf32, #tpu.memory_space<vmem>>
      %dma_start3A_46 = tpu.memref_squeeze %dma_start3A_45 : memref<1x128x128xf32, #tpu.memory_space<vmem>> -> memref<128x128xf32, #tpu.memory_space<vmem>>
      %dma_start3A_47 = arith.constant 0 : i32
      %dma_start3A_48 = tpu.memref_slice %arg4[%mul3A_42, %dma_start3A_47] : memref<131072x128xf32, #tpu.memory_space<hbm>> -> memref<128x128xf32, #tpu.memory_space<hbm>>
      %dma_start3A_49 = arith.constant 0 : i32
      %dma_start3A_50 = tpu.memref_slice %arg4[%mul3A_42, %dma_start3A_49] : memref<131072x128xf32, #tpu.memory_space<hbm>> -> memref<128x128xf32, #tpu.memory_space<hbm>>
      %dma_start3A_51 = arith.constant 0 : i32
      %dma_start3A_52 = arith.constant 0 : i32
      %dma_start3A_53 = tpu.memref_slice %arg6[%rem3A_24, %dma_start3A_51, %dma_start3A_52] : memref<2x128x128xf32, #tpu.memory_space<vmem>> -> memref<1x128x128xf32, #tpu.memory_space<vmem>>
      %dma_start3A_54 = tpu.memref_squeeze %dma_start3A_53 : memref<1x128x128xf32, #tpu.memory_space<vmem>> -> memref<128x128xf32, #tpu.memory_space<vmem>>
      tpu.enqueue_dma source(%dma_start3A_54 : memref<128x128xf32, #tpu.memory_space<vmem>>) target(%dma_start3A_50 : memref<128x128xf32, #tpu.memory_space<hbm>>) target_semaphore(%arg8 : memref<!tpu.dma_semaphore, #tpu.memory_space<semaphore_mem>>)
      %dma_wait3A_55 = arith.constant 0 : i32
      %dma_wait3A_56 = arith.constant 0 : i32
      %dma_wait3A_57 = tpu.memref_slice %arg6[%rem3A_24, %dma_wait3A_55, %dma_wait3A_56] : memref<2x128x128xf32, #tpu.memory_space<vmem>> -> memref<1x128x128xf32, #tpu.memory_space<vmem>>
      %dma_wait3A_58 = tpu.memref_squeeze %dma_wait3A_57 : memref<1x128x128xf32, #tpu.memory_space<vmem>> -> memref<128x128xf32, #tpu.memory_space<vmem>>
      %dma_wait3A_59 = arith.constant 0 : i32
      %dma_wait3A_60 = tpu.memref_slice %arg4[%mul3A_42, %dma_wait3A_59] : memref<131072x128xf32, #tpu.memory_space<hbm>> -> memref<128x128xf32, #tpu.memory_space<hbm>>
      %dma_wait3A_61 = arith.constant 0 : i32
      %dma_wait3A_62 = tpu.memref_slice %arg4[%mul3A_42, %dma_wait3A_61] : memref<131072x128xf32, #tpu.memory_space<hbm>> -> memref<128x128xf32, #tpu.memory_space<hbm>>
      %dma_wait3A_63 = arith.constant 0 : i32
      %dma_wait3A_64 = arith.constant 0 : i32
      %dma_wait3A_65 = tpu.memref_slice %arg6[%rem3A_24, %dma_wait3A_63, %dma_wait3A_64] : memref<2x128x128xf32, #tpu.memory_space<vmem>> -> memref<1x128x128xf32, #tpu.memory_space<vmem>>
      %dma_wait3A_66 = tpu.memref_squeeze %dma_wait3A_65 : memref<1x128x128xf32, #tpu.memory_space<vmem>> -> memref<128x128xf32, #tpu.memory_space<vmem>>
      tpu.wait_dma2 semaphore(%arg8 : memref<!tpu.dma_semaphore, #tpu.memory_space<semaphore_mem>>) src(%dma_wait3A_66 : memref<128x128xf32, #tpu.memory_space<vmem>>) dst(%dma_wait3A_62 : memref<128x128xf32, #tpu.memory_space<hbm>>)
    }
    %scan3A_22 = arith.constant 32 : i32
    return
  }
}

#map = affine_map<(d0, d1) -> (0)>
#map1 = affine_map<(d0, d1) -> (0, 0)>
module attributes {stable_mosaic.version = 14 : i64} {
  func.func @k(%arg0: i32, %arg1: i32, %arg2: memref<131072xi32, #tpu.memory_space<hbm>>, %arg3: memref<8192x256xf32, #tpu.memory_space<hbm>>, %arg4: memref<131072x256xf32, #tpu.memory_space<hbm>>, %arg5: memref<2x128xi32, #tpu.memory_space<vmem>>, %arg6: memref<2x128x256xf32, #tpu.memory_space<vmem>>, %arg7: memref<!tpu.dma_semaphore, #tpu.memory_space<semaphore_mem>>, %arg8: memref<!tpu.dma_semaphore, #tpu.memory_space<semaphore_mem>>) attributes {dimension_semantics = [#tpu.dimension_semantics<core_parallel>, #tpu.dimension_semantics<subcore_parallel>], iteration_bounds = array<i64: 2, 16>, scalar_prefetch = 0 : i64, scratch_operands = 4 : i64, tpu.core_type = #tpu.core_type<sc_vector_subcore>, window_params = [{transform_indices = #map}, {transform_indices = #map1}, {transform_indices = #map1}]} {
    %mul3A = arith.constant 2 : i32
    %mul3A_0 = arith.muli %arg1, %mul3A : i32
    %add3A = arith.addi %mul3A_0, %arg0 : i32
    %mul3A_1 = arith.constant 256 : i32
    %mul3A_2 = arith.muli %add3A, %mul3A_1 : i32
    %add3A_3 = arith.constant 0 : i32
    %add3A_4 = arith.addi %mul3A_2, %add3A_3 : i32
    %mul3A_5 = arith.constant 16 : i32
    %mul3A_6 = arith.muli %add3A_4, %mul3A_5 : i32
    %run_scoped3A = arith.constant 0 : i32
    "tpu.region"() ({
      %run_scoped3A_23 = tpu.sem_alloc : memref<!tpu.dma_semaphore, #tpu.memory_space<semaphore_mem>>
      %dma_start3A_24 = arith.constant 0 : i32
      %dma_start3A_25 = tpu.memref_slice %arg5[%run_scoped3A, %dma_start3A_24] : memref<2x128xi32, #tpu.memory_space<vmem>> -> memref<1x128xi32, #tpu.memory_space<vmem>>
      %dma_start3A_26 = tpu.memref_squeeze %dma_start3A_25 : memref<1x128xi32, #tpu.memory_space<vmem>> -> memref<128xi32, #tpu.memory_space<vmem>>
      %dma_start3A_27 = tpu.memref_slice %arg2[%mul3A_6] : memref<131072xi32, #tpu.memory_space<hbm>> -> memref<128xi32, #tpu.memory_space<hbm>>
      %dma_start3A_28 = arith.constant 0 : i32
      %dma_start3A_29 = tpu.memref_slice %arg5[%run_scoped3A, %dma_start3A_28] : memref<2x128xi32, #tpu.memory_space<vmem>> -> memref<1x128xi32, #tpu.memory_space<vmem>>
      %dma_start3A_30 = tpu.memref_squeeze %dma_start3A_29 : memref<1x128xi32, #tpu.memory_space<vmem>> -> memref<128xi32, #tpu.memory_space<vmem>>
      %dma_start3A_31 = tpu.memref_slice %arg2[%mul3A_6] : memref<131072xi32, #tpu.memory_space<hbm>> -> memref<128xi32, #tpu.memory_space<hbm>>
      tpu.enqueue_dma source(%dma_start3A_31 : memref<128xi32, #tpu.memory_space<hbm>>) target(%dma_start3A_30 : memref<128xi32, #tpu.memory_space<vmem>>) target_semaphore(%run_scoped3A_23 : memref<!tpu.dma_semaphore, #tpu.memory_space<semaphore_mem>>)
      %dma_wait3A = arith.constant 0 : i32
      %dma_wait3A_32 = tpu.memref_slice %arg5[%run_scoped3A, %dma_wait3A] : memref<2x128xi32, #tpu.memory_space<vmem>> -> memref<1x128xi32, #tpu.memory_space<vmem>>
      %dma_wait3A_33 = tpu.memref_squeeze %dma_wait3A_32 : memref<1x128xi32, #tpu.memory_space<vmem>> -> memref<128xi32, #tpu.memory_space<vmem>>
      %dma_wait3A_34 = tpu.memref_slice %arg2[%mul3A_6] : memref<131072xi32, #tpu.memory_space<hbm>> -> memref<128xi32, #tpu.memory_space<hbm>>
      %dma_wait3A_35 = arith.constant 0 : i32
      %dma_wait3A_36 = tpu.memref_slice %arg5[%run_scoped3A, %dma_wait3A_35] : memref<2x128xi32, #tpu.memory_space<vmem>> -> memref<1x128xi32, #tpu.memory_space<vmem>>
      %dma_wait3A_37 = tpu.memref_squeeze %dma_wait3A_36 : memref<1x128xi32, #tpu.memory_space<vmem>> -> memref<128xi32, #tpu.memory_space<vmem>>
      %dma_wait3A_38 = tpu.memref_slice %arg2[%mul3A_6] : memref<131072xi32, #tpu.memory_space<hbm>> -> memref<128xi32, #tpu.memory_space<hbm>>
      tpu.wait_dma2 semaphore(%run_scoped3A_23 : memref<!tpu.dma_semaphore, #tpu.memory_space<semaphore_mem>>) src(%dma_wait3A_38 : memref<128xi32, #tpu.memory_space<hbm>>) dst(%dma_wait3A_37 : memref<128xi32, #tpu.memory_space<vmem>>)
      tpu.yield
    }) : () -> ()
    %dma_start3A = arith.constant 0 : i32
    %dma_start3A_7 = arith.constant 0 : i32
    %dma_start3A_8 = arith.constant 0 : i32
    %dma_start3A_9 = arith.constant 0 : i32
    %dma_start3A_10 = tpu.memref_slice %arg6[%dma_start3A_7, %dma_start3A_8, %dma_start3A_9] : memref<2x128x256xf32, #tpu.memory_space<vmem>> -> memref<1x128x256xf32, #tpu.memory_space<vmem>>
    %dma_start3A_11 = tpu.memref_squeeze %dma_start3A_10 : memref<1x128x256xf32, #tpu.memory_space<vmem>> -> memref<128x256xf32, #tpu.memory_space<vmem>>
    %dma_start3A_12 = arith.constant 0 : i32
    %dma_start3A_13 = tpu.memref_slice %arg5[%dma_start3A, %dma_start3A_12] : memref<2x128xi32, #tpu.memory_space<vmem>> -> memref<1x128xi32, #tpu.memory_space<vmem>>
    %dma_start3A_14 = tpu.memref_squeeze %dma_start3A_13 : memref<1x128xi32, #tpu.memory_space<vmem>> -> memref<128xi32, #tpu.memory_space<vmem>>
    %dma_start3A_15 = arith.constant 0 : i32
    %dma_start3A_16 = arith.constant 0 : i32
    %dma_start3A_17 = tpu.memref_slice %arg3[%dma_start3A_15, %dma_start3A_16] : memref<8192x256xf32, #tpu.memory_space<hbm>> -> memref<8192x256xf32, #tpu.memory_space<hbm>>
    tpu.enqueue_indirect_dma source(%dma_start3A_17 : memref<8192x256xf32, #tpu.memory_space<hbm>>) target(%dma_start3A_11 : memref<128x256xf32, #tpu.memory_space<vmem>>) offsets(%dma_start3A_14 : memref<128xi32, #tpu.memory_space<vmem>>) semaphore(%arg7 : memref<!tpu.dma_semaphore, #tpu.memory_space<semaphore_mem>>)
    %scan3A = arith.constant 0 : i32
    %scan3A_18 = arith.constant 0 : i32
    %scan3A_19 = arith.constant 32 : i32
    %scan3A_20 = arith.addi %scan3A_18, %scan3A_19 : i32
    %scan3A_21 = arith.constant 1 : i32
    scf.for %scan3A_23 = %scan3A_18 to %scan3A_20 step %scan3A_21  : i32 {
      %rem3A = arith.constant 2 : i32
      %rem3A_24 = arith.remsi %scan3A_23, %rem3A : i32
      %mul3A_25 = arith.constant 8 : i32
      %mul3A_26 = arith.muli %scan3A_23, %mul3A_25 : i32
      %add3A_27 = arith.addi %mul3A_2, %mul3A_26 : i32
      %add3A_28 = arith.constant 1 : i32
      %add3A_29 = arith.addi %scan3A_23, %add3A_28 : i32
      %lt3A = arith.constant 32 : i32
      %lt3A_30 = arith.cmpi slt, %add3A_29, %lt3A : i32
      %convert_element_type3A = arith.extui %lt3A_30 : i1 to i32
      %cond3A = arith.constant 0 : i32
      %cond3A_31 = arith.cmpi ne, %convert_element_type3A, %cond3A : i32
      scf.if %cond3A_31 {
        %add3A_67 = arith.constant 1 : i32
        %add3A_68 = arith.addi %scan3A_23, %add3A_67 : i32
        %sub3A = arith.constant 1 : i32
        %sub3A_69 = arith.subi %sub3A, %rem3A_24 : i32
        %mul3A_70 = arith.constant 8 : i32
        %mul3A_71 = arith.muli %add3A_68, %mul3A_70 : i32
        %add3A_72 = arith.addi %mul3A_2, %mul3A_71 : i32
        %mul3A_73 = arith.constant 16 : i32
        %mul3A_74 = arith.muli %add3A_72, %mul3A_73 : i32
        "tpu.region"() ({
          %run_scoped3A_85 = tpu.sem_alloc : memref<!tpu.dma_semaphore, #tpu.memory_space<semaphore_mem>>
          %dma_start3A_86 = arith.constant 0 : i32
          %dma_start3A_87 = tpu.memref_slice %arg5[%sub3A_69, %dma_start3A_86] : memref<2x128xi32, #tpu.memory_space<vmem>> -> memref<1x128xi32, #tpu.memory_space<vmem>>
          %dma_start3A_88 = tpu.memref_squeeze %dma_start3A_87 : memref<1x128xi32, #tpu.memory_space<vmem>> -> memref<128xi32, #tpu.memory_space<vmem>>
          %dma_start3A_89 = tpu.memref_slice %arg2[%mul3A_74] : memref<131072xi32, #tpu.memory_space<hbm>> -> memref<128xi32, #tpu.memory_space<hbm>>
          %dma_start3A_90 = arith.constant 0 : i32
          %dma_start3A_91 = tpu.memref_slice %arg5[%sub3A_69, %dma_start3A_90] : memref<2x128xi32, #tpu.memory_space<vmem>> -> memref<1x128xi32, #tpu.memory_space<vmem>>
          %dma_start3A_92 = tpu.memref_squeeze %dma_start3A_91 : memref<1x128xi32, #tpu.memory_space<vmem>> -> memref<128xi32, #tpu.memory_space<vmem>>
          %dma_start3A_93 = tpu.memref_slice %arg2[%mul3A_74] : memref<131072xi32, #tpu.memory_space<hbm>> -> memref<128xi32, #tpu.memory_space<hbm>>
          tpu.enqueue_dma source(%dma_start3A_93 : memref<128xi32, #tpu.memory_space<hbm>>) target(%dma_start3A_92 : memref<128xi32, #tpu.memory_space<vmem>>) target_semaphore(%run_scoped3A_85 : memref<!tpu.dma_semaphore, #tpu.memory_space<semaphore_mem>>)
          %dma_wait3A_94 = arith.constant 0 : i32
          %dma_wait3A_95 = tpu.memref_slice %arg5[%sub3A_69, %dma_wait3A_94] : memref<2x128xi32, #tpu.memory_space<vmem>> -> memref<1x128xi32, #tpu.memory_space<vmem>>
          %dma_wait3A_96 = tpu.memref_squeeze %dma_wait3A_95 : memref<1x128xi32, #tpu.memory_space<vmem>> -> memref<128xi32, #tpu.memory_space<vmem>>
          %dma_wait3A_97 = tpu.memref_slice %arg2[%mul3A_74] : memref<131072xi32, #tpu.memory_space<hbm>> -> memref<128xi32, #tpu.memory_space<hbm>>
          %dma_wait3A_98 = arith.constant 0 : i32
          %dma_wait3A_99 = tpu.memref_slice %arg5[%sub3A_69, %dma_wait3A_98] : memref<2x128xi32, #tpu.memory_space<vmem>> -> memref<1x128xi32, #tpu.memory_space<vmem>>
          %dma_wait3A_100 = tpu.memref_squeeze %dma_wait3A_99 : memref<1x128xi32, #tpu.memory_space<vmem>> -> memref<128xi32, #tpu.memory_space<vmem>>
          %dma_wait3A_101 = tpu.memref_slice %arg2[%mul3A_74] : memref<131072xi32, #tpu.memory_space<hbm>> -> memref<128xi32, #tpu.memory_space<hbm>>
          tpu.wait_dma2 semaphore(%run_scoped3A_85 : memref<!tpu.dma_semaphore, #tpu.memory_space<semaphore_mem>>) src(%dma_wait3A_101 : memref<128xi32, #tpu.memory_space<hbm>>) dst(%dma_wait3A_100 : memref<128xi32, #tpu.memory_space<vmem>>)
          tpu.yield
        }) : () -> ()
        %dma_start3A_75 = arith.constant 0 : i32
        %dma_start3A_76 = arith.constant 0 : i32
        %dma_start3A_77 = tpu.memref_slice %arg6[%sub3A_69, %dma_start3A_75, %dma_start3A_76] : memref<2x128x256xf32, #tpu.memory_space<vmem>> -> memref<1x128x256xf32, #tpu.memory_space<vmem>>
        %dma_start3A_78 = tpu.memref_squeeze %dma_start3A_77 : memref<1x128x256xf32, #tpu.memory_space<vmem>> -> memref<128x256xf32, #tpu.memory_space<vmem>>
        %dma_start3A_79 = arith.constant 0 : i32
        %dma_start3A_80 = tpu.memref_slice %arg5[%sub3A_69, %dma_start3A_79] : memref<2x128xi32, #tpu.memory_space<vmem>> -> memref<1x128xi32, #tpu.memory_space<vmem>>
        %dma_start3A_81 = tpu.memref_squeeze %dma_start3A_80 : memref<1x128xi32, #tpu.memory_space<vmem>> -> memref<128xi32, #tpu.memory_space<vmem>>
        %dma_start3A_82 = arith.constant 0 : i32
        %dma_start3A_83 = arith.constant 0 : i32
        %dma_start3A_84 = tpu.memref_slice %arg3[%dma_start3A_82, %dma_start3A_83] : memref<8192x256xf32, #tpu.memory_space<hbm>> -> memref<8192x256xf32, #tpu.memory_space<hbm>>
        tpu.enqueue_indirect_dma source(%dma_start3A_84 : memref<8192x256xf32, #tpu.memory_space<hbm>>) target(%dma_start3A_78 : memref<128x256xf32, #tpu.memory_space<vmem>>) offsets(%dma_start3A_81 : memref<128xi32, #tpu.memory_space<vmem>>) semaphore(%arg7 : memref<!tpu.dma_semaphore, #tpu.memory_space<semaphore_mem>>)
      } else {
      }
      %dma_wait3A = arith.constant 0 : i32
      %dma_wait3A_32 = arith.constant 0 : i32
      %dma_wait3A_33 = tpu.memref_slice %arg6[%rem3A_24, %dma_wait3A, %dma_wait3A_32] : memref<2x128x256xf32, #tpu.memory_space<vmem>> -> memref<1x128x256xf32, #tpu.memory_space<vmem>>
      %dma_wait3A_34 = tpu.memref_squeeze %dma_wait3A_33 : memref<1x128x256xf32, #tpu.memory_space<vmem>> -> memref<128x256xf32, #tpu.memory_space<vmem>>
      %dma_wait3A_35 = arith.constant 0 : i32
      %dma_wait3A_36 = tpu.memref_slice %arg5[%rem3A_24, %dma_wait3A_35] : memref<2x128xi32, #tpu.memory_space<vmem>> -> memref<1x128xi32, #tpu.memory_space<vmem>>
      %dma_wait3A_37 = tpu.memref_squeeze %dma_wait3A_36 : memref<1x128xi32, #tpu.memory_space<vmem>> -> memref<128xi32, #tpu.memory_space<vmem>>
      %dma_wait3A_38 = arith.constant 0 : i32
      %dma_wait3A_39 = arith.constant 0 : i32
      %dma_wait3A_40 = tpu.memref_slice %arg3[%dma_wait3A_38, %dma_wait3A_39] : memref<8192x256xf32, #tpu.memory_space<hbm>> -> memref<8192x256xf32, #tpu.memory_space<hbm>>
      tpu.wait_indirect_dma semaphore(%arg7 : memref<!tpu.dma_semaphore, #tpu.memory_space<semaphore_mem>>) src(%dma_wait3A_40 : memref<8192x256xf32, #tpu.memory_space<hbm>>) dst(%dma_wait3A_34 : memref<128x256xf32, #tpu.memory_space<vmem>>)
      %mul3A_41 = arith.constant 16 : i32
      %mul3A_42 = arith.muli %add3A_27, %mul3A_41 : i32
      %dma_start3A_43 = arith.constant 0 : i32
      %dma_start3A_44 = arith.constant 0 : i32
      %dma_start3A_45 = tpu.memref_slice %arg6[%rem3A_24, %dma_start3A_43, %dma_start3A_44] : memref<2x128x256xf32, #tpu.memory_space<vmem>> -> memref<1x128x256xf32, #tpu.memory_space<vmem>>
      %dma_start3A_46 = tpu.memref_squeeze %dma_start3A_45 : memref<1x128x256xf32, #tpu.memory_space<vmem>> -> memref<128x256xf32, #tpu.memory_space<vmem>>
      %dma_start3A_47 = arith.constant 0 : i32
      %dma_start3A_48 = tpu.memref_slice %arg4[%mul3A_42, %dma_start3A_47] : memref<131072x256xf32, #tpu.memory_space<hbm>> -> memref<128x256xf32, #tpu.memory_space<hbm>>
      %dma_start3A_49 = arith.constant 0 : i32
      %dma_start3A_50 = tpu.memref_slice %arg4[%mul3A_42, %dma_start3A_49] : memref<131072x256xf32, #tpu.memory_space<hbm>> -> memref<128x256xf32, #tpu.memory_space<hbm>>
      %dma_start3A_51 = arith.constant 0 : i32
      %dma_start3A_52 = arith.constant 0 : i32
      %dma_start3A_53 = tpu.memref_slice %arg6[%rem3A_24, %dma_start3A_51, %dma_start3A_52] : memref<2x128x256xf32, #tpu.memory_space<vmem>> -> memref<1x128x256xf32, #tpu.memory_space<vmem>>
      %dma_start3A_54 = tpu.memref_squeeze %dma_start3A_53 : memref<1x128x256xf32, #tpu.memory_space<vmem>> -> memref<128x256xf32, #tpu.memory_space<vmem>>
      tpu.enqueue_dma source(%dma_start3A_54 : memref<128x256xf32, #tpu.memory_space<vmem>>) target(%dma_start3A_50 : memref<128x256xf32, #tpu.memory_space<hbm>>) target_semaphore(%arg8 : memref<!tpu.dma_semaphore, #tpu.memory_space<semaphore_mem>>)
      %dma_wait3A_55 = arith.constant 0 : i32
      %dma_wait3A_56 = arith.constant 0 : i32
      %dma_wait3A_57 = tpu.memref_slice %arg6[%rem3A_24, %dma_wait3A_55, %dma_wait3A_56] : memref<2x128x256xf32, #tpu.memory_space<vmem>> -> memref<1x128x256xf32, #tpu.memory_space<vmem>>
      %dma_wait3A_58 = tpu.memref_squeeze %dma_wait3A_57 : memref<1x128x256xf32, #tpu.memory_space<vmem>> -> memref<128x256xf32, #tpu.memory_space<vmem>>
      %dma_wait3A_59 = arith.constant 0 : i32
      %dma_wait3A_60 = tpu.memref_slice %arg4[%mul3A_42, %dma_wait3A_59] : memref<131072x256xf32, #tpu.memory_space<hbm>> -> memref<128x256xf32, #tpu.memory_space<hbm>>
      %dma_wait3A_61 = arith.constant 0 : i32
      %dma_wait3A_62 = tpu.memref_slice %arg4[%mul3A_42, %dma_wait3A_61] : memref<131072x256xf32, #tpu.memory_space<hbm>> -> memref<128x256xf32, #tpu.memory_space<hbm>>
      %dma_wait3A_63 = arith.constant 0 : i32
      %dma_wait3A_64 = arith.constant 0 : i32
      %dma_wait3A_65 = tpu.memref_slice %arg6[%rem3A_24, %dma_wait3A_63, %dma_wait3A_64] : memref<2x128x256xf32, #tpu.memory_space<vmem>> -> memref<1x128x256xf32, #tpu.memory_space<vmem>>
      %dma_wait3A_66 = tpu.memref_squeeze %dma_wait3A_65 : memref<1x128x256xf32, #tpu.memory_space<vmem>> -> memref<128x256xf32, #tpu.memory_space<vmem>>
      tpu.wait_dma2 semaphore(%arg8 : memref<!tpu.dma_semaphore, #tpu.memory_space<semaphore_mem>>) src(%dma_wait3A_66 : memref<128x256xf32, #tpu.memory_space<vmem>>) dst(%dma_wait3A_62 : memref<128x256xf32, #tpu.memory_space<hbm>>)
    }
    %scan3A_22 = arith.constant 32 : i32
    return
  }
}

#map = affine_map<(d0, d1) -> (0)>
#map1 = affine_map<(d0, d1) -> (0, 0)>
module attributes {stable_mosaic.version = 14 : i64} {
  func.func @k(%arg0: i32, %arg1: i32, %arg2: memref<131072xi32, #tpu.memory_space<hbm>>, %arg3: memref<8192x128xf32, #tpu.memory_space<hbm>>, %arg4: memref<131072x128xf32, #tpu.memory_space<hbm>>, %arg5: memref<2x128xi32, #tpu.memory_space<vmem>>, %arg6: memref<2x128x128xf32, #tpu.memory_space<vmem>>, %arg7: memref<!tpu.dma_semaphore, #tpu.memory_space<semaphore_mem>>, %arg8: memref<!tpu.dma_semaphore, #tpu.memory_space<semaphore_mem>>) attributes {dimension_semantics = [#tpu.dimension_semantics<core_parallel>, #tpu.dimension_semantics<subcore_parallel>], iteration_bounds = array<i64: 2, 16>, scalar_prefetch = 0 : i64, scratch_operands = 4 : i64, tpu.core_type = #tpu.core_type<sc_vector_subcore>, window_params = [{transform_indices = #map}, {transform_indices = #map1}, {transform_indices = #map1}]} {
    %mul3A = arith.constant 2 : i32
    %mul3A_0 = arith.muli %arg1, %mul3A : i32
    %add3A = arith.addi %mul3A_0, %arg0 : i32
    %mul3A_1 = arith.constant 256 : i32
    %mul3A_2 = arith.muli %add3A, %mul3A_1 : i32
    %add3A_3 = arith.constant 0 : i32
    %add3A_4 = arith.addi %mul3A_2, %add3A_3 : i32
    %mul3A_5 = arith.constant 16 : i32
    %mul3A_6 = arith.muli %add3A_4, %mul3A_5 : i32
    %run_scoped3A = arith.constant 0 : i32
    "tpu.region"() ({
      %run_scoped3A_23 = tpu.sem_alloc : memref<!tpu.dma_semaphore, #tpu.memory_space<semaphore_mem>>
      %dma_start3A_24 = arith.constant 0 : i32
      %dma_start3A_25 = tpu.memref_slice %arg5[%run_scoped3A, %dma_start3A_24] : memref<2x128xi32, #tpu.memory_space<vmem>> -> memref<1x128xi32, #tpu.memory_space<vmem>>
      %dma_start3A_26 = tpu.memref_squeeze %dma_start3A_25 : memref<1x128xi32, #tpu.memory_space<vmem>> -> memref<128xi32, #tpu.memory_space<vmem>>
      %dma_start3A_27 = tpu.memref_slice %arg2[%mul3A_6] : memref<131072xi32, #tpu.memory_space<hbm>> -> memref<128xi32, #tpu.memory_space<hbm>>
      %dma_start3A_28 = arith.constant 0 : i32
      %dma_start3A_29 = tpu.memref_slice %arg5[%run_scoped3A, %dma_start3A_28] : memref<2x128xi32, #tpu.memory_space<vmem>> -> memref<1x128xi32, #tpu.memory_space<vmem>>
      %dma_start3A_30 = tpu.memref_squeeze %dma_start3A_29 : memref<1x128xi32, #tpu.memory_space<vmem>> -> memref<128xi32, #tpu.memory_space<vmem>>
      %dma_start3A_31 = tpu.memref_slice %arg2[%mul3A_6] : memref<131072xi32, #tpu.memory_space<hbm>> -> memref<128xi32, #tpu.memory_space<hbm>>
      tpu.enqueue_dma source(%dma_start3A_31 : memref<128xi32, #tpu.memory_space<hbm>>) target(%dma_start3A_30 : memref<128xi32, #tpu.memory_space<vmem>>) target_semaphore(%run_scoped3A_23 : memref<!tpu.dma_semaphore, #tpu.memory_space<semaphore_mem>>)
      %dma_wait3A = arith.constant 0 : i32
      %dma_wait3A_32 = tpu.memref_slice %arg5[%run_scoped3A, %dma_wait3A] : memref<2x128xi32, #tpu.memory_space<vmem>> -> memref<1x128xi32, #tpu.memory_space<vmem>>
      %dma_wait3A_33 = tpu.memref_squeeze %dma_wait3A_32 : memref<1x128xi32, #tpu.memory_space<vmem>> -> memref<128xi32, #tpu.memory_space<vmem>>
      %dma_wait3A_34 = tpu.memref_slice %arg2[%mul3A_6] : memref<131072xi32, #tpu.memory_space<hbm>> -> memref<128xi32, #tpu.memory_space<hbm>>
      %dma_wait3A_35 = arith.constant 0 : i32
      %dma_wait3A_36 = tpu.memref_slice %arg5[%run_scoped3A, %dma_wait3A_35] : memref<2x128xi32, #tpu.memory_space<vmem>> -> memref<1x128xi32, #tpu.memory_space<vmem>>
      %dma_wait3A_37 = tpu.memref_squeeze %dma_wait3A_36 : memref<1x128xi32, #tpu.memory_space<vmem>> -> memref<128xi32, #tpu.memory_space<vmem>>
      %dma_wait3A_38 = tpu.memref_slice %arg2[%mul3A_6] : memref<131072xi32, #tpu.memory_space<hbm>> -> memref<128xi32, #tpu.memory_space<hbm>>
      tpu.wait_dma2 semaphore(%run_scoped3A_23 : memref<!tpu.dma_semaphore, #tpu.memory_space<semaphore_mem>>) src(%dma_wait3A_38 : memref<128xi32, #tpu.memory_space<hbm>>) dst(%dma_wait3A_37 : memref<128xi32, #tpu.memory_space<vmem>>)
      tpu.yield
    }) : () -> ()
    %dma_start3A = arith.constant 0 : i32
    %dma_start3A_7 = arith.constant 0 : i32
    %dma_start3A_8 = arith.constant 0 : i32
    %dma_start3A_9 = arith.constant 0 : i32
    %dma_start3A_10 = tpu.memref_slice %arg6[%dma_start3A_7, %dma_start3A_8, %dma_start3A_9] : memref<2x128x128xf32, #tpu.memory_space<vmem>> -> memref<1x128x128xf32, #tpu.memory_space<vmem>>
    %dma_start3A_11 = tpu.memref_squeeze %dma_start3A_10 : memref<1x128x128xf32, #tpu.memory_space<vmem>> -> memref<128x128xf32, #tpu.memory_space<vmem>>
    %dma_start3A_12 = arith.constant 0 : i32
    %dma_start3A_13 = tpu.memref_slice %arg5[%dma_start3A, %dma_start3A_12] : memref<2x128xi32, #tpu.memory_space<vmem>> -> memref<1x128xi32, #tpu.memory_space<vmem>>
    %dma_start3A_14 = tpu.memref_squeeze %dma_start3A_13 : memref<1x128xi32, #tpu.memory_space<vmem>> -> memref<128xi32, #tpu.memory_space<vmem>>
    %dma_start3A_15 = arith.constant 0 : i32
    %dma_start3A_16 = arith.constant 0 : i32
    %dma_start3A_17 = tpu.memref_slice %arg3[%dma_start3A_15, %dma_start3A_16] : memref<8192x128xf32, #tpu.memory_space<hbm>> -> memref<8192x128xf32, #tpu.memory_space<hbm>>
    tpu.enqueue_indirect_dma source(%dma_start3A_17 : memref<8192x128xf32, #tpu.memory_space<hbm>>) target(%dma_start3A_11 : memref<128x128xf32, #tpu.memory_space<vmem>>) offsets(%dma_start3A_14 : memref<128xi32, #tpu.memory_space<vmem>>) semaphore(%arg7 : memref<!tpu.dma_semaphore, #tpu.memory_space<semaphore_mem>>)
    %scan3A = arith.constant 0 : i32
    %scan3A_18 = arith.constant 0 : i32
    %scan3A_19 = arith.constant 32 : i32
    %scan3A_20 = arith.addi %scan3A_18, %scan3A_19 : i32
    %scan3A_21 = arith.constant 1 : i32
    scf.for %scan3A_23 = %scan3A_18 to %scan3A_20 step %scan3A_21  : i32 {
      %rem3A = arith.constant 2 : i32
      %rem3A_24 = arith.remsi %scan3A_23, %rem3A : i32
      %mul3A_25 = arith.constant 8 : i32
      %mul3A_26 = arith.muli %scan3A_23, %mul3A_25 : i32
      %add3A_27 = arith.addi %mul3A_2, %mul3A_26 : i32
      %add3A_28 = arith.constant 1 : i32
      %add3A_29 = arith.addi %scan3A_23, %add3A_28 : i32
      %lt3A = arith.constant 32 : i32
      %lt3A_30 = arith.cmpi slt, %add3A_29, %lt3A : i32
      %convert_element_type3A = arith.extui %lt3A_30 : i1 to i32
      %cond3A = arith.constant 0 : i32
      %cond3A_31 = arith.cmpi ne, %convert_element_type3A, %cond3A : i32
      scf.if %cond3A_31 {
        %add3A_67 = arith.constant 1 : i32
        %add3A_68 = arith.addi %scan3A_23, %add3A_67 : i32
        %sub3A = arith.constant 1 : i32
        %sub3A_69 = arith.subi %sub3A, %rem3A_24 : i32
        %mul3A_70 = arith.constant 8 : i32
        %mul3A_71 = arith.muli %add3A_68, %mul3A_70 : i32
        %add3A_72 = arith.addi %mul3A_2, %mul3A_71 : i32
        %mul3A_73 = arith.constant 16 : i32
        %mul3A_74 = arith.muli %add3A_72, %mul3A_73 : i32
        "tpu.region"() ({
          %run_scoped3A_85 = tpu.sem_alloc : memref<!tpu.dma_semaphore, #tpu.memory_space<semaphore_mem>>
          %dma_start3A_86 = arith.constant 0 : i32
          %dma_start3A_87 = tpu.memref_slice %arg5[%sub3A_69, %dma_start3A_86] : memref<2x128xi32, #tpu.memory_space<vmem>> -> memref<1x128xi32, #tpu.memory_space<vmem>>
          %dma_start3A_88 = tpu.memref_squeeze %dma_start3A_87 : memref<1x128xi32, #tpu.memory_space<vmem>> -> memref<128xi32, #tpu.memory_space<vmem>>
          %dma_start3A_89 = tpu.memref_slice %arg2[%mul3A_74] : memref<131072xi32, #tpu.memory_space<hbm>> -> memref<128xi32, #tpu.memory_space<hbm>>
          %dma_start3A_90 = arith.constant 0 : i32
          %dma_start3A_91 = tpu.memref_slice %arg5[%sub3A_69, %dma_start3A_90] : memref<2x128xi32, #tpu.memory_space<vmem>> -> memref<1x128xi32, #tpu.memory_space<vmem>>
          %dma_start3A_92 = tpu.memref_squeeze %dma_start3A_91 : memref<1x128xi32, #tpu.memory_space<vmem>> -> memref<128xi32, #tpu.memory_space<vmem>>
          %dma_start3A_93 = tpu.memref_slice %arg2[%mul3A_74] : memref<131072xi32, #tpu.memory_space<hbm>> -> memref<128xi32, #tpu.memory_space<hbm>>
          tpu.enqueue_dma source(%dma_start3A_93 : memref<128xi32, #tpu.memory_space<hbm>>) target(%dma_start3A_92 : memref<128xi32, #tpu.memory_space<vmem>>) target_semaphore(%run_scoped3A_85 : memref<!tpu.dma_semaphore, #tpu.memory_space<semaphore_mem>>)
          %dma_wait3A_94 = arith.constant 0 : i32
          %dma_wait3A_95 = tpu.memref_slice %arg5[%sub3A_69, %dma_wait3A_94] : memref<2x128xi32, #tpu.memory_space<vmem>> -> memref<1x128xi32, #tpu.memory_space<vmem>>
          %dma_wait3A_96 = tpu.memref_squeeze %dma_wait3A_95 : memref<1x128xi32, #tpu.memory_space<vmem>> -> memref<128xi32, #tpu.memory_space<vmem>>
          %dma_wait3A_97 = tpu.memref_slice %arg2[%mul3A_74] : memref<131072xi32, #tpu.memory_space<hbm>> -> memref<128xi32, #tpu.memory_space<hbm>>
          %dma_wait3A_98 = arith.constant 0 : i32
          %dma_wait3A_99 = tpu.memref_slice %arg5[%sub3A_69, %dma_wait3A_98] : memref<2x128xi32, #tpu.memory_space<vmem>> -> memref<1x128xi32, #tpu.memory_space<vmem>>
          %dma_wait3A_100 = tpu.memref_squeeze %dma_wait3A_99 : memref<1x128xi32, #tpu.memory_space<vmem>> -> memref<128xi32, #tpu.memory_space<vmem>>
          %dma_wait3A_101 = tpu.memref_slice %arg2[%mul3A_74] : memref<131072xi32, #tpu.memory_space<hbm>> -> memref<128xi32, #tpu.memory_space<hbm>>
          tpu.wait_dma2 semaphore(%run_scoped3A_85 : memref<!tpu.dma_semaphore, #tpu.memory_space<semaphore_mem>>) src(%dma_wait3A_101 : memref<128xi32, #tpu.memory_space<hbm>>) dst(%dma_wait3A_100 : memref<128xi32, #tpu.memory_space<vmem>>)
          tpu.yield
        }) : () -> ()
        %dma_start3A_75 = arith.constant 0 : i32
        %dma_start3A_76 = arith.constant 0 : i32
        %dma_start3A_77 = tpu.memref_slice %arg6[%sub3A_69, %dma_start3A_75, %dma_start3A_76] : memref<2x128x128xf32, #tpu.memory_space<vmem>> -> memref<1x128x128xf32, #tpu.memory_space<vmem>>
        %dma_start3A_78 = tpu.memref_squeeze %dma_start3A_77 : memref<1x128x128xf32, #tpu.memory_space<vmem>> -> memref<128x128xf32, #tpu.memory_space<vmem>>
        %dma_start3A_79 = arith.constant 0 : i32
        %dma_start3A_80 = tpu.memref_slice %arg5[%sub3A_69, %dma_start3A_79] : memref<2x128xi32, #tpu.memory_space<vmem>> -> memref<1x128xi32, #tpu.memory_space<vmem>>
        %dma_start3A_81 = tpu.memref_squeeze %dma_start3A_80 : memref<1x128xi32, #tpu.memory_space<vmem>> -> memref<128xi32, #tpu.memory_space<vmem>>
        %dma_start3A_82 = arith.constant 0 : i32
        %dma_start3A_83 = arith.constant 0 : i32
        %dma_start3A_84 = tpu.memref_slice %arg3[%dma_start3A_82, %dma_start3A_83] : memref<8192x128xf32, #tpu.memory_space<hbm>> -> memref<8192x128xf32, #tpu.memory_space<hbm>>
        tpu.enqueue_indirect_dma source(%dma_start3A_84 : memref<8192x128xf32, #tpu.memory_space<hbm>>) target(%dma_start3A_78 : memref<128x128xf32, #tpu.memory_space<vmem>>) offsets(%dma_start3A_81 : memref<128xi32, #tpu.memory_space<vmem>>) semaphore(%arg7 : memref<!tpu.dma_semaphore, #tpu.memory_space<semaphore_mem>>)
      } else {
      }
      %dma_wait3A = arith.constant 0 : i32
      %dma_wait3A_32 = arith.constant 0 : i32
      %dma_wait3A_33 = tpu.memref_slice %arg6[%rem3A_24, %dma_wait3A, %dma_wait3A_32] : memref<2x128x128xf32, #tpu.memory_space<vmem>> -> memref<1x128x128xf32, #tpu.memory_space<vmem>>
      %dma_wait3A_34 = tpu.memref_squeeze %dma_wait3A_33 : memref<1x128x128xf32, #tpu.memory_space<vmem>> -> memref<128x128xf32, #tpu.memory_space<vmem>>
      %dma_wait3A_35 = arith.constant 0 : i32
      %dma_wait3A_36 = tpu.memref_slice %arg5[%rem3A_24, %dma_wait3A_35] : memref<2x128xi32, #tpu.memory_space<vmem>> -> memref<1x128xi32, #tpu.memory_space<vmem>>
      %dma_wait3A_37 = tpu.memref_squeeze %dma_wait3A_36 : memref<1x128xi32, #tpu.memory_space<vmem>> -> memref<128xi32, #tpu.memory_space<vmem>>
      %dma_wait3A_38 = arith.constant 0 : i32
      %dma_wait3A_39 = arith.constant 0 : i32
      %dma_wait3A_40 = tpu.memref_slice %arg3[%dma_wait3A_38, %dma_wait3A_39] : memref<8192x128xf32, #tpu.memory_space<hbm>> -> memref<8192x128xf32, #tpu.memory_space<hbm>>
      tpu.wait_indirect_dma semaphore(%arg7 : memref<!tpu.dma_semaphore, #tpu.memory_space<semaphore_mem>>) src(%dma_wait3A_40 : memref<8192x128xf32, #tpu.memory_space<hbm>>) dst(%dma_wait3A_34 : memref<128x128xf32, #tpu.memory_space<vmem>>)
      %mul3A_41 = arith.constant 16 : i32
      %mul3A_42 = arith.muli %add3A_27, %mul3A_41 : i32
      %dma_start3A_43 = arith.constant 0 : i32
      %dma_start3A_44 = arith.constant 0 : i32
      %dma_start3A_45 = tpu.memref_slice %arg6[%rem3A_24, %dma_start3A_43, %dma_start3A_44] : memref<2x128x128xf32, #tpu.memory_space<vmem>> -> memref<1x128x128xf32, #tpu.memory_space<vmem>>
      %dma_start3A_46 = tpu.memref_squeeze %dma_start3A_45 : memref<1x128x128xf32, #tpu.memory_space<vmem>> -> memref<128x128xf32, #tpu.memory_space<vmem>>
      %dma_start3A_47 = arith.constant 0 : i32
      %dma_start3A_48 = tpu.memref_slice %arg4[%mul3A_42, %dma_start3A_47] : memref<131072x128xf32, #tpu.memory_space<hbm>> -> memref<128x128xf32, #tpu.memory_space<hbm>>
      %dma_start3A_49 = arith.constant 0 : i32
      %dma_start3A_50 = tpu.memref_slice %arg4[%mul3A_42, %dma_start3A_49] : memref<131072x128xf32, #tpu.memory_space<hbm>> -> memref<128x128xf32, #tpu.memory_space<hbm>>
      %dma_start3A_51 = arith.constant 0 : i32
      %dma_start3A_52 = arith.constant 0 : i32
      %dma_start3A_53 = tpu.memref_slice %arg6[%rem3A_24, %dma_start3A_51, %dma_start3A_52] : memref<2x128x128xf32, #tpu.memory_space<vmem>> -> memref<1x128x128xf32, #tpu.memory_space<vmem>>
      %dma_start3A_54 = tpu.memref_squeeze %dma_start3A_53 : memref<1x128x128xf32, #tpu.memory_space<vmem>> -> memref<128x128xf32, #tpu.memory_space<vmem>>
      tpu.enqueue_dma source(%dma_start3A_54 : memref<128x128xf32, #tpu.memory_space<vmem>>) target(%dma_start3A_50 : memref<128x128xf32, #tpu.memory_space<hbm>>) target_semaphore(%arg8 : memref<!tpu.dma_semaphore, #tpu.memory_space<semaphore_mem>>)
      %dma_wait3A_55 = arith.constant 0 : i32
      %dma_wait3A_56 = arith.constant 0 : i32
      %dma_wait3A_57 = tpu.memref_slice %arg6[%rem3A_24, %dma_wait3A_55, %dma_wait3A_56] : memref<2x128x128xf32, #tpu.memory_space<vmem>> -> memref<1x128x128xf32, #tpu.memory_space<vmem>>
      %dma_wait3A_58 = tpu.memref_squeeze %dma_wait3A_57 : memref<1x128x128xf32, #tpu.memory_space<vmem>> -> memref<128x128xf32, #tpu.memory_space<vmem>>
      %dma_wait3A_59 = arith.constant 0 : i32
      %dma_wait3A_60 = tpu.memref_slice %arg4[%mul3A_42, %dma_wait3A_59] : memref<131072x128xf32, #tpu.memory_space<hbm>> -> memref<128x128xf32, #tpu.memory_space<hbm>>
      %dma_wait3A_61 = arith.constant 0 : i32
      %dma_wait3A_62 = tpu.memref_slice %arg4[%mul3A_42, %dma_wait3A_61] : memref<131072x128xf32, #tpu.memory_space<hbm>> -> memref<128x128xf32, #tpu.memory_space<hbm>>
      %dma_wait3A_63 = arith.constant 0 : i32
      %dma_wait3A_64 = arith.constant 0 : i32
      %dma_wait3A_65 = tpu.memref_slice %arg6[%rem3A_24, %dma_wait3A_63, %dma_wait3A_64] : memref<2x128x128xf32, #tpu.memory_space<vmem>> -> memref<1x128x128xf32, #tpu.memory_space<vmem>>
      %dma_wait3A_66 = tpu.memref_squeeze %dma_wait3A_65 : memref<1x128x128xf32, #tpu.memory_space<vmem>> -> memref<128x128xf32, #tpu.memory_space<vmem>>
      tpu.wait_dma2 semaphore(%arg8 : memref<!tpu.dma_semaphore, #tpu.memory_space<semaphore_mem>>) src(%dma_wait3A_66 : memref<128x128xf32, #tpu.memory_space<vmem>>) dst(%dma_wait3A_62 : memref<128x128xf32, #tpu.memory_space<hbm>>)
    }
    %scan3A_22 = arith.constant 32 : i32
    return
  }
}

#map = affine_map<(d0, d1) -> (0)>
#map1 = affine_map<(d0, d1) -> (0, 0)>
module attributes {stable_mosaic.version = 14 : i64} {
  func.func @k(%arg0: i32, %arg1: i32, %arg2: memref<131072xi32, #tpu.memory_space<hbm>>, %arg3: memref<8192x128xf32, #tpu.memory_space<hbm>>, %arg4: memref<131072x128xf32, #tpu.memory_space<hbm>>, %arg5: memref<2x128xi32, #tpu.memory_space<vmem>>, %arg6: memref<2x128x128xf32, #tpu.memory_space<vmem>>, %arg7: memref<!tpu.dma_semaphore, #tpu.memory_space<semaphore_mem>>, %arg8: memref<!tpu.dma_semaphore, #tpu.memory_space<semaphore_mem>>) attributes {dimension_semantics = [#tpu.dimension_semantics<core_parallel>, #tpu.dimension_semantics<subcore_parallel>], iteration_bounds = array<i64: 2, 16>, scalar_prefetch = 0 : i64, scratch_operands = 4 : i64, tpu.core_type = #tpu.core_type<sc_vector_subcore>, window_params = [{transform_indices = #map}, {transform_indices = #map1}, {transform_indices = #map1}]} {
    %mul3A = arith.constant 2 : i32
    %mul3A_0 = arith.muli %arg1, %mul3A : i32
    %add3A = arith.addi %mul3A_0, %arg0 : i32
    %mul3A_1 = arith.constant 256 : i32
    %mul3A_2 = arith.muli %add3A, %mul3A_1 : i32
    %add3A_3 = arith.constant 0 : i32
    %add3A_4 = arith.addi %mul3A_2, %add3A_3 : i32
    %mul3A_5 = arith.constant 16 : i32
    %mul3A_6 = arith.muli %add3A_4, %mul3A_5 : i32
    %run_scoped3A = arith.constant 0 : i32
    "tpu.region"() ({
      %run_scoped3A_23 = tpu.sem_alloc : memref<!tpu.dma_semaphore, #tpu.memory_space<semaphore_mem>>
      %dma_start3A_24 = arith.constant 0 : i32
      %dma_start3A_25 = tpu.memref_slice %arg5[%run_scoped3A, %dma_start3A_24] : memref<2x128xi32, #tpu.memory_space<vmem>> -> memref<1x128xi32, #tpu.memory_space<vmem>>
      %dma_start3A_26 = tpu.memref_squeeze %dma_start3A_25 : memref<1x128xi32, #tpu.memory_space<vmem>> -> memref<128xi32, #tpu.memory_space<vmem>>
      %dma_start3A_27 = tpu.memref_slice %arg2[%mul3A_6] : memref<131072xi32, #tpu.memory_space<hbm>> -> memref<128xi32, #tpu.memory_space<hbm>>
      %dma_start3A_28 = arith.constant 0 : i32
      %dma_start3A_29 = tpu.memref_slice %arg5[%run_scoped3A, %dma_start3A_28] : memref<2x128xi32, #tpu.memory_space<vmem>> -> memref<1x128xi32, #tpu.memory_space<vmem>>
      %dma_start3A_30 = tpu.memref_squeeze %dma_start3A_29 : memref<1x128xi32, #tpu.memory_space<vmem>> -> memref<128xi32, #tpu.memory_space<vmem>>
      %dma_start3A_31 = tpu.memref_slice %arg2[%mul3A_6] : memref<131072xi32, #tpu.memory_space<hbm>> -> memref<128xi32, #tpu.memory_space<hbm>>
      tpu.enqueue_dma source(%dma_start3A_31 : memref<128xi32, #tpu.memory_space<hbm>>) target(%dma_start3A_30 : memref<128xi32, #tpu.memory_space<vmem>>) target_semaphore(%run_scoped3A_23 : memref<!tpu.dma_semaphore, #tpu.memory_space<semaphore_mem>>)
      %dma_wait3A = arith.constant 0 : i32
      %dma_wait3A_32 = tpu.memref_slice %arg5[%run_scoped3A, %dma_wait3A] : memref<2x128xi32, #tpu.memory_space<vmem>> -> memref<1x128xi32, #tpu.memory_space<vmem>>
      %dma_wait3A_33 = tpu.memref_squeeze %dma_wait3A_32 : memref<1x128xi32, #tpu.memory_space<vmem>> -> memref<128xi32, #tpu.memory_space<vmem>>
      %dma_wait3A_34 = tpu.memref_slice %arg2[%mul3A_6] : memref<131072xi32, #tpu.memory_space<hbm>> -> memref<128xi32, #tpu.memory_space<hbm>>
      %dma_wait3A_35 = arith.constant 0 : i32
      %dma_wait3A_36 = tpu.memref_slice %arg5[%run_scoped3A, %dma_wait3A_35] : memref<2x128xi32, #tpu.memory_space<vmem>> -> memref<1x128xi32, #tpu.memory_space<vmem>>
      %dma_wait3A_37 = tpu.memref_squeeze %dma_wait3A_36 : memref<1x128xi32, #tpu.memory_space<vmem>> -> memref<128xi32, #tpu.memory_space<vmem>>
      %dma_wait3A_38 = tpu.memref_slice %arg2[%mul3A_6] : memref<131072xi32, #tpu.memory_space<hbm>> -> memref<128xi32, #tpu.memory_space<hbm>>
      tpu.wait_dma2 semaphore(%run_scoped3A_23 : memref<!tpu.dma_semaphore, #tpu.memory_space<semaphore_mem>>) src(%dma_wait3A_38 : memref<128xi32, #tpu.memory_space<hbm>>) dst(%dma_wait3A_37 : memref<128xi32, #tpu.memory_space<vmem>>)
      tpu.yield
    }) : () -> ()
    %dma_start3A = arith.constant 0 : i32
    %dma_start3A_7 = arith.constant 0 : i32
    %dma_start3A_8 = arith.constant 0 : i32
    %dma_start3A_9 = arith.constant 0 : i32
    %dma_start3A_10 = tpu.memref_slice %arg6[%dma_start3A_7, %dma_start3A_8, %dma_start3A_9] : memref<2x128x128xf32, #tpu.memory_space<vmem>> -> memref<1x128x128xf32, #tpu.memory_space<vmem>>
    %dma_start3A_11 = tpu.memref_squeeze %dma_start3A_10 : memref<1x128x128xf32, #tpu.memory_space<vmem>> -> memref<128x128xf32, #tpu.memory_space<vmem>>
    %dma_start3A_12 = arith.constant 0 : i32
    %dma_start3A_13 = tpu.memref_slice %arg5[%dma_start3A, %dma_start3A_12] : memref<2x128xi32, #tpu.memory_space<vmem>> -> memref<1x128xi32, #tpu.memory_space<vmem>>
    %dma_start3A_14 = tpu.memref_squeeze %dma_start3A_13 : memref<1x128xi32, #tpu.memory_space<vmem>> -> memref<128xi32, #tpu.memory_space<vmem>>
    %dma_start3A_15 = arith.constant 0 : i32
    %dma_start3A_16 = arith.constant 0 : i32
    %dma_start3A_17 = tpu.memref_slice %arg3[%dma_start3A_15, %dma_start3A_16] : memref<8192x128xf32, #tpu.memory_space<hbm>> -> memref<8192x128xf32, #tpu.memory_space<hbm>>
    tpu.enqueue_indirect_dma source(%dma_start3A_17 : memref<8192x128xf32, #tpu.memory_space<hbm>>) target(%dma_start3A_11 : memref<128x128xf32, #tpu.memory_space<vmem>>) offsets(%dma_start3A_14 : memref<128xi32, #tpu.memory_space<vmem>>) semaphore(%arg7 : memref<!tpu.dma_semaphore, #tpu.memory_space<semaphore_mem>>)
    %scan3A = arith.constant 0 : i32
    %scan3A_18 = arith.constant 0 : i32
    %scan3A_19 = arith.constant 32 : i32
    %scan3A_20 = arith.addi %scan3A_18, %scan3A_19 : i32
    %scan3A_21 = arith.constant 1 : i32
    scf.for %scan3A_23 = %scan3A_18 to %scan3A_20 step %scan3A_21  : i32 {
      %rem3A = arith.constant 2 : i32
      %rem3A_24 = arith.remsi %scan3A_23, %rem3A : i32
      %mul3A_25 = arith.constant 8 : i32
      %mul3A_26 = arith.muli %scan3A_23, %mul3A_25 : i32
      %add3A_27 = arith.addi %mul3A_2, %mul3A_26 : i32
      %add3A_28 = arith.constant 1 : i32
      %add3A_29 = arith.addi %scan3A_23, %add3A_28 : i32
      %lt3A = arith.constant 32 : i32
      %lt3A_30 = arith.cmpi slt, %add3A_29, %lt3A : i32
      %convert_element_type3A = arith.extui %lt3A_30 : i1 to i32
      %cond3A = arith.constant 0 : i32
      %cond3A_31 = arith.cmpi ne, %convert_element_type3A, %cond3A : i32
      scf.if %cond3A_31 {
        %add3A_67 = arith.constant 1 : i32
        %add3A_68 = arith.addi %scan3A_23, %add3A_67 : i32
        %sub3A = arith.constant 1 : i32
        %sub3A_69 = arith.subi %sub3A, %rem3A_24 : i32
        %mul3A_70 = arith.constant 8 : i32
        %mul3A_71 = arith.muli %add3A_68, %mul3A_70 : i32
        %add3A_72 = arith.addi %mul3A_2, %mul3A_71 : i32
        %mul3A_73 = arith.constant 16 : i32
        %mul3A_74 = arith.muli %add3A_72, %mul3A_73 : i32
        "tpu.region"() ({
          %run_scoped3A_85 = tpu.sem_alloc : memref<!tpu.dma_semaphore, #tpu.memory_space<semaphore_mem>>
          %dma_start3A_86 = arith.constant 0 : i32
          %dma_start3A_87 = tpu.memref_slice %arg5[%sub3A_69, %dma_start3A_86] : memref<2x128xi32, #tpu.memory_space<vmem>> -> memref<1x128xi32, #tpu.memory_space<vmem>>
          %dma_start3A_88 = tpu.memref_squeeze %dma_start3A_87 : memref<1x128xi32, #tpu.memory_space<vmem>> -> memref<128xi32, #tpu.memory_space<vmem>>
          %dma_start3A_89 = tpu.memref_slice %arg2[%mul3A_74] : memref<131072xi32, #tpu.memory_space<hbm>> -> memref<128xi32, #tpu.memory_space<hbm>>
          %dma_start3A_90 = arith.constant 0 : i32
          %dma_start3A_91 = tpu.memref_slice %arg5[%sub3A_69, %dma_start3A_90] : memref<2x128xi32, #tpu.memory_space<vmem>> -> memref<1x128xi32, #tpu.memory_space<vmem>>
          %dma_start3A_92 = tpu.memref_squeeze %dma_start3A_91 : memref<1x128xi32, #tpu.memory_space<vmem>> -> memref<128xi32, #tpu.memory_space<vmem>>
          %dma_start3A_93 = tpu.memref_slice %arg2[%mul3A_74] : memref<131072xi32, #tpu.memory_space<hbm>> -> memref<128xi32, #tpu.memory_space<hbm>>
          tpu.enqueue_dma source(%dma_start3A_93 : memref<128xi32, #tpu.memory_space<hbm>>) target(%dma_start3A_92 : memref<128xi32, #tpu.memory_space<vmem>>) target_semaphore(%run_scoped3A_85 : memref<!tpu.dma_semaphore, #tpu.memory_space<semaphore_mem>>)
          %dma_wait3A_94 = arith.constant 0 : i32
          %dma_wait3A_95 = tpu.memref_slice %arg5[%sub3A_69, %dma_wait3A_94] : memref<2x128xi32, #tpu.memory_space<vmem>> -> memref<1x128xi32, #tpu.memory_space<vmem>>
          %dma_wait3A_96 = tpu.memref_squeeze %dma_wait3A_95 : memref<1x128xi32, #tpu.memory_space<vmem>> -> memref<128xi32, #tpu.memory_space<vmem>>
          %dma_wait3A_97 = tpu.memref_slice %arg2[%mul3A_74] : memref<131072xi32, #tpu.memory_space<hbm>> -> memref<128xi32, #tpu.memory_space<hbm>>
          %dma_wait3A_98 = arith.constant 0 : i32
          %dma_wait3A_99 = tpu.memref_slice %arg5[%sub3A_69, %dma_wait3A_98] : memref<2x128xi32, #tpu.memory_space<vmem>> -> memref<1x128xi32, #tpu.memory_space<vmem>>
          %dma_wait3A_100 = tpu.memref_squeeze %dma_wait3A_99 : memref<1x128xi32, #tpu.memory_space<vmem>> -> memref<128xi32, #tpu.memory_space<vmem>>
          %dma_wait3A_101 = tpu.memref_slice %arg2[%mul3A_74] : memref<131072xi32, #tpu.memory_space<hbm>> -> memref<128xi32, #tpu.memory_space<hbm>>
          tpu.wait_dma2 semaphore(%run_scoped3A_85 : memref<!tpu.dma_semaphore, #tpu.memory_space<semaphore_mem>>) src(%dma_wait3A_101 : memref<128xi32, #tpu.memory_space<hbm>>) dst(%dma_wait3A_100 : memref<128xi32, #tpu.memory_space<vmem>>)
          tpu.yield
        }) : () -> ()
        %dma_start3A_75 = arith.constant 0 : i32
        %dma_start3A_76 = arith.constant 0 : i32
        %dma_start3A_77 = tpu.memref_slice %arg6[%sub3A_69, %dma_start3A_75, %dma_start3A_76] : memref<2x128x128xf32, #tpu.memory_space<vmem>> -> memref<1x128x128xf32, #tpu.memory_space<vmem>>
        %dma_start3A_78 = tpu.memref_squeeze %dma_start3A_77 : memref<1x128x128xf32, #tpu.memory_space<vmem>> -> memref<128x128xf32, #tpu.memory_space<vmem>>
        %dma_start3A_79 = arith.constant 0 : i32
        %dma_start3A_80 = tpu.memref_slice %arg5[%sub3A_69, %dma_start3A_79] : memref<2x128xi32, #tpu.memory_space<vmem>> -> memref<1x128xi32, #tpu.memory_space<vmem>>
        %dma_start3A_81 = tpu.memref_squeeze %dma_start3A_80 : memref<1x128xi32, #tpu.memory_space<vmem>> -> memref<128xi32, #tpu.memory_space<vmem>>
        %dma_start3A_82 = arith.constant 0 : i32
        %dma_start3A_83 = arith.constant 0 : i32
        %dma_start3A_84 = tpu.memref_slice %arg3[%dma_start3A_82, %dma_start3A_83] : memref<8192x128xf32, #tpu.memory_space<hbm>> -> memref<8192x128xf32, #tpu.memory_space<hbm>>
        tpu.enqueue_indirect_dma source(%dma_start3A_84 : memref<8192x128xf32, #tpu.memory_space<hbm>>) target(%dma_start3A_78 : memref<128x128xf32, #tpu.memory_space<vmem>>) offsets(%dma_start3A_81 : memref<128xi32, #tpu.memory_space<vmem>>) semaphore(%arg7 : memref<!tpu.dma_semaphore, #tpu.memory_space<semaphore_mem>>)
      } else {
      }
      %dma_wait3A = arith.constant 0 : i32
      %dma_wait3A_32 = arith.constant 0 : i32
      %dma_wait3A_33 = tpu.memref_slice %arg6[%rem3A_24, %dma_wait3A, %dma_wait3A_32] : memref<2x128x128xf32, #tpu.memory_space<vmem>> -> memref<1x128x128xf32, #tpu.memory_space<vmem>>
      %dma_wait3A_34 = tpu.memref_squeeze %dma_wait3A_33 : memref<1x128x128xf32, #tpu.memory_space<vmem>> -> memref<128x128xf32, #tpu.memory_space<vmem>>
      %dma_wait3A_35 = arith.constant 0 : i32
      %dma_wait3A_36 = tpu.memref_slice %arg5[%rem3A_24, %dma_wait3A_35] : memref<2x128xi32, #tpu.memory_space<vmem>> -> memref<1x128xi32, #tpu.memory_space<vmem>>
      %dma_wait3A_37 = tpu.memref_squeeze %dma_wait3A_36 : memref<1x128xi32, #tpu.memory_space<vmem>> -> memref<128xi32, #tpu.memory_space<vmem>>
      %dma_wait3A_38 = arith.constant 0 : i32
      %dma_wait3A_39 = arith.constant 0 : i32
      %dma_wait3A_40 = tpu.memref_slice %arg3[%dma_wait3A_38, %dma_wait3A_39] : memref<8192x128xf32, #tpu.memory_space<hbm>> -> memref<8192x128xf32, #tpu.memory_space<hbm>>
      tpu.wait_indirect_dma semaphore(%arg7 : memref<!tpu.dma_semaphore, #tpu.memory_space<semaphore_mem>>) src(%dma_wait3A_40 : memref<8192x128xf32, #tpu.memory_space<hbm>>) dst(%dma_wait3A_34 : memref<128x128xf32, #tpu.memory_space<vmem>>)
      %mul3A_41 = arith.constant 16 : i32
      %mul3A_42 = arith.muli %add3A_27, %mul3A_41 : i32
      %dma_start3A_43 = arith.constant 0 : i32
      %dma_start3A_44 = arith.constant 0 : i32
      %dma_start3A_45 = tpu.memref_slice %arg6[%rem3A_24, %dma_start3A_43, %dma_start3A_44] : memref<2x128x128xf32, #tpu.memory_space<vmem>> -> memref<1x128x128xf32, #tpu.memory_space<vmem>>
      %dma_start3A_46 = tpu.memref_squeeze %dma_start3A_45 : memref<1x128x128xf32, #tpu.memory_space<vmem>> -> memref<128x128xf32, #tpu.memory_space<vmem>>
      %dma_start3A_47 = arith.constant 0 : i32
      %dma_start3A_48 = tpu.memref_slice %arg4[%mul3A_42, %dma_start3A_47] : memref<131072x128xf32, #tpu.memory_space<hbm>> -> memref<128x128xf32, #tpu.memory_space<hbm>>
      %dma_start3A_49 = arith.constant 0 : i32
      %dma_start3A_50 = tpu.memref_slice %arg4[%mul3A_42, %dma_start3A_49] : memref<131072x128xf32, #tpu.memory_space<hbm>> -> memref<128x128xf32, #tpu.memory_space<hbm>>
      %dma_start3A_51 = arith.constant 0 : i32
      %dma_start3A_52 = arith.constant 0 : i32
      %dma_start3A_53 = tpu.memref_slice %arg6[%rem3A_24, %dma_start3A_51, %dma_start3A_52] : memref<2x128x128xf32, #tpu.memory_space<vmem>> -> memref<1x128x128xf32, #tpu.memory_space<vmem>>
      %dma_start3A_54 = tpu.memref_squeeze %dma_start3A_53 : memref<1x128x128xf32, #tpu.memory_space<vmem>> -> memref<128x128xf32, #tpu.memory_space<vmem>>
      tpu.enqueue_dma source(%dma_start3A_54 : memref<128x128xf32, #tpu.memory_space<vmem>>) target(%dma_start3A_50 : memref<128x128xf32, #tpu.memory_space<hbm>>) target_semaphore(%arg8 : memref<!tpu.dma_semaphore, #tpu.memory_space<semaphore_mem>>)
      %dma_wait3A_55 = arith.constant 0 : i32
      %dma_wait3A_56 = arith.constant 0 : i32
      %dma_wait3A_57 = tpu.memref_slice %arg6[%rem3A_24, %dma_wait3A_55, %dma_wait3A_56] : memref<2x128x128xf32, #tpu.memory_space<vmem>> -> memref<1x128x128xf32, #tpu.memory_space<vmem>>
      %dma_wait3A_58 = tpu.memref_squeeze %dma_wait3A_57 : memref<1x128x128xf32, #tpu.memory_space<vmem>> -> memref<128x128xf32, #tpu.memory_space<vmem>>
      %dma_wait3A_59 = arith.constant 0 : i32
      %dma_wait3A_60 = tpu.memref_slice %arg4[%mul3A_42, %dma_wait3A_59] : memref<131072x128xf32, #tpu.memory_space<hbm>> -> memref<128x128xf32, #tpu.memory_space<hbm>>
      %dma_wait3A_61 = arith.constant 0 : i32
      %dma_wait3A_62 = tpu.memref_slice %arg4[%mul3A_42, %dma_wait3A_61] : memref<131072x128xf32, #tpu.memory_space<hbm>> -> memref<128x128xf32, #tpu.memory_space<hbm>>
      %dma_wait3A_63 = arith.constant 0 : i32
      %dma_wait3A_64 = arith.constant 0 : i32
      %dma_wait3A_65 = tpu.memref_slice %arg6[%rem3A_24, %dma_wait3A_63, %dma_wait3A_64] : memref<2x128x128xf32, #tpu.memory_space<vmem>> -> memref<1x128x128xf32, #tpu.memory_space<vmem>>
      %dma_wait3A_66 = tpu.memref_squeeze %dma_wait3A_65 : memref<1x128x128xf32, #tpu.memory_space<vmem>> -> memref<128x128xf32, #tpu.memory_space<vmem>>
      tpu.wait_dma2 semaphore(%arg8 : memref<!tpu.dma_semaphore, #tpu.memory_space<semaphore_mem>>) src(%dma_wait3A_66 : memref<128x128xf32, #tpu.memory_space<vmem>>) dst(%dma_wait3A_62 : memref<128x128xf32, #tpu.memory_space<hbm>>)
    }
    %scan3A_22 = arith.constant 32 : i32
    return
  }
}

module attributes {stable_mosaic.version = 14 : i64} {
  func.func @body(%arg0: i32, %arg1: i32, %arg2: memref<1x256x256xf32, #tpu.memory_space<vmem>>, %arg3: memref<1x2048x256xf32, #tpu.memory_space<vmem>>, %arg4: memref<1x1x2048xf32, #tpu.memory_space<vmem>>, %arg5: memref<1x256x16xi32, #tpu.memory_space<vmem>>) attributes {dimension_semantics = [#tpu.dimension_semantics<arbitrary>, #tpu.dimension_semantics<arbitrary>], iteration_bounds = array<i64: 4, 8>, scalar_prefetch = 0 : i64, scratch_operands = 0 : i64, tpu.core_type = #tpu.core_type<tc>, window_params = [{transform_indices = @transform_0, window_bounds = array<i64: 1, 256, 256>}, {transform_indices = @transform_1, window_bounds = array<i64: 1, 2048, 256>}, {transform_indices = @transform_2, window_bounds = array<i64: 1, 1, 2048>}, {transform_indices = @transform_3, window_bounds = array<i64: 1, 256, 16>}]} {
    %get3A = arith.constant 0 : index
    %get3A_0 = arith.constant 0 : index
    %get3A_1 = arith.constant 0 : index
    %get3A_2 = vector.load %arg2[%get3A, %get3A_0, %get3A_1] : memref<1x256x256xf32, #tpu.memory_space<vmem>>, vector<1x256x256xf32>
    %get3A_3 = vector.shape_cast %get3A_2 : vector<1x256x256xf32> to vector<256x256xf32>
    %get3A_4 = arith.constant 0 : index
    %get3A_5 = arith.constant 0 : index
    %get3A_6 = arith.constant 0 : index
    %get3A_7 = vector.load %arg3[%get3A_4, %get3A_5, %get3A_6] : memref<1x2048x256xf32, #tpu.memory_space<vmem>>, vector<1x2048x256xf32>
    %get3A_8 = vector.shape_cast %get3A_7 : vector<1x2048x256xf32> to vector<2048x256xf32>
    %dot_general3A = arith.constant dense<0.000000e+00> : vector<256x2048xf32>
    %dot_general3A_9 = tpu.matmul %get3A_3, %get3A_8, %dot_general3A {dimension_numbers = #tpu.dot_dimension_numbers<[1], [1], [0], [0], [0, 0, 1, 0], [], []>, transpose_lhs_hint = false} : vector<256x256xf32>, vector<2048x256xf32>, vector<256x2048xf32> -> vector<256x2048xf32>
    %get3A_10 = arith.constant 0 : index
    %get3A_11 = arith.constant 0 : index
    %get3A_12 = arith.constant 0 : index
    %get3A_13 = vector.load %arg4[%get3A_10, %get3A_11, %get3A_12] : memref<1x1x2048xf32, #tpu.memory_space<vmem>>, vector<1x1x2048xf32>
    %get3A_14 = vector.shape_cast %get3A_13 : vector<1x1x2048xf32> to vector<2048xf32>
    %mul3A = arith.constant 256 : i32
    %mul3A_15 = arith.muli %arg1, %mul3A : i32
    %get3A_16 = arith.constant 0 : index
    %get3A_17 = arith.constant 0 : index
    %get3A_18 = arith.index_cast %mul3A_15 : i32 to index
    %get3A_19 = vector.load %arg4[%get3A_16, %get3A_17, %get3A_18] : memref<1x1x2048xf32, #tpu.memory_space<vmem>>, vector<1x1x256xf32>
    %get3A_20 = vector.shape_cast %get3A_19 : vector<1x1x256xf32> to vector<256xf32>
    %mul3A_21 = arith.constant 2.000000e+00 : f32
    %mul3A_22 = vector.broadcast %mul3A_21 : f32 to vector<256x2048xf32>
    %mul3A_23 = arith.mulf %mul3A_22, %dot_general3A_9 : vector<256x2048xf32>
    %broadcast_in_dim3A = vector.shape_cast %get3A_20 : vector<256xf32> to vector<256x1xf32>
    %sub3A = vector.broadcast %broadcast_in_dim3A : vector<256x1xf32> to vector<256x2048xf32>
    %sub3A_24 = arith.subf %mul3A_23, %sub3A : vector<256x2048xf32>
    %broadcast_in_dim3A_25 = vector.shape_cast %get3A_14 : vector<2048xf32> to vector<1x2048xf32>
    %sub3A_26 = vector.broadcast %broadcast_in_dim3A_25 : vector<1x2048xf32> to vector<256x2048xf32>
    %sub3A_27 = arith.subf %sub3A_24, %sub3A_26 : vector<256x2048xf32>
    %iota3A = tpu.iota {dimensions = array<i32: 1>} : vector<256x2048xi32>
    %iota3A_28 = tpu.iota {dimensions = array<i32: 1>} : vector<256x16xi32>
    %broadcast_in_dim3A_29 = arith.constant 0 : i32
    %broadcast_in_dim3A_30 = vector.broadcast %broadcast_in_dim3A_29 : i32 to vector<256x16xi32>
    %reduce_max3A = arith.constant dense<0xFF800000> : vector<256xf32>
    %reduce_max3A_31 = vector.multi_reduction <maximumf>, %sub3A_27, %reduce_max3A [1] : vector<256x2048xf32> to vector<256xf32>
    %broadcast_in_dim3A_32 = vector.shape_cast %reduce_max3A_31 : vector<256xf32> to vector<256x1xf32>
    %eq3A = vector.broadcast %broadcast_in_dim3A_32 : vector<256x1xf32> to vector<256x2048xf32>
    %eq3A_33 = arith.cmpf oeq, %sub3A_27, %eq3A : vector<256x2048xf32>
    %jit3A = arith.constant 2048 : i32
    %broadcast_in_dim3A_34 = vector.broadcast %jit3A : i32 to vector<256x2048xi32>
    %select_n3A = arith.select %eq3A_33, %iota3A, %broadcast_in_dim3A_34 : vector<256x2048xi1>, vector<256x2048xi32>
    %reduce_min3A = arith.constant dense<2147483647> : vector<256xi32>
    %reduce_min3A_35 = vector.multi_reduction <minsi>, %select_n3A, %reduce_min3A [1] : vector<256x2048xi32> to vector<256xi32>
    %broadcast_in_dim3A_36 = vector.shape_cast %reduce_min3A_35 : vector<256xi32> to vector<256x1xi32>
    %eq3A_37 = arith.constant 0 : i32
    %eq3A_38 = vector.broadcast %eq3A_37 : i32 to vector<256x16xi32>
    %eq3A_39 = arith.cmpi eq, %iota3A_28, %eq3A_38 : vector<256x16xi32>
    %broadcast_in_dim3A_40 = vector.shape_cast %broadcast_in_dim3A_36 : vector<256x1xi32> to vector<256x1xi32>
    %broadcast_in_dim3A_41 = vector.broadcast %broadcast_in_dim3A_40 : vector<256x1xi32> to vector<256x16xi32>
    %select_n3A_42 = arith.select %eq3A_39, %broadcast_in_dim3A_41, %broadcast_in_dim3A_30 : vector<256x16xi1>, vector<256x16xi32>
    %eq3A_43 = vector.broadcast %broadcast_in_dim3A_36 : vector<256x1xi32> to vector<256x2048xi32>
    %eq3A_44 = arith.cmpi eq, %iota3A, %eq3A_43 : vector<256x2048xi32>
    %jit3A_45 = arith.constant 0xFF800000 : f32
    %broadcast_in_dim3A_46 = vector.broadcast %jit3A_45 : f32 to vector<256x2048xf32>
    %select_n3A_47 = arith.select %eq3A_44, %broadcast_in_dim3A_46, %sub3A_27 : vector<256x2048xi1>, vector<256x2048xf32>
    %reduce_max3A_48 = arith.constant dense<0xFF800000> : vector<256xf32>
    %reduce_max3A_49 = vector.multi_reduction <maximumf>, %select_n3A_47, %reduce_max3A_48 [1] : vector<256x2048xf32> to vector<256xf32>
    %broadcast_in_dim3A_50 = vector.shape_cast %reduce_max3A_49 : vector<256xf32> to vector<256x1xf32>
    %eq3A_51 = vector.broadcast %broadcast_in_dim3A_50 : vector<256x1xf32> to vector<256x2048xf32>
    %eq3A_52 = arith.cmpf oeq, %select_n3A_47, %eq3A_51 : vector<256x2048xf32>
    %jit3A_53 = arith.constant 2048 : i32
    %broadcast_in_dim3A_54 = vector.broadcast %jit3A_53 : i32 to vector<256x2048xi32>
    %select_n3A_55 = arith.select %eq3A_52, %iota3A, %broadcast_in_dim3A_54 : vector<256x2048xi1>, vector<256x2048xi32>
    %reduce_min3A_56 = arith.constant dense<2147483647> : vector<256xi32>
    %reduce_min3A_57 = vector.multi_reduction <minsi>, %select_n3A_55, %reduce_min3A_56 [1] : vector<256x2048xi32> to vector<256xi32>
    %broadcast_in_dim3A_58 = vector.shape_cast %reduce_min3A_57 : vector<256xi32> to vector<256x1xi32>
    %eq3A_59 = arith.constant 1 : i32
    %eq3A_60 = vector.broadcast %eq3A_59 : i32 to vector<256x16xi32>
    %eq3A_61 = arith.cmpi eq, %iota3A_28, %eq3A_60 : vector<256x16xi32>
    %broadcast_in_dim3A_62 = vector.shape_cast %broadcast_in_dim3A_58 : vector<256x1xi32> to vector<256x1xi32>
    %broadcast_in_dim3A_63 = vector.broadcast %broadcast_in_dim3A_62 : vector<256x1xi32> to vector<256x16xi32>
    %select_n3A_64 = arith.select %eq3A_61, %broadcast_in_dim3A_63, %select_n3A_42 : vector<256x16xi1>, vector<256x16xi32>
    %eq3A_65 = vector.broadcast %broadcast_in_dim3A_58 : vector<256x1xi32> to vector<256x2048xi32>
    %eq3A_66 = arith.cmpi eq, %iota3A, %eq3A_65 : vector<256x2048xi32>
    %jit3A_67 = arith.constant 0xFF800000 : f32
    %broadcast_in_dim3A_68 = vector.broadcast %jit3A_67 : f32 to vector<256x2048xf32>
    %select_n3A_69 = arith.select %eq3A_66, %broadcast_in_dim3A_68, %select_n3A_47 : vector<256x2048xi1>, vector<256x2048xf32>
    %reduce_max3A_70 = arith.constant dense<0xFF800000> : vector<256xf32>
    %reduce_max3A_71 = vector.multi_reduction <maximumf>, %select_n3A_69, %reduce_max3A_70 [1] : vector<256x2048xf32> to vector<256xf32>
    %broadcast_in_dim3A_72 = vector.shape_cast %reduce_max3A_71 : vector<256xf32> to vector<256x1xf32>
    %eq3A_73 = vector.broadcast %broadcast_in_dim3A_72 : vector<256x1xf32> to vector<256x2048xf32>
    %eq3A_74 = arith.cmpf oeq, %select_n3A_69, %eq3A_73 : vector<256x2048xf32>
    %jit3A_75 = arith.constant 2048 : i32
    %broadcast_in_dim3A_76 = vector.broadcast %jit3A_75 : i32 to vector<256x2048xi32>
    %select_n3A_77 = arith.select %eq3A_74, %iota3A, %broadcast_in_dim3A_76 : vector<256x2048xi1>, vector<256x2048xi32>
    %reduce_min3A_78 = arith.constant dense<2147483647> : vector<256xi32>
    %reduce_min3A_79 = vector.multi_reduction <minsi>, %select_n3A_77, %reduce_min3A_78 [1] : vector<256x2048xi32> to vector<256xi32>
    %broadcast_in_dim3A_80 = vector.shape_cast %reduce_min3A_79 : vector<256xi32> to vector<256x1xi32>
    %eq3A_81 = arith.constant 2 : i32
    %eq3A_82 = vector.broadcast %eq3A_81 : i32 to vector<256x16xi32>
    %eq3A_83 = arith.cmpi eq, %iota3A_28, %eq3A_82 : vector<256x16xi32>
    %broadcast_in_dim3A_84 = vector.shape_cast %broadcast_in_dim3A_80 : vector<256x1xi32> to vector<256x1xi32>
    %broadcast_in_dim3A_85 = vector.broadcast %broadcast_in_dim3A_84 : vector<256x1xi32> to vector<256x16xi32>
    %select_n3A_86 = arith.select %eq3A_83, %broadcast_in_dim3A_85, %select_n3A_64 : vector<256x16xi1>, vector<256x16xi32>
    %eq3A_87 = vector.broadcast %broadcast_in_dim3A_80 : vector<256x1xi32> to vector<256x2048xi32>
    %eq3A_88 = arith.cmpi eq, %iota3A, %eq3A_87 : vector<256x2048xi32>
    %jit3A_89 = arith.constant 0xFF800000 : f32
    %broadcast_in_dim3A_90 = vector.broadcast %jit3A_89 : f32 to vector<256x2048xf32>
    %select_n3A_91 = arith.select %eq3A_88, %broadcast_in_dim3A_90, %select_n3A_69 : vector<256x2048xi1>, vector<256x2048xf32>
    %reduce_max3A_92 = arith.constant dense<0xFF800000> : vector<256xf32>
    %reduce_max3A_93 = vector.multi_reduction <maximumf>, %select_n3A_91, %reduce_max3A_92 [1] : vector<256x2048xf32> to vector<256xf32>
    %broadcast_in_dim3A_94 = vector.shape_cast %reduce_max3A_93 : vector<256xf32> to vector<256x1xf32>
    %eq3A_95 = vector.broadcast %broadcast_in_dim3A_94 : vector<256x1xf32> to vector<256x2048xf32>
    %eq3A_96 = arith.cmpf oeq, %select_n3A_91, %eq3A_95 : vector<256x2048xf32>
    %jit3A_97 = arith.constant 2048 : i32
    %broadcast_in_dim3A_98 = vector.broadcast %jit3A_97 : i32 to vector<256x2048xi32>
    %select_n3A_99 = arith.select %eq3A_96, %iota3A, %broadcast_in_dim3A_98 : vector<256x2048xi1>, vector<256x2048xi32>
    %reduce_min3A_100 = arith.constant dense<2147483647> : vector<256xi32>
    %reduce_min3A_101 = vector.multi_reduction <minsi>, %select_n3A_99, %reduce_min3A_100 [1] : vector<256x2048xi32> to vector<256xi32>
    %broadcast_in_dim3A_102 = vector.shape_cast %reduce_min3A_101 : vector<256xi32> to vector<256x1xi32>
    %eq3A_103 = arith.constant 3 : i32
    %eq3A_104 = vector.broadcast %eq3A_103 : i32 to vector<256x16xi32>
    %eq3A_105 = arith.cmpi eq, %iota3A_28, %eq3A_104 : vector<256x16xi32>
    %broadcast_in_dim3A_106 = vector.shape_cast %broadcast_in_dim3A_102 : vector<256x1xi32> to vector<256x1xi32>
    %broadcast_in_dim3A_107 = vector.broadcast %broadcast_in_dim3A_106 : vector<256x1xi32> to vector<256x16xi32>
    %select_n3A_108 = arith.select %eq3A_105, %broadcast_in_dim3A_107, %select_n3A_86 : vector<256x16xi1>, vector<256x16xi32>
    %eq3A_109 = vector.broadcast %broadcast_in_dim3A_102 : vector<256x1xi32> to vector<256x2048xi32>
    %eq3A_110 = arith.cmpi eq, %iota3A, %eq3A_109 : vector<256x2048xi32>
    %jit3A_111 = arith.constant 0xFF800000 : f32
    %broadcast_in_dim3A_112 = vector.broadcast %jit3A_111 : f32 to vector<256x2048xf32>
    %select_n3A_113 = arith.select %eq3A_110, %broadcast_in_dim3A_112, %select_n3A_91 : vector<256x2048xi1>, vector<256x2048xf32>
    %reduce_max3A_114 = arith.constant dense<0xFF800000> : vector<256xf32>
    %reduce_max3A_115 = vector.multi_reduction <maximumf>, %select_n3A_113, %reduce_max3A_114 [1] : vector<256x2048xf32> to vector<256xf32>
    %broadcast_in_dim3A_116 = vector.shape_cast %reduce_max3A_115 : vector<256xf32> to vector<256x1xf32>
    %eq3A_117 = vector.broadcast %broadcast_in_dim3A_116 : vector<256x1xf32> to vector<256x2048xf32>
    %eq3A_118 = arith.cmpf oeq, %select_n3A_113, %eq3A_117 : vector<256x2048xf32>
    %jit3A_119 = arith.constant 2048 : i32
    %broadcast_in_dim3A_120 = vector.broadcast %jit3A_119 : i32 to vector<256x2048xi32>
    %select_n3A_121 = arith.select %eq3A_118, %iota3A, %broadcast_in_dim3A_120 : vector<256x2048xi1>, vector<256x2048xi32>
    %reduce_min3A_122 = arith.constant dense<2147483647> : vector<256xi32>
    %reduce_min3A_123 = vector.multi_reduction <minsi>, %select_n3A_121, %reduce_min3A_122 [1] : vector<256x2048xi32> to vector<256xi32>
    %broadcast_in_dim3A_124 = vector.shape_cast %reduce_min3A_123 : vector<256xi32> to vector<256x1xi32>
    %eq3A_125 = arith.constant 4 : i32
    %eq3A_126 = vector.broadcast %eq3A_125 : i32 to vector<256x16xi32>
    %eq3A_127 = arith.cmpi eq, %iota3A_28, %eq3A_126 : vector<256x16xi32>
    %broadcast_in_dim3A_128 = vector.shape_cast %broadcast_in_dim3A_124 : vector<256x1xi32> to vector<256x1xi32>
    %broadcast_in_dim3A_129 = vector.broadcast %broadcast_in_dim3A_128 : vector<256x1xi32> to vector<256x16xi32>
    %select_n3A_130 = arith.select %eq3A_127, %broadcast_in_dim3A_129, %select_n3A_108 : vector<256x16xi1>, vector<256x16xi32>
    %eq3A_131 = vector.broadcast %broadcast_in_dim3A_124 : vector<256x1xi32> to vector<256x2048xi32>
    %eq3A_132 = arith.cmpi eq, %iota3A, %eq3A_131 : vector<256x2048xi32>
    %jit3A_133 = arith.constant 0xFF800000 : f32
    %broadcast_in_dim3A_134 = vector.broadcast %jit3A_133 : f32 to vector<256x2048xf32>
    %select_n3A_135 = arith.select %eq3A_132, %broadcast_in_dim3A_134, %select_n3A_113 : vector<256x2048xi1>, vector<256x2048xf32>
    %reduce_max3A_136 = arith.constant dense<0xFF800000> : vector<256xf32>
    %reduce_max3A_137 = vector.multi_reduction <maximumf>, %select_n3A_135, %reduce_max3A_136 [1] : vector<256x2048xf32> to vector<256xf32>
    %broadcast_in_dim3A_138 = vector.shape_cast %reduce_max3A_137 : vector<256xf32> to vector<256x1xf32>
    %eq3A_139 = vector.broadcast %broadcast_in_dim3A_138 : vector<256x1xf32> to vector<256x2048xf32>
    %eq3A_140 = arith.cmpf oeq, %select_n3A_135, %eq3A_139 : vector<256x2048xf32>
    %jit3A_141 = arith.constant 2048 : i32
    %broadcast_in_dim3A_142 = vector.broadcast %jit3A_141 : i32 to vector<256x2048xi32>
    %select_n3A_143 = arith.select %eq3A_140, %iota3A, %broadcast_in_dim3A_142 : vector<256x2048xi1>, vector<256x2048xi32>
    %reduce_min3A_144 = arith.constant dense<2147483647> : vector<256xi32>
    %reduce_min3A_145 = vector.multi_reduction <minsi>, %select_n3A_143, %reduce_min3A_144 [1] : vector<256x2048xi32> to vector<256xi32>
    %broadcast_in_dim3A_146 = vector.shape_cast %reduce_min3A_145 : vector<256xi32> to vector<256x1xi32>
    %eq3A_147 = arith.constant 5 : i32
    %eq3A_148 = vector.broadcast %eq3A_147 : i32 to vector<256x16xi32>
    %eq3A_149 = arith.cmpi eq, %iota3A_28, %eq3A_148 : vector<256x16xi32>
    %broadcast_in_dim3A_150 = vector.shape_cast %broadcast_in_dim3A_146 : vector<256x1xi32> to vector<256x1xi32>
    %broadcast_in_dim3A_151 = vector.broadcast %broadcast_in_dim3A_150 : vector<256x1xi32> to vector<256x16xi32>
    %select_n3A_152 = arith.select %eq3A_149, %broadcast_in_dim3A_151, %select_n3A_130 : vector<256x16xi1>, vector<256x16xi32>
    %eq3A_153 = vector.broadcast %broadcast_in_dim3A_146 : vector<256x1xi32> to vector<256x2048xi32>
    %eq3A_154 = arith.cmpi eq, %iota3A, %eq3A_153 : vector<256x2048xi32>
    %jit3A_155 = arith.constant 0xFF800000 : f32
    %broadcast_in_dim3A_156 = vector.broadcast %jit3A_155 : f32 to vector<256x2048xf32>
    %select_n3A_157 = arith.select %eq3A_154, %broadcast_in_dim3A_156, %select_n3A_135 : vector<256x2048xi1>, vector<256x2048xf32>
    %reduce_max3A_158 = arith.constant dense<0xFF800000> : vector<256xf32>
    %reduce_max3A_159 = vector.multi_reduction <maximumf>, %select_n3A_157, %reduce_max3A_158 [1] : vector<256x2048xf32> to vector<256xf32>
    %broadcast_in_dim3A_160 = vector.shape_cast %reduce_max3A_159 : vector<256xf32> to vector<256x1xf32>
    %eq3A_161 = vector.broadcast %broadcast_in_dim3A_160 : vector<256x1xf32> to vector<256x2048xf32>
    %eq3A_162 = arith.cmpf oeq, %select_n3A_157, %eq3A_161 : vector<256x2048xf32>
    %jit3A_163 = arith.constant 2048 : i32
    %broadcast_in_dim3A_164 = vector.broadcast %jit3A_163 : i32 to vector<256x2048xi32>
    %select_n3A_165 = arith.select %eq3A_162, %iota3A, %broadcast_in_dim3A_164 : vector<256x2048xi1>, vector<256x2048xi32>
    %reduce_min3A_166 = arith.constant dense<2147483647> : vector<256xi32>
    %reduce_min3A_167 = vector.multi_reduction <minsi>, %select_n3A_165, %reduce_min3A_166 [1] : vector<256x2048xi32> to vector<256xi32>
    %broadcast_in_dim3A_168 = vector.shape_cast %reduce_min3A_167 : vector<256xi32> to vector<256x1xi32>
    %eq3A_169 = arith.constant 6 : i32
    %eq3A_170 = vector.broadcast %eq3A_169 : i32 to vector<256x16xi32>
    %eq3A_171 = arith.cmpi eq, %iota3A_28, %eq3A_170 : vector<256x16xi32>
    %broadcast_in_dim3A_172 = vector.shape_cast %broadcast_in_dim3A_168 : vector<256x1xi32> to vector<256x1xi32>
    %broadcast_in_dim3A_173 = vector.broadcast %broadcast_in_dim3A_172 : vector<256x1xi32> to vector<256x16xi32>
    %select_n3A_174 = arith.select %eq3A_171, %broadcast_in_dim3A_173, %select_n3A_152 : vector<256x16xi1>, vector<256x16xi32>
    %eq3A_175 = vector.broadcast %broadcast_in_dim3A_168 : vector<256x1xi32> to vector<256x2048xi32>
    %eq3A_176 = arith.cmpi eq, %iota3A, %eq3A_175 : vector<256x2048xi32>
    %jit3A_177 = arith.constant 0xFF800000 : f32
    %broadcast_in_dim3A_178 = vector.broadcast %jit3A_177 : f32 to vector<256x2048xf32>
    %select_n3A_179 = arith.select %eq3A_176, %broadcast_in_dim3A_178, %select_n3A_157 : vector<256x2048xi1>, vector<256x2048xf32>
    %reduce_max3A_180 = arith.constant dense<0xFF800000> : vector<256xf32>
    %reduce_max3A_181 = vector.multi_reduction <maximumf>, %select_n3A_179, %reduce_max3A_180 [1] : vector<256x2048xf32> to vector<256xf32>
    %broadcast_in_dim3A_182 = vector.shape_cast %reduce_max3A_181 : vector<256xf32> to vector<256x1xf32>
    %eq3A_183 = vector.broadcast %broadcast_in_dim3A_182 : vector<256x1xf32> to vector<256x2048xf32>
    %eq3A_184 = arith.cmpf oeq, %select_n3A_179, %eq3A_183 : vector<256x2048xf32>
    %jit3A_185 = arith.constant 2048 : i32
    %broadcast_in_dim3A_186 = vector.broadcast %jit3A_185 : i32 to vector<256x2048xi32>
    %select_n3A_187 = arith.select %eq3A_184, %iota3A, %broadcast_in_dim3A_186 : vector<256x2048xi1>, vector<256x2048xi32>
    %reduce_min3A_188 = arith.constant dense<2147483647> : vector<256xi32>
    %reduce_min3A_189 = vector.multi_reduction <minsi>, %select_n3A_187, %reduce_min3A_188 [1] : vector<256x2048xi32> to vector<256xi32>
    %broadcast_in_dim3A_190 = vector.shape_cast %reduce_min3A_189 : vector<256xi32> to vector<256x1xi32>
    %eq3A_191 = arith.constant 7 : i32
    %eq3A_192 = vector.broadcast %eq3A_191 : i32 to vector<256x16xi32>
    %eq3A_193 = arith.cmpi eq, %iota3A_28, %eq3A_192 : vector<256x16xi32>
    %broadcast_in_dim3A_194 = vector.shape_cast %broadcast_in_dim3A_190 : vector<256x1xi32> to vector<256x1xi32>
    %broadcast_in_dim3A_195 = vector.broadcast %broadcast_in_dim3A_194 : vector<256x1xi32> to vector<256x16xi32>
    %select_n3A_196 = arith.select %eq3A_193, %broadcast_in_dim3A_195, %select_n3A_174 : vector<256x16xi1>, vector<256x16xi32>
    %eq3A_197 = vector.broadcast %broadcast_in_dim3A_190 : vector<256x1xi32> to vector<256x2048xi32>
    %eq3A_198 = arith.cmpi eq, %iota3A, %eq3A_197 : vector<256x2048xi32>
    %jit3A_199 = arith.constant 0xFF800000 : f32
    %broadcast_in_dim3A_200 = vector.broadcast %jit3A_199 : f32 to vector<256x2048xf32>
    %select_n3A_201 = arith.select %eq3A_198, %broadcast_in_dim3A_200, %select_n3A_179 : vector<256x2048xi1>, vector<256x2048xf32>
    %reduce_max3A_202 = arith.constant dense<0xFF800000> : vector<256xf32>
    %reduce_max3A_203 = vector.multi_reduction <maximumf>, %select_n3A_201, %reduce_max3A_202 [1] : vector<256x2048xf32> to vector<256xf32>
    %broadcast_in_dim3A_204 = vector.shape_cast %reduce_max3A_203 : vector<256xf32> to vector<256x1xf32>
    %eq3A_205 = vector.broadcast %broadcast_in_dim3A_204 : vector<256x1xf32> to vector<256x2048xf32>
    %eq3A_206 = arith.cmpf oeq, %select_n3A_201, %eq3A_205 : vector<256x2048xf32>
    %jit3A_207 = arith.constant 2048 : i32
    %broadcast_in_dim3A_208 = vector.broadcast %jit3A_207 : i32 to vector<256x2048xi32>
    %select_n3A_209 = arith.select %eq3A_206, %iota3A, %broadcast_in_dim3A_208 : vector<256x2048xi1>, vector<256x2048xi32>
    %reduce_min3A_210 = arith.constant dense<2147483647> : vector<256xi32>
    %reduce_min3A_211 = vector.multi_reduction <minsi>, %select_n3A_209, %reduce_min3A_210 [1] : vector<256x2048xi32> to vector<256xi32>
    %broadcast_in_dim3A_212 = vector.shape_cast %reduce_min3A_211 : vector<256xi32> to vector<256x1xi32>
    %eq3A_213 = arith.constant 8 : i32
    %eq3A_214 = vector.broadcast %eq3A_213 : i32 to vector<256x16xi32>
    %eq3A_215 = arith.cmpi eq, %iota3A_28, %eq3A_214 : vector<256x16xi32>
    %broadcast_in_dim3A_216 = vector.shape_cast %broadcast_in_dim3A_212 : vector<256x1xi32> to vector<256x1xi32>
    %broadcast_in_dim3A_217 = vector.broadcast %broadcast_in_dim3A_216 : vector<256x1xi32> to vector<256x16xi32>
    %select_n3A_218 = arith.select %eq3A_215, %broadcast_in_dim3A_217, %select_n3A_196 : vector<256x16xi1>, vector<256x16xi32>
    %eq3A_219 = vector.broadcast %broadcast_in_dim3A_212 : vector<256x1xi32> to vector<256x2048xi32>
    %eq3A_220 = arith.cmpi eq, %iota3A, %eq3A_219 : vector<256x2048xi32>
    %jit3A_221 = arith.constant 0xFF800000 : f32
    %broadcast_in_dim3A_222 = vector.broadcast %jit3A_221 : f32 to vector<256x2048xf32>
    %select_n3A_223 = arith.select %eq3A_220, %broadcast_in_dim3A_222, %select_n3A_201 : vector<256x2048xi1>, vector<256x2048xf32>
    %reduce_max3A_224 = arith.constant dense<0xFF800000> : vector<256xf32>
    %reduce_max3A_225 = vector.multi_reduction <maximumf>, %select_n3A_223, %reduce_max3A_224 [1] : vector<256x2048xf32> to vector<256xf32>
    %broadcast_in_dim3A_226 = vector.shape_cast %reduce_max3A_225 : vector<256xf32> to vector<256x1xf32>
    %eq3A_227 = vector.broadcast %broadcast_in_dim3A_226 : vector<256x1xf32> to vector<256x2048xf32>
    %eq3A_228 = arith.cmpf oeq, %select_n3A_223, %eq3A_227 : vector<256x2048xf32>
    %jit3A_229 = arith.constant 2048 : i32
    %broadcast_in_dim3A_230 = vector.broadcast %jit3A_229 : i32 to vector<256x2048xi32>
    %select_n3A_231 = arith.select %eq3A_228, %iota3A, %broadcast_in_dim3A_230 : vector<256x2048xi1>, vector<256x2048xi32>
    %reduce_min3A_232 = arith.constant dense<2147483647> : vector<256xi32>
    %reduce_min3A_233 = vector.multi_reduction <minsi>, %select_n3A_231, %reduce_min3A_232 [1] : vector<256x2048xi32> to vector<256xi32>
    %broadcast_in_dim3A_234 = vector.shape_cast %reduce_min3A_233 : vector<256xi32> to vector<256x1xi32>
    %eq3A_235 = arith.constant 9 : i32
    %eq3A_236 = vector.broadcast %eq3A_235 : i32 to vector<256x16xi32>
    %eq3A_237 = arith.cmpi eq, %iota3A_28, %eq3A_236 : vector<256x16xi32>
    %broadcast_in_dim3A_238 = vector.shape_cast %broadcast_in_dim3A_234 : vector<256x1xi32> to vector<256x1xi32>
    %broadcast_in_dim3A_239 = vector.broadcast %broadcast_in_dim3A_238 : vector<256x1xi32> to vector<256x16xi32>
    %select_n3A_240 = arith.select %eq3A_237, %broadcast_in_dim3A_239, %select_n3A_218 : vector<256x16xi1>, vector<256x16xi32>
    %eq3A_241 = vector.broadcast %broadcast_in_dim3A_234 : vector<256x1xi32> to vector<256x2048xi32>
    %eq3A_242 = arith.cmpi eq, %iota3A, %eq3A_241 : vector<256x2048xi32>
    %jit3A_243 = arith.constant 0xFF800000 : f32
    %broadcast_in_dim3A_244 = vector.broadcast %jit3A_243 : f32 to vector<256x2048xf32>
    %select_n3A_245 = arith.select %eq3A_242, %broadcast_in_dim3A_244, %select_n3A_223 : vector<256x2048xi1>, vector<256x2048xf32>
    %reduce_max3A_246 = arith.constant dense<0xFF800000> : vector<256xf32>
    %reduce_max3A_247 = vector.multi_reduction <maximumf>, %select_n3A_245, %reduce_max3A_246 [1] : vector<256x2048xf32> to vector<256xf32>
    %broadcast_in_dim3A_248 = vector.shape_cast %reduce_max3A_247 : vector<256xf32> to vector<256x1xf32>
    %eq3A_249 = vector.broadcast %broadcast_in_dim3A_248 : vector<256x1xf32> to vector<256x2048xf32>
    %eq3A_250 = arith.cmpf oeq, %select_n3A_245, %eq3A_249 : vector<256x2048xf32>
    %jit3A_251 = arith.constant 2048 : i32
    %broadcast_in_dim3A_252 = vector.broadcast %jit3A_251 : i32 to vector<256x2048xi32>
    %select_n3A_253 = arith.select %eq3A_250, %iota3A, %broadcast_in_dim3A_252 : vector<256x2048xi1>, vector<256x2048xi32>
    %reduce_min3A_254 = arith.constant dense<2147483647> : vector<256xi32>
    %reduce_min3A_255 = vector.multi_reduction <minsi>, %select_n3A_253, %reduce_min3A_254 [1] : vector<256x2048xi32> to vector<256xi32>
    %broadcast_in_dim3A_256 = vector.shape_cast %reduce_min3A_255 : vector<256xi32> to vector<256x1xi32>
    %eq3A_257 = arith.constant 10 : i32
    %eq3A_258 = vector.broadcast %eq3A_257 : i32 to vector<256x16xi32>
    %eq3A_259 = arith.cmpi eq, %iota3A_28, %eq3A_258 : vector<256x16xi32>
    %broadcast_in_dim3A_260 = vector.shape_cast %broadcast_in_dim3A_256 : vector<256x1xi32> to vector<256x1xi32>
    %broadcast_in_dim3A_261 = vector.broadcast %broadcast_in_dim3A_260 : vector<256x1xi32> to vector<256x16xi32>
    %select_n3A_262 = arith.select %eq3A_259, %broadcast_in_dim3A_261, %select_n3A_240 : vector<256x16xi1>, vector<256x16xi32>
    %eq3A_263 = vector.broadcast %broadcast_in_dim3A_256 : vector<256x1xi32> to vector<256x2048xi32>
    %eq3A_264 = arith.cmpi eq, %iota3A, %eq3A_263 : vector<256x2048xi32>
    %jit3A_265 = arith.constant 0xFF800000 : f32
    %broadcast_in_dim3A_266 = vector.broadcast %jit3A_265 : f32 to vector<256x2048xf32>
    %select_n3A_267 = arith.select %eq3A_264, %broadcast_in_dim3A_266, %select_n3A_245 : vector<256x2048xi1>, vector<256x2048xf32>
    %reduce_max3A_268 = arith.constant dense<0xFF800000> : vector<256xf32>
    %reduce_max3A_269 = vector.multi_reduction <maximumf>, %select_n3A_267, %reduce_max3A_268 [1] : vector<256x2048xf32> to vector<256xf32>
    %broadcast_in_dim3A_270 = vector.shape_cast %reduce_max3A_269 : vector<256xf32> to vector<256x1xf32>
    %eq3A_271 = vector.broadcast %broadcast_in_dim3A_270 : vector<256x1xf32> to vector<256x2048xf32>
    %eq3A_272 = arith.cmpf oeq, %select_n3A_267, %eq3A_271 : vector<256x2048xf32>
    %jit3A_273 = arith.constant 2048 : i32
    %broadcast_in_dim3A_274 = vector.broadcast %jit3A_273 : i32 to vector<256x2048xi32>
    %select_n3A_275 = arith.select %eq3A_272, %iota3A, %broadcast_in_dim3A_274 : vector<256x2048xi1>, vector<256x2048xi32>
    %reduce_min3A_276 = arith.constant dense<2147483647> : vector<256xi32>
    %reduce_min3A_277 = vector.multi_reduction <minsi>, %select_n3A_275, %reduce_min3A_276 [1] : vector<256x2048xi32> to vector<256xi32>
    %broadcast_in_dim3A_278 = vector.shape_cast %reduce_min3A_277 : vector<256xi32> to vector<256x1xi32>
    %eq3A_279 = arith.constant 11 : i32
    %eq3A_280 = vector.broadcast %eq3A_279 : i32 to vector<256x16xi32>
    %eq3A_281 = arith.cmpi eq, %iota3A_28, %eq3A_280 : vector<256x16xi32>
    %broadcast_in_dim3A_282 = vector.shape_cast %broadcast_in_dim3A_278 : vector<256x1xi32> to vector<256x1xi32>
    %broadcast_in_dim3A_283 = vector.broadcast %broadcast_in_dim3A_282 : vector<256x1xi32> to vector<256x16xi32>
    %select_n3A_284 = arith.select %eq3A_281, %broadcast_in_dim3A_283, %select_n3A_262 : vector<256x16xi1>, vector<256x16xi32>
    %eq3A_285 = vector.broadcast %broadcast_in_dim3A_278 : vector<256x1xi32> to vector<256x2048xi32>
    %eq3A_286 = arith.cmpi eq, %iota3A, %eq3A_285 : vector<256x2048xi32>
    %jit3A_287 = arith.constant 0xFF800000 : f32
    %broadcast_in_dim3A_288 = vector.broadcast %jit3A_287 : f32 to vector<256x2048xf32>
    %select_n3A_289 = arith.select %eq3A_286, %broadcast_in_dim3A_288, %select_n3A_267 : vector<256x2048xi1>, vector<256x2048xf32>
    %reduce_max3A_290 = arith.constant dense<0xFF800000> : vector<256xf32>
    %reduce_max3A_291 = vector.multi_reduction <maximumf>, %select_n3A_289, %reduce_max3A_290 [1] : vector<256x2048xf32> to vector<256xf32>
    %broadcast_in_dim3A_292 = vector.shape_cast %reduce_max3A_291 : vector<256xf32> to vector<256x1xf32>
    %eq3A_293 = vector.broadcast %broadcast_in_dim3A_292 : vector<256x1xf32> to vector<256x2048xf32>
    %eq3A_294 = arith.cmpf oeq, %select_n3A_289, %eq3A_293 : vector<256x2048xf32>
    %jit3A_295 = arith.constant 2048 : i32
    %broadcast_in_dim3A_296 = vector.broadcast %jit3A_295 : i32 to vector<256x2048xi32>
    %select_n3A_297 = arith.select %eq3A_294, %iota3A, %broadcast_in_dim3A_296 : vector<256x2048xi1>, vector<256x2048xi32>
    %reduce_min3A_298 = arith.constant dense<2147483647> : vector<256xi32>
    %reduce_min3A_299 = vector.multi_reduction <minsi>, %select_n3A_297, %reduce_min3A_298 [1] : vector<256x2048xi32> to vector<256xi32>
    %broadcast_in_dim3A_300 = vector.shape_cast %reduce_min3A_299 : vector<256xi32> to vector<256x1xi32>
    %eq3A_301 = arith.constant 12 : i32
    %eq3A_302 = vector.broadcast %eq3A_301 : i32 to vector<256x16xi32>
    %eq3A_303 = arith.cmpi eq, %iota3A_28, %eq3A_302 : vector<256x16xi32>
    %broadcast_in_dim3A_304 = vector.shape_cast %broadcast_in_dim3A_300 : vector<256x1xi32> to vector<256x1xi32>
    %broadcast_in_dim3A_305 = vector.broadcast %broadcast_in_dim3A_304 : vector<256x1xi32> to vector<256x16xi32>
    %select_n3A_306 = arith.select %eq3A_303, %broadcast_in_dim3A_305, %select_n3A_284 : vector<256x16xi1>, vector<256x16xi32>
    %eq3A_307 = vector.broadcast %broadcast_in_dim3A_300 : vector<256x1xi32> to vector<256x2048xi32>
    %eq3A_308 = arith.cmpi eq, %iota3A, %eq3A_307 : vector<256x2048xi32>
    %jit3A_309 = arith.constant 0xFF800000 : f32
    %broadcast_in_dim3A_310 = vector.broadcast %jit3A_309 : f32 to vector<256x2048xf32>
    %select_n3A_311 = arith.select %eq3A_308, %broadcast_in_dim3A_310, %select_n3A_289 : vector<256x2048xi1>, vector<256x2048xf32>
    %reduce_max3A_312 = arith.constant dense<0xFF800000> : vector<256xf32>
    %reduce_max3A_313 = vector.multi_reduction <maximumf>, %select_n3A_311, %reduce_max3A_312 [1] : vector<256x2048xf32> to vector<256xf32>
    %broadcast_in_dim3A_314 = vector.shape_cast %reduce_max3A_313 : vector<256xf32> to vector<256x1xf32>
    %eq3A_315 = vector.broadcast %broadcast_in_dim3A_314 : vector<256x1xf32> to vector<256x2048xf32>
    %eq3A_316 = arith.cmpf oeq, %select_n3A_311, %eq3A_315 : vector<256x2048xf32>
    %jit3A_317 = arith.constant 2048 : i32
    %broadcast_in_dim3A_318 = vector.broadcast %jit3A_317 : i32 to vector<256x2048xi32>
    %select_n3A_319 = arith.select %eq3A_316, %iota3A, %broadcast_in_dim3A_318 : vector<256x2048xi1>, vector<256x2048xi32>
    %reduce_min3A_320 = arith.constant dense<2147483647> : vector<256xi32>
    %reduce_min3A_321 = vector.multi_reduction <minsi>, %select_n3A_319, %reduce_min3A_320 [1] : vector<256x2048xi32> to vector<256xi32>
    %broadcast_in_dim3A_322 = vector.shape_cast %reduce_min3A_321 : vector<256xi32> to vector<256x1xi32>
    %eq3A_323 = arith.constant 13 : i32
    %eq3A_324 = vector.broadcast %eq3A_323 : i32 to vector<256x16xi32>
    %eq3A_325 = arith.cmpi eq, %iota3A_28, %eq3A_324 : vector<256x16xi32>
    %broadcast_in_dim3A_326 = vector.shape_cast %broadcast_in_dim3A_322 : vector<256x1xi32> to vector<256x1xi32>
    %broadcast_in_dim3A_327 = vector.broadcast %broadcast_in_dim3A_326 : vector<256x1xi32> to vector<256x16xi32>
    %select_n3A_328 = arith.select %eq3A_325, %broadcast_in_dim3A_327, %select_n3A_306 : vector<256x16xi1>, vector<256x16xi32>
    %eq3A_329 = vector.broadcast %broadcast_in_dim3A_322 : vector<256x1xi32> to vector<256x2048xi32>
    %eq3A_330 = arith.cmpi eq, %iota3A, %eq3A_329 : vector<256x2048xi32>
    %jit3A_331 = arith.constant 0xFF800000 : f32
    %broadcast_in_dim3A_332 = vector.broadcast %jit3A_331 : f32 to vector<256x2048xf32>
    %select_n3A_333 = arith.select %eq3A_330, %broadcast_in_dim3A_332, %select_n3A_311 : vector<256x2048xi1>, vector<256x2048xf32>
    %reduce_max3A_334 = arith.constant dense<0xFF800000> : vector<256xf32>
    %reduce_max3A_335 = vector.multi_reduction <maximumf>, %select_n3A_333, %reduce_max3A_334 [1] : vector<256x2048xf32> to vector<256xf32>
    %broadcast_in_dim3A_336 = vector.shape_cast %reduce_max3A_335 : vector<256xf32> to vector<256x1xf32>
    %eq3A_337 = vector.broadcast %broadcast_in_dim3A_336 : vector<256x1xf32> to vector<256x2048xf32>
    %eq3A_338 = arith.cmpf oeq, %select_n3A_333, %eq3A_337 : vector<256x2048xf32>
    %jit3A_339 = arith.constant 2048 : i32
    %broadcast_in_dim3A_340 = vector.broadcast %jit3A_339 : i32 to vector<256x2048xi32>
    %select_n3A_341 = arith.select %eq3A_338, %iota3A, %broadcast_in_dim3A_340 : vector<256x2048xi1>, vector<256x2048xi32>
    %reduce_min3A_342 = arith.constant dense<2147483647> : vector<256xi32>
    %reduce_min3A_343 = vector.multi_reduction <minsi>, %select_n3A_341, %reduce_min3A_342 [1] : vector<256x2048xi32> to vector<256xi32>
    %broadcast_in_dim3A_344 = vector.shape_cast %reduce_min3A_343 : vector<256xi32> to vector<256x1xi32>
    %eq3A_345 = arith.constant 14 : i32
    %eq3A_346 = vector.broadcast %eq3A_345 : i32 to vector<256x16xi32>
    %eq3A_347 = arith.cmpi eq, %iota3A_28, %eq3A_346 : vector<256x16xi32>
    %broadcast_in_dim3A_348 = vector.shape_cast %broadcast_in_dim3A_344 : vector<256x1xi32> to vector<256x1xi32>
    %broadcast_in_dim3A_349 = vector.broadcast %broadcast_in_dim3A_348 : vector<256x1xi32> to vector<256x16xi32>
    %select_n3A_350 = arith.select %eq3A_347, %broadcast_in_dim3A_349, %select_n3A_328 : vector<256x16xi1>, vector<256x16xi32>
    %eq3A_351 = vector.broadcast %broadcast_in_dim3A_344 : vector<256x1xi32> to vector<256x2048xi32>
    %eq3A_352 = arith.cmpi eq, %iota3A, %eq3A_351 : vector<256x2048xi32>
    %jit3A_353 = arith.constant 0xFF800000 : f32
    %broadcast_in_dim3A_354 = vector.broadcast %jit3A_353 : f32 to vector<256x2048xf32>
    %select_n3A_355 = arith.select %eq3A_352, %broadcast_in_dim3A_354, %select_n3A_333 : vector<256x2048xi1>, vector<256x2048xf32>
    %reduce_max3A_356 = arith.constant dense<0xFF800000> : vector<256xf32>
    %reduce_max3A_357 = vector.multi_reduction <maximumf>, %select_n3A_355, %reduce_max3A_356 [1] : vector<256x2048xf32> to vector<256xf32>
    %broadcast_in_dim3A_358 = vector.shape_cast %reduce_max3A_357 : vector<256xf32> to vector<256x1xf32>
    %eq3A_359 = vector.broadcast %broadcast_in_dim3A_358 : vector<256x1xf32> to vector<256x2048xf32>
    %eq3A_360 = arith.cmpf oeq, %select_n3A_355, %eq3A_359 : vector<256x2048xf32>
    %jit3A_361 = arith.constant 2048 : i32
    %broadcast_in_dim3A_362 = vector.broadcast %jit3A_361 : i32 to vector<256x2048xi32>
    %select_n3A_363 = arith.select %eq3A_360, %iota3A, %broadcast_in_dim3A_362 : vector<256x2048xi1>, vector<256x2048xi32>
    %reduce_min3A_364 = arith.constant dense<2147483647> : vector<256xi32>
    %reduce_min3A_365 = vector.multi_reduction <minsi>, %select_n3A_363, %reduce_min3A_364 [1] : vector<256x2048xi32> to vector<256xi32>
    %broadcast_in_dim3A_366 = vector.shape_cast %reduce_min3A_365 : vector<256xi32> to vector<256x1xi32>
    %eq3A_367 = arith.constant 15 : i32
    %eq3A_368 = vector.broadcast %eq3A_367 : i32 to vector<256x16xi32>
    %eq3A_369 = arith.cmpi eq, %iota3A_28, %eq3A_368 : vector<256x16xi32>
    %broadcast_in_dim3A_370 = vector.shape_cast %broadcast_in_dim3A_366 : vector<256x1xi32> to vector<256x1xi32>
    %broadcast_in_dim3A_371 = vector.broadcast %broadcast_in_dim3A_370 : vector<256x1xi32> to vector<256x16xi32>
    %select_n3A_372 = arith.select %eq3A_369, %broadcast_in_dim3A_371, %select_n3A_350 : vector<256x16xi1>, vector<256x16xi32>
    %mul3A_373 = arith.constant 2048 : i32
    %mul3A_374 = arith.muli %arg0, %mul3A_373 : i32
    %add3A = vector.broadcast %mul3A_374 : i32 to vector<256x16xi32>
    %add3A_375 = arith.addi %select_n3A_372, %add3A : vector<256x16xi32>
    %swap3A = arith.constant 0 : index
    %swap3A_376 = arith.constant 0 : index
    %swap3A_377 = arith.constant 0 : index
    %swap3A_378 = vector.load %arg5[%swap3A, %swap3A_376, %swap3A_377] : memref<1x256x16xi32, #tpu.memory_space<vmem>>, vector<1x256x16xi32>
    %swap3A_379 = vector.shape_cast %swap3A_378 : vector<1x256x16xi32> to vector<256x16xi32>
    %swap3A_380 = vector.shape_cast %add3A_375 : vector<256x16xi32> to vector<1x256x16xi32>
    tpu.vector_store %arg5[%swap3A, %swap3A_376, %swap3A_377], %swap3A_380 {strides = array<i32>} : memref<1x256x16xi32, #tpu.memory_space<vmem>>, vector<1x256x16xi32>,
    return
  }
  func.func @transform_0(%arg0: i32, %arg1: i32) -> (i32, i32, i32) {
    %c0_i32 = arith.constant 0 : i32
    %c0_i32_0 = arith.constant 0 : i32
    return %arg0, %arg1, %c0_i32 : i32, i32, i32
  }
  func.func @transform_1(%arg0: i32, %arg1: i32) -> (i32, i32, i32) {
    %c0_i32 = arith.constant 0 : i32
    %c0_i32_0 = arith.constant 0 : i32
    %c0_i32_1 = arith.constant 0 : i32
    return %arg0, %c0_i32, %c0_i32_0 : i32, i32, i32
  }
  func.func @transform_2(%arg0: i32, %arg1: i32) -> (i32, i32, i32) {
    %c0_i32 = arith.constant 0 : i32
    %c0_i32_0 = arith.constant 0 : i32
    %c0_i32_1 = arith.constant 0 : i32
    return %arg0, %c0_i32, %c0_i32_0 : i32, i32, i32
  }
  func.func @transform_3(%arg0: i32, %arg1: i32) -> (i32, i32, i32) {
    %c0_i32 = arith.constant 0 : i32
    %c0_i32_0 = arith.constant 0 : i32
    return %arg0, %arg1, %c0_i32 : i32, i32, i32
  }
}

module attributes {stable_mosaic.version = 14 : i64} {
  func.func @body(%arg0: i32, %arg1: i32, %arg2: memref<1x256x128xf32, #tpu.memory_space<vmem>>, %arg3: memref<1x2048x128xf32, #tpu.memory_space<vmem>>, %arg4: memref<1x1x2048xf32, #tpu.memory_space<vmem>>, %arg5: memref<1x256x16xi32, #tpu.memory_space<vmem>>) attributes {dimension_semantics = [#tpu.dimension_semantics<arbitrary>, #tpu.dimension_semantics<arbitrary>], iteration_bounds = array<i64: 4, 8>, scalar_prefetch = 0 : i64, scratch_operands = 0 : i64, tpu.core_type = #tpu.core_type<tc>, window_params = [{transform_indices = @transform_0, window_bounds = array<i64: 1, 256, 128>}, {transform_indices = @transform_1, window_bounds = array<i64: 1, 2048, 128>}, {transform_indices = @transform_2, window_bounds = array<i64: 1, 1, 2048>}, {transform_indices = @transform_3, window_bounds = array<i64: 1, 256, 16>}]} {
    %get3A = arith.constant 0 : index
    %get3A_0 = arith.constant 0 : index
    %get3A_1 = arith.constant 0 : index
    %get3A_2 = vector.load %arg2[%get3A, %get3A_0, %get3A_1] : memref<1x256x128xf32, #tpu.memory_space<vmem>>, vector<1x256x128xf32>
    %get3A_3 = vector.shape_cast %get3A_2 : vector<1x256x128xf32> to vector<256x128xf32>
    %get3A_4 = arith.constant 0 : index
    %get3A_5 = arith.constant 0 : index
    %get3A_6 = arith.constant 0 : index
    %get3A_7 = vector.load %arg3[%get3A_4, %get3A_5, %get3A_6] : memref<1x2048x128xf32, #tpu.memory_space<vmem>>, vector<1x2048x128xf32>
    %get3A_8 = vector.shape_cast %get3A_7 : vector<1x2048x128xf32> to vector<2048x128xf32>
    %dot_general3A = arith.constant dense<0.000000e+00> : vector<256x2048xf32>
    %dot_general3A_9 = tpu.matmul %get3A_3, %get3A_8, %dot_general3A {dimension_numbers = #tpu.dot_dimension_numbers<[1], [1], [0], [0], [0, 0, 1, 0], [], []>, transpose_lhs_hint = false} : vector<256x128xf32>, vector<2048x128xf32>, vector<256x2048xf32> -> vector<256x2048xf32>
    %get3A_10 = arith.constant 0 : index
    %get3A_11 = arith.constant 0 : index
    %get3A_12 = arith.constant 0 : index
    %get3A_13 = vector.load %arg4[%get3A_10, %get3A_11, %get3A_12] : memref<1x1x2048xf32, #tpu.memory_space<vmem>>, vector<1x1x2048xf32>
    %get3A_14 = vector.shape_cast %get3A_13 : vector<1x1x2048xf32> to vector<2048xf32>
    %mul3A = arith.constant 256 : i32
    %mul3A_15 = arith.muli %arg1, %mul3A : i32
    %get3A_16 = arith.constant 0 : index
    %get3A_17 = arith.constant 0 : index
    %get3A_18 = arith.index_cast %mul3A_15 : i32 to index
    %get3A_19 = vector.load %arg4[%get3A_16, %get3A_17, %get3A_18] : memref<1x1x2048xf32, #tpu.memory_space<vmem>>, vector<1x1x256xf32>
    %get3A_20 = vector.shape_cast %get3A_19 : vector<1x1x256xf32> to vector<256xf32>
    %mul3A_21 = arith.constant 2.000000e+00 : f32
    %mul3A_22 = vector.broadcast %mul3A_21 : f32 to vector<256x2048xf32>
    %mul3A_23 = arith.mulf %mul3A_22, %dot_general3A_9 : vector<256x2048xf32>
    %broadcast_in_dim3A = vector.shape_cast %get3A_20 : vector<256xf32> to vector<256x1xf32>
    %sub3A = vector.broadcast %broadcast_in_dim3A : vector<256x1xf32> to vector<256x2048xf32>
    %sub3A_24 = arith.subf %mul3A_23, %sub3A : vector<256x2048xf32>
    %broadcast_in_dim3A_25 = vector.shape_cast %get3A_14 : vector<2048xf32> to vector<1x2048xf32>
    %sub3A_26 = vector.broadcast %broadcast_in_dim3A_25 : vector<1x2048xf32> to vector<256x2048xf32>
    %sub3A_27 = arith.subf %sub3A_24, %sub3A_26 : vector<256x2048xf32>
    %iota3A = tpu.iota {dimensions = array<i32: 1>} : vector<256x2048xi32>
    %iota3A_28 = tpu.iota {dimensions = array<i32: 1>} : vector<256x16xi32>
    %broadcast_in_dim3A_29 = arith.constant 0 : i32
    %broadcast_in_dim3A_30 = vector.broadcast %broadcast_in_dim3A_29 : i32 to vector<256x16xi32>
    %reduce_max3A = arith.constant dense<0xFF800000> : vector<256xf32>
    %reduce_max3A_31 = vector.multi_reduction <maximumf>, %sub3A_27, %reduce_max3A [1] : vector<256x2048xf32> to vector<256xf32>
    %broadcast_in_dim3A_32 = vector.shape_cast %reduce_max3A_31 : vector<256xf32> to vector<256x1xf32>
    %eq3A = vector.broadcast %broadcast_in_dim3A_32 : vector<256x1xf32> to vector<256x2048xf32>
    %eq3A_33 = arith.cmpf oeq, %sub3A_27, %eq3A : vector<256x2048xf32>
    %jit3A = arith.constant 2048 : i32
    %broadcast_in_dim3A_34 = vector.broadcast %jit3A : i32 to vector<256x2048xi32>
    %select_n3A = arith.select %eq3A_33, %iota3A, %broadcast_in_dim3A_34 : vector<256x2048xi1>, vector<256x2048xi32>
    %reduce_min3A = arith.constant dense<2147483647> : vector<256xi32>
    %reduce_min3A_35 = vector.multi_reduction <minsi>, %select_n3A, %reduce_min3A [1] : vector<256x2048xi32> to vector<256xi32>
    %broadcast_in_dim3A_36 = vector.shape_cast %reduce_min3A_35 : vector<256xi32> to vector<256x1xi32>
    %eq3A_37 = arith.constant 0 : i32
    %eq3A_38 = vector.broadcast %eq3A_37 : i32 to vector<256x16xi32>
    %eq3A_39 = arith.cmpi eq, %iota3A_28, %eq3A_38 : vector<256x16xi32>
    %broadcast_in_dim3A_40 = vector.shape_cast %broadcast_in_dim3A_36 : vector<256x1xi32> to vector<256x1xi32>
    %broadcast_in_dim3A_41 = vector.broadcast %broadcast_in_dim3A_40 : vector<256x1xi32> to vector<256x16xi32>
    %select_n3A_42 = arith.select %eq3A_39, %broadcast_in_dim3A_41, %broadcast_in_dim3A_30 : vector<256x16xi1>, vector<256x16xi32>
    %eq3A_43 = vector.broadcast %broadcast_in_dim3A_36 : vector<256x1xi32> to vector<256x2048xi32>
    %eq3A_44 = arith.cmpi eq, %iota3A, %eq3A_43 : vector<256x2048xi32>
    %jit3A_45 = arith.constant 0xFF800000 : f32
    %broadcast_in_dim3A_46 = vector.broadcast %jit3A_45 : f32 to vector<256x2048xf32>
    %select_n3A_47 = arith.select %eq3A_44, %broadcast_in_dim3A_46, %sub3A_27 : vector<256x2048xi1>, vector<256x2048xf32>
    %reduce_max3A_48 = arith.constant dense<0xFF800000> : vector<256xf32>
    %reduce_max3A_49 = vector.multi_reduction <maximumf>, %select_n3A_47, %reduce_max3A_48 [1] : vector<256x2048xf32> to vector<256xf32>
    %broadcast_in_dim3A_50 = vector.shape_cast %reduce_max3A_49 : vector<256xf32> to vector<256x1xf32>
    %eq3A_51 = vector.broadcast %broadcast_in_dim3A_50 : vector<256x1xf32> to vector<256x2048xf32>
    %eq3A_52 = arith.cmpf oeq, %select_n3A_47, %eq3A_51 : vector<256x2048xf32>
    %jit3A_53 = arith.constant 2048 : i32
    %broadcast_in_dim3A_54 = vector.broadcast %jit3A_53 : i32 to vector<256x2048xi32>
    %select_n3A_55 = arith.select %eq3A_52, %iota3A, %broadcast_in_dim3A_54 : vector<256x2048xi1>, vector<256x2048xi32>
    %reduce_min3A_56 = arith.constant dense<2147483647> : vector<256xi32>
    %reduce_min3A_57 = vector.multi_reduction <minsi>, %select_n3A_55, %reduce_min3A_56 [1] : vector<256x2048xi32> to vector<256xi32>
    %broadcast_in_dim3A_58 = vector.shape_cast %reduce_min3A_57 : vector<256xi32> to vector<256x1xi32>
    %eq3A_59 = arith.constant 1 : i32
    %eq3A_60 = vector.broadcast %eq3A_59 : i32 to vector<256x16xi32>
    %eq3A_61 = arith.cmpi eq, %iota3A_28, %eq3A_60 : vector<256x16xi32>
    %broadcast_in_dim3A_62 = vector.shape_cast %broadcast_in_dim3A_58 : vector<256x1xi32> to vector<256x1xi32>
    %broadcast_in_dim3A_63 = vector.broadcast %broadcast_in_dim3A_62 : vector<256x1xi32> to vector<256x16xi32>
    %select_n3A_64 = arith.select %eq3A_61, %broadcast_in_dim3A_63, %select_n3A_42 : vector<256x16xi1>, vector<256x16xi32>
    %eq3A_65 = vector.broadcast %broadcast_in_dim3A_58 : vector<256x1xi32> to vector<256x2048xi32>
    %eq3A_66 = arith.cmpi eq, %iota3A, %eq3A_65 : vector<256x2048xi32>
    %jit3A_67 = arith.constant 0xFF800000 : f32
    %broadcast_in_dim3A_68 = vector.broadcast %jit3A_67 : f32 to vector<256x2048xf32>
    %select_n3A_69 = arith.select %eq3A_66, %broadcast_in_dim3A_68, %select_n3A_47 : vector<256x2048xi1>, vector<256x2048xf32>
    %reduce_max3A_70 = arith.constant dense<0xFF800000> : vector<256xf32>
    %reduce_max3A_71 = vector.multi_reduction <maximumf>, %select_n3A_69, %reduce_max3A_70 [1] : vector<256x2048xf32> to vector<256xf32>
    %broadcast_in_dim3A_72 = vector.shape_cast %reduce_max3A_71 : vector<256xf32> to vector<256x1xf32>
    %eq3A_73 = vector.broadcast %broadcast_in_dim3A_72 : vector<256x1xf32> to vector<256x2048xf32>
    %eq3A_74 = arith.cmpf oeq, %select_n3A_69, %eq3A_73 : vector<256x2048xf32>
    %jit3A_75 = arith.constant 2048 : i32
    %broadcast_in_dim3A_76 = vector.broadcast %jit3A_75 : i32 to vector<256x2048xi32>
    %select_n3A_77 = arith.select %eq3A_74, %iota3A, %broadcast_in_dim3A_76 : vector<256x2048xi1>, vector<256x2048xi32>
    %reduce_min3A_78 = arith.constant dense<2147483647> : vector<256xi32>
    %reduce_min3A_79 = vector.multi_reduction <minsi>, %select_n3A_77, %reduce_min3A_78 [1] : vector<256x2048xi32> to vector<256xi32>
    %broadcast_in_dim3A_80 = vector.shape_cast %reduce_min3A_79 : vector<256xi32> to vector<256x1xi32>
    %eq3A_81 = arith.constant 2 : i32
    %eq3A_82 = vector.broadcast %eq3A_81 : i32 to vector<256x16xi32>
    %eq3A_83 = arith.cmpi eq, %iota3A_28, %eq3A_82 : vector<256x16xi32>
    %broadcast_in_dim3A_84 = vector.shape_cast %broadcast_in_dim3A_80 : vector<256x1xi32> to vector<256x1xi32>
    %broadcast_in_dim3A_85 = vector.broadcast %broadcast_in_dim3A_84 : vector<256x1xi32> to vector<256x16xi32>
    %select_n3A_86 = arith.select %eq3A_83, %broadcast_in_dim3A_85, %select_n3A_64 : vector<256x16xi1>, vector<256x16xi32>
    %eq3A_87 = vector.broadcast %broadcast_in_dim3A_80 : vector<256x1xi32> to vector<256x2048xi32>
    %eq3A_88 = arith.cmpi eq, %iota3A, %eq3A_87 : vector<256x2048xi32>
    %jit3A_89 = arith.constant 0xFF800000 : f32
    %broadcast_in_dim3A_90 = vector.broadcast %jit3A_89 : f32 to vector<256x2048xf32>
    %select_n3A_91 = arith.select %eq3A_88, %broadcast_in_dim3A_90, %select_n3A_69 : vector<256x2048xi1>, vector<256x2048xf32>
    %reduce_max3A_92 = arith.constant dense<0xFF800000> : vector<256xf32>
    %reduce_max3A_93 = vector.multi_reduction <maximumf>, %select_n3A_91, %reduce_max3A_92 [1] : vector<256x2048xf32> to vector<256xf32>
    %broadcast_in_dim3A_94 = vector.shape_cast %reduce_max3A_93 : vector<256xf32> to vector<256x1xf32>
    %eq3A_95 = vector.broadcast %broadcast_in_dim3A_94 : vector<256x1xf32> to vector<256x2048xf32>
    %eq3A_96 = arith.cmpf oeq, %select_n3A_91, %eq3A_95 : vector<256x2048xf32>
    %jit3A_97 = arith.constant 2048 : i32
    %broadcast_in_dim3A_98 = vector.broadcast %jit3A_97 : i32 to vector<256x2048xi32>
    %select_n3A_99 = arith.select %eq3A_96, %iota3A, %broadcast_in_dim3A_98 : vector<256x2048xi1>, vector<256x2048xi32>
    %reduce_min3A_100 = arith.constant dense<2147483647> : vector<256xi32>
    %reduce_min3A_101 = vector.multi_reduction <minsi>, %select_n3A_99, %reduce_min3A_100 [1] : vector<256x2048xi32> to vector<256xi32>
    %broadcast_in_dim3A_102 = vector.shape_cast %reduce_min3A_101 : vector<256xi32> to vector<256x1xi32>
    %eq3A_103 = arith.constant 3 : i32
    %eq3A_104 = vector.broadcast %eq3A_103 : i32 to vector<256x16xi32>
    %eq3A_105 = arith.cmpi eq, %iota3A_28, %eq3A_104 : vector<256x16xi32>
    %broadcast_in_dim3A_106 = vector.shape_cast %broadcast_in_dim3A_102 : vector<256x1xi32> to vector<256x1xi32>
    %broadcast_in_dim3A_107 = vector.broadcast %broadcast_in_dim3A_106 : vector<256x1xi32> to vector<256x16xi32>
    %select_n3A_108 = arith.select %eq3A_105, %broadcast_in_dim3A_107, %select_n3A_86 : vector<256x16xi1>, vector<256x16xi32>
    %eq3A_109 = vector.broadcast %broadcast_in_dim3A_102 : vector<256x1xi32> to vector<256x2048xi32>
    %eq3A_110 = arith.cmpi eq, %iota3A, %eq3A_109 : vector<256x2048xi32>
    %jit3A_111 = arith.constant 0xFF800000 : f32
    %broadcast_in_dim3A_112 = vector.broadcast %jit3A_111 : f32 to vector<256x2048xf32>
    %select_n3A_113 = arith.select %eq3A_110, %broadcast_in_dim3A_112, %select_n3A_91 : vector<256x2048xi1>, vector<256x2048xf32>
    %reduce_max3A_114 = arith.constant dense<0xFF800000> : vector<256xf32>
    %reduce_max3A_115 = vector.multi_reduction <maximumf>, %select_n3A_113, %reduce_max3A_114 [1] : vector<256x2048xf32> to vector<256xf32>
    %broadcast_in_dim3A_116 = vector.shape_cast %reduce_max3A_115 : vector<256xf32> to vector<256x1xf32>
    %eq3A_117 = vector.broadcast %broadcast_in_dim3A_116 : vector<256x1xf32> to vector<256x2048xf32>
    %eq3A_118 = arith.cmpf oeq, %select_n3A_113, %eq3A_117 : vector<256x2048xf32>
    %jit3A_119 = arith.constant 2048 : i32
    %broadcast_in_dim3A_120 = vector.broadcast %jit3A_119 : i32 to vector<256x2048xi32>
    %select_n3A_121 = arith.select %eq3A_118, %iota3A, %broadcast_in_dim3A_120 : vector<256x2048xi1>, vector<256x2048xi32>
    %reduce_min3A_122 = arith.constant dense<2147483647> : vector<256xi32>
    %reduce_min3A_123 = vector.multi_reduction <minsi>, %select_n3A_121, %reduce_min3A_122 [1] : vector<256x2048xi32> to vector<256xi32>
    %broadcast_in_dim3A_124 = vector.shape_cast %reduce_min3A_123 : vector<256xi32> to vector<256x1xi32>
    %eq3A_125 = arith.constant 4 : i32
    %eq3A_126 = vector.broadcast %eq3A_125 : i32 to vector<256x16xi32>
    %eq3A_127 = arith.cmpi eq, %iota3A_28, %eq3A_126 : vector<256x16xi32>
    %broadcast_in_dim3A_128 = vector.shape_cast %broadcast_in_dim3A_124 : vector<256x1xi32> to vector<256x1xi32>
    %broadcast_in_dim3A_129 = vector.broadcast %broadcast_in_dim3A_128 : vector<256x1xi32> to vector<256x16xi32>
    %select_n3A_130 = arith.select %eq3A_127, %broadcast_in_dim3A_129, %select_n3A_108 : vector<256x16xi1>, vector<256x16xi32>
    %eq3A_131 = vector.broadcast %broadcast_in_dim3A_124 : vector<256x1xi32> to vector<256x2048xi32>
    %eq3A_132 = arith.cmpi eq, %iota3A, %eq3A_131 : vector<256x2048xi32>
    %jit3A_133 = arith.constant 0xFF800000 : f32
    %broadcast_in_dim3A_134 = vector.broadcast %jit3A_133 : f32 to vector<256x2048xf32>
    %select_n3A_135 = arith.select %eq3A_132, %broadcast_in_dim3A_134, %select_n3A_113 : vector<256x2048xi1>, vector<256x2048xf32>
    %reduce_max3A_136 = arith.constant dense<0xFF800000> : vector<256xf32>
    %reduce_max3A_137 = vector.multi_reduction <maximumf>, %select_n3A_135, %reduce_max3A_136 [1] : vector<256x2048xf32> to vector<256xf32>
    %broadcast_in_dim3A_138 = vector.shape_cast %reduce_max3A_137 : vector<256xf32> to vector<256x1xf32>
    %eq3A_139 = vector.broadcast %broadcast_in_dim3A_138 : vector<256x1xf32> to vector<256x2048xf32>
    %eq3A_140 = arith.cmpf oeq, %select_n3A_135, %eq3A_139 : vector<256x2048xf32>
    %jit3A_141 = arith.constant 2048 : i32
    %broadcast_in_dim3A_142 = vector.broadcast %jit3A_141 : i32 to vector<256x2048xi32>
    %select_n3A_143 = arith.select %eq3A_140, %iota3A, %broadcast_in_dim3A_142 : vector<256x2048xi1>, vector<256x2048xi32>
    %reduce_min3A_144 = arith.constant dense<2147483647> : vector<256xi32>
    %reduce_min3A_145 = vector.multi_reduction <minsi>, %select_n3A_143, %reduce_min3A_144 [1] : vector<256x2048xi32> to vector<256xi32>
    %broadcast_in_dim3A_146 = vector.shape_cast %reduce_min3A_145 : vector<256xi32> to vector<256x1xi32>
    %eq3A_147 = arith.constant 5 : i32
    %eq3A_148 = vector.broadcast %eq3A_147 : i32 to vector<256x16xi32>
    %eq3A_149 = arith.cmpi eq, %iota3A_28, %eq3A_148 : vector<256x16xi32>
    %broadcast_in_dim3A_150 = vector.shape_cast %broadcast_in_dim3A_146 : vector<256x1xi32> to vector<256x1xi32>
    %broadcast_in_dim3A_151 = vector.broadcast %broadcast_in_dim3A_150 : vector<256x1xi32> to vector<256x16xi32>
    %select_n3A_152 = arith.select %eq3A_149, %broadcast_in_dim3A_151, %select_n3A_130 : vector<256x16xi1>, vector<256x16xi32>
    %eq3A_153 = vector.broadcast %broadcast_in_dim3A_146 : vector<256x1xi32> to vector<256x2048xi32>
    %eq3A_154 = arith.cmpi eq, %iota3A, %eq3A_153 : vector<256x2048xi32>
    %jit3A_155 = arith.constant 0xFF800000 : f32
    %broadcast_in_dim3A_156 = vector.broadcast %jit3A_155 : f32 to vector<256x2048xf32>
    %select_n3A_157 = arith.select %eq3A_154, %broadcast_in_dim3A_156, %select_n3A_135 : vector<256x2048xi1>, vector<256x2048xf32>
    %reduce_max3A_158 = arith.constant dense<0xFF800000> : vector<256xf32>
    %reduce_max3A_159 = vector.multi_reduction <maximumf>, %select_n3A_157, %reduce_max3A_158 [1] : vector<256x2048xf32> to vector<256xf32>
    %broadcast_in_dim3A_160 = vector.shape_cast %reduce_max3A_159 : vector<256xf32> to vector<256x1xf32>
    %eq3A_161 = vector.broadcast %broadcast_in_dim3A_160 : vector<256x1xf32> to vector<256x2048xf32>
    %eq3A_162 = arith.cmpf oeq, %select_n3A_157, %eq3A_161 : vector<256x2048xf32>
    %jit3A_163 = arith.constant 2048 : i32
    %broadcast_in_dim3A_164 = vector.broadcast %jit3A_163 : i32 to vector<256x2048xi32>
    %select_n3A_165 = arith.select %eq3A_162, %iota3A, %broadcast_in_dim3A_164 : vector<256x2048xi1>, vector<256x2048xi32>
    %reduce_min3A_166 = arith.constant dense<2147483647> : vector<256xi32>
    %reduce_min3A_167 = vector.multi_reduction <minsi>, %select_n3A_165, %reduce_min3A_166 [1] : vector<256x2048xi32> to vector<256xi32>
    %broadcast_in_dim3A_168 = vector.shape_cast %reduce_min3A_167 : vector<256xi32> to vector<256x1xi32>
    %eq3A_169 = arith.constant 6 : i32
    %eq3A_170 = vector.broadcast %eq3A_169 : i32 to vector<256x16xi32>
    %eq3A_171 = arith.cmpi eq, %iota3A_28, %eq3A_170 : vector<256x16xi32>
    %broadcast_in_dim3A_172 = vector.shape_cast %broadcast_in_dim3A_168 : vector<256x1xi32> to vector<256x1xi32>
    %broadcast_in_dim3A_173 = vector.broadcast %broadcast_in_dim3A_172 : vector<256x1xi32> to vector<256x16xi32>
    %select_n3A_174 = arith.select %eq3A_171, %broadcast_in_dim3A_173, %select_n3A_152 : vector<256x16xi1>, vector<256x16xi32>
    %eq3A_175 = vector.broadcast %broadcast_in_dim3A_168 : vector<256x1xi32> to vector<256x2048xi32>
    %eq3A_176 = arith.cmpi eq, %iota3A, %eq3A_175 : vector<256x2048xi32>
    %jit3A_177 = arith.constant 0xFF800000 : f32
    %broadcast_in_dim3A_178 = vector.broadcast %jit3A_177 : f32 to vector<256x2048xf32>
    %select_n3A_179 = arith.select %eq3A_176, %broadcast_in_dim3A_178, %select_n3A_157 : vector<256x2048xi1>, vector<256x2048xf32>
    %reduce_max3A_180 = arith.constant dense<0xFF800000> : vector<256xf32>
    %reduce_max3A_181 = vector.multi_reduction <maximumf>, %select_n3A_179, %reduce_max3A_180 [1] : vector<256x2048xf32> to vector<256xf32>
    %broadcast_in_dim3A_182 = vector.shape_cast %reduce_max3A_181 : vector<256xf32> to vector<256x1xf32>
    %eq3A_183 = vector.broadcast %broadcast_in_dim3A_182 : vector<256x1xf32> to vector<256x2048xf32>
    %eq3A_184 = arith.cmpf oeq, %select_n3A_179, %eq3A_183 : vector<256x2048xf32>
    %jit3A_185 = arith.constant 2048 : i32
    %broadcast_in_dim3A_186 = vector.broadcast %jit3A_185 : i32 to vector<256x2048xi32>
    %select_n3A_187 = arith.select %eq3A_184, %iota3A, %broadcast_in_dim3A_186 : vector<256x2048xi1>, vector<256x2048xi32>
    %reduce_min3A_188 = arith.constant dense<2147483647> : vector<256xi32>
    %reduce_min3A_189 = vector.multi_reduction <minsi>, %select_n3A_187, %reduce_min3A_188 [1] : vector<256x2048xi32> to vector<256xi32>
    %broadcast_in_dim3A_190 = vector.shape_cast %reduce_min3A_189 : vector<256xi32> to vector<256x1xi32>
    %eq3A_191 = arith.constant 7 : i32
    %eq3A_192 = vector.broadcast %eq3A_191 : i32 to vector<256x16xi32>
    %eq3A_193 = arith.cmpi eq, %iota3A_28, %eq3A_192 : vector<256x16xi32>
    %broadcast_in_dim3A_194 = vector.shape_cast %broadcast_in_dim3A_190 : vector<256x1xi32> to vector<256x1xi32>
    %broadcast_in_dim3A_195 = vector.broadcast %broadcast_in_dim3A_194 : vector<256x1xi32> to vector<256x16xi32>
    %select_n3A_196 = arith.select %eq3A_193, %broadcast_in_dim3A_195, %select_n3A_174 : vector<256x16xi1>, vector<256x16xi32>
    %eq3A_197 = vector.broadcast %broadcast_in_dim3A_190 : vector<256x1xi32> to vector<256x2048xi32>
    %eq3A_198 = arith.cmpi eq, %iota3A, %eq3A_197 : vector<256x2048xi32>
    %jit3A_199 = arith.constant 0xFF800000 : f32
    %broadcast_in_dim3A_200 = vector.broadcast %jit3A_199 : f32 to vector<256x2048xf32>
    %select_n3A_201 = arith.select %eq3A_198, %broadcast_in_dim3A_200, %select_n3A_179 : vector<256x2048xi1>, vector<256x2048xf32>
    %reduce_max3A_202 = arith.constant dense<0xFF800000> : vector<256xf32>
    %reduce_max3A_203 = vector.multi_reduction <maximumf>, %select_n3A_201, %reduce_max3A_202 [1] : vector<256x2048xf32> to vector<256xf32>
    %broadcast_in_dim3A_204 = vector.shape_cast %reduce_max3A_203 : vector<256xf32> to vector<256x1xf32>
    %eq3A_205 = vector.broadcast %broadcast_in_dim3A_204 : vector<256x1xf32> to vector<256x2048xf32>
    %eq3A_206 = arith.cmpf oeq, %select_n3A_201, %eq3A_205 : vector<256x2048xf32>
    %jit3A_207 = arith.constant 2048 : i32
    %broadcast_in_dim3A_208 = vector.broadcast %jit3A_207 : i32 to vector<256x2048xi32>
    %select_n3A_209 = arith.select %eq3A_206, %iota3A, %broadcast_in_dim3A_208 : vector<256x2048xi1>, vector<256x2048xi32>
    %reduce_min3A_210 = arith.constant dense<2147483647> : vector<256xi32>
    %reduce_min3A_211 = vector.multi_reduction <minsi>, %select_n3A_209, %reduce_min3A_210 [1] : vector<256x2048xi32> to vector<256xi32>
    %broadcast_in_dim3A_212 = vector.shape_cast %reduce_min3A_211 : vector<256xi32> to vector<256x1xi32>
    %eq3A_213 = arith.constant 8 : i32
    %eq3A_214 = vector.broadcast %eq3A_213 : i32 to vector<256x16xi32>
    %eq3A_215 = arith.cmpi eq, %iota3A_28, %eq3A_214 : vector<256x16xi32>
    %broadcast_in_dim3A_216 = vector.shape_cast %broadcast_in_dim3A_212 : vector<256x1xi32> to vector<256x1xi32>
    %broadcast_in_dim3A_217 = vector.broadcast %broadcast_in_dim3A_216 : vector<256x1xi32> to vector<256x16xi32>
    %select_n3A_218 = arith.select %eq3A_215, %broadcast_in_dim3A_217, %select_n3A_196 : vector<256x16xi1>, vector<256x16xi32>
    %eq3A_219 = vector.broadcast %broadcast_in_dim3A_212 : vector<256x1xi32> to vector<256x2048xi32>
    %eq3A_220 = arith.cmpi eq, %iota3A, %eq3A_219 : vector<256x2048xi32>
    %jit3A_221 = arith.constant 0xFF800000 : f32
    %broadcast_in_dim3A_222 = vector.broadcast %jit3A_221 : f32 to vector<256x2048xf32>
    %select_n3A_223 = arith.select %eq3A_220, %broadcast_in_dim3A_222, %select_n3A_201 : vector<256x2048xi1>, vector<256x2048xf32>
    %reduce_max3A_224 = arith.constant dense<0xFF800000> : vector<256xf32>
    %reduce_max3A_225 = vector.multi_reduction <maximumf>, %select_n3A_223, %reduce_max3A_224 [1] : vector<256x2048xf32> to vector<256xf32>
    %broadcast_in_dim3A_226 = vector.shape_cast %reduce_max3A_225 : vector<256xf32> to vector<256x1xf32>
    %eq3A_227 = vector.broadcast %broadcast_in_dim3A_226 : vector<256x1xf32> to vector<256x2048xf32>
    %eq3A_228 = arith.cmpf oeq, %select_n3A_223, %eq3A_227 : vector<256x2048xf32>
    %jit3A_229 = arith.constant 2048 : i32
    %broadcast_in_dim3A_230 = vector.broadcast %jit3A_229 : i32 to vector<256x2048xi32>
    %select_n3A_231 = arith.select %eq3A_228, %iota3A, %broadcast_in_dim3A_230 : vector<256x2048xi1>, vector<256x2048xi32>
    %reduce_min3A_232 = arith.constant dense<2147483647> : vector<256xi32>
    %reduce_min3A_233 = vector.multi_reduction <minsi>, %select_n3A_231, %reduce_min3A_232 [1] : vector<256x2048xi32> to vector<256xi32>
    %broadcast_in_dim3A_234 = vector.shape_cast %reduce_min3A_233 : vector<256xi32> to vector<256x1xi32>
    %eq3A_235 = arith.constant 9 : i32
    %eq3A_236 = vector.broadcast %eq3A_235 : i32 to vector<256x16xi32>
    %eq3A_237 = arith.cmpi eq, %iota3A_28, %eq3A_236 : vector<256x16xi32>
    %broadcast_in_dim3A_238 = vector.shape_cast %broadcast_in_dim3A_234 : vector<256x1xi32> to vector<256x1xi32>
    %broadcast_in_dim3A_239 = vector.broadcast %broadcast_in_dim3A_238 : vector<256x1xi32> to vector<256x16xi32>
    %select_n3A_240 = arith.select %eq3A_237, %broadcast_in_dim3A_239, %select_n3A_218 : vector<256x16xi1>, vector<256x16xi32>
    %eq3A_241 = vector.broadcast %broadcast_in_dim3A_234 : vector<256x1xi32> to vector<256x2048xi32>
    %eq3A_242 = arith.cmpi eq, %iota3A, %eq3A_241 : vector<256x2048xi32>
    %jit3A_243 = arith.constant 0xFF800000 : f32
    %broadcast_in_dim3A_244 = vector.broadcast %jit3A_243 : f32 to vector<256x2048xf32>
    %select_n3A_245 = arith.select %eq3A_242, %broadcast_in_dim3A_244, %select_n3A_223 : vector<256x2048xi1>, vector<256x2048xf32>
    %reduce_max3A_246 = arith.constant dense<0xFF800000> : vector<256xf32>
    %reduce_max3A_247 = vector.multi_reduction <maximumf>, %select_n3A_245, %reduce_max3A_246 [1] : vector<256x2048xf32> to vector<256xf32>
    %broadcast_in_dim3A_248 = vector.shape_cast %reduce_max3A_247 : vector<256xf32> to vector<256x1xf32>
    %eq3A_249 = vector.broadcast %broadcast_in_dim3A_248 : vector<256x1xf32> to vector<256x2048xf32>
    %eq3A_250 = arith.cmpf oeq, %select_n3A_245, %eq3A_249 : vector<256x2048xf32>
    %jit3A_251 = arith.constant 2048 : i32
    %broadcast_in_dim3A_252 = vector.broadcast %jit3A_251 : i32 to vector<256x2048xi32>
    %select_n3A_253 = arith.select %eq3A_250, %iota3A, %broadcast_in_dim3A_252 : vector<256x2048xi1>, vector<256x2048xi32>
    %reduce_min3A_254 = arith.constant dense<2147483647> : vector<256xi32>
    %reduce_min3A_255 = vector.multi_reduction <minsi>, %select_n3A_253, %reduce_min3A_254 [1] : vector<256x2048xi32> to vector<256xi32>
    %broadcast_in_dim3A_256 = vector.shape_cast %reduce_min3A_255 : vector<256xi32> to vector<256x1xi32>
    %eq3A_257 = arith.constant 10 : i32
    %eq3A_258 = vector.broadcast %eq3A_257 : i32 to vector<256x16xi32>
    %eq3A_259 = arith.cmpi eq, %iota3A_28, %eq3A_258 : vector<256x16xi32>
    %broadcast_in_dim3A_260 = vector.shape_cast %broadcast_in_dim3A_256 : vector<256x1xi32> to vector<256x1xi32>
    %broadcast_in_dim3A_261 = vector.broadcast %broadcast_in_dim3A_260 : vector<256x1xi32> to vector<256x16xi32>
    %select_n3A_262 = arith.select %eq3A_259, %broadcast_in_dim3A_261, %select_n3A_240 : vector<256x16xi1>, vector<256x16xi32>
    %eq3A_263 = vector.broadcast %broadcast_in_dim3A_256 : vector<256x1xi32> to vector<256x2048xi32>
    %eq3A_264 = arith.cmpi eq, %iota3A, %eq3A_263 : vector<256x2048xi32>
    %jit3A_265 = arith.constant 0xFF800000 : f32
    %broadcast_in_dim3A_266 = vector.broadcast %jit3A_265 : f32 to vector<256x2048xf32>
    %select_n3A_267 = arith.select %eq3A_264, %broadcast_in_dim3A_266, %select_n3A_245 : vector<256x2048xi1>, vector<256x2048xf32>
    %reduce_max3A_268 = arith.constant dense<0xFF800000> : vector<256xf32>
    %reduce_max3A_269 = vector.multi_reduction <maximumf>, %select_n3A_267, %reduce_max3A_268 [1] : vector<256x2048xf32> to vector<256xf32>
    %broadcast_in_dim3A_270 = vector.shape_cast %reduce_max3A_269 : vector<256xf32> to vector<256x1xf32>
    %eq3A_271 = vector.broadcast %broadcast_in_dim3A_270 : vector<256x1xf32> to vector<256x2048xf32>
    %eq3A_272 = arith.cmpf oeq, %select_n3A_267, %eq3A_271 : vector<256x2048xf32>
    %jit3A_273 = arith.constant 2048 : i32
    %broadcast_in_dim3A_274 = vector.broadcast %jit3A_273 : i32 to vector<256x2048xi32>
    %select_n3A_275 = arith.select %eq3A_272, %iota3A, %broadcast_in_dim3A_274 : vector<256x2048xi1>, vector<256x2048xi32>
    %reduce_min3A_276 = arith.constant dense<2147483647> : vector<256xi32>
    %reduce_min3A_277 = vector.multi_reduction <minsi>, %select_n3A_275, %reduce_min3A_276 [1] : vector<256x2048xi32> to vector<256xi32>
    %broadcast_in_dim3A_278 = vector.shape_cast %reduce_min3A_277 : vector<256xi32> to vector<256x1xi32>
    %eq3A_279 = arith.constant 11 : i32
    %eq3A_280 = vector.broadcast %eq3A_279 : i32 to vector<256x16xi32>
    %eq3A_281 = arith.cmpi eq, %iota3A_28, %eq3A_280 : vector<256x16xi32>
    %broadcast_in_dim3A_282 = vector.shape_cast %broadcast_in_dim3A_278 : vector<256x1xi32> to vector<256x1xi32>
    %broadcast_in_dim3A_283 = vector.broadcast %broadcast_in_dim3A_282 : vector<256x1xi32> to vector<256x16xi32>
    %select_n3A_284 = arith.select %eq3A_281, %broadcast_in_dim3A_283, %select_n3A_262 : vector<256x16xi1>, vector<256x16xi32>
    %eq3A_285 = vector.broadcast %broadcast_in_dim3A_278 : vector<256x1xi32> to vector<256x2048xi32>
    %eq3A_286 = arith.cmpi eq, %iota3A, %eq3A_285 : vector<256x2048xi32>
    %jit3A_287 = arith.constant 0xFF800000 : f32
    %broadcast_in_dim3A_288 = vector.broadcast %jit3A_287 : f32 to vector<256x2048xf32>
    %select_n3A_289 = arith.select %eq3A_286, %broadcast_in_dim3A_288, %select_n3A_267 : vector<256x2048xi1>, vector<256x2048xf32>
    %reduce_max3A_290 = arith.constant dense<0xFF800000> : vector<256xf32>
    %reduce_max3A_291 = vector.multi_reduction <maximumf>, %select_n3A_289, %reduce_max3A_290 [1] : vector<256x2048xf32> to vector<256xf32>
    %broadcast_in_dim3A_292 = vector.shape_cast %reduce_max3A_291 : vector<256xf32> to vector<256x1xf32>
    %eq3A_293 = vector.broadcast %broadcast_in_dim3A_292 : vector<256x1xf32> to vector<256x2048xf32>
    %eq3A_294 = arith.cmpf oeq, %select_n3A_289, %eq3A_293 : vector<256x2048xf32>
    %jit3A_295 = arith.constant 2048 : i32
    %broadcast_in_dim3A_296 = vector.broadcast %jit3A_295 : i32 to vector<256x2048xi32>
    %select_n3A_297 = arith.select %eq3A_294, %iota3A, %broadcast_in_dim3A_296 : vector<256x2048xi1>, vector<256x2048xi32>
    %reduce_min3A_298 = arith.constant dense<2147483647> : vector<256xi32>
    %reduce_min3A_299 = vector.multi_reduction <minsi>, %select_n3A_297, %reduce_min3A_298 [1] : vector<256x2048xi32> to vector<256xi32>
    %broadcast_in_dim3A_300 = vector.shape_cast %reduce_min3A_299 : vector<256xi32> to vector<256x1xi32>
    %eq3A_301 = arith.constant 12 : i32
    %eq3A_302 = vector.broadcast %eq3A_301 : i32 to vector<256x16xi32>
    %eq3A_303 = arith.cmpi eq, %iota3A_28, %eq3A_302 : vector<256x16xi32>
    %broadcast_in_dim3A_304 = vector.shape_cast %broadcast_in_dim3A_300 : vector<256x1xi32> to vector<256x1xi32>
    %broadcast_in_dim3A_305 = vector.broadcast %broadcast_in_dim3A_304 : vector<256x1xi32> to vector<256x16xi32>
    %select_n3A_306 = arith.select %eq3A_303, %broadcast_in_dim3A_305, %select_n3A_284 : vector<256x16xi1>, vector<256x16xi32>
    %eq3A_307 = vector.broadcast %broadcast_in_dim3A_300 : vector<256x1xi32> to vector<256x2048xi32>
    %eq3A_308 = arith.cmpi eq, %iota3A, %eq3A_307 : vector<256x2048xi32>
    %jit3A_309 = arith.constant 0xFF800000 : f32
    %broadcast_in_dim3A_310 = vector.broadcast %jit3A_309 : f32 to vector<256x2048xf32>
    %select_n3A_311 = arith.select %eq3A_308, %broadcast_in_dim3A_310, %select_n3A_289 : vector<256x2048xi1>, vector<256x2048xf32>
    %reduce_max3A_312 = arith.constant dense<0xFF800000> : vector<256xf32>
    %reduce_max3A_313 = vector.multi_reduction <maximumf>, %select_n3A_311, %reduce_max3A_312 [1] : vector<256x2048xf32> to vector<256xf32>
    %broadcast_in_dim3A_314 = vector.shape_cast %reduce_max3A_313 : vector<256xf32> to vector<256x1xf32>
    %eq3A_315 = vector.broadcast %broadcast_in_dim3A_314 : vector<256x1xf32> to vector<256x2048xf32>
    %eq3A_316 = arith.cmpf oeq, %select_n3A_311, %eq3A_315 : vector<256x2048xf32>
    %jit3A_317 = arith.constant 2048 : i32
    %broadcast_in_dim3A_318 = vector.broadcast %jit3A_317 : i32 to vector<256x2048xi32>
    %select_n3A_319 = arith.select %eq3A_316, %iota3A, %broadcast_in_dim3A_318 : vector<256x2048xi1>, vector<256x2048xi32>
    %reduce_min3A_320 = arith.constant dense<2147483647> : vector<256xi32>
    %reduce_min3A_321 = vector.multi_reduction <minsi>, %select_n3A_319, %reduce_min3A_320 [1] : vector<256x2048xi32> to vector<256xi32>
    %broadcast_in_dim3A_322 = vector.shape_cast %reduce_min3A_321 : vector<256xi32> to vector<256x1xi32>
    %eq3A_323 = arith.constant 13 : i32
    %eq3A_324 = vector.broadcast %eq3A_323 : i32 to vector<256x16xi32>
    %eq3A_325 = arith.cmpi eq, %iota3A_28, %eq3A_324 : vector<256x16xi32>
    %broadcast_in_dim3A_326 = vector.shape_cast %broadcast_in_dim3A_322 : vector<256x1xi32> to vector<256x1xi32>
    %broadcast_in_dim3A_327 = vector.broadcast %broadcast_in_dim3A_326 : vector<256x1xi32> to vector<256x16xi32>
    %select_n3A_328 = arith.select %eq3A_325, %broadcast_in_dim3A_327, %select_n3A_306 : vector<256x16xi1>, vector<256x16xi32>
    %eq3A_329 = vector.broadcast %broadcast_in_dim3A_322 : vector<256x1xi32> to vector<256x2048xi32>
    %eq3A_330 = arith.cmpi eq, %iota3A, %eq3A_329 : vector<256x2048xi32>
    %jit3A_331 = arith.constant 0xFF800000 : f32
    %broadcast_in_dim3A_332 = vector.broadcast %jit3A_331 : f32 to vector<256x2048xf32>
    %select_n3A_333 = arith.select %eq3A_330, %broadcast_in_dim3A_332, %select_n3A_311 : vector<256x2048xi1>, vector<256x2048xf32>
    %reduce_max3A_334 = arith.constant dense<0xFF800000> : vector<256xf32>
    %reduce_max3A_335 = vector.multi_reduction <maximumf>, %select_n3A_333, %reduce_max3A_334 [1] : vector<256x2048xf32> to vector<256xf32>
    %broadcast_in_dim3A_336 = vector.shape_cast %reduce_max3A_335 : vector<256xf32> to vector<256x1xf32>
    %eq3A_337 = vector.broadcast %broadcast_in_dim3A_336 : vector<256x1xf32> to vector<256x2048xf32>
    %eq3A_338 = arith.cmpf oeq, %select_n3A_333, %eq3A_337 : vector<256x2048xf32>
    %jit3A_339 = arith.constant 2048 : i32
    %broadcast_in_dim3A_340 = vector.broadcast %jit3A_339 : i32 to vector<256x2048xi32>
    %select_n3A_341 = arith.select %eq3A_338, %iota3A, %broadcast_in_dim3A_340 : vector<256x2048xi1>, vector<256x2048xi32>
    %reduce_min3A_342 = arith.constant dense<2147483647> : vector<256xi32>
    %reduce_min3A_343 = vector.multi_reduction <minsi>, %select_n3A_341, %reduce_min3A_342 [1] : vector<256x2048xi32> to vector<256xi32>
    %broadcast_in_dim3A_344 = vector.shape_cast %reduce_min3A_343 : vector<256xi32> to vector<256x1xi32>
    %eq3A_345 = arith.constant 14 : i32
    %eq3A_346 = vector.broadcast %eq3A_345 : i32 to vector<256x16xi32>
    %eq3A_347 = arith.cmpi eq, %iota3A_28, %eq3A_346 : vector<256x16xi32>
    %broadcast_in_dim3A_348 = vector.shape_cast %broadcast_in_dim3A_344 : vector<256x1xi32> to vector<256x1xi32>
    %broadcast_in_dim3A_349 = vector.broadcast %broadcast_in_dim3A_348 : vector<256x1xi32> to vector<256x16xi32>
    %select_n3A_350 = arith.select %eq3A_347, %broadcast_in_dim3A_349, %select_n3A_328 : vector<256x16xi1>, vector<256x16xi32>
    %eq3A_351 = vector.broadcast %broadcast_in_dim3A_344 : vector<256x1xi32> to vector<256x2048xi32>
    %eq3A_352 = arith.cmpi eq, %iota3A, %eq3A_351 : vector<256x2048xi32>
    %jit3A_353 = arith.constant 0xFF800000 : f32
    %broadcast_in_dim3A_354 = vector.broadcast %jit3A_353 : f32 to vector<256x2048xf32>
    %select_n3A_355 = arith.select %eq3A_352, %broadcast_in_dim3A_354, %select_n3A_333 : vector<256x2048xi1>, vector<256x2048xf32>
    %reduce_max3A_356 = arith.constant dense<0xFF800000> : vector<256xf32>
    %reduce_max3A_357 = vector.multi_reduction <maximumf>, %select_n3A_355, %reduce_max3A_356 [1] : vector<256x2048xf32> to vector<256xf32>
    %broadcast_in_dim3A_358 = vector.shape_cast %reduce_max3A_357 : vector<256xf32> to vector<256x1xf32>
    %eq3A_359 = vector.broadcast %broadcast_in_dim3A_358 : vector<256x1xf32> to vector<256x2048xf32>
    %eq3A_360 = arith.cmpf oeq, %select_n3A_355, %eq3A_359 : vector<256x2048xf32>
    %jit3A_361 = arith.constant 2048 : i32
    %broadcast_in_dim3A_362 = vector.broadcast %jit3A_361 : i32 to vector<256x2048xi32>
    %select_n3A_363 = arith.select %eq3A_360, %iota3A, %broadcast_in_dim3A_362 : vector<256x2048xi1>, vector<256x2048xi32>
    %reduce_min3A_364 = arith.constant dense<2147483647> : vector<256xi32>
    %reduce_min3A_365 = vector.multi_reduction <minsi>, %select_n3A_363, %reduce_min3A_364 [1] : vector<256x2048xi32> to vector<256xi32>
    %broadcast_in_dim3A_366 = vector.shape_cast %reduce_min3A_365 : vector<256xi32> to vector<256x1xi32>
    %eq3A_367 = arith.constant 15 : i32
    %eq3A_368 = vector.broadcast %eq3A_367 : i32 to vector<256x16xi32>
    %eq3A_369 = arith.cmpi eq, %iota3A_28, %eq3A_368 : vector<256x16xi32>
    %broadcast_in_dim3A_370 = vector.shape_cast %broadcast_in_dim3A_366 : vector<256x1xi32> to vector<256x1xi32>
    %broadcast_in_dim3A_371 = vector.broadcast %broadcast_in_dim3A_370 : vector<256x1xi32> to vector<256x16xi32>
    %select_n3A_372 = arith.select %eq3A_369, %broadcast_in_dim3A_371, %select_n3A_350 : vector<256x16xi1>, vector<256x16xi32>
    %mul3A_373 = arith.constant 2048 : i32
    %mul3A_374 = arith.muli %arg0, %mul3A_373 : i32
    %add3A = vector.broadcast %mul3A_374 : i32 to vector<256x16xi32>
    %add3A_375 = arith.addi %select_n3A_372, %add3A : vector<256x16xi32>
    %swap3A = arith.constant 0 : index
    %swap3A_376 = arith.constant 0 : index
    %swap3A_377 = arith.constant 0 : index
    %swap3A_378 = vector.load %arg5[%swap3A, %swap3A_376, %swap3A_377] : memref<1x256x16xi32, #tpu.memory_space<vmem>>, vector<1x256x16xi32>
    %swap3A_379 = vector.shape_cast %swap3A_378 : vector<1x256x16xi32> to vector<256x16xi32>
    %swap3A_380 = vector.shape_cast %add3A_375 : vector<256x16xi32> to vector<1x256x16xi32>
    tpu.vector_store %arg5[%swap3A, %swap3A_376, %swap3A_377], %swap3A_380 {strides = array<i32>} : memref<1x256x16xi32, #tpu.memory_space<vmem>>, vector<1x256x16xi32>,
    return
  }
  func.func @transform_0(%arg0: i32, %arg1: i32) -> (i32, i32, i32) {
    %c0_i32 = arith.constant 0 : i32
    %c0_i32_0 = arith.constant 0 : i32
    return %arg0, %arg1, %c0_i32 : i32, i32, i32
  }
  func.func @transform_1(%arg0: i32, %arg1: i32) -> (i32, i32, i32) {
    %c0_i32 = arith.constant 0 : i32
    %c0_i32_0 = arith.constant 0 : i32
    %c0_i32_1 = arith.constant 0 : i32
    return %arg0, %c0_i32, %c0_i32_0 : i32, i32, i32
  }
  func.func @transform_2(%arg0: i32, %arg1: i32) -> (i32, i32, i32) {
    %c0_i32 = arith.constant 0 : i32
    %c0_i32_0 = arith.constant 0 : i32
    %c0_i32_1 = arith.constant 0 : i32
    return %arg0, %c0_i32, %c0_i32_0 : i32, i32, i32
  }
  func.func @transform_3(%arg0: i32, %arg1: i32) -> (i32, i32, i32) {
    %c0_i32 = arith.constant 0 : i32
    %c0_i32_0 = arith.constant 0 : i32
    return %arg0, %arg1, %c0_i32 : i32, i32, i32
  }
}

module attributes {stable_mosaic.version = 14 : i64} {
  func.func @body(%arg0: i32, %arg1: memref<2048x128xf32, #tpu.memory_space<vmem>>, %arg2: memref<128x128xf32, #tpu.memory_space<vmem>>, %arg3: memref<256x128xf32, #tpu.memory_space<vmem>>, %arg4: memref<128x128xf32, #tpu.memory_space<vmem>>) attributes {dimension_semantics = [#tpu.dimension_semantics<arbitrary>], iteration_bounds = array<i64: 64>, scalar_prefetch = 0 : i64, scratch_operands = 0 : i64, tpu.core_type = #tpu.core_type<tc>, window_params = [{transform_indices = @transform_0, window_bounds = array<i64: 2048, 128>}, {transform_indices = @transform_1, window_bounds = array<i64: 128, 128>}, {pipeline_mode = #tpu.pipeline_mode<synchronous>, transform_indices = @transform_2, window_bounds = array<i64: 256, 128>}, {transform_indices = @transform_3, window_bounds = array<i64: 128, 128>}]} {
    %get3A = arith.constant 0 : index
    %get3A_0 = arith.constant 0 : index
    %get3A_1 = vector.load %arg1[%get3A, %get3A_0] : memref<2048x128xf32, #tpu.memory_space<vmem>>, vector<2048x128xf32>
    %get3A_2 = arith.constant 0 : index
    %get3A_3 = arith.constant 0 : index
    %get3A_4 = vector.load %arg2[%get3A_2, %get3A_3] : memref<128x128xf32, #tpu.memory_space<vmem>>, vector<128x128xf32>
    %broadcast_in_dim3A = vector.shape_cast %get3A_4 : vector<128x128xf32> to vector<128x1x128xf32>
    %broadcast_in_dim3A_5 = vector.shape_cast %broadcast_in_dim3A : vector<128x1x128xf32> to vector<128x1x128xf32>
    %broadcast_in_dim3A_6 = vector.broadcast %broadcast_in_dim3A_5 : vector<128x1x128xf32> to vector<128x16x128xf32>
    %reshape3A = vector.shape_cast %broadcast_in_dim3A_6 : vector<128x16x128xf32> to vector<2048x128xf32>
    %sub3A = arith.subf %get3A_1, %reshape3A : vector<2048x128xf32>
    %concatenate3A = tpu.concatenate %sub3A, %reshape3A in 1 : vector<2048x128xf32>, vector<2048x128xf32> -> vector<2048x256xf32>
    %get3A_7 = arith.constant 0 : index
    %get3A_8 = arith.constant 0 : index
    %get3A_9 = vector.load %arg3[%get3A_7, %get3A_8] : memref<256x128xf32, #tpu.memory_space<vmem>>, vector<256x128xf32>
    %dot_general3A = arith.constant dense<0.000000e+00> : vector<2048x128xf32>
    %dot_general3A_10 = tpu.matmul %concatenate3A, %get3A_9, %dot_general3A {dimension_numbers = #tpu.dot_dimension_numbers<[1], [0], [0], [1], [0, 0, 1, 1], [], []>, transpose_lhs_hint = false} : vector<2048x256xf32>, vector<256x128xf32>, vector<2048x128xf32> -> vector<2048x128xf32>
    %reshape3A_11 = vector.shape_cast %dot_general3A_10 : vector<2048x128xf32> to vector<128x16x128xf32>
    %reduce_max3A = arith.constant dense<0xFF800000> : vector<128x128xf32>
    %reduce_max3A_12 = vector.multi_reduction <maximumf>, %reshape3A_11, %reduce_max3A [1] : vector<128x16x128xf32> to vector<128x128xf32>
    %swap3A = arith.constant 0 : index
    %swap3A_13 = arith.constant 0 : index
    %swap3A_14 = vector.load %arg4[%swap3A, %swap3A_13] : memref<128x128xf32, #tpu.memory_space<vmem>>, vector<128x128xf32>
    tpu.vector_store %arg4[%swap3A, %swap3A_13], %reduce_max3A_12 {strides = array<i32>} : memref<128x128xf32, #tpu.memory_space<vmem>>, vector<128x128xf32>,
    return
  }
  func.func @transform_0(%arg0: i32) -> (i32, i32) {
    %c0_i32 = arith.constant 0 : i32
    %c0_i32_0 = arith.constant 0 : i32
    return %arg0, %c0_i32 : i32, i32
  }
  func.func @transform_1(%arg0: i32) -> (i32, i32) {
    %c0_i32 = arith.constant 0 : i32
    %c0_i32_0 = arith.constant 0 : i32
    return %arg0, %c0_i32 : i32, i32
  }
  func.func @transform_2(%arg0: i32) -> (i32, i32) {
    %c0_i32 = arith.constant 0 : i32
    %c0_i32_0 = arith.constant 0 : i32
    %c0_i32_1 = arith.constant 0 : i32
    return %c0_i32, %c0_i32_0 : i32, i32
  }
  func.func @transform_3(%arg0: i32) -> (i32, i32) {
    %c0_i32 = arith.constant 0 : i32
    %c0_i32_0 = arith.constant 0 : i32
    return %arg0, %c0_i32 : i32, i32
  }
}

module attributes {stable_mosaic.version = 14 : i64} {
  func.func @body(%arg0: i32, %arg1: memref<1024x128xf32, #tpu.memory_space<vmem>>, %arg2: memref<8x128xf32, #tpu.memory_space<vmem>>, %arg3: memref<1024x128xf32, #tpu.memory_space<vmem>>) attributes {dimension_semantics = [#tpu.dimension_semantics<arbitrary>], iteration_bounds = array<i64: 8>, scalar_prefetch = 0 : i64, scratch_operands = 0 : i64, tpu.core_type = #tpu.core_type<tc>, window_params = [{transform_indices = @transform_0, window_bounds = array<i64: 1024, 128>}, {pipeline_mode = #tpu.pipeline_mode<synchronous>, transform_indices = @transform_1, window_bounds = array<i64: 8, 128>}, {transform_indices = @transform_2, window_bounds = array<i64: 1024, 128>}]} {
    %get3A = arith.constant 0 : index
    %get3A_0 = arith.constant 0 : index
    %get3A_1 = vector.load %arg2[%get3A, %get3A_0] : memref<8x128xf32, #tpu.memory_space<vmem>>, vector<1x128xf32>
    %get3A_2 = vector.shape_cast %get3A_1 : vector<1x128xf32> to vector<128xf32>
    %get3A_3 = arith.constant 1 : index
    %get3A_4 = arith.constant 0 : index
    %get3A_5 = vector.load %arg2[%get3A_3, %get3A_4] : memref<8x128xf32, #tpu.memory_space<vmem>>, vector<1x128xf32>
    %get3A_6 = vector.shape_cast %get3A_5 : vector<1x128xf32> to vector<128xf32>
    %get3A_7 = arith.constant 2 : index
    %get3A_8 = arith.constant 0 : index
    %get3A_9 = vector.load %arg2[%get3A_7, %get3A_8] : memref<8x128xf32, #tpu.memory_space<vmem>>, vector<1x128xf32>
    %get3A_10 = vector.shape_cast %get3A_9 : vector<1x128xf32> to vector<128xf32>
    %get3A_11 = arith.constant 0 : index
    %get3A_12 = arith.constant 0 : index
    %get3A_13 = vector.load %arg1[%get3A_11, %get3A_12] : memref<1024x128xf32, #tpu.memory_space<vmem>>, vector<1024x128xf32>
    %broadcast_in_dim3A = vector.shape_cast %get3A_2 : vector<128xf32> to vector<1x128xf32>
    %sub3A = vector.broadcast %broadcast_in_dim3A : vector<1x128xf32> to vector<1024x128xf32>
    %sub3A_14 = arith.subf %get3A_13, %sub3A : vector<1024x128xf32>
    %broadcast_in_dim3A_15 = vector.shape_cast %get3A_6 : vector<128xf32> to vector<1x128xf32>
    %mul3A = vector.broadcast %broadcast_in_dim3A_15 : vector<1x128xf32> to vector<1024x128xf32>
    %mul3A_16 = arith.mulf %sub3A_14, %mul3A : vector<1024x128xf32>
    %broadcast_in_dim3A_17 = vector.shape_cast %get3A_10 : vector<128xf32> to vector<1x128xf32>
    %add3A = vector.broadcast %broadcast_in_dim3A_17 : vector<1x128xf32> to vector<1024x128xf32>
    %add3A_18 = arith.addf %mul3A_16, %add3A : vector<1024x128xf32>
    %gt3A = arith.constant 0.000000e+00 : f32
    %gt3A_19 = vector.broadcast %gt3A : f32 to vector<1024x128xf32>
    %gt3A_20 = arith.cmpf ogt, %add3A_18, %gt3A_19 : vector<1024x128xf32>
    %mul3A_21 = arith.constant 2.000000e-01 : f32
    %mul3A_22 = vector.broadcast %mul3A_21 : f32 to vector<1024x128xf32>
    %mul3A_23 = arith.mulf %mul3A_22, %add3A_18 : vector<1024x128xf32>
    %select_n3A = arith.select %gt3A_20, %add3A_18, %mul3A_23 : vector<1024x128xi1>, vector<1024x128xf32>
    %swap3A = arith.constant 0 : index
    %swap3A_24 = arith.constant 0 : index
    %swap3A_25 = vector.load %arg3[%swap3A, %swap3A_24] : memref<1024x128xf32, #tpu.memory_space<vmem>>, vector<1024x128xf32>
    tpu.vector_store %arg3[%swap3A, %swap3A_24], %select_n3A {strides = array<i32>} : memref<1024x128xf32, #tpu.memory_space<vmem>>, vector<1024x128xf32>,
    return
  }
  func.func @transform_0(%arg0: i32) -> (i32, i32) {
    %c0_i32 = arith.constant 0 : i32
    %c0_i32_0 = arith.constant 0 : i32
    return %arg0, %c0_i32 : i32, i32
  }
  func.func @transform_1(%arg0: i32) -> (i32, i32) {
    %c0_i32 = arith.constant 0 : i32
    %c0_i32_0 = arith.constant 0 : i32
    %c0_i32_1 = arith.constant 0 : i32
    return %c0_i32, %c0_i32_0 : i32, i32
  }
  func.func @transform_2(%arg0: i32) -> (i32, i32) {
    %c0_i32 = arith.constant 0 : i32
    %c0_i32_0 = arith.constant 0 : i32
    return %arg0, %c0_i32 : i32, i32
  }
}

module attributes {stable_mosaic.version = 14 : i64} {
  func.func @body(%arg0: i32, %arg1: memref<2048x256xf32, #tpu.memory_space<vmem>>, %arg2: memref<128x256xf32, #tpu.memory_space<vmem>>, %arg3: memref<262x128xf32, #tpu.memory_space<vmem>>, %arg4: memref<128x128xf32, #tpu.memory_space<vmem>>) attributes {dimension_semantics = [#tpu.dimension_semantics<arbitrary>], iteration_bounds = array<i64: 64>, scalar_prefetch = 0 : i64, scratch_operands = 0 : i64, tpu.core_type = #tpu.core_type<tc>, window_params = [{transform_indices = @transform_0, window_bounds = array<i64: 2048, 256>}, {transform_indices = @transform_1, window_bounds = array<i64: 128, 256>}, {pipeline_mode = #tpu.pipeline_mode<synchronous>, transform_indices = @transform_2, window_bounds = array<i64: 262, 128>}, {transform_indices = @transform_3, window_bounds = array<i64: 128, 128>}]} {
    %get3A = arith.constant 0 : index
    %get3A_0 = arith.constant 0 : index
    %get3A_1 = vector.load %arg1[%get3A, %get3A_0] : memref<2048x256xf32, #tpu.memory_space<vmem>>, vector<2048x256xf32>
    %get3A_2 = arith.constant 0 : index
    %get3A_3 = arith.constant 0 : index
    %get3A_4 = vector.load %arg2[%get3A_2, %get3A_3] : memref<128x256xf32, #tpu.memory_space<vmem>>, vector<128x256xf32>
    %broadcast_in_dim3A = vector.shape_cast %get3A_4 : vector<128x256xf32> to vector<128x1x256xf32>
    %broadcast_in_dim3A_5 = vector.shape_cast %broadcast_in_dim3A : vector<128x1x256xf32> to vector<128x1x256xf32>
    %broadcast_in_dim3A_6 = vector.broadcast %broadcast_in_dim3A_5 : vector<128x1x256xf32> to vector<128x16x256xf32>
    %reshape3A = vector.shape_cast %broadcast_in_dim3A_6 : vector<128x16x256xf32> to vector<2048x256xf32>
    %sub3A = arith.subf %get3A_1, %reshape3A : vector<2048x256xf32>
    %slice3A = vector.extract_strided_slice %sub3A {offsets = [0, 0], sizes = [2048, 131], strides = [1, 1]} : vector<2048x256xf32> to vector<2048x131xf32>
    %slice3A_7 = vector.extract_strided_slice %reshape3A {offsets = [0, 0], sizes = [2048, 131], strides = [1, 1]} : vector<2048x256xf32> to vector<2048x131xf32>
    %concatenate3A = tpu.concatenate %slice3A, %slice3A_7 in 1 : vector<2048x131xf32>, vector<2048x131xf32> -> vector<2048x262xf32>
    %get3A_8 = arith.constant 0 : index
    %get3A_9 = arith.constant 0 : index
    %get3A_10 = vector.load %arg3[%get3A_8, %get3A_9] : memref<262x128xf32, #tpu.memory_space<vmem>>, vector<262x128xf32>
    %dot_general3A = arith.constant dense<0.000000e+00> : vector<2048x128xf32>
    %dot_general3A_11 = tpu.matmul %concatenate3A, %get3A_10, %dot_general3A {dimension_numbers = #tpu.dot_dimension_numbers<[1], [0], [0], [1], [0, 0, 1, 1], [], []>, transpose_lhs_hint = false} : vector<2048x262xf32>, vector<262x128xf32>, vector<2048x128xf32> -> vector<2048x128xf32>
    %reshape3A_12 = vector.shape_cast %dot_general3A_11 : vector<2048x128xf32> to vector<128x16x128xf32>
    %reduce_max3A = arith.constant dense<0xFF800000> : vector<128x128xf32>
    %reduce_max3A_13 = vector.multi_reduction <maximumf>, %reshape3A_12, %reduce_max3A [1] : vector<128x16x128xf32> to vector<128x128xf32>
    %swap3A = arith.constant 0 : index
    %swap3A_14 = arith.constant 0 : index
    %swap3A_15 = vector.load %arg4[%swap3A, %swap3A_14] : memref<128x128xf32, #tpu.memory_space<vmem>>, vector<128x128xf32>
    tpu.vector_store %arg4[%swap3A, %swap3A_14], %reduce_max3A_13 {strides = array<i32>} : memref<128x128xf32, #tpu.memory_space<vmem>>, vector<128x128xf32>,
    return
  }
  func.func @transform_0(%arg0: i32) -> (i32, i32) {
    %c0_i32 = arith.constant 0 : i32
    %c0_i32_0 = arith.constant 0 : i32
    return %arg0, %c0_i32 : i32, i32
  }
  func.func @transform_1(%arg0: i32) -> (i32, i32) {
    %c0_i32 = arith.constant 0 : i32
    %c0_i32_0 = arith.constant 0 : i32
    return %arg0, %c0_i32 : i32, i32
  }
  func.func @transform_2(%arg0: i32) -> (i32, i32) {
    %c0_i32 = arith.constant 0 : i32
    %c0_i32_0 = arith.constant 0 : i32
    %c0_i32_1 = arith.constant 0 : i32
    return %c0_i32, %c0_i32_0 : i32, i32
  }
  func.func @transform_3(%arg0: i32) -> (i32, i32) {
    %c0_i32 = arith.constant 0 : i32
    %c0_i32_0 = arith.constant 0 : i32
    return %arg0, %c0_i32 : i32, i32
  }
}

module attributes {stable_mosaic.version = 14 : i64} {
  func.func @body(%arg0: i32, %arg1: memref<2048x128xf32, #tpu.memory_space<vmem>>, %arg2: memref<128x128xf32, #tpu.memory_space<vmem>>, %arg3: memref<128x128xf32, #tpu.memory_space<vmem>>, %arg4: memref<128x128xf32, #tpu.memory_space<vmem>>) attributes {dimension_semantics = [#tpu.dimension_semantics<arbitrary>], iteration_bounds = array<i64: 64>, scalar_prefetch = 0 : i64, scratch_operands = 0 : i64, tpu.core_type = #tpu.core_type<tc>, window_params = [{transform_indices = @transform_0, window_bounds = array<i64: 2048, 128>}, {transform_indices = @transform_1, window_bounds = array<i64: 128, 128>}, {pipeline_mode = #tpu.pipeline_mode<synchronous>, transform_indices = @transform_2, window_bounds = array<i64: 128, 128>}, {transform_indices = @transform_3, window_bounds = array<i64: 128, 128>}]} {
    %get3A = arith.constant 0 : index
    %get3A_0 = arith.constant 0 : index
    %get3A_1 = vector.load %arg1[%get3A, %get3A_0] : memref<2048x128xf32, #tpu.memory_space<vmem>>, vector<2048x128xf32>
    %get3A_2 = arith.constant 0 : index
    %get3A_3 = arith.constant 0 : index
    %get3A_4 = vector.load %arg2[%get3A_2, %get3A_3] : memref<128x128xf32, #tpu.memory_space<vmem>>, vector<128x128xf32>
    %broadcast_in_dim3A = vector.shape_cast %get3A_4 : vector<128x128xf32> to vector<128x1x128xf32>
    %broadcast_in_dim3A_5 = vector.shape_cast %broadcast_in_dim3A : vector<128x1x128xf32> to vector<128x1x128xf32>
    %broadcast_in_dim3A_6 = vector.broadcast %broadcast_in_dim3A_5 : vector<128x1x128xf32> to vector<128x16x128xf32>
    %reshape3A = vector.shape_cast %broadcast_in_dim3A_6 : vector<128x16x128xf32> to vector<2048x128xf32>
    %sub3A = arith.subf %get3A_1, %reshape3A : vector<2048x128xf32>
    %slice3A = vector.extract_strided_slice %sub3A {offsets = [0, 0], sizes = [2048, 64], strides = [1, 1]} : vector<2048x128xf32> to vector<2048x64xf32>
    %slice3A_7 = vector.extract_strided_slice %reshape3A {offsets = [0, 0], sizes = [2048, 64], strides = [1, 1]} : vector<2048x128xf32> to vector<2048x64xf32>
    %concatenate3A = tpu.concatenate %slice3A, %slice3A_7 in 1 : vector<2048x64xf32>, vector<2048x64xf32> -> vector<2048x128xf32>
    %get3A_8 = arith.constant 0 : index
    %get3A_9 = arith.constant 0 : index
    %get3A_10 = vector.load %arg3[%get3A_8, %get3A_9] : memref<128x128xf32, #tpu.memory_space<vmem>>, vector<128x128xf32>
    %dot_general3A = arith.constant dense<0.000000e+00> : vector<2048x128xf32>
    %dot_general3A_11 = tpu.matmul %concatenate3A, %get3A_10, %dot_general3A {dimension_numbers = #tpu.dot_dimension_numbers<[1], [0], [0], [1], [0, 0, 1, 1], [], []>, transpose_lhs_hint = false} : vector<2048x128xf32>, vector<128x128xf32>, vector<2048x128xf32> -> vector<2048x128xf32>
    %reshape3A_12 = vector.shape_cast %dot_general3A_11 : vector<2048x128xf32> to vector<128x16x128xf32>
    %reduce_max3A = arith.constant dense<0xFF800000> : vector<128x128xf32>
    %reduce_max3A_13 = vector.multi_reduction <maximumf>, %reshape3A_12, %reduce_max3A [1] : vector<128x16x128xf32> to vector<128x128xf32>
    %swap3A = arith.constant 0 : index
    %swap3A_14 = arith.constant 0 : index
    %swap3A_15 = vector.load %arg4[%swap3A, %swap3A_14] : memref<128x128xf32, #tpu.memory_space<vmem>>, vector<128x128xf32>
    tpu.vector_store %arg4[%swap3A, %swap3A_14], %reduce_max3A_13 {strides = array<i32>} : memref<128x128xf32, #tpu.memory_space<vmem>>, vector<128x128xf32>,
    return
  }
  func.func @transform_0(%arg0: i32) -> (i32, i32) {
    %c0_i32 = arith.constant 0 : i32
    %c0_i32_0 = arith.constant 0 : i32
    return %arg0, %c0_i32 : i32, i32
  }
  func.func @transform_1(%arg0: i32) -> (i32, i32) {
    %c0_i32 = arith.constant 0 : i32
    %c0_i32_0 = arith.constant 0 : i32
    return %arg0, %c0_i32 : i32, i32
  }
  func.func @transform_2(%arg0: i32) -> (i32, i32) {
    %c0_i32 = arith.constant 0 : i32
    %c0_i32_0 = arith.constant 0 : i32
    %c0_i32_1 = arith.constant 0 : i32
    return %c0_i32, %c0_i32_0 : i32, i32
  }
  func.func @transform_3(%arg0: i32) -> (i32, i32) {
    %c0_i32 = arith.constant 0 : i32
    %c0_i32_0 = arith.constant 0 : i32
    return %arg0, %c0_i32 : i32, i32
  }
}

module attributes {stable_mosaic.version = 14 : i64} {
  func.func @body(%arg0: i32, %arg1: memref<2048x128xf32, #tpu.memory_space<vmem>>, %arg2: memref<128x128xf32, #tpu.memory_space<vmem>>, %arg3: memref<256x256xf32, #tpu.memory_space<vmem>>, %arg4: memref<128x256xf32, #tpu.memory_space<vmem>>) attributes {dimension_semantics = [#tpu.dimension_semantics<arbitrary>], iteration_bounds = array<i64: 64>, scalar_prefetch = 0 : i64, scratch_operands = 0 : i64, tpu.core_type = #tpu.core_type<tc>, window_params = [{transform_indices = @transform_0, window_bounds = array<i64: 2048, 128>}, {transform_indices = @transform_1, window_bounds = array<i64: 128, 128>}, {pipeline_mode = #tpu.pipeline_mode<synchronous>, transform_indices = @transform_2, window_bounds = array<i64: 256, 256>}, {transform_indices = @transform_3, window_bounds = array<i64: 128, 256>}]} {
    %get3A = arith.constant 0 : index
    %get3A_0 = arith.constant 0 : index
    %get3A_1 = vector.load %arg1[%get3A, %get3A_0] : memref<2048x128xf32, #tpu.memory_space<vmem>>, vector<2048x128xf32>
    %get3A_2 = arith.constant 0 : index
    %get3A_3 = arith.constant 0 : index
    %get3A_4 = vector.load %arg2[%get3A_2, %get3A_3] : memref<128x128xf32, #tpu.memory_space<vmem>>, vector<128x128xf32>
    %broadcast_in_dim3A = vector.shape_cast %get3A_4 : vector<128x128xf32> to vector<128x1x128xf32>
    %broadcast_in_dim3A_5 = vector.shape_cast %broadcast_in_dim3A : vector<128x1x128xf32> to vector<128x1x128xf32>
    %broadcast_in_dim3A_6 = vector.broadcast %broadcast_in_dim3A_5 : vector<128x1x128xf32> to vector<128x16x128xf32>
    %reshape3A = vector.shape_cast %broadcast_in_dim3A_6 : vector<128x16x128xf32> to vector<2048x128xf32>
    %sub3A = arith.subf %get3A_1, %reshape3A : vector<2048x128xf32>
    %concatenate3A = tpu.concatenate %sub3A, %reshape3A in 1 : vector<2048x128xf32>, vector<2048x128xf32> -> vector<2048x256xf32>
    %get3A_7 = arith.constant 0 : index
    %get3A_8 = arith.constant 0 : index
    %get3A_9 = vector.load %arg3[%get3A_7, %get3A_8] : memref<256x256xf32, #tpu.memory_space<vmem>>, vector<256x256xf32>
    %dot_general3A = arith.constant dense<0.000000e+00> : vector<2048x256xf32>
    %dot_general3A_10 = tpu.matmul %concatenate3A, %get3A_9, %dot_general3A {dimension_numbers = #tpu.dot_dimension_numbers<[1], [0], [0], [1], [0, 0, 1, 1], [], []>, transpose_lhs_hint = false} : vector<2048x256xf32>, vector<256x256xf32>, vector<2048x256xf32> -> vector<2048x256xf32>
    %reshape3A_11 = vector.shape_cast %dot_general3A_10 : vector<2048x256xf32> to vector<128x16x256xf32>
    %reduce_max3A = arith.constant dense<0xFF800000> : vector<128x256xf32>
    %reduce_max3A_12 = vector.multi_reduction <maximumf>, %reshape3A_11, %reduce_max3A [1] : vector<128x16x256xf32> to vector<128x256xf32>
    %swap3A = arith.constant 0 : index
    %swap3A_13 = arith.constant 0 : index
    %swap3A_14 = vector.load %arg4[%swap3A, %swap3A_13] : memref<128x256xf32, #tpu.memory_space<vmem>>, vector<128x256xf32>
    tpu.vector_store %arg4[%swap3A, %swap3A_13], %reduce_max3A_12 {strides = array<i32>} : memref<128x256xf32, #tpu.memory_space<vmem>>, vector<128x256xf32>,
    return
  }
  func.func @transform_0(%arg0: i32) -> (i32, i32) {
    %c0_i32 = arith.constant 0 : i32
    %c0_i32_0 = arith.constant 0 : i32
    return %arg0, %c0_i32 : i32, i32
  }
  func.func @transform_1(%arg0: i32) -> (i32, i32) {
    %c0_i32 = arith.constant 0 : i32
    %c0_i32_0 = arith.constant 0 : i32
    return %arg0, %c0_i32 : i32, i32
  }
  func.func @transform_2(%arg0: i32) -> (i32, i32) {
    %c0_i32 = arith.constant 0 : i32
    %c0_i32_0 = arith.constant 0 : i32
    %c0_i32_1 = arith.constant 0 : i32
    return %c0_i32, %c0_i32_0 : i32, i32
  }
  func.func @transform_3(%arg0: i32) -> (i32, i32) {
    %c0_i32 = arith.constant 0 : i32
    %c0_i32_0 = arith.constant 0 : i32
    return %arg0, %c0_i32 : i32, i32
  }
}

module attributes {stable_mosaic.version = 14 : i64} {
  func.func @body(%arg0: i32, %arg1: memref<1024x256xf32, #tpu.memory_space<vmem>>, %arg2: memref<8x256xf32, #tpu.memory_space<vmem>>, %arg3: memref<1024x256xf32, #tpu.memory_space<vmem>>) attributes {dimension_semantics = [#tpu.dimension_semantics<arbitrary>], iteration_bounds = array<i64: 8>, scalar_prefetch = 0 : i64, scratch_operands = 0 : i64, tpu.core_type = #tpu.core_type<tc>, window_params = [{transform_indices = @transform_0, window_bounds = array<i64: 1024, 256>}, {pipeline_mode = #tpu.pipeline_mode<synchronous>, transform_indices = @transform_1, window_bounds = array<i64: 8, 256>}, {transform_indices = @transform_2, window_bounds = array<i64: 1024, 256>}]} {
    %get3A = arith.constant 0 : index
    %get3A_0 = arith.constant 0 : index
    %get3A_1 = vector.load %arg2[%get3A, %get3A_0] : memref<8x256xf32, #tpu.memory_space<vmem>>, vector<1x256xf32>
    %get3A_2 = vector.shape_cast %get3A_1 : vector<1x256xf32> to vector<256xf32>
    %get3A_3 = arith.constant 1 : index
    %get3A_4 = arith.constant 0 : index
    %get3A_5 = vector.load %arg2[%get3A_3, %get3A_4] : memref<8x256xf32, #tpu.memory_space<vmem>>, vector<1x256xf32>
    %get3A_6 = vector.shape_cast %get3A_5 : vector<1x256xf32> to vector<256xf32>
    %get3A_7 = arith.constant 2 : index
    %get3A_8 = arith.constant 0 : index
    %get3A_9 = vector.load %arg2[%get3A_7, %get3A_8] : memref<8x256xf32, #tpu.memory_space<vmem>>, vector<1x256xf32>
    %get3A_10 = vector.shape_cast %get3A_9 : vector<1x256xf32> to vector<256xf32>
    %get3A_11 = arith.constant 0 : index
    %get3A_12 = arith.constant 0 : index
    %get3A_13 = vector.load %arg1[%get3A_11, %get3A_12] : memref<1024x256xf32, #tpu.memory_space<vmem>>, vector<1024x256xf32>
    %broadcast_in_dim3A = vector.shape_cast %get3A_2 : vector<256xf32> to vector<1x256xf32>
    %sub3A = vector.broadcast %broadcast_in_dim3A : vector<1x256xf32> to vector<1024x256xf32>
    %sub3A_14 = arith.subf %get3A_13, %sub3A : vector<1024x256xf32>
    %broadcast_in_dim3A_15 = vector.shape_cast %get3A_6 : vector<256xf32> to vector<1x256xf32>
    %mul3A = vector.broadcast %broadcast_in_dim3A_15 : vector<1x256xf32> to vector<1024x256xf32>
    %mul3A_16 = arith.mulf %sub3A_14, %mul3A : vector<1024x256xf32>
    %broadcast_in_dim3A_17 = vector.shape_cast %get3A_10 : vector<256xf32> to vector<1x256xf32>
    %add3A = vector.broadcast %broadcast_in_dim3A_17 : vector<1x256xf32> to vector<1024x256xf32>
    %add3A_18 = arith.addf %mul3A_16, %add3A : vector<1024x256xf32>
    %gt3A = arith.constant 0.000000e+00 : f32
    %gt3A_19 = vector.broadcast %gt3A : f32 to vector<1024x256xf32>
    %gt3A_20 = arith.cmpf ogt, %add3A_18, %gt3A_19 : vector<1024x256xf32>
    %mul3A_21 = arith.constant 2.000000e-01 : f32
    %mul3A_22 = vector.broadcast %mul3A_21 : f32 to vector<1024x256xf32>
    %mul3A_23 = arith.mulf %mul3A_22, %add3A_18 : vector<1024x256xf32>
    %select_n3A = arith.select %gt3A_20, %add3A_18, %mul3A_23 : vector<1024x256xi1>, vector<1024x256xf32>
    %swap3A = arith.constant 0 : index
    %swap3A_24 = arith.constant 0 : index
    %swap3A_25 = vector.load %arg3[%swap3A, %swap3A_24] : memref<1024x256xf32, #tpu.memory_space<vmem>>, vector<1024x256xf32>
    tpu.vector_store %arg3[%swap3A, %swap3A_24], %select_n3A {strides = array<i32>} : memref<1024x256xf32, #tpu.memory_space<vmem>>, vector<1024x256xf32>,
    return
  }
  func.func @transform_0(%arg0: i32) -> (i32, i32) {
    %c0_i32 = arith.constant 0 : i32
    %c0_i32_0 = arith.constant 0 : i32
    return %arg0, %c0_i32 : i32, i32
  }
  func.func @transform_1(%arg0: i32) -> (i32, i32) {
    %c0_i32 = arith.constant 0 : i32
    %c0_i32_0 = arith.constant 0 : i32
    %c0_i32_1 = arith.constant 0 : i32
    return %c0_i32, %c0_i32_0 : i32, i32
  }
  func.func @transform_2(%arg0: i32) -> (i32, i32) {
    %c0_i32 = arith.constant 0 : i32
    %c0_i32_0 = arith.constant 0 : i32
    return %arg0, %c0_i32 : i32, i32
  }
}

module attributes {stable_mosaic.version = 14 : i64} {
  func.func @body(%arg0: i32, %arg1: memref<2048x256xf32, #tpu.memory_space<vmem>>, %arg2: memref<128x256xf32, #tpu.memory_space<vmem>>, %arg3: memref<264x128xf32, #tpu.memory_space<vmem>>, %arg4: memref<128x128xf32, #tpu.memory_space<vmem>>) attributes {dimension_semantics = [#tpu.dimension_semantics<arbitrary>], iteration_bounds = array<i64: 64>, scalar_prefetch = 0 : i64, scratch_operands = 0 : i64, tpu.core_type = #tpu.core_type<tc>, window_params = [{transform_indices = @transform_0, window_bounds = array<i64: 2048, 256>}, {transform_indices = @transform_1, window_bounds = array<i64: 128, 256>}, {pipeline_mode = #tpu.pipeline_mode<synchronous>, transform_indices = @transform_2, window_bounds = array<i64: 264, 128>}, {transform_indices = @transform_3, window_bounds = array<i64: 128, 128>}]} {
    %get3A = arith.constant 0 : index
    %get3A_0 = arith.constant 0 : index
    %get3A_1 = vector.load %arg1[%get3A, %get3A_0] : memref<2048x256xf32, #tpu.memory_space<vmem>>, vector<2048x256xf32>
    %get3A_2 = arith.constant 0 : index
    %get3A_3 = arith.constant 0 : index
    %get3A_4 = vector.load %arg2[%get3A_2, %get3A_3] : memref<128x256xf32, #tpu.memory_space<vmem>>, vector<128x256xf32>
    %broadcast_in_dim3A = vector.shape_cast %get3A_4 : vector<128x256xf32> to vector<128x1x256xf32>
    %broadcast_in_dim3A_5 = vector.shape_cast %broadcast_in_dim3A : vector<128x1x256xf32> to vector<128x1x256xf32>
    %broadcast_in_dim3A_6 = vector.broadcast %broadcast_in_dim3A_5 : vector<128x1x256xf32> to vector<128x16x256xf32>
    %reshape3A = vector.shape_cast %broadcast_in_dim3A_6 : vector<128x16x256xf32> to vector<2048x256xf32>
    %sub3A = arith.subf %get3A_1, %reshape3A : vector<2048x256xf32>
    %slice3A = vector.extract_strided_slice %sub3A {offsets = [0, 0], sizes = [2048, 132], strides = [1, 1]} : vector<2048x256xf32> to vector<2048x132xf32>
    %slice3A_7 = vector.extract_strided_slice %reshape3A {offsets = [0, 0], sizes = [2048, 132], strides = [1, 1]} : vector<2048x256xf32> to vector<2048x132xf32>
    %concatenate3A = tpu.concatenate %slice3A, %slice3A_7 in 1 : vector<2048x132xf32>, vector<2048x132xf32> -> vector<2048x264xf32>
    %get3A_8 = arith.constant 0 : index
    %get3A_9 = arith.constant 0 : index
    %get3A_10 = vector.load %arg3[%get3A_8, %get3A_9] : memref<264x128xf32, #tpu.memory_space<vmem>>, vector<264x128xf32>
    %dot_general3A = arith.constant dense<0.000000e+00> : vector<2048x128xf32>
    %dot_general3A_11 = tpu.matmul %concatenate3A, %get3A_10, %dot_general3A {dimension_numbers = #tpu.dot_dimension_numbers<[1], [0], [0], [1], [0, 0, 1, 1], [], []>, transpose_lhs_hint = false} : vector<2048x264xf32>, vector<264x128xf32>, vector<2048x128xf32> -> vector<2048x128xf32>
    %reshape3A_12 = vector.shape_cast %dot_general3A_11 : vector<2048x128xf32> to vector<128x16x128xf32>
    %reduce_max3A = arith.constant dense<0xFF800000> : vector<128x128xf32>
    %reduce_max3A_13 = vector.multi_reduction <maximumf>, %reshape3A_12, %reduce_max3A [1] : vector<128x16x128xf32> to vector<128x128xf32>
    %swap3A = arith.constant 0 : index
    %swap3A_14 = arith.constant 0 : index
    %swap3A_15 = vector.load %arg4[%swap3A, %swap3A_14] : memref<128x128xf32, #tpu.memory_space<vmem>>, vector<128x128xf32>
    tpu.vector_store %arg4[%swap3A, %swap3A_14], %reduce_max3A_13 {strides = array<i32>} : memref<128x128xf32, #tpu.memory_space<vmem>>, vector<128x128xf32>,
    return
  }
  func.func @transform_0(%arg0: i32) -> (i32, i32) {
    %c0_i32 = arith.constant 0 : i32
    %c0_i32_0 = arith.constant 0 : i32
    return %arg0, %c0_i32 : i32, i32
  }
  func.func @transform_1(%arg0: i32) -> (i32, i32) {
    %c0_i32 = arith.constant 0 : i32
    %c0_i32_0 = arith.constant 0 : i32
    return %arg0, %c0_i32 : i32, i32
  }
  func.func @transform_2(%arg0: i32) -> (i32, i32) {
    %c0_i32 = arith.constant 0 : i32
    %c0_i32_0 = arith.constant 0 : i32
    %c0_i32_1 = arith.constant 0 : i32
    return %c0_i32, %c0_i32_0 : i32, i32
  }
  func.func @transform_3(%arg0: i32) -> (i32, i32) {
    %c0_i32 = arith.constant 0 : i32
    %c0_i32_0 = arith.constant 0 : i32
    return %arg0, %c0_i32 : i32, i32
  }
}

module attributes {stable_mosaic.version = 14 : i64} {
  func.func @body(%arg0: i32, %arg1: memref<2048x128xf32, #tpu.memory_space<vmem>>, %arg2: memref<128x128xf32, #tpu.memory_space<vmem>>, %arg3: memref<64x128xf32, #tpu.memory_space<vmem>>, %arg4: memref<128x128xf32, #tpu.memory_space<vmem>>) attributes {dimension_semantics = [#tpu.dimension_semantics<arbitrary>], iteration_bounds = array<i64: 64>, scalar_prefetch = 0 : i64, scratch_operands = 0 : i64, tpu.core_type = #tpu.core_type<tc>, window_params = [{transform_indices = @transform_0, window_bounds = array<i64: 2048, 128>}, {transform_indices = @transform_1, window_bounds = array<i64: 128, 128>}, {pipeline_mode = #tpu.pipeline_mode<synchronous>, transform_indices = @transform_2, window_bounds = array<i64: 64, 128>}, {transform_indices = @transform_3, window_bounds = array<i64: 128, 128>}]} {
    %get3A = arith.constant 0 : index
    %get3A_0 = arith.constant 0 : index
    %get3A_1 = vector.load %arg1[%get3A, %get3A_0] : memref<2048x128xf32, #tpu.memory_space<vmem>>, vector<2048x128xf32>
    %get3A_2 = arith.constant 0 : index
    %get3A_3 = arith.constant 0 : index
    %get3A_4 = vector.load %arg2[%get3A_2, %get3A_3] : memref<128x128xf32, #tpu.memory_space<vmem>>, vector<128x128xf32>
    %broadcast_in_dim3A = vector.shape_cast %get3A_4 : vector<128x128xf32> to vector<128x1x128xf32>
    %broadcast_in_dim3A_5 = vector.shape_cast %broadcast_in_dim3A : vector<128x1x128xf32> to vector<128x1x128xf32>
    %broadcast_in_dim3A_6 = vector.broadcast %broadcast_in_dim3A_5 : vector<128x1x128xf32> to vector<128x16x128xf32>
    %reshape3A = vector.shape_cast %broadcast_in_dim3A_6 : vector<128x16x128xf32> to vector<2048x128xf32>
    %sub3A = arith.subf %get3A_1, %reshape3A : vector<2048x128xf32>
    %slice3A = vector.extract_strided_slice %sub3A {offsets = [0, 0], sizes = [2048, 32], strides = [1, 1]} : vector<2048x128xf32> to vector<2048x32xf32>
    %slice3A_7 = vector.extract_strided_slice %reshape3A {offsets = [0, 0], sizes = [2048, 32], strides = [1, 1]} : vector<2048x128xf32> to vector<2048x32xf32>
    %concatenate3A = tpu.concatenate %slice3A, %slice3A_7 in 1 : vector<2048x32xf32>, vector<2048x32xf32> -> vector<2048x64xf32>
    %get3A_8 = arith.constant 0 : index
    %get3A_9 = arith.constant 0 : index
    %get3A_10 = vector.load %arg3[%get3A_8, %get3A_9] : memref<64x128xf32, #tpu.memory_space<vmem>>, vector<64x128xf32>
    %dot_general3A = arith.constant dense<0.000000e+00> : vector<2048x128xf32>
    %dot_general3A_11 = tpu.matmul %concatenate3A, %get3A_10, %dot_general3A {dimension_numbers = #tpu.dot_dimension_numbers<[1], [0], [0], [1], [0, 0, 1, 1], [], []>, transpose_lhs_hint = false} : vector<2048x64xf32>, vector<64x128xf32>, vector<2048x128xf32> -> vector<2048x128xf32>
    %reshape3A_12 = vector.shape_cast %dot_general3A_11 : vector<2048x128xf32> to vector<128x16x128xf32>
    %reduce_max3A = arith.constant dense<0xFF800000> : vector<128x128xf32>
    %reduce_max3A_13 = vector.multi_reduction <maximumf>, %reshape3A_12, %reduce_max3A [1] : vector<128x16x128xf32> to vector<128x128xf32>
    %swap3A = arith.constant 0 : index
    %swap3A_14 = arith.constant 0 : index
    %swap3A_15 = vector.load %arg4[%swap3A, %swap3A_14] : memref<128x128xf32, #tpu.memory_space<vmem>>, vector<128x128xf32>
    tpu.vector_store %arg4[%swap3A, %swap3A_14], %reduce_max3A_13 {strides = array<i32>} : memref<128x128xf32, #tpu.memory_space<vmem>>, vector<128x128xf32>,
    return
  }
  func.func @transform_0(%arg0: i32) -> (i32, i32) {
    %c0_i32 = arith.constant 0 : i32
    %c0_i32_0 = arith.constant 0 : i32
    return %arg0, %c0_i32 : i32, i32
  }
  func.func @transform_1(%arg0: i32) -> (i32, i32) {
    %c0_i32 = arith.constant 0 : i32
    %c0_i32_0 = arith.constant 0 : i32
    return %arg0, %c0_i32 : i32, i32
  }
  func.func @transform_2(%arg0: i32) -> (i32, i32) {
    %c0_i32 = arith.constant 0 : i32
    %c0_i32_0 = arith.constant 0 : i32
    %c0_i32_1 = arith.constant 0 : i32
    return %c0_i32, %c0_i32_0 : i32, i32
  }
  func.func @transform_3(%arg0: i32) -> (i32, i32) {
    %c0_i32 = arith.constant 0 : i32
    %c0_i32_0 = arith.constant 0 : i32
    return %arg0, %c0_i32 : i32, i32
  }
}

</mosaic_0001>

<sc_bundles>
// kernel: kernel.38.cloned.1.call-start
scs
__scs_entry_jumppad:
0x0: {  	(pc) =	sbr.rel $0x88, $3  }
0x1: {  	(tag) =	ssettag $0x0;
	lr =	simm.s32 $0x1  }
0x2: {  	[smem:$0x3F84] =	sst lr;
	_ =	strace $0xD0000000  }
0x3: {  	_ = 	snop  }
0x4: {  	_ = 	snop  }
0x5: {  	_ = 	snop  }
0x6: {  	_ = 	snop  }
0x7: {  	_ = 	snop  }
__scs_overlays_trampoline_lowered:
0x8: {  	[smem:$0x3F93] =	sst s0  }
0x9: {  	[smem:$0x3F94] =	sst s1  }
0xa: {  	[smem:$0x3F95] =	sst s2  }
0xb: {  	[smem:$0x3F96] =	sst s3  }
0xc: {  	[smem:$0x3F97] =	sst s4  }
0xd: {  	[smem:$0x3F98] =	sst s5  }
0xe: {  	[smem:$0x3F99] =	sst s6  }
0xf: {  	[smem:$0x3F9A] =	sst s7  }
0x10: {  	[smem:$0x3F9B] =	sst s8  }
0x11: {  	[smem:$0x3F9C] =	sst s9;
	s0 =	simm.s32 @!p0 $0x0  }
0x12: {  	s1 =	sld [smem:$0x3F82];
	s0 =	simm.s32 @p0 $0x1  }
0x13: {  	[smem:$0x3F9D] =	sst s0;
	s0 =	simm.s32 @!p1 $0x0  }
0x14: {  	s2 =	sld [smem:$0x3F81];
	s0 =	simm.s32 @p1 $0x1  }
0x15: {  	[smem:$0x3F9E] =	sst s0;
	s0 =	simm.s32 @!p2 $0x0  }
0x16: {  	s3 =	sld [smem:$0x3FDB];
	s0 =	simm.s32 @p2 $0x1  }
0x17: {  	s4 =	simm.s32 $0x1BF5;
	[smem:$0x3FA0] =	sst s0  }
0x18: {  	s0 =	sld [smem:$0x3F83];
	_ =	swait.ge [sflag:s4], $0x0  }
0x19: {  	s7 =	sld [smem:$0x3F84]  }
0x1a: {  	s8 =	sadd.s32 $0xFFFFE003, lr  }
0x1b: {  	s9 =	sadd.s32 $0xFFFFFEF7, lr;
	s5 =	simm.s32 $0xFFFFFFFF;
	p2 =	slt.u32 s8, $0xFFFFF086  }
0x1c: {  	p1 =	slt.u32 s9, $0xF7A;
	s5 =	simm.s32 @!p2 $0x0  }
0x1d: {  	s5 =	simm.s32 @p1 $0x1;
	p0 =	seq.s32 s7, s2  }
0x1e: {  	s7 =	smul.u32 @!p0 $0xF7A, s2;
	p2 =	seq.s32 @!p0 s5, $0x0  }
0x1f: {  	s9 =	smul.u32 $0xF7A, s1;
	s8 =	simm.s32 @!p0 $0x1BF5;
	p2 =	por !p2, p0  }
0x20: {  	[sflag:s8] =	ssyncset.s32 @!p0 $0xFFFFF086;
	s6 =	sadd.s32 @!p0 s3, s7;
	s7 =	simm.s32 @!p0 $0x108  }
0x21: {  	s3 =	sadd.s32 s3, s9;
	s6 =	sadd.s32 @!p0 $0x88, s6;
	s7 =	simm.s32 @p2 $0x1082  }
0x22: {  	[simem:s7], [sflag:s8] =	dma.local @!p0 [hbm:s6], $0xF7A  }
0x23: {  	s9 =	sor.u32 $0xD0000000, s2;
	s6 =	simm.s32 $0x108;
	_ =	swait.ge @!p0 [sflag:s8], $0x0  }
0x24: {  	s3 =	sadd.s32 $0x88, s3;
	s6 =	simm.s32 @!p1 $0x1082;
	[sflag:s4] =	ssyncset.s32 $0xFFFFF086  }
0x25: {  	[simem:s6], [sflag:s4] =	dma.local [hbm:s3], $0xF7A  }
0x26: {  	[smem:$0x3F84] =	sst s1;
	(tag) =	ssettag s2;
	_ =	strace s9  }
0x27: {  	s1 =	sld [smem:$0x3F94]  }
0x28: {  	s2 =	sld [smem:$0x3F95]  }
0x29: {  	s4 =	sld [smem:$0x3F97]  }
0x2a: {  	p0 =	seq.s32 s5, $0x0;
	s5 =	sld [smem:$0x3F98]  }
0x2b: {  	s6 =	sld [smem:$0x3F99]  }
0x2c: {  	s7 =	sld [smem:$0x3F9A]  }
0x2d: {  	s3 =	simm.s32 $0x108;
	s8 =	sld [smem:$0x3F9B]  }
0x2e: {  	s3 =	simm.s32 @!p0 $0x1082;
	s9 =	sld [smem:$0x3F9C]  }
0x2f: {  	lr =	sadd.s32 s0, s3;
	s0 =	sld [smem:$0x3F93]  }
0x30: {  	s3 =	sld [smem:$0x3F96]  }
0x31: {  	[smem:$0x3F9F] =	sst s10  }
0x32: {  	s10 =	sld [smem:$0x3F9D];
	_ =	sdelay $0x3  }
0x33: {  	p0 =	seq.s32 s10, $0x1;
	s10 =	sld [smem:$0x3F9F];
	_ =	sdelay $0x3  }
0x34: {  	[smem:$0x3F9F] =	sst s10  }
0x35: {  	s10 =	sld [smem:$0x3F9E];
	_ =	sdelay $0x3  }
0x36: {  	p1 =	seq.s32 s10, $0x1;
	s10 =	sld [smem:$0x3F9F];
	_ =	sdelay $0x3  }
0x37: {  	[smem:$0x3F9F] =	sst s10  }
0x38: {  	s10 =	sld [smem:$0x3FA0]  }
0x39: {  	_ = 	snop;
	(pc) =	sbr.ind lr, $3  }
0x3a: {  	_ = 	snop  }
0x3b: {  	_ = 	snop  }
0x3c: {  	p2 =	seq.s32 s10, $0x1;
	s10 =	sld [smem:$0x3F9F]  }
0x3d: {  	_ =	shalt  }
0x3e: {  	_ =	shalt  }
0x3f: {  	_ =	shalt  }
0x40: {  	_ =	shalt  }
0x41: {  	_ =	shalt  }
0x42: {  	_ =	shalt  }
0x43: {  	_ =	shalt  }
0x44: {  	_ =	shalt  }
0x45: {  	_ =	shalt  }
0x46: {  	_ =	shalt  }
0x47: {  	_ =	shalt  }
0x48: {  	_ =	shalt  }
0x49: {  	_ =	shalt  }
0x4a: {  	_ =	shalt  }
0x4b: {  	_ =	shalt  }
0x4c: {  	_ =	shalt  }
0x4d: {  	_ =	shalt  }
0x4e: {  	_ =	shalt  }
0x4f: {  	_ =	shalt  }
0x50: {  	_ =	shalt  }
0x51: {  	_ =	shalt  }
0x52: {  	_ =	shalt  }
0x53: {  	_ =	shalt  }
0x54: {  	_ =	shalt  }
0x55: {  	_ =	shalt  }
0x56: {  	_ =	shalt  }
0x57: {  	_ =	shalt  }
0x58: {  	_ =	shalt  }
0x59: {  	_ =	shalt  }
0x5a: {  	_ =	shalt  }
0x5b: {  	_ =	shalt  }
0x5c: {  	_ =	shalt  }
0x5d: {  	_ =	shalt  }
0x5e: {  	_ =	shalt  }
0x5f: {  	_ =	shalt  }
0x60: {  	_ =	shalt  }
0x61: {  	_ =	shalt  }
0x62: {  	_ =	shalt  }
0x63: {  	_ =	shalt  }
0x64: {  	_ =	shalt  }
0x65: {  	_ =	shalt  }
0x66: {  	_ =	shalt  }
0x67: {  	_ =	shalt  }
0x68: {  	_ =	shalt  }
0x69: {  	_ =	shalt  }
0x6a: {  	_ =	shalt  }
0x6b: {  	_ =	shalt  }
0x6c: {  	_ =	shalt  }
0x6d: {  	_ =	shalt  }
0x6e: {  	_ =	shalt  }
0x6f: {  	_ =	shalt  }
0x70: {  	_ =	shalt  }
0x71: {  	_ =	shalt  }
0x72: {  	_ =	shalt  }
0x73: {  	_ =	shalt  }
0x74: {  	_ =	shalt  }
0x75: {  	_ =	shalt  }
0x76: {  	_ =	shalt  }
0x77: {  	_ =	shalt  }
0x78: {  	_ =	shalt  }
0x79: {  	_ =	shalt  }
0x7a: {  	_ =	shalt  }
0x7b: {  	_ =	shalt  }
0x7c: {  	_ =	shalt  }
0x7d: {  	_ =	shalt  }
0x7e: {  	_ =	shalt  }
0x7f: {  	_ =	shalt  }
0x80: {  	_ =	shalt  }
0x81: {  	_ =	shalt  }
0x82: {  	_ =	shalt  }
0x83: {  	_ =	shalt  }
0x84: {  	_ =	shalt  }
0x85: {  	_ =	shalt  }
0x86: {  	_ =	shalt  }
0x87: {  	_ =	shalt  }
.Lfunc_end0:
.L_simem_size_0:
called_computation.2_lowered:
.L_overlay_start_0:
0x88: {  	s2 =	sld [smem:$0x3FD9]  }
0x89: {  	s3 =	sld [smem:$0x3FFE];
	_ =	sdelay $0x1  }
0x8a: {  	s1 =	srdreg.scid  }
0x8b: {  	s0 =	sand.u32 $0x1, s1  }
0x8c: {  	s17 =	sshll.u32 s0, $0xA;
	s2 =	sadd.s32 s3, s2  }
0x8d: {  	s2 =	sadd.s32 s2, s17  }
0x8e: {  	[smem:$0x3FAB] =	sst s2  }
0x8f: {  	_ = 	snop  }
0x90: {  	(tm) =	ssettm $0x1  }
0x91: {  	s18 =	sld [smem:$0x3FFB];
	_ =	sdelay $0x3  }
0x92: {  	_ =	strace s18  }
0x93: {  	s2 =	sld [smem:$0x3FFC];
	_ =	sdelay $0x3  }
0x94: {  	_ =	strace s2  }
0x95: {  	s2 =	sld [smem:$0x3FFD];
	_ =	sdelay $0x3  }
0x96: {  	_ =	strace s2  }
0x97: {  	_ =	strace $0x8FFFFFFF  }
0x98: {  	s19 =	sld [smem:$0x3FDB];
	_ =	sdelay $0x1  }
0x99: {  	s20 =	simm.s32 $_scs_section_size  }
0x9a: {  	s4 =	simm.s32 $_size__tile_overlayer_lowered;
	s5 =	simm.s32 $_tile_overlayer_lowered  }
0x9b: {  	s6 =	simm.s32 $0x1BFF;
	s21 =	sshll.u32 s5, $0x1;
	s3 =	sadd.s32 s20, s19  }
0x9c: {  	s22 =	simm.s32 $0x0;
	s4 =	sshll.u32 s4, $0x1;
	s5 =	sadd.s32 s21, s3  }
0x9d: {  	[timem:s22], [sflag:s6] =	dma.local [hbm:s5], s4  }
0x9e: {  	_ =	swait.ge [sflag:s6], s4  }
0x9f: {  	s4 =	ssub.s32 $0x0, s4;
	[sflag:s6] =	ssyncset.done $0x0  }
0xa0: {  	[sflag:s6] =	ssyncadd.s32 s4;
	_ =	sdelay $0x1  }
0xa1: {  	s23 =	simm.s32 $0x1B8B  }
0xa2: {  	_ =	swait.ge [sflag:s23], $0x1  }
0xa3: {  	[sflag:s23] =	ssyncset.done $0x0  }
0xa4: {  	[sflag:s23] =	ssyncadd.s32 $0xFFFFFFFF  }
0xa5: {  	s4 =	sld [smem:$0x0]  }
0xa6: {  	s5 =	sand.u32 $0xFFFFFFFE, s1  }
0xa7: {  	p0 =	sne.s32 s1, s5  }
0xa8: {  	s5 =	sshll.u32 @p0 s5, $0xE  }
0xa9: {  	s5 =	sadd.s32 @p0 $0x11B8D, s5;
	s6 =	sshll.u32 @p0 s4, $0x11  }
0xaa: {  	s5 =	sor.u32 @p0 s6, s5  }
0xab: {  	[sflag:s5] =	ssyncadd.remote.s32 @p0 $0x1;
	_ =	sdelay $0x1  }
0xac: {  	s5 =	simm.s32 @p0 $0x1B8D  }
0xad: {  	_ =	swait.eq @p0 [sflag:s5], $0x1  }
0xae: {  	[sflag:s5] =	ssyncadd.s32 @p0 $0xFFFFFFFF  }
0xaf: {  	s6 =	sshll.u32 @!p0 s1, $0xE  }
0xb0: {  	s6 =	sor.u32 @!p0 $0x4000, s6;
	s5 =	simm.s32 @!p0 $0x1B8D  }
0xb1: {  	s4 =	sshll.u32 @!p0 s4, $0x11;
	s6 =	sadd.s32 @!p0 $0x11B8D, s6;
	_ =	swait.eq @!p0 [sflag:s5], $0x1  }
0xb2: {  	s4 =	sor.u32 @!p0 s4, s6;
	[sflag:s5] =	ssyncadd.s32 @!p0 $0xFFFFFFFF  }
0xb3: {  	s25 =	simm.s32 $0x1B8E;
	s24 =	sld [smem:$0x3FFE];
	[sflag:s4] =	ssyncadd.remote.s32 @!p0 $0x1  }
0xb4: {  	s26 =	simm.s32 $execute0_lowered;
	[smem:$0x3FD2] =	sst s25  }
0xb5: {  	s5 =	sshll.u32 s26, $0x1;
	_ =	strace $0x80000049;
	[dreg:$0x1] =	wrdreg $0xFFFFFFFF  }
0xb6: {  	s28 =	simm.s32 $_size_execute0_lowered;
	s3 =	sadd.s32 s3, s5;
	[dreg:$0x0] =	wrdreg $0x0  }
0xb7: {  	s5 =	sshll.u32 s28, $0x1;
	[dreg:$0x2] =	wrdreg s3  }
0xb8: {  	[dreg:$0x3] =	wrdreg s5  }
0xb9: {  	[dreg:$0x4] =	wrdreg $0xC0  }
0xba: {  	_ =	task [dreg:s22], $0x5FFFF  }
0xbb: {  	[dreg:$0x1] =	wrdreg $0xFFFFFFFF  }
0xbc: {  	[dreg:$0x0] =	wrdreg $0x60  }
0xbd: {  	[dreg:$0x2] =	wrdreg s24  }
0xbe: {  	[dreg:$0x3] =	wrdreg $0xA  }
0xbf: {  	_ =	task.clear_ibuf [dreg:s22], $0x4FFFF;
	_ =	strace $0x90000049  }
0xc0: {  	s29 =	simm.s32 $0xA;
	_ =	strace $0x8000004B  }
0xc1: {  	_ =	swait.ge [sflag:s29], $0x1  }
0xc2: {  	[sflag:s29] =	ssyncadd.s32 $0xFFFFFFFF  }
0xc3: {  	_ =	strace $0x9000004B  }
0xc4: {  	_ =	sfence  }
0xc5: {  	s30 =	sld [smem:$0x0];
	_ =	sdelay $0x2  }
0xc6: {  	s31 =	sshll.u32 s1, $0xD;
	s1 =	sshrl.u32 s1, $0x2  }
0xc7: {  	s4 =	sand.u32 $0x4000, s31;
	s1 =	sadd.s32 s1, s30  }
0xc8: {  	s0 =	sor.u32 s4, s0;
	s1 =	sshll.u32 s1, $0x11  }
0xc9: {  	s0 =	sor.u32 s1, s0  }
0xca: {  	s0 =	sadd.s32 $0x8F2B, s0  }
0xcb: {  	[sflag:s0] =	ssyncadd.remote.s32 $0x1  }
0xcc: {  	_ =	sfence.sel $0xFFFF  }
0xcd: {  	[dreg:$0x0] =	wrdreg $0xFFFFFFFF;
	(pc) =	sbr.abs _section_cstart, $3  }
0xce: {  	[dreg:$0x1] =	wrdreg $0xFFFFFFFF  }
0xcf: {  	_ =	task.clear_ibuf [dreg:s22], $0x2FFFF;
	_ =	strace $0x9FFFFFFF  }
0xd0: {  	(tm) =	ssettm $0x7FFFFFFF  }
0xd1: {  	_ =	shalt  }
tec
execute0_lowered:
.L_overlay_start_1:
0x0: {  	(tag) =	ssettag $0x1  }
0x1: {  	s4 =	rddreg [dreg:$0x0]  }
0x2: {  	s0 =	rddreg [dreg:$0x1]  }
0x3: {  	s1 =	simm.s32 $0x0;
	s5 =	srdreg.scid;
	s2 =	stileid.u32  }
0x4: {  	s12 =	simm.s32 $0x1;
	s13 =	simm.s32 $0x2;
	s14 =	simm.s32 $0x4100  }
0x5: {  	s15 =	simm.s32 $0x0;
	[smem:$0x7FF] =	sst s1;
	s7 =	sadd.s32 $0x4C5200, s4  }
0x6: {  	s3 =	sadd.s32 $0x1200, s4;
	s8 =	sand.u32 $0x1, s5;
	s28 =	sshll.u32 s2, $0x1  }
0x7: {  	s9 =	sadd.s32 $0x4C9200, s4;
	s30 =	sshll.u32 s2, $0xA;
	s11 =	sshll.u32 s2, $0x11  }
0x8: {  	_ =	strace $0x8000004A;
	s29 =	ssub.s32 $0x2, s8;
	s5 =	sor.u32 s8, s28  }
0x9: {  	s31 =	sshll.u32 s8, $0x9;
	s8 =	sshll.u32 s8, $0x10;
	s6 =	sshrl.u32 s29, $0x1  }
0xa: {  	s10 =	sshll.u32 s5, $0x10;
	s5 =	sshll.u32 s5, $0x9;
	s6 =	ssub.s32 s29, s6  }
0xb: {  	s4 =	sadd.s32 s7, s5;
	s10 =	sadd.s32 s9, s10;
	s7 =	sadd.s32 s30, s7  }
0xc: {  	s9 =	sadd.s32 s11, s9;
	s11 =	simm.s32 $0x100;
	s5 =	smax.u32 s6, $0x1  }
0xd: {  	s6 =	sadd.s32 $0xF800, s10;
	s7 =	sadd.s32 s31, s7;
	s8 =	sadd.s32 s8, s9  }
0xe: {  	s9 =	simm.s32 $0x3;
	s10 =	simm.s32 $0x80;
	s7 =	sadd.s32 $0x10, s7  }
.LBB2_1:
0xf: {  	[tilespmem:s1], [sflag:$0x3] =	stream.linear.gather [hbm4b:s4+s1], $0x80, $0x38;
	[tilespmem:$0x8100] =	vst v63  }
0x10: {  	_ =	swait.ge [sflag:s9], $0x80  }
0x11: {  	s16 =	sand.u32 $0x1, s1;
	[sflag:s9] =	ssyncset.done $0x0  }
0x12: {  	s17 =	sxor.u32 $0x1, s16;
	[sflag:s9] =	ssyncadd.s32 $0xFFFFFF80  }
0x13: {  	[tilespmem:s11], [sflag:$0x1] =	stream.indirect.gather [hbm4b:s3+s10], $0x80, s1, s10, $0xb8;
	[tilespmem:$0x8100] =	vst v63  }
0x14: {  	s18 =	sshll.u32 s17, $0x7  }
0x15: {  	[tilespmem:s18], [sflag:$0x3] =	stream.linear.gather [hbm4b:s7+s1], $0x80, $0x38;
	[tilespmem:$0x8100] =	vst v63  }
0x16: {  	_ =	swait.ge [sflag:s9], $0x80  }
0x17: {  	s17 =	sshll.u32 s17, $0xE;
	[sflag:s9] =	ssyncset.done $0x0  }
0x18: {  	s17 =	sor.u32 $0x100, s17;
	[sflag:s9] =	ssyncadd.s32 $0xFFFFFF80  }
0x19: {  	[tilespmem:s17], [sflag:$0x1] =	stream.indirect.gather [hbm4b:s3+s10], $0x80, s18, s10, $0xb8;
	[tilespmem:$0x8100] =	vst v63  }
0x1a: {  	s29 =	simm.s32 $0x1;
	_ =	swait.ge [sflag:s12], $0x4000  }
0x1b: {  	s20 =	simm.s32 $0x2;
	s16 =	sshll.u32 s16, $0xE;
	[sflag:s12] =	ssyncset.done $0x0  }
0x1c: {  	s31 =	sand.u32 $0x1, s29;
	s30 =	sor.u32 $0x100, s16;
	[sflag:s12] =	ssyncadd.s32 $0xFFFFC000  }
0x1d: {  	[hbm4b:s8+s1] =	stream.linear.scatter [tilespmem:s30], [sflag:$0x2], $0x4000, $0x38;
	[tilespmem:$0x8100] =	vst v63  }
0x1e: {  	s16 =	sadd.s32 $0x800, s8;
	s19 =	sxor.u32 $0x1, s31;
	_ =	swait.ge [sflag:s13], $0x4000  }
0x1f: {  	s17 =	sadd.s32 $0x10, s7;
	s18 =	sshll.u32 s31, $0xE;
	[sflag:s13] =	ssyncset.done $0x0  }
.LBB2_2:
0x20: {  	s21 =	sshll.u32 s19, $0x7;
	[sflag:s13] =	ssyncadd.s32 $0xFFFFC000  }
0x21: {  	s22 =	smov.u32 s20;
	s23 =	sadd.s32 $0x1, s20;
	s24 =	smov.u32 s16  }
0x22: {  	[tilespmem:s21], [sflag:$0x3] =	stream.linear.gather [hbm4b:s17+s1], $0x80, $0x38;
	[tilespmem:$0x8100] =	vst v63  }
0x23: {  	p0 =	sne.s32 s20, $0x1E;
	_ =	swait.ge [sflag:s9], $0x80  }
0x24: {  	s19 =	sshll.u32 s19, $0xE;
	[sflag:s9] =	ssyncset.done $0x0  }
0x25: {  	s19 =	sor.u32 $0x100, s19;
	[sflag:s9] =	ssyncadd.s32 $0xFFFFFF80  }
0x26: {  	[tilespmem:s19], [sflag:$0x1] =	stream.indirect.gather [hbm4b:s3+s10], $0x80, s21, s10, $0xb8;
	[tilespmem:$0x8100] =	vst v63  }
0x27: {  	_ =	swait.ge [sflag:s12], $0x4000  }
.Ltmp0:
0x28: {  	s18 =	sor.u32 $0x100, s18;
	[sflag:s12] =	ssyncset.done $0x0;
	(pc) =	sbr.rel @p0 .LBB2_2-.Ltmp0, $4  }
0x29: {  	s16 =	sadd.s32 $0x800, s16;
	s17 =	sadd.s32 $0x10, s17;
	[sflag:s12] =	ssyncadd.s32 $0xFFFFC000  }
0x2a: {  	[hbm4b:s24+s1] =	stream.linear.scatter [tilespmem:s18], [sflag:$0x2], $0x4000, $0x38;
	[tilespmem:$0x8100] =	vst v63  }
0x2b: {  	s20 =	smov.u32 s23;
	s18 =	sand.u32 $0x1, s22;
	_ =	swait.ge [sflag:s13], $0x4000  }
0x2c: {  	s19 =	sxor.u32 $0x1, s18;
	s18 =	sshll.u32 s18, $0xE;
	[sflag:s13] =	ssyncset.done $0x0  }
0x2d: {  	s20 =	sshll.u32 s19, $0x7;
	[sflag:s13] =	ssyncadd.s32 $0xFFFFC000  }
0x2e: {  	[tilespmem:s20], [sflag:$0x3] =	stream.linear.gather [hbm4b:s17+s1], $0x80, $0x38;
	[tilespmem:$0x8100] =	vst v63  }
0x2f: {  	_ =	swait.ge [sflag:s9], $0x80  }
0x30: {  	s30 =	sshll.u32 s19, $0xE;
	[sflag:s9] =	ssyncset.done $0x0  }
0x31: {  	s17 =	sor.u32 $0x100, s30;
	[sflag:s9] =	ssyncadd.s32 $0xFFFFFF80  }
0x32: {  	[tilespmem:s17], [sflag:$0x1] =	stream.indirect.gather [hbm4b:s3+s10], $0x80, s20, s10, $0xb8;
	[tilespmem:$0x8100] =	vst v63  }
0x33: {  	_ =	swait.ge [sflag:s12], $0x4000  }
0x34: {  	[sflag:s12] =	ssyncset.done $0x0  }
0x35: {  	s31 =	sor.u32 $0x100, s18;
	[sflag:s12] =	ssyncadd.s32 $0xFFFFC000  }
0x36: {  	[hbm4b:s16+s1] =	stream.linear.scatter [tilespmem:s31], [sflag:$0x2], $0x4000, $0x38;
	[tilespmem:$0x8100] =	vst v63  }
0x37: {  	_ =	swait.ge [sflag:s13], $0x4000  }
0x38: {  	[sflag:s13] =	ssyncset.done $0x0  }
0x39: {  	[sflag:s13] =	ssyncadd.s32 $0xFFFFC000  }
0x3a: {  	s15 =	sadd.s32 $0x1, s15;
	_ =	swait.ge [sflag:s12], $0x4000  }
0x3b: {  	p0 =	sne.s32 s15, s5;
	[sflag:s12] =	ssyncset.done $0x0  }
.Ltmp1:
0x3c: {  	[sflag:s12] =	ssyncadd.s32 $0xFFFFC000;
	(pc) =	sbr.rel @p0 .LBB2_1-.Ltmp1, $4  }
0x3d: {  	[hbm4b:s6+s1] =	stream.linear.scatter [tilespmem:s14], [sflag:$0x2], $0x4000, $0x38;
	[tilespmem:$0x8100] =	vst v63  }
0x3e: {  	_ =	swait.ge [sflag:s13], $0x4000  }
0x3f: {  	[sflag:s13] =	ssyncset.done $0x0  }
0x40: {  	[sflag:s13] =	ssyncadd.s32 $0xFFFFC000  }
0x41: {  	_ =	sfence.sel $0x180000  }
0x42: {  	[bflag:$0x0] =	sbarrier.arrive $0xFFFF  }
0x43: {  	p0 =	sne.s32 s2, $0x0;
	_ =	strace $0x9000004A  }
0x44: {  	s0 =	sadd.s32 @!p0 $0x100000, s0;
	[bflag:$0x2] =	sbarrier.arrive $0xFFFF  }
0x45: {  	[sflag:s0] =	ssyncadd.tile.s32 @!p0 $0x1;
	_ =	shalt  }
.Lfunc_end2:
_tile_overlayer_lowered:
.L_overlay_start_2:
0x46: {  	(tag) =	ssettag $0x2  }
0x47: {  	s0 =	rddreg [dreg:$0x0];
	s2 =	stileid.u32  }
0x48: {  	s1 =	rddreg [dreg:$0x1];
	p0 =	sne.s32 s2, $0x0  }
0x49: {  	s3 =	rddreg [dreg:$0x2];
	[bflag:$0x3] =	sbarrier.arrive $0xFFFF;
	s2 =	simm.s32 @!p0 $0x1C03  }
0x4a: {  	[timem:s3], [sflag:s2] =	dma.local @!p0 [hbm:s0], s1  }
0x4b: {  	s0 =	simm.s32 @!p0 $0x3  }
0x4c: {  	_ =	swait.ge @!p0 [sflag:s0], s1  }
0x4d: {  	s1 =	ssub.s32 @!p0 $0x0, s1;
	[sflag:s0] =	ssyncset.done @!p0 $0x0  }
0x4e: {  	[sflag:s0] =	ssyncadd.s32 @!p0 s1  }
0x4f: {  	[bflag:$0x3] =	sbarrier.arrive $0xFFFF  }
0x50: {  	_ =	shalt  }

// kernel: kernel.41.cloned.1.call-start
scs
__scs_entry_jumppad:
0x0: {  	(pc) =	sbr.rel $0x88, $3  }
0x1: {  	(tag) =	ssettag $0x0;
	lr =	simm.s32 $0x1  }
0x2: {  	[smem:$0x3F84] =	sst lr;
	_ =	strace $0xD0000000  }
0x3: {  	_ = 	snop  }
0x4: {  	_ = 	snop  }
0x5: {  	_ = 	snop  }
0x6: {  	_ = 	snop  }
0x7: {  	_ = 	snop  }
__scs_overlays_trampoline_lowered:
0x8: {  	[smem:$0x3F93] =	sst s0  }
0x9: {  	[smem:$0x3F94] =	sst s1  }
0xa: {  	[smem:$0x3F95] =	sst s2  }
0xb: {  	[smem:$0x3F96] =	sst s3  }
0xc: {  	[smem:$0x3F97] =	sst s4  }
0xd: {  	[smem:$0x3F98] =	sst s5  }
0xe: {  	[smem:$0x3F99] =	sst s6  }
0xf: {  	[smem:$0x3F9A] =	sst s7  }
0x10: {  	[smem:$0x3F9B] =	sst s8  }
0x11: {  	[smem:$0x3F9C] =	sst s9;
	s0 =	simm.s32 @!p0 $0x0  }
0x12: {  	s1 =	sld [smem:$0x3F82];
	s0 =	simm.s32 @p0 $0x1  }
0x13: {  	[smem:$0x3F9D] =	sst s0;
	s0 =	simm.s32 @!p1 $0x0  }
0x14: {  	s2 =	sld [smem:$0x3F81];
	s0 =	simm.s32 @p1 $0x1  }
0x15: {  	[smem:$0x3F9E] =	sst s0;
	s0 =	simm.s32 @!p2 $0x0  }
0x16: {  	s3 =	sld [smem:$0x3FDB];
	s0 =	simm.s32 @p2 $0x1  }
0x17: {  	s4 =	simm.s32 $0x1BF5;
	[smem:$0x3FA0] =	sst s0  }
0x18: {  	s0 =	sld [smem:$0x3F83];
	_ =	swait.ge [sflag:s4], $0x0  }
0x19: {  	s7 =	sld [smem:$0x3F84]  }
0x1a: {  	s8 =	sadd.s32 $0xFFFFE003, lr  }
0x1b: {  	s9 =	sadd.s32 $0xFFFFFEF7, lr;
	s5 =	simm.s32 $0xFFFFFFFF;
	p2 =	slt.u32 s8, $0xFFFFF086  }
0x1c: {  	p1 =	slt.u32 s9, $0xF7A;
	s5 =	simm.s32 @!p2 $0x0  }
0x1d: {  	s5 =	simm.s32 @p1 $0x1;
	p0 =	seq.s32 s7, s2  }
0x1e: {  	s7 =	smul.u32 @!p0 $0xF7A, s2;
	p2 =	seq.s32 @!p0 s5, $0x0  }
0x1f: {  	s9 =	smul.u32 $0xF7A, s1;
	s8 =	simm.s32 @!p0 $0x1BF5;
	p2 =	por !p2, p0  }
0x20: {  	[sflag:s8] =	ssyncset.s32 @!p0 $0xFFFFF086;
	s6 =	sadd.s32 @!p0 s3, s7;
	s7 =	simm.s32 @!p0 $0x108  }
0x21: {  	s3 =	sadd.s32 s3, s9;
	s6 =	sadd.s32 @!p0 $0x88, s6;
	s7 =	simm.s32 @p2 $0x1082  }
0x22: {  	[simem:s7], [sflag:s8] =	dma.local @!p0 [hbm:s6], $0xF7A  }
0x23: {  	s9 =	sor.u32 $0xD0000000, s2;
	s6 =	simm.s32 $0x108;
	_ =	swait.ge @!p0 [sflag:s8], $0x0  }
0x24: {  	s3 =	sadd.s32 $0x88, s3;
	s6 =	simm.s32 @!p1 $0x1082;
	[sflag:s4] =	ssyncset.s32 $0xFFFFF086  }
0x25: {  	[simem:s6], [sflag:s4] =	dma.local [hbm:s3], $0xF7A  }
0x26: {  	[smem:$0x3F84] =	sst s1;
	(tag) =	ssettag s2;
	_ =	strace s9  }
0x27: {  	s1 =	sld [smem:$0x3F94]  }
0x28: {  	s2 =	sld [smem:$0x3F95]  }
0x29: {  	s4 =	sld [smem:$0x3F97]  }
0x2a: {  	p0 =	seq.s32 s5, $0x0;
	s5 =	sld [smem:$0x3F98]  }
0x2b: {  	s6 =	sld [smem:$0x3F99]  }
0x2c: {  	s7 =	sld [smem:$0x3F9A]  }
0x2d: {  	s3 =	simm.s32 $0x108;
	s8 =	sld [smem:$0x3F9B]  }
0x2e: {  	s3 =	simm.s32 @!p0 $0x1082;
	s9 =	sld [smem:$0x3F9C]  }
0x2f: {  	lr =	sadd.s32 s0, s3;
	s0 =	sld [smem:$0x3F93]  }
0x30: {  	s3 =	sld [smem:$0x3F96]  }
0x31: {  	[smem:$0x3F9F] =	sst s10  }
0x32: {  	s10 =	sld [smem:$0x3F9D];
	_ =	sdelay $0x3  }
0x33: {  	p0 =	seq.s32 s10, $0x1;
	s10 =	sld [smem:$0x3F9F];
	_ =	sdelay $0x3  }
0x34: {  	[smem:$0x3F9F] =	sst s10  }
0x35: {  	s10 =	sld [smem:$0x3F9E];
	_ =	sdelay $0x3  }
0x36: {  	p1 =	seq.s32 s10, $0x1;
	s10 =	sld [smem:$0x3F9F];
	_ =	sdelay $0x3  }
0x37: {  	[smem:$0x3F9F] =	sst s10  }
0x38: {  	s10 =	sld [smem:$0x3FA0]  }
0x39: {  	_ = 	snop;
	(pc) =	sbr.ind lr, $3  }
0x3a: {  	_ = 	snop  }
0x3b: {  	_ = 	snop  }
0x3c: {  	p2 =	seq.s32 s10, $0x1;
	s10 =	sld [smem:$0x3F9F]  }
0x3d: {  	_ =	shalt  }
0x3e: {  	_ =	shalt  }
0x3f: {  	_ =	shalt  }
0x40: {  	_ =	shalt  }
0x41: {  	_ =	shalt  }
0x42: {  	_ =	shalt  }
0x43: {  	_ =	shalt  }
0x44: {  	_ =	shalt  }
0x45: {  	_ =	shalt  }
0x46: {  	_ =	shalt  }
0x47: {  	_ =	shalt  }
0x48: {  	_ =	shalt  }
0x49: {  	_ =	shalt  }
0x4a: {  	_ =	shalt  }
0x4b: {  	_ =	shalt  }
0x4c: {  	_ =	shalt  }
0x4d: {  	_ =	shalt  }
0x4e: {  	_ =	shalt  }
0x4f: {  	_ =	shalt  }
0x50: {  	_ =	shalt  }
0x51: {  	_ =	shalt  }
0x52: {  	_ =	shalt  }
0x53: {  	_ =	shalt  }
0x54: {  	_ =	shalt  }
0x55: {  	_ =	shalt  }
0x56: {  	_ =	shalt  }
0x57: {  	_ =	shalt  }
0x58: {  	_ =	shalt  }
0x59: {  	_ =	shalt  }
0x5a: {  	_ =	shalt  }
0x5b: {  	_ =	shalt  }
0x5c: {  	_ =	shalt  }
0x5d: {  	_ =	shalt  }
0x5e: {  	_ =	shalt  }
0x5f: {  	_ =	shalt  }
0x60: {  	_ =	shalt  }
0x61: {  	_ =	shalt  }
0x62: {  	_ =	shalt  }
0x63: {  	_ =	shalt  }
0x64: {  	_ =	shalt  }
0x65: {  	_ =	shalt  }
0x66: {  	_ =	shalt  }
0x67: {  	_ =	shalt  }
0x68: {  	_ =	shalt  }
0x69: {  	_ =	shalt  }
0x6a: {  	_ =	shalt  }
0x6b: {  	_ =	shalt  }
0x6c: {  	_ =	shalt  }
0x6d: {  	_ =	shalt  }
0x6e: {  	_ =	shalt  }
0x6f: {  	_ =	shalt  }
0x70: {  	_ =	shalt  }
0x71: {  	_ =	shalt  }
0x72: {  	_ =	shalt  }
0x73: {  	_ =	shalt  }
0x74: {  	_ =	shalt  }
0x75: {  	_ =	shalt  }
0x76: {  	_ =	shalt  }
0x77: {  	_ =	shalt  }
0x78: {  	_ =	shalt  }
0x79: {  	_ =	shalt  }
0x7a: {  	_ =	shalt  }
0x7b: {  	_ =	shalt  }
0x7c: {  	_ =	shalt  }
0x7d: {  	_ =	shalt  }
0x7e: {  	_ =	shalt  }
0x7f: {  	_ =	shalt  }
0x80: {  	_ =	shalt  }
0x81: {  	_ =	shalt  }
0x82: {  	_ =	shalt  }
0x83: {  	_ =	shalt  }
0x84: {  	_ =	shalt  }
0x85: {  	_ =	shalt  }
0x86: {  	_ =	shalt  }
0x87: {  	_ =	shalt  }
.Lfunc_end0:
.L_simem_size_0:
called_computation.3_lowered:
.L_overlay_start_0:
0x88: {  	s2 =	sld [smem:$0x3FD9]  }
0x89: {  	s3 =	sld [smem:$0x3FFE];
	_ =	sdelay $0x1  }
0x8a: {  	s1 =	srdreg.scid  }
0x8b: {  	s0 =	sand.u32 $0x1, s1  }
0x8c: {  	s16 =	sshll.u32 s0, $0xA;
	s2 =	sadd.s32 s3, s2  }
0x8d: {  	s2 =	sadd.s32 s2, s16  }
0x8e: {  	[smem:$0x3FAB] =	sst s2  }
0x8f: {  	_ = 	snop  }
0x90: {  	(tm) =	ssettm $0x1  }
0x91: {  	s17 =	sld [smem:$0x3FFB];
	_ =	sdelay $0x3  }
0x92: {  	_ =	strace s17  }
0x93: {  	s2 =	sld [smem:$0x3FFC];
	_ =	sdelay $0x3  }
0x94: {  	_ =	strace s2  }
0x95: {  	s2 =	sld [smem:$0x3FFD];
	_ =	sdelay $0x3  }
0x96: {  	_ =	strace s2  }
0x97: {  	_ =	strace $0x8FFFFFFF  }
0x98: {  	s18 =	sld [smem:$0x3FDB];
	_ =	sdelay $0x1  }
0x99: {  	s19 =	simm.s32 $_scs_section_size  }
0x9a: {  	s4 =	simm.s32 $_size__tile_overlayer_lowered;
	s5 =	simm.s32 $_tile_overlayer_lowered  }
0x9b: {  	s22 =	simm.s32 $0x1BFF;
	s21 =	sshll.u32 s5, $0x1;
	s2 =	sadd.s32 s19, s18  }
0x9c: {  	s6 =	simm.s32 $0x0;
	s20 =	sshll.u32 s4, $0x1;
	s4 =	sadd.s32 s21, s2  }
0x9d: {  	[timem:s6], [sflag:s22] =	dma.local [hbm:s4], s20  }
0x9e: {  	_ =	swait.ge [sflag:s22], s20  }
0x9f: {  	s3 =	ssub.s32 $0x0, s20;
	[sflag:s22] =	ssyncset.done $0x0  }
0xa0: {  	[sflag:s22] =	ssyncadd.s32 s3;
	_ =	sdelay $0x1  }
0xa1: {  	s23 =	simm.s32 $0x1B8B  }
0xa2: {  	_ =	swait.ge [sflag:s23], $0x1  }
0xa3: {  	[sflag:s23] =	ssyncset.done $0x0  }
0xa4: {  	s25 =	simm.s32 $0x1B8E;
	s24 =	sld [smem:$0x3FFE];
	[sflag:s23] =	ssyncadd.s32 $0xFFFFFFFF  }
0xa5: {  	s26 =	simm.s32 $execute0_lowered;
	[smem:$0x3FD2] =	sst s25  }
0xa6: {  	s4 =	sshll.u32 s26, $0x1;
	_ =	strace $0x80000046;
	[dreg:$0x1] =	wrdreg $0xFFFFFFFF  }
0xa7: {  	s28 =	simm.s32 $_size_execute0_lowered;
	s2 =	sadd.s32 s2, s4;
	[dreg:$0x0] =	wrdreg $0x0  }
0xa8: {  	s4 =	sshll.u32 s28, $0x1;
	[dreg:$0x2] =	wrdreg s2  }
0xa9: {  	[dreg:$0x3] =	wrdreg s4  }
0xaa: {  	[dreg:$0x4] =	wrdreg $0xC0  }
0xab: {  	_ =	task [dreg:s6], $0x5FFFF  }
0xac: {  	[dreg:$0x1] =	wrdreg $0xFFFFFFFF  }
0xad: {  	[dreg:$0x0] =	wrdreg $0x60  }
0xae: {  	[dreg:$0x2] =	wrdreg s24  }
0xaf: {  	[dreg:$0x3] =	wrdreg $0x9  }
0xb0: {  	_ =	task.clear_ibuf [dreg:s6], $0x4FFFF;
	_ =	strace $0x90000046  }
0xb1: {  	s29 =	simm.s32 $0x9;
	_ =	strace $0x80000048  }
0xb2: {  	_ =	swait.ge [sflag:s29], $0x1  }
0xb3: {  	[sflag:s29] =	ssyncadd.s32 $0xFFFFFFFF  }
0xb4: {  	_ =	strace $0x90000048  }
0xb5: {  	_ =	sfence  }
0xb6: {  	s30 =	sld [smem:$0x0];
	_ =	sdelay $0x2  }
0xb7: {  	s31 =	sshll.u32 s1, $0xD;
	s1 =	sshrl.u32 s1, $0x2  }
0xb8: {  	s3 =	sand.u32 $0x4000, s31;
	s1 =	sadd.s32 s1, s30  }
0xb9: {  	s0 =	sor.u32 s3, s0;
	s1 =	sshll.u32 s1, $0x11  }
0xba: {  	s0 =	sor.u32 s1, s0  }
0xbb: {  	s0 =	sadd.s32 $0x8F2B, s0  }
0xbc: {  	[sflag:s0] =	ssyncadd.remote.s32 $0x1  }
0xbd: {  	_ =	sfence.sel $0xFFFF  }
0xbe: {  	[dreg:$0x0] =	wrdreg $0xFFFFFFFF;
	(pc) =	sbr.abs _section_cstart, $3  }
0xbf: {  	[dreg:$0x1] =	wrdreg $0xFFFFFFFF  }
0xc0: {  	_ =	task.clear_ibuf [dreg:s6], $0x2FFFF;
	_ =	strace $0x9FFFFFFF  }
0xc1: {  	(tm) =	ssettm $0x7FFFFFFF  }
tec
execute0_lowered:
.L_overlay_start_1:
0x0: {  	(tag) =	ssettag $0x1  }
0x1: {  	s0 =	rddreg [dreg:$0x0];
	s2 =	simm.s32 $0x0  }
0x2: {  	s7 =	stileid.u32;
	s1 =	srdreg.scid;
	s11 =	simm.s32 $0x1100  }
0x3: {  	s12 =	simm.s32 $0x1900;
	s13 =	simm.s32 $0x2100;
	s14 =	simm.s32 $0x2900  }
0x4: {  	s15 =	simm.s32 $0x3100;
	s16 =	simm.s32 $0x3900;
	s17 =	simm.s32 $0x4100  }
0x5: {  	s18 =	simm.s32 $0x4900;
	s19 =	simm.s32 $0x5100;
	s20 =	simm.s32 $0x5900  }
0x6: {  	s21 =	simm.s32 $0x6100;
	s22 =	simm.s32 $0x6900;
	s23 =	simm.s32 $0x7100  }
0x7: {  	s24 =	simm.s32 $0x7900;
	s25 =	simm.s32 $0x1;
	s26 =	simm.s32 $0x2  }
0x8: {  	s28 =	simm.s32 $0x0;
	[smem:$0x7FF] =	sst s2;
	s4 =	sadd.s32 $0xC1200, s0  }
0x9: {  	s5 =	sshll.u32 s7, $0x12;
	s1 =	sand.u32 $0x1, s1;
	s3 =	sadd.s32 $0x81200, s0  }
0xa: {  	s7 =	sshll.u32 s7, $0xA;
	_ =	strace $0x80000047;
	s0 =	sadd.s32 s5, s0  }
.Ltmp0:
0xb: {  	s29 =	ssub.s32 $0x2, s1;
	s8 =	sshll.u32 s1, $0x9;
	(pc) =	sbr.rel .LBB2_1-.Ltmp0, $4  }
0xc: {  	s1 =	sshll.u32 s1, $0x11;
	s6 =	sshrl.u32 s29, $0x1;
	s30 =	sor.u32 s8, s7  }
0xd: {  	v2 =	vlaneseq.u32;
	s7 =	sadd.s32 s7, s4;
	s0 =	sadd.s32 s1, s0;
	s5 =	ssub.s32 s29, s6  }
0xe: {  	vm0 =	vmmov $0xffff;
	v1 =	vshrl.u32 v2, $0x3;
	s4 =	sadd.s32 s4, s30;
	s31 =	sadd.s32 s8, s7;
	s7 =	sadd.s32 $0xC5200, s0  }
0xf: {  	v0 =	vand.u32 $0x7, v2;
	v2 =	vor.u32 $0x8, v2;
	v1 =	vmul.u32 $0x8, v1;
	s8 =	simm.s32 $0x3;
	s5 =	smax.u32 s5, $0x1;
	s6 =	sadd.s32 $0x10, s31  }
.LBB2_5:
0x10: {  	s28 =	sadd.s32 $0x1, s28  }
0x11: {  	p0 =	sne.s32 s28, s5  }
.Ltmp1:
0x12: {  	_ = 	snop;
	(pc) =	sbr.rel @!p0 .LBB2_6-.Ltmp1, $1  }
0x13: {  	_ =	sdelay $0x3  }
.LBB2_1:
0x14: {  	[tilespmem:s2], [sflag:$0x3] =	stream.linear.gather [hbm4b:s4+s2], $0x80, $0x38;
	[tilespmem:$0x10100] =	vst v63  }
0x15: {  	_ =	swait.ge [sflag:s8], $0x80  }
0x16: {  	[sflag:s8] =	ssyncset.done $0x0  }
0x17: {  	[sflag:s8] =	ssyncadd.s32 $0xFFFFFF80  }
0x18: {  	v3 =	vld [tilespmem:$0x0];
	_ =	sdelay $0x4  }
0x19: {  	v4 =	vshll.u32 v3, $0x1  }
0x1a: {  	v3 =	vand.u32 $0x7, v3;
	v4 =	vand.u32 $0xFFFFFFF0, v4  }
0x1b: {  	v3 =	vor.u32 v3, v4  }
0x1c: {  	v4 =	vperm.xlane v3, v0;
	_ =	sdelay $0x1  }
0x1d: {  	v3 =	vperm.xlane v3, v2;
	v4 =	vadd.s32 v1, v4;
	_ =	sdelay $0x1  }
0x1e: {  	v3 =	vadd.s32 v1, v3;
	_ =	sdelay $0x1  }
0x1f: {  	s0 =	simm.s32 $0x100  }
0x20: {  	[tilespmem:s0], [sflag:$0x1] =	stream.indirect_vreg.gather [hbm4b:s3+s2], $0x80, v4, vm0, $0xb8;
	[tilespmem:$0x10100] =	vst v63  }
0x21: {  	s10 =	simm.s32 $0x900  }
0x22: {  	[tilespmem:s10], [sflag:$0x1] =	stream.indirect_vreg.gather [hbm4b:s3+s2], $0x80, v3, vm0, $0xb8;
	[tilespmem:$0x10100] =	vst v63  }
0x23: {  	v3 =	vld [tilespmem:$0x10];
	_ =	sdelay $0x4  }
0x24: {  	v57 =	vshll.u32 v3, $0x1  }
0x25: {  	v3 =	vand.u32 $0x7, v3;
	v4 =	vand.u32 $0xFFFFFFF0, v57  }
0x26: {  	v3 =	vor.u32 v3, v4  }
0x27: {  	v4 =	vperm.xlane v3, v0;
	_ =	sdelay $0x1  }
0x28: {  	v3 =	vperm.xlane v3, v2;
	v4 =	vadd.s32 v1, v4;
	_ =	sdelay $0x1  }
0x29: {  	v3 =	vadd.s32 v1, v3;
	_ =	sdelay $0x2  }
0x2a: {  	[tilespmem:s11], [sflag:$0x1] =	stream.indirect_vreg.gather [hbm4b:s3+s2], $0x80, v4, vm0, $0xb8;
	[tilespmem:$0x10100] =	vst v63  }
0x2b: {  	_ = 	snop  }
0x2c: {  	[tilespmem:s12], [sflag:$0x1] =	stream.indirect_vreg.gather [hbm4b:s3+s2], $0x80, v3, vm0, $0xb8;
	[tilespmem:$0x10100] =	vst v63  }
0x2d: {  	v3 =	vld [tilespmem:$0x20];
	_ =	sdelay $0x4  }
0x2e: {  	v58 =	vshll.u32 v3, $0x1  }
0x2f: {  	v3 =	vand.u32 $0x7, v3;
	v4 =	vand.u32 $0xFFFFFFF0, v58  }
0x30: {  	v3 =	vor.u32 v3, v4  }
0x31: {  	v4 =	vperm.xlane v3, v0;
	_ =	sdelay $0x1  }
0x32: {  	v3 =	vperm.xlane v3, v2;
	v4 =	vadd.s32 v1, v4;
	_ =	sdelay $0x1  }
0x33: {  	v3 =	vadd.s32 v1, v3;
	_ =	sdelay $0x2  }
0x34: {  	[tilespmem:s13], [sflag:$0x1] =	stream.indirect_vreg.gather [hbm4b:s3+s2], $0x80, v4, vm0, $0xb8;
	[tilespmem:$0x10100] =	vst v63  }
0x35: {  	_ = 	snop  }
0x36: {  	[tilespmem:s14], [sflag:$0x1] =	stream.indirect_vreg.gather [hbm4b:s3+s2], $0x80, v3, vm0, $0xb8;
	[tilespmem:$0x10100] =	vst v63  }
0x37: {  	v3 =	vld [tilespmem:$0x30];
	_ =	sdelay $0x4  }
0x38: {  	v59 =	vshll.u32 v3, $0x1  }
0x39: {  	v3 =	vand.u32 $0x7, v3;
	v4 =	vand.u32 $0xFFFFFFF0, v59  }
0x3a: {  	v3 =	vor.u32 v3, v4  }
0x3b: {  	v4 =	vperm.xlane v3, v0;
	_ =	sdelay $0x1  }
0x3c: {  	v3 =	vperm.xlane v3, v2;
	v4 =	vadd.s32 v1, v4;
	_ =	sdelay $0x1  }
0x3d: {  	v3 =	vadd.s32 v1, v3;
	_ =	sdelay $0x2  }
0x3e: {  	[tilespmem:s15], [sflag:$0x1] =	stream.indirect_vreg.gather [hbm4b:s3+s2], $0x80, v4, vm0, $0xb8;
	[tilespmem:$0x10100] =	vst v63  }
0x3f: {  	_ = 	snop  }
0x40: {  	[tilespmem:s16], [sflag:$0x1] =	stream.indirect_vreg.gather [hbm4b:s3+s2], $0x80, v3, vm0, $0xb8;
	[tilespmem:$0x10100] =	vst v63  }
0x41: {  	v3 =	vld [tilespmem:$0x40];
	_ =	sdelay $0x4  }
0x42: {  	v60 =	vshll.u32 v3, $0x1  }
0x43: {  	v3 =	vand.u32 $0x7, v3;
	v4 =	vand.u32 $0xFFFFFFF0, v60  }
0x44: {  	v3 =	vor.u32 v3, v4  }
0x45: {  	v4 =	vperm.xlane v3, v0;
	_ =	sdelay $0x1  }
0x46: {  	v3 =	vperm.xlane v3, v2;
	v4 =	vadd.s32 v1, v4;
	_ =	sdelay $0x1  }
0x47: {  	v3 =	vadd.s32 v1, v3;
	_ =	sdelay $0x2  }
0x48: {  	[tilespmem:s17], [sflag:$0x1] =	stream.indirect_vreg.gather [hbm4b:s3+s2], $0x80, v4, vm0, $0xb8;
	[tilespmem:$0x10100] =	vst v63  }
0x49: {  	_ = 	snop  }
0x4a: {  	[tilespmem:s18], [sflag:$0x1] =	stream.indirect_vreg.gather [hbm4b:s3+s2], $0x80, v3, vm0, $0xb8;
	[tilespmem:$0x10100] =	vst v63  }
0x4b: {  	v3 =	vld [tilespmem:$0x50];
	_ =	sdelay $0x4  }
0x4c: {  	v61 =	vshll.u32 v3, $0x1  }
0x4d: {  	v3 =	vand.u32 $0x7, v3;
	v4 =	vand.u32 $0xFFFFFFF0, v61  }
0x4e: {  	v3 =	vor.u32 v3, v4  }
0x4f: {  	v4 =	vperm.xlane v3, v0;
	_ =	sdelay $0x1  }
0x50: {  	v3 =	vperm.xlane v3, v2;
	v4 =	vadd.s32 v1, v4;
	_ =	sdelay $0x1  }
0x51: {  	v3 =	vadd.s32 v1, v3;
	_ =	sdelay $0x2  }
0x52: {  	[tilespmem:s19], [sflag:$0x1] =	stream.indirect_vreg.gather [hbm4b:s3+s2], $0x80, v4, vm0, $0xb8;
	[tilespmem:$0x10100] =	vst v63  }
0x53: {  	_ = 	snop  }
0x54: {  	[tilespmem:s20], [sflag:$0x1] =	stream.indirect_vreg.gather [hbm4b:s3+s2], $0x80, v3, vm0, $0xb8;
	[tilespmem:$0x10100] =	vst v63  }
0x55: {  	v3 =	vld [tilespmem:$0x60];
	_ =	sdelay $0x4  }
0x56: {  	v62 =	vshll.u32 v3, $0x1  }
0x57: {  	v3 =	vand.u32 $0x7, v3;
	v4 =	vand.u32 $0xFFFFFFF0, v62  }
0x58: {  	v3 =	vor.u32 v3, v4  }
0x59: {  	v4 =	vperm.xlane v3, v0;
	_ =	sdelay $0x1  }
0x5a: {  	v3 =	vperm.xlane v3, v2;
	v4 =	vadd.s32 v1, v4;
	_ =	sdelay $0x1  }
0x5b: {  	v3 =	vadd.s32 v1, v3;
	_ =	sdelay $0x2  }
0x5c: {  	[tilespmem:s21], [sflag:$0x1] =	stream.indirect_vreg.gather [hbm4b:s3+s2], $0x80, v4, vm0, $0xb8;
	[tilespmem:$0x10100] =	vst v63  }
0x5d: {  	_ = 	snop  }
0x5e: {  	[tilespmem:s22], [sflag:$0x1] =	stream.indirect_vreg.gather [hbm4b:s3+s2], $0x80, v3, vm0, $0xb8;
	[tilespmem:$0x10100] =	vst v63  }
0x5f: {  	v3 =	vld [tilespmem:$0x70];
	_ =	sdelay $0x4  }
0x60: {  	v63 =	vshll.u32 v3, $0x1  }
0x61: {  	v3 =	vand.u32 $0x7, v3;
	v4 =	vand.u32 $0xFFFFFFF0, v63  }
0x62: {  	v3 =	vor.u32 v3, v4  }
0x63: {  	v4 =	vperm.xlane v3, v0;
	_ =	sdelay $0x1  }
0x64: {  	v3 =	vperm.xlane v3, v2;
	v4 =	vadd.s32 v1, v4;
	_ =	sdelay $0x1  }
0x65: {  	v3 =	vadd.s32 v1, v3  }
.Ltmp2:
0x66: {  	_ = 	snop;
	(pc) =	sbr.rel .LBB2_2-.Ltmp2, $4  }
0x67: {  	_ = 	snop  }
0x68: {  	[tilespmem:s23], [sflag:$0x1] =	stream.indirect_vreg.gather [hbm4b:s3+s2], $0x80, v4, vm0, $0xb8;
	[tilespmem:$0x10100] =	vst v63  }
0x69: {  	s29 =	smov.u32 s7;
	s30 =	smov.u32 s6;
	s31 =	simm.s32 $0x0  }
0x6a: {  	[tilespmem:s24], [sflag:$0x1] =	stream.indirect_vreg.gather [hbm4b:s3+s2], $0x80, v3, vm0, $0xb8;
	[tilespmem:$0x10100] =	vst v63  }
.LBB2_4:
0x6b: {  	_ =	swait.ge [sflag:s25], $0x8000;
	s31 =	sadd.s32 $0x1, s31  }
0x6c: {  	s0 =	sshll.u32 s0, $0xF;
	[sflag:s25] =	ssyncset.done $0x0;
	p0 =	sne.s32 s31, $0x20  }
.Ltmp3:
0x6d: {  	s0 =	sor.u32 $0x100, s0;
	[sflag:s25] =	ssyncadd.s32 $0xFFFF8000;
	(pc) =	sbr.rel @!p0 .LBB2_5-.Ltmp3, $4  }
0x6e: {  	[hbm4b:s29+s2] =	stream.linear.scatter [tilespmem:s0], [sflag:$0x2], $0x8000, $0x38;
	[tilespmem:$0x10100] =	vst v63  }
0x6f: {  	_ =	swait.ge [sflag:s26], $0x8000  }
0x70: {  	[sflag:s26] =	ssyncset.done $0x0  }
0x71: {  	s30 =	sadd.s32 $0x10, s30;
	s29 =	sadd.s32 $0x1000, s29;
	[sflag:s26] =	ssyncadd.s32 $0xFFFF8000  }
.LBB2_2:
0x72: {  	p0 =	seq.s32 s31, $0x1F  }
.Ltmp4:
0x73: {  	_ = 	snop;
	(pc) =	sbr.rel @p0 .LBB2_4-.Ltmp4, $2  }
0x74: {  	_ =	sdelay $0x2  }
0x75: {  	s0 =	sand.u32 $0x1, s31  }
0x76: {  	s9 =	sxor.u32 $0x1, s0  }
0x77: {  	s1 =	sshll.u32 s9, $0x7  }
0x78: {  	[tilespmem:s1], [sflag:$0x3] =	stream.linear.gather [hbm4b:s30+s2], $0x80, $0x38;
	[tilespmem:$0x10100] =	vst v63  }
0x79: {  	_ =	swait.ge [sflag:s8], $0x80  }
0x7a: {  	[sflag:s8] =	ssyncset.done $0x0  }
0x7b: {  	[sflag:s8] =	ssyncadd.s32 $0xFFFFFF80  }
0x7c: {  	v3 =	vld [tilespmem:s1+$0x0];
	_ =	sdelay $0x4  }
0x7d: {  	v4 =	vshll.u32 v3, $0x1  }
0x7e: {  	v3 =	vand.u32 $0x7, v3;
	v4 =	vand.u32 $0xFFFFFFF0, v4  }
0x7f: {  	v3 =	vor.u32 v3, v4  }
0x80: {  	v4 =	vperm.xlane v3, v0;
	_ =	sdelay $0x1  }
0x81: {  	v3 =	vperm.xlane v3, v2;
	v4 =	vadd.s32 v1, v4;
	_ =	sdelay $0x1  }
0x82: {  	v3 =	vadd.s32 v1, v3  }
0x83: {  	s9 =	sshll.u32 s9, $0xF  }
0x84: {  	s10 =	sor.u32 $0x100, s9  }
0x85: {  	[tilespmem:s10], [sflag:$0x1] =	stream.indirect_vreg.gather [hbm4b:s3+s2], $0x80, v4, vm0, $0xb8;
	[tilespmem:$0x10100] =	vst v63  }
0x86: {  	s10 =	sor.u32 $0x900, s9  }
0x87: {  	[tilespmem:s10], [sflag:$0x1] =	stream.indirect_vreg.gather [hbm4b:s3+s2], $0x80, v3, vm0, $0xb8;
	[tilespmem:$0x10100] =	vst v63  }
0x88: {  	v3 =	vld [tilespmem:s1+$0x10];
	_ =	sdelay $0x4  }
0x89: {  	v57 =	vshll.u32 v3, $0x1  }
0x8a: {  	v3 =	vand.u32 $0x7, v3;
	v4 =	vand.u32 $0xFFFFFFF0, v57  }
0x8b: {  	v3 =	vor.u32 v3, v4  }
0x8c: {  	v4 =	vperm.xlane v3, v0;
	_ =	sdelay $0x1  }
0x8d: {  	v3 =	vperm.xlane v3, v2;
	v4 =	vadd.s32 v1, v4;
	_ =	sdelay $0x1  }
0x8e: {  	v3 =	vadd.s32 v1, v3;
	_ =	sdelay $0x1  }
0x8f: {  	s10 =	sor.u32 $0x1100, s9  }
0x90: {  	[tilespmem:s10], [sflag:$0x1] =	stream.indirect_vreg.gather [hbm4b:s3+s2], $0x80, v4, vm0, $0xb8;
	[tilespmem:$0x10100] =	vst v63  }
0x91: {  	s10 =	sor.u32 $0x1900, s9  }
0x92: {  	[tilespmem:s10], [sflag:$0x1] =	stream.indirect_vreg.gather [hbm4b:s3+s2], $0x80, v3, vm0, $0xb8;
	[tilespmem:$0x10100] =	vst v63  }
0x93: {  	v3 =	vld [tilespmem:s1+$0x20];
	_ =	sdelay $0x4  }
0x94: {  	v58 =	vshll.u32 v3, $0x1  }
0x95: {  	v3 =	vand.u32 $0x7, v3;
	v4 =	vand.u32 $0xFFFFFFF0, v58  }
0x96: {  	v3 =	vor.u32 v3, v4  }
0x97: {  	v4 =	vperm.xlane v3, v0;
	_ =	sdelay $0x1  }
0x98: {  	v3 =	vperm.xlane v3, v2;
	v4 =	vadd.s32 v1, v4;
	_ =	sdelay $0x1  }
0x99: {  	v3 =	vadd.s32 v1, v3;
	_ =	sdelay $0x1  }
0x9a: {  	s10 =	sor.u32 $0x2100, s9  }
0x9b: {  	[tilespmem:s10], [sflag:$0x1] =	stream.indirect_vreg.gather [hbm4b:s3+s2], $0x80, v4, vm0, $0xb8;
	[tilespmem:$0x10100] =	vst v63  }
0x9c: {  	s10 =	sor.u32 $0x2900, s9  }
0x9d: {  	[tilespmem:s10], [sflag:$0x1] =	stream.indirect_vreg.gather [hbm4b:s3+s2], $0x80, v3, vm0, $0xb8;
	[tilespmem:$0x10100] =	vst v63  }
0x9e: {  	v3 =	vld [tilespmem:s1+$0x30];
	_ =	sdelay $0x4  }
0x9f: {  	v59 =	vshll.u32 v3, $0x1  }
0xa0: {  	v3 =	vand.u32 $0x7, v3;
	v4 =	vand.u32 $0xFFFFFFF0, v59  }
0xa1: {  	v3 =	vor.u32 v3, v4  }
0xa2: {  	v4 =	vperm.xlane v3, v0;
	_ =	sdelay $0x1  }
0xa3: {  	v3 =	vperm.xlane v3, v2;
	v4 =	vadd.s32 v1, v4;
	_ =	sdelay $0x1  }
0xa4: {  	v3 =	vadd.s32 v1, v3;
	_ =	sdelay $0x1  }
0xa5: {  	s10 =	sor.u32 $0x3100, s9  }
0xa6: {  	[tilespmem:s10], [sflag:$0x1] =	stream.indirect_vreg.gather [hbm4b:s3+s2], $0x80, v4, vm0, $0xb8;
	[tilespmem:$0x10100] =	vst v63  }
0xa7: {  	s10 =	sor.u32 $0x3900, s9  }
0xa8: {  	[tilespmem:s10], [sflag:$0x1] =	stream.indirect_vreg.gather [hbm4b:s3+s2], $0x80, v3, vm0, $0xb8;
	[tilespmem:$0x10100] =	vst v63  }
0xa9: {  	v3 =	vld [tilespmem:s1+$0x40];
	_ =	sdelay $0x4  }
0xaa: {  	v60 =	vshll.u32 v3, $0x1  }
0xab: {  	v3 =	vand.u32 $0x7, v3;
	v4 =	vand.u32 $0xFFFFFFF0, v60  }
0xac: {  	v3 =	vor.u32 v3, v4  }
0xad: {  	v4 =	vperm.xlane v3, v0;
	_ =	sdelay $0x1  }
0xae: {  	v3 =	vperm.xlane v3, v2;
	v4 =	vadd.s32 v1, v4;
	_ =	sdelay $0x1  }
0xaf: {  	v3 =	vadd.s32 v1, v3;
	_ =	sdelay $0x1  }
0xb0: {  	s10 =	sor.u32 $0x4100, s9  }
0xb1: {  	[tilespmem:s10], [sflag:$0x1] =	stream.indirect_vreg.gather [hbm4b:s3+s2], $0x80, v4, vm0, $0xb8;
	[tilespmem:$0x10100] =	vst v63  }
0xb2: {  	s10 =	sor.u32 $0x4900, s9  }
0xb3: {  	[tilespmem:s10], [sflag:$0x1] =	stream.indirect_vreg.gather [hbm4b:s3+s2], $0x80, v3, vm0, $0xb8;
	[tilespmem:$0x10100] =	vst v63  }
0xb4: {  	v3 =	vld [tilespmem:s1+$0x50];
	_ =	sdelay $0x4  }
0xb5: {  	v61 =	vshll.u32 v3, $0x1  }
0xb6: {  	v3 =	vand.u32 $0x7, v3;
	v4 =	vand.u32 $0xFFFFFFF0, v61  }
0xb7: {  	v3 =	vor.u32 v3, v4  }
0xb8: {  	v4 =	vperm.xlane v3, v0;
	_ =	sdelay $0x1  }
0xb9: {  	v3 =	vperm.xlane v3, v2;
	v4 =	vadd.s32 v1, v4;
	_ =	sdelay $0x1  }
0xba: {  	v3 =	vadd.s32 v1, v3;
	_ =	sdelay $0x1  }
0xbb: {  	s10 =	sor.u32 $0x5100, s9  }
0xbc: {  	[tilespmem:s10], [sflag:$0x1] =	stream.indirect_vreg.gather [hbm4b:s3+s2], $0x80, v4, vm0, $0xb8;
	[tilespmem:$0x10100] =	vst v63  }
0xbd: {  	s10 =	sor.u32 $0x5900, s9  }
0xbe: {  	[tilespmem:s10], [sflag:$0x1] =	stream.indirect_vreg.gather [hbm4b:s3+s2], $0x80, v3, vm0, $0xb8;
	[tilespmem:$0x10100] =	vst v63  }
0xbf: {  	v3 =	vld [tilespmem:s1+$0x60];
	_ =	sdelay $0x4  }
0xc0: {  	v62 =	vshll.u32 v3, $0x1  }
0xc1: {  	v3 =	vand.u32 $0x7, v3;
	v4 =	vand.u32 $0xFFFFFFF0, v62  }
0xc2: {  	v3 =	vor.u32 v3, v4  }
0xc3: {  	v4 =	vperm.xlane v3, v0;
	_ =	sdelay $0x1  }
0xc4: {  	v3 =	vperm.xlane v3, v2;
	v4 =	vadd.s32 v1, v4;
	_ =	sdelay $0x1  }
0xc5: {  	v3 =	vadd.s32 v1, v3;
	_ =	sdelay $0x1  }
0xc6: {  	s10 =	sor.u32 $0x6100, s9  }
0xc7: {  	[tilespmem:s10], [sflag:$0x1] =	stream.indirect_vreg.gather [hbm4b:s3+s2], $0x80, v4, vm0, $0xb8;
	[tilespmem:$0x10100] =	vst v63  }
0xc8: {  	s10 =	sor.u32 $0x6900, s9  }
0xc9: {  	[tilespmem:s10], [sflag:$0x1] =	stream.indirect_vreg.gather [hbm4b:s3+s2], $0x80, v3, vm0, $0xb8;
	[tilespmem:$0x10100] =	vst v63  }
0xca: {  	v3 =	vld [tilespmem:s1+$0x70];
	_ =	sdelay $0x4  }
0xcb: {  	v63 =	vshll.u32 v3, $0x1  }
0xcc: {  	v3 =	vand.u32 $0x7, v3;
	v4 =	vand.u32 $0xFFFFFFF0, v63  }
0xcd: {  	v3 =	vor.u32 v3, v4  }
0xce: {  	v4 =	vperm.xlane v3, v0;
	_ =	sdelay $0x1  }
0xcf: {  	v3 =	vperm.xlane v3, v2;
	v4 =	vadd.s32 v1, v4;
	_ =	sdelay $0x1  }
0xd0: {  	v3 =	vadd.s32 v1, v3  }
.Ltmp5:
0xd1: {  	_ = 	snop;
	(pc) =	sbr.rel .LBB2_4-.Ltmp5, $4  }
0xd2: {  	s10 =	sor.u32 $0x7100, s9  }
0xd3: {  	[tilespmem:s10], [sflag:$0x1] =	stream.indirect_vreg.gather [hbm4b:s3+s2], $0x80, v4, vm0, $0xb8;
	[tilespmem:$0x10100] =	vst v63  }
0xd4: {  	s10 =	sor.u32 $0x7900, s9  }
0xd5: {  	[tilespmem:s10], [sflag:$0x1] =	stream.indirect_vreg.gather [hbm4b:s3+s2], $0x80, v3, vm0, $0xb8;
	[tilespmem:$0x10100] =	vst v63  }
.LBB2_6:
0xd6: {  	_ =	sfence.sel $0x180000  }
0xd7: {  	[bflag:$0x0] =	sbarrier.arrive $0xFFFF  }
0xd8: {  	_ =	strace $0x90000047  }
0xd9: {  	s0 =	stileid.u32;
	[bflag:$0x2] =	sbarrier.arrive $0xFFFF  }
0xda: {  	p0 =	sne.s32 s0, $0x0;
	s0 =	rddreg [dreg:$0x1]  }
0xdb: {  	s0 =	sadd.s32 @!p0 $0x100000, s0  }
0xdc: {  	[sflag:s0] =	ssyncadd.tile.s32 @!p0 $0x1;
	_ =	shalt  }
.Lfunc_end2:
_tile_overlayer_lowered:
.L_overlay_start_2:
0xdd: {  	(tag) =	ssettag $0x2  }
0xde: {  	s0 =	rddreg [dreg:$0x0];
	s2 =	stileid.u32  }
0xdf: {  	s1 =	rddreg [dreg:$0x1];
	p0 =	sne.s32 s2, $0x0  }
0xe0: {  	s3 =	rddreg [dreg:$0x2];
	[bflag:$0x3] =	sbarrier.arrive $0xFFFF;
	s2 =	simm.s32 @!p0 $0x1C03  }
0xe1: {  	[timem:s3], [sflag:s2] =	dma.local @!p0 [hbm:s0], s1  }
0xe2: {  	s0 =	simm.s32 @!p0 $0x3  }
0xe3: {  	_ =	swait.ge @!p0 [sflag:s0], s1  }
0xe4: {  	s1 =	ssub.s32 @!p0 $0x0, s1;
	[sflag:s0] =	ssyncset.done @!p0 $0x0  }
0xe5: {  	[sflag:s0] =	ssyncadd.s32 @!p0 s1  }
0xe6: {  	[bflag:$0x3] =	sbarrier.arrive $0xFFFF  }
0xe7: {  	_ =	shalt  }

// kernel: kernel.44.cloned.1.call-start
scs
__scs_entry_jumppad:
0x0: {  	(pc) =	sbr.rel $0x88, $3  }
0x1: {  	(tag) =	ssettag $0x0;
	lr =	simm.s32 $0x1  }
0x2: {  	[smem:$0x3F84] =	sst lr;
	_ =	strace $0xD0000000  }
0x3: {  	_ = 	snop  }
0x4: {  	_ = 	snop  }
0x5: {  	_ = 	snop  }
0x6: {  	_ = 	snop  }
0x7: {  	_ = 	snop  }
__scs_overlays_trampoline_lowered:
0x8: {  	[smem:$0x3F93] =	sst s0  }
0x9: {  	[smem:$0x3F94] =	sst s1  }
0xa: {  	[smem:$0x3F95] =	sst s2  }
0xb: {  	[smem:$0x3F96] =	sst s3  }
0xc: {  	[smem:$0x3F97] =	sst s4  }
0xd: {  	[smem:$0x3F98] =	sst s5  }
0xe: {  	[smem:$0x3F99] =	sst s6  }
0xf: {  	[smem:$0x3F9A] =	sst s7  }
0x10: {  	[smem:$0x3F9B] =	sst s8  }
0x11: {  	[smem:$0x3F9C] =	sst s9;
	s0 =	simm.s32 @!p0 $0x0  }
0x12: {  	s1 =	sld [smem:$0x3F82];
	s0 =	simm.s32 @p0 $0x1  }
0x13: {  	[smem:$0x3F9D] =	sst s0;
	s0 =	simm.s32 @!p1 $0x0  }
0x14: {  	s2 =	sld [smem:$0x3F81];
	s0 =	simm.s32 @p1 $0x1  }
0x15: {  	[smem:$0x3F9E] =	sst s0;
	s0 =	simm.s32 @!p2 $0x0  }
0x16: {  	s3 =	sld [smem:$0x3FDB];
	s0 =	simm.s32 @p2 $0x1  }
0x17: {  	s4 =	simm.s32 $0x1BF5;
	[smem:$0x3FA0] =	sst s0  }
0x18: {  	s0 =	sld [smem:$0x3F83];
	_ =	swait.ge [sflag:s4], $0x0  }
0x19: {  	s7 =	sld [smem:$0x3F84]  }
0x1a: {  	s8 =	sadd.s32 $0xFFFFE003, lr  }
0x1b: {  	s9 =	sadd.s32 $0xFFFFFEF7, lr;
	s5 =	simm.s32 $0xFFFFFFFF;
	p2 =	slt.u32 s8, $0xFFFFF086  }
0x1c: {  	p1 =	slt.u32 s9, $0xF7A;
	s5 =	simm.s32 @!p2 $0x0  }
0x1d: {  	s5 =	simm.s32 @p1 $0x1;
	p0 =	seq.s32 s7, s2  }
0x1e: {  	s7 =	smul.u32 @!p0 $0xF7A, s2;
	p2 =	seq.s32 @!p0 s5, $0x0  }
0x1f: {  	s9 =	smul.u32 $0xF7A, s1;
	s8 =	simm.s32 @!p0 $0x1BF5;
	p2 =	por !p2, p0  }
0x20: {  	[sflag:s8] =	ssyncset.s32 @!p0 $0xFFFFF086;
	s6 =	sadd.s32 @!p0 s3, s7;
	s7 =	simm.s32 @!p0 $0x108  }
0x21: {  	s3 =	sadd.s32 s3, s9;
	s6 =	sadd.s32 @!p0 $0x88, s6;
	s7 =	simm.s32 @p2 $0x1082  }
0x22: {  	[simem:s7], [sflag:s8] =	dma.local @!p0 [hbm:s6], $0xF7A  }
0x23: {  	s9 =	sor.u32 $0xD0000000, s2;
	s6 =	simm.s32 $0x108;
	_ =	swait.ge @!p0 [sflag:s8], $0x0  }
0x24: {  	s3 =	sadd.s32 $0x88, s3;
	s6 =	simm.s32 @!p1 $0x1082;
	[sflag:s4] =	ssyncset.s32 $0xFFFFF086  }
0x25: {  	[simem:s6], [sflag:s4] =	dma.local [hbm:s3], $0xF7A  }
0x26: {  	[smem:$0x3F84] =	sst s1;
	(tag) =	ssettag s2;
	_ =	strace s9  }
0x27: {  	s1 =	sld [smem:$0x3F94]  }
0x28: {  	s2 =	sld [smem:$0x3F95]  }
0x29: {  	s4 =	sld [smem:$0x3F97]  }
0x2a: {  	p0 =	seq.s32 s5, $0x0;
	s5 =	sld [smem:$0x3F98]  }
0x2b: {  	s6 =	sld [smem:$0x3F99]  }
0x2c: {  	s7 =	sld [smem:$0x3F9A]  }
0x2d: {  	s3 =	simm.s32 $0x108;
	s8 =	sld [smem:$0x3F9B]  }
0x2e: {  	s3 =	simm.s32 @!p0 $0x1082;
	s9 =	sld [smem:$0x3F9C]  }
0x2f: {  	lr =	sadd.s32 s0, s3;
	s0 =	sld [smem:$0x3F93]  }
0x30: {  	s3 =	sld [smem:$0x3F96]  }
0x31: {  	[smem:$0x3F9F] =	sst s10  }
0x32: {  	s10 =	sld [smem:$0x3F9D];
	_ =	sdelay $0x3  }
0x33: {  	p0 =	seq.s32 s10, $0x1;
	s10 =	sld [smem:$0x3F9F];
	_ =	sdelay $0x3  }
0x34: {  	[smem:$0x3F9F] =	sst s10  }
0x35: {  	s10 =	sld [smem:$0x3F9E];
	_ =	sdelay $0x3  }
0x36: {  	p1 =	seq.s32 s10, $0x1;
	s10 =	sld [smem:$0x3F9F];
	_ =	sdelay $0x3  }
0x37: {  	[smem:$0x3F9F] =	sst s10  }
0x38: {  	s10 =	sld [smem:$0x3FA0]  }
0x39: {  	_ = 	snop;
	(pc) =	sbr.ind lr, $3  }
0x3a: {  	_ = 	snop  }
0x3b: {  	_ = 	snop  }
0x3c: {  	p2 =	seq.s32 s10, $0x1;
	s10 =	sld [smem:$0x3F9F]  }
0x3d: {  	_ =	shalt  }
0x3e: {  	_ =	shalt  }
0x3f: {  	_ =	shalt  }
0x40: {  	_ =	shalt  }
0x41: {  	_ =	shalt  }
0x42: {  	_ =	shalt  }
0x43: {  	_ =	shalt  }
0x44: {  	_ =	shalt  }
0x45: {  	_ =	shalt  }
0x46: {  	_ =	shalt  }
0x47: {  	_ =	shalt  }
0x48: {  	_ =	shalt  }
0x49: {  	_ =	shalt  }
0x4a: {  	_ =	shalt  }
0x4b: {  	_ =	shalt  }
0x4c: {  	_ =	shalt  }
0x4d: {  	_ =	shalt  }
0x4e: {  	_ =	shalt  }
0x4f: {  	_ =	shalt  }
0x50: {  	_ =	shalt  }
0x51: {  	_ =	shalt  }
0x52: {  	_ =	shalt  }
0x53: {  	_ =	shalt  }
0x54: {  	_ =	shalt  }
0x55: {  	_ =	shalt  }
0x56: {  	_ =	shalt  }
0x57: {  	_ =	shalt  }
0x58: {  	_ =	shalt  }
0x59: {  	_ =	shalt  }
0x5a: {  	_ =	shalt  }
0x5b: {  	_ =	shalt  }
0x5c: {  	_ =	shalt  }
0x5d: {  	_ =	shalt  }
0x5e: {  	_ =	shalt  }
0x5f: {  	_ =	shalt  }
0x60: {  	_ =	shalt  }
0x61: {  	_ =	shalt  }
0x62: {  	_ =	shalt  }
0x63: {  	_ =	shalt  }
0x64: {  	_ =	shalt  }
0x65: {  	_ =	shalt  }
0x66: {  	_ =	shalt  }
0x67: {  	_ =	shalt  }
0x68: {  	_ =	shalt  }
0x69: {  	_ =	shalt  }
0x6a: {  	_ =	shalt  }
0x6b: {  	_ =	shalt  }
0x6c: {  	_ =	shalt  }
0x6d: {  	_ =	shalt  }
0x6e: {  	_ =	shalt  }
0x6f: {  	_ =	shalt  }
0x70: {  	_ =	shalt  }
0x71: {  	_ =	shalt  }
0x72: {  	_ =	shalt  }
0x73: {  	_ =	shalt  }
0x74: {  	_ =	shalt  }
0x75: {  	_ =	shalt  }
0x76: {  	_ =	shalt  }
0x77: {  	_ =	shalt  }
0x78: {  	_ =	shalt  }
0x79: {  	_ =	shalt  }
0x7a: {  	_ =	shalt  }
0x7b: {  	_ =	shalt  }
0x7c: {  	_ =	shalt  }
0x7d: {  	_ =	shalt  }
0x7e: {  	_ =	shalt  }
0x7f: {  	_ =	shalt  }
0x80: {  	_ =	shalt  }
0x81: {  	_ =	shalt  }
0x82: {  	_ =	shalt  }
0x83: {  	_ =	shalt  }
0x84: {  	_ =	shalt  }
0x85: {  	_ =	shalt  }
0x86: {  	_ =	shalt  }
0x87: {  	_ =	shalt  }
.Lfunc_end0:
.L_simem_size_0:
called_computation.4_lowered:
.L_overlay_start_0:
0x88: {  	s2 =	sld [smem:$0x3FD9]  }
0x89: {  	s3 =	sld [smem:$0x3FFE];
	_ =	sdelay $0x1  }
0x8a: {  	s1 =	srdreg.scid  }
0x8b: {  	s0 =	sand.u32 $0x1, s1  }
0x8c: {  	s17 =	sshll.u32 s0, $0xA;
	s2 =	sadd.s32 s3, s2  }
0x8d: {  	s2 =	sadd.s32 s2, s17  }
0x8e: {  	[smem:$0x3FAB] =	sst s2  }
0x8f: {  	_ = 	snop  }
0x90: {  	(tm) =	ssettm $0x1  }
0x91: {  	s18 =	sld [smem:$0x3FFB];
	_ =	sdelay $0x3  }
0x92: {  	_ =	strace s18  }
0x93: {  	s2 =	sld [smem:$0x3FFC];
	_ =	sdelay $0x3  }
0x94: {  	_ =	strace s2  }
0x95: {  	s2 =	sld [smem:$0x3FFD];
	_ =	sdelay $0x3  }
0x96: {  	_ =	strace s2  }
0x97: {  	_ =	strace $0x8FFFFFFF  }
0x98: {  	s19 =	sld [smem:$0x3FDB];
	_ =	sdelay $0x1  }
0x99: {  	s20 =	simm.s32 $_scs_section_size  }
0x9a: {  	s4 =	simm.s32 $_size__tile_overlayer_lowered;
	s5 =	simm.s32 $_tile_overlayer_lowered  }
0x9b: {  	s6 =	simm.s32 $0x1BFF;
	s21 =	sshll.u32 s5, $0x1;
	s3 =	sadd.s32 s20, s19  }
0x9c: {  	s22 =	simm.s32 $0x0;
	s4 =	sshll.u32 s4, $0x1;
	s5 =	sadd.s32 s21, s3  }
0x9d: {  	[timem:s22], [sflag:s6] =	dma.local [hbm:s5], s4  }
0x9e: {  	_ =	swait.ge [sflag:s6], s4  }
0x9f: {  	s4 =	ssub.s32 $0x0, s4;
	[sflag:s6] =	ssyncset.done $0x0  }
0xa0: {  	[sflag:s6] =	ssyncadd.s32 s4;
	_ =	sdelay $0x1  }
0xa1: {  	s23 =	simm.s32 $0x1B8B  }
0xa2: {  	_ =	swait.ge [sflag:s23], $0x1  }
0xa3: {  	[sflag:s23] =	ssyncset.done $0x0  }
0xa4: {  	[sflag:s23] =	ssyncadd.s32 $0xFFFFFFFF  }
0xa5: {  	s4 =	sld [smem:$0x0]  }
0xa6: {  	s5 =	sand.u32 $0xFFFFFFFE, s1  }
0xa7: {  	p0 =	sne.s32 s1, s5  }
0xa8: {  	s5 =	sshll.u32 @p0 s5, $0xE  }
0xa9: {  	s5 =	sadd.s32 @p0 $0x11B8D, s5;
	s6 =	sshll.u32 @p0 s4, $0x11  }
0xaa: {  	s5 =	sor.u32 @p0 s6, s5  }
0xab: {  	[sflag:s5] =	ssyncadd.remote.s32 @p0 $0x1;
	_ =	sdelay $0x1  }
0xac: {  	s5 =	simm.s32 @p0 $0x1B8D  }
0xad: {  	_ =	swait.eq @p0 [sflag:s5], $0x1  }
0xae: {  	[sflag:s5] =	ssyncadd.s32 @p0 $0xFFFFFFFF  }
0xaf: {  	s6 =	sshll.u32 @!p0 s1, $0xE  }
0xb0: {  	s6 =	sor.u32 @!p0 $0x4000, s6;
	s5 =	simm.s32 @!p0 $0x1B8D  }
0xb1: {  	s4 =	sshll.u32 @!p0 s4, $0x11;
	s6 =	sadd.s32 @!p0 $0x11B8D, s6;
	_ =	swait.eq @!p0 [sflag:s5], $0x1  }
0xb2: {  	s4 =	sor.u32 @!p0 s4, s6;
	[sflag:s5] =	ssyncadd.s32 @!p0 $0xFFFFFFFF  }
0xb3: {  	s25 =	simm.s32 $0x1B8E;
	s24 =	sld [smem:$0x3FFE];
	[sflag:s4] =	ssyncadd.remote.s32 @!p0 $0x1  }
0xb4: {  	s26 =	simm.s32 $execute0_lowered;
	[smem:$0x3FD2] =	sst s25  }
0xb5: {  	s5 =	sshll.u32 s26, $0x1;
	_ =	strace $0x8000004F;
	[dreg:$0x1] =	wrdreg $0xFFFFFFFF  }
0xb6: {  	s28 =	simm.s32 $_size_execute0_lowered;
	s3 =	sadd.s32 s3, s5;
	[dreg:$0x0] =	wrdreg $0x0  }
0xb7: {  	s5 =	sshll.u32 s28, $0x1;
	[dreg:$0x2] =	wrdreg s3  }
0xb8: {  	[dreg:$0x3] =	wrdreg s5  }
0xb9: {  	[dreg:$0x4] =	wrdreg $0xC0  }
0xba: {  	_ =	task [dreg:s22], $0x5FFFF  }
0xbb: {  	[dreg:$0x1] =	wrdreg $0xFFFFFFFF  }
0xbc: {  	[dreg:$0x0] =	wrdreg $0x60  }
0xbd: {  	[dreg:$0x2] =	wrdreg s24  }
0xbe: {  	[dreg:$0x3] =	wrdreg $0xA  }
0xbf: {  	_ =	task.clear_ibuf [dreg:s22], $0x4FFFF;
	_ =	strace $0x9000004F  }
0xc0: {  	s29 =	simm.s32 $0xA;
	_ =	strace $0x80000051  }
0xc1: {  	_ =	swait.ge [sflag:s29], $0x1  }
0xc2: {  	[sflag:s29] =	ssyncadd.s32 $0xFFFFFFFF  }
0xc3: {  	_ =	strace $0x90000051  }
0xc4: {  	_ =	sfence  }
0xc5: {  	s30 =	sld [smem:$0x0];
	_ =	sdelay $0x2  }
0xc6: {  	s31 =	sshll.u32 s1, $0xD;
	s1 =	sshrl.u32 s1, $0x2  }
0xc7: {  	s4 =	sand.u32 $0x4000, s31;
	s1 =	sadd.s32 s1, s30  }
0xc8: {  	s0 =	sor.u32 s4, s0;
	s1 =	sshll.u32 s1, $0x11  }
0xc9: {  	s0 =	sor.u32 s1, s0  }
0xca: {  	s0 =	sadd.s32 $0x8F2B, s0  }
0xcb: {  	[sflag:s0] =	ssyncadd.remote.s32 $0x1  }
0xcc: {  	_ =	sfence.sel $0xFFFF  }
0xcd: {  	[dreg:$0x0] =	wrdreg $0xFFFFFFFF;
	(pc) =	sbr.abs _section_cstart, $3  }
0xce: {  	[dreg:$0x1] =	wrdreg $0xFFFFFFFF  }
0xcf: {  	_ =	task.clear_ibuf [dreg:s22], $0x2FFFF;
	_ =	strace $0x9FFFFFFF  }
0xd0: {  	(tm) =	ssettm $0x7FFFFFFF  }
0xd1: {  	_ =	shalt  }
tec
execute0_lowered:
.L_overlay_start_1:
0x0: {  	(tag) =	ssettag $0x1  }
0x1: {  	s4 =	rddreg [dreg:$0x0]  }
0x2: {  	s0 =	rddreg [dreg:$0x1]  }
0x3: {  	s1 =	simm.s32 $0x0;
	s5 =	srdreg.scid;
	s2 =	stileid.u32  }
0x4: {  	s12 =	simm.s32 $0x1;
	s13 =	simm.s32 $0x2;
	s14 =	simm.s32 $0x4100  }
0x5: {  	s15 =	simm.s32 $0x0;
	[smem:$0x7FF] =	sst s1;
	s7 =	sadd.s32 $0xC1200, s4  }
0x6: {  	s3 =	sadd.s32 $0x1200, s4;
	s8 =	sand.u32 $0x1, s5;
	s28 =	sshll.u32 s2, $0x1  }
0x7: {  	s9 =	sadd.s32 $0x4C5200, s4;
	s30 =	sshll.u32 s2, $0xA;
	s11 =	sshll.u32 s2, $0x11  }
0x8: {  	_ =	strace $0x80000050;
	s29 =	ssub.s32 $0x2, s8;
	s5 =	sor.u32 s8, s28  }
0x9: {  	s31 =	sshll.u32 s8, $0x9;
	s8 =	sshll.u32 s8, $0x10;
	s6 =	sshrl.u32 s29, $0x1  }
0xa: {  	s10 =	sshll.u32 s5, $0x10;
	s5 =	sshll.u32 s5, $0x9;
	s6 =	ssub.s32 s29, s6  }
0xb: {  	s4 =	sadd.s32 s7, s5;
	s10 =	sadd.s32 s9, s10;
	s7 =	sadd.s32 s30, s7  }
0xc: {  	s9 =	sadd.s32 s11, s9;
	s11 =	simm.s32 $0x100;
	s5 =	smax.u32 s6, $0x1  }
0xd: {  	s6 =	sadd.s32 $0xF800, s10;
	s7 =	sadd.s32 s31, s7;
	s8 =	sadd.s32 s8, s9  }
0xe: {  	s9 =	simm.s32 $0x3;
	s10 =	simm.s32 $0x80;
	s7 =	sadd.s32 $0x10, s7  }
.LBB2_1:
0xf: {  	[tilespmem:s1], [sflag:$0x3] =	stream.linear.gather [hbm4b:s4+s1], $0x80, $0x38;
	[tilespmem:$0x8100] =	vst v63  }
0x10: {  	_ =	swait.ge [sflag:s9], $0x80  }
0x11: {  	s16 =	sand.u32 $0x1, s1;
	[sflag:s9] =	ssyncset.done $0x0  }
0x12: {  	s17 =	sxor.u32 $0x1, s16;
	[sflag:s9] =	ssyncadd.s32 $0xFFFFFF80  }
0x13: {  	[tilespmem:s11], [sflag:$0x1] =	stream.indirect.gather [hbm4b:s3+s10], $0x80, s1, s10, $0xb8;
	[tilespmem:$0x8100] =	vst v63  }
0x14: {  	s18 =	sshll.u32 s17, $0x7  }
0x15: {  	[tilespmem:s18], [sflag:$0x3] =	stream.linear.gather [hbm4b:s7+s1], $0x80, $0x38;
	[tilespmem:$0x8100] =	vst v63  }
0x16: {  	_ =	swait.ge [sflag:s9], $0x80  }
0x17: {  	s17 =	sshll.u32 s17, $0xE;
	[sflag:s9] =	ssyncset.done $0x0  }
0x18: {  	s17 =	sor.u32 $0x100, s17;
	[sflag:s9] =	ssyncadd.s32 $0xFFFFFF80  }
0x19: {  	[tilespmem:s17], [sflag:$0x1] =	stream.indirect.gather [hbm4b:s3+s10], $0x80, s18, s10, $0xb8;
	[tilespmem:$0x8100] =	vst v63  }
0x1a: {  	s29 =	simm.s32 $0x1;
	_ =	swait.ge [sflag:s12], $0x4000  }
0x1b: {  	s20 =	simm.s32 $0x2;
	s16 =	sshll.u32 s16, $0xE;
	[sflag:s12] =	ssyncset.done $0x0  }
0x1c: {  	s31 =	sand.u32 $0x1, s29;
	s30 =	sor.u32 $0x100, s16;
	[sflag:s12] =	ssyncadd.s32 $0xFFFFC000  }
0x1d: {  	[hbm4b:s8+s1] =	stream.linear.scatter [tilespmem:s30], [sflag:$0x2], $0x4000, $0x38;
	[tilespmem:$0x8100] =	vst v63  }
0x1e: {  	s16 =	sadd.s32 $0x800, s8;
	s19 =	sxor.u32 $0x1, s31;
	_ =	swait.ge [sflag:s13], $0x4000  }
0x1f: {  	s17 =	sadd.s32 $0x10, s7;
	s18 =	sshll.u32 s31, $0xE;
	[sflag:s13] =	ssyncset.done $0x0  }
.LBB2_2:
0x20: {  	s21 =	sshll.u32 s19, $0x7;
	[sflag:s13] =	ssyncadd.s32 $0xFFFFC000  }
0x21: {  	s22 =	smov.u32 s20;
	s23 =	sadd.s32 $0x1, s20;
	s24 =	smov.u32 s16  }
0x22: {  	[tilespmem:s21], [sflag:$0x3] =	stream.linear.gather [hbm4b:s17+s1], $0x80, $0x38;
	[tilespmem:$0x8100] =	vst v63  }
0x23: {  	p0 =	sne.s32 s20, $0x1E;
	_ =	swait.ge [sflag:s9], $0x80  }
0x24: {  	s19 =	sshll.u32 s19, $0xE;
	[sflag:s9] =	ssyncset.done $0x0  }
0x25: {  	s19 =	sor.u32 $0x100, s19;
	[sflag:s9] =	ssyncadd.s32 $0xFFFFFF80  }
0x26: {  	[tilespmem:s19], [sflag:$0x1] =	stream.indirect.gather [hbm4b:s3+s10], $0x80, s21, s10, $0xb8;
	[tilespmem:$0x8100] =	vst v63  }
0x27: {  	_ =	swait.ge [sflag:s12], $0x4000  }
.Ltmp0:
0x28: {  	s18 =	sor.u32 $0x100, s18;
	[sflag:s12] =	ssyncset.done $0x0;
	(pc) =	sbr.rel @p0 .LBB2_2-.Ltmp0, $4  }
0x29: {  	s16 =	sadd.s32 $0x800, s16;
	s17 =	sadd.s32 $0x10, s17;
	[sflag:s12] =	ssyncadd.s32 $0xFFFFC000  }
0x2a: {  	[hbm4b:s24+s1] =	stream.linear.scatter [tilespmem:s18], [sflag:$0x2], $0x4000, $0x38;
	[tilespmem:$0x8100] =	vst v63  }
0x2b: {  	s20 =	smov.u32 s23;
	s18 =	sand.u32 $0x1, s22;
	_ =	swait.ge [sflag:s13], $0x4000  }
0x2c: {  	s19 =	sxor.u32 $0x1, s18;
	s18 =	sshll.u32 s18, $0xE;
	[sflag:s13] =	ssyncset.done $0x0  }
0x2d: {  	s20 =	sshll.u32 s19, $0x7;
	[sflag:s13] =	ssyncadd.s32 $0xFFFFC000  }
0x2e: {  	[tilespmem:s20], [sflag:$0x3] =	stream.linear.gather [hbm4b:s17+s1], $0x80, $0x38;
	[tilespmem:$0x8100] =	vst v63  }
0x2f: {  	_ =	swait.ge [sflag:s9], $0x80  }
0x30: {  	s30 =	sshll.u32 s19, $0xE;
	[sflag:s9] =	ssyncset.done $0x0  }
0x31: {  	s17 =	sor.u32 $0x100, s30;
	[sflag:s9] =	ssyncadd.s32 $0xFFFFFF80  }
0x32: {  	[tilespmem:s17], [sflag:$0x1] =	stream.indirect.gather [hbm4b:s3+s10], $0x80, s20, s10, $0xb8;
	[tilespmem:$0x8100] =	vst v63  }
0x33: {  	_ =	swait.ge [sflag:s12], $0x4000  }
0x34: {  	[sflag:s12] =	ssyncset.done $0x0  }
0x35: {  	s31 =	sor.u32 $0x100, s18;
	[sflag:s12] =	ssyncadd.s32 $0xFFFFC000  }
0x36: {  	[hbm4b:s16+s1] =	stream.linear.scatter [tilespmem:s31], [sflag:$0x2], $0x4000, $0x38;
	[tilespmem:$0x8100] =	vst v63  }
0x37: {  	_ =	swait.ge [sflag:s13], $0x4000  }
0x38: {  	[sflag:s13] =	ssyncset.done $0x0  }
0x39: {  	[sflag:s13] =	ssyncadd.s32 $0xFFFFC000  }
0x3a: {  	s15 =	sadd.s32 $0x1, s15;
	_ =	swait.ge [sflag:s12], $0x4000  }
0x3b: {  	p0 =	sne.s32 s15, s5;
	[sflag:s12] =	ssyncset.done $0x0  }
.Ltmp1:
0x3c: {  	[sflag:s12] =	ssyncadd.s32 $0xFFFFC000;
	(pc) =	sbr.rel @p0 .LBB2_1-.Ltmp1, $4  }
0x3d: {  	[hbm4b:s6+s1] =	stream.linear.scatter [tilespmem:s14], [sflag:$0x2], $0x4000, $0x38;
	[tilespmem:$0x8100] =	vst v63  }
0x3e: {  	_ =	swait.ge [sflag:s13], $0x4000  }
0x3f: {  	[sflag:s13] =	ssyncset.done $0x0  }
0x40: {  	[sflag:s13] =	ssyncadd.s32 $0xFFFFC000  }
0x41: {  	_ =	sfence.sel $0x180000  }
0x42: {  	[bflag:$0x0] =	sbarrier.arrive $0xFFFF  }
0x43: {  	p0 =	sne.s32 s2, $0x0;
	_ =	strace $0x90000050  }
0x44: {  	s0 =	sadd.s32 @!p0 $0x100000, s0;
	[bflag:$0x2] =	sbarrier.arrive $0xFFFF  }
0x45: {  	[sflag:s0] =	ssyncadd.tile.s32 @!p0 $0x1;
	_ =	shalt  }
.Lfunc_end2:
_tile_overlayer_lowered:
.L_overlay_start_2:
0x46: {  	(tag) =	ssettag $0x2  }
0x47: {  	s0 =	rddreg [dreg:$0x0];
	s2 =	stileid.u32  }
0x48: {  	s1 =	rddreg [dreg:$0x1];
	p0 =	sne.s32 s2, $0x0  }
0x49: {  	s3 =	rddreg [dreg:$0x2];
	[bflag:$0x3] =	sbarrier.arrive $0xFFFF;
	s2 =	simm.s32 @!p0 $0x1C03  }
0x4a: {  	[timem:s3], [sflag:s2] =	dma.local @!p0 [hbm:s0], s1  }
0x4b: {  	s0 =	simm.s32 @!p0 $0x3  }
0x4c: {  	_ =	swait.ge @!p0 [sflag:s0], s1  }
0x4d: {  	s1 =	ssub.s32 @!p0 $0x0, s1;
	[sflag:s0] =	ssyncset.done @!p0 $0x0  }
0x4e: {  	[sflag:s0] =	ssyncadd.s32 @!p0 s1  }
0x4f: {  	[bflag:$0x3] =	sbarrier.arrive $0xFFFF  }
0x50: {  	_ =	shalt  }

// kernel: kernel.47.cloned.1.call-start
scs
__scs_entry_jumppad:
0x0: {  	(pc) =	sbr.rel $0x88, $3  }
0x1: {  	(tag) =	ssettag $0x0;
	lr =	simm.s32 $0x1  }
0x2: {  	[smem:$0x3F84] =	sst lr;
	_ =	strace $0xD0000000  }
0x3: {  	_ = 	snop  }
0x4: {  	_ = 	snop  }
0x5: {  	_ = 	snop  }
0x6: {  	_ = 	snop  }
0x7: {  	_ = 	snop  }
__scs_overlays_trampoline_lowered:
0x8: {  	[smem:$0x3F93] =	sst s0  }
0x9: {  	[smem:$0x3F94] =	sst s1  }
0xa: {  	[smem:$0x3F95] =	sst s2  }
0xb: {  	[smem:$0x3F96] =	sst s3  }
0xc: {  	[smem:$0x3F97] =	sst s4  }
0xd: {  	[smem:$0x3F98] =	sst s5  }
0xe: {  	[smem:$0x3F99] =	sst s6  }
0xf: {  	[smem:$0x3F9A] =	sst s7  }
0x10: {  	[smem:$0x3F9B] =	sst s8  }
0x11: {  	[smem:$0x3F9C] =	sst s9;
	s0 =	simm.s32 @!p0 $0x0  }
0x12: {  	s1 =	sld [smem:$0x3F82];
	s0 =	simm.s32 @p0 $0x1  }
0x13: {  	[smem:$0x3F9D] =	sst s0;
	s0 =	simm.s32 @!p1 $0x0  }
0x14: {  	s2 =	sld [smem:$0x3F81];
	s0 =	simm.s32 @p1 $0x1  }
0x15: {  	[smem:$0x3F9E] =	sst s0;
	s0 =	simm.s32 @!p2 $0x0  }
0x16: {  	s3 =	sld [smem:$0x3FDB];
	s0 =	simm.s32 @p2 $0x1  }
0x17: {  	s4 =	simm.s32 $0x1BF5;
	[smem:$0x3FA0] =	sst s0  }
0x18: {  	s0 =	sld [smem:$0x3F83];
	_ =	swait.ge [sflag:s4], $0x0  }
0x19: {  	s7 =	sld [smem:$0x3F84]  }
0x1a: {  	s8 =	sadd.s32 $0xFFFFE003, lr  }
0x1b: {  	s9 =	sadd.s32 $0xFFFFFEF7, lr;
	s5 =	simm.s32 $0xFFFFFFFF;
	p2 =	slt.u32 s8, $0xFFFFF086  }
0x1c: {  	p1 =	slt.u32 s9, $0xF7A;
	s5 =	simm.s32 @!p2 $0x0  }
0x1d: {  	s5 =	simm.s32 @p1 $0x1;
	p0 =	seq.s32 s7, s2  }
0x1e: {  	s7 =	smul.u32 @!p0 $0xF7A, s2;
	p2 =	seq.s32 @!p0 s5, $0x0  }
0x1f: {  	s9 =	smul.u32 $0xF7A, s1;
	s8 =	simm.s32 @!p0 $0x1BF5;
	p2 =	por !p2, p0  }
0x20: {  	[sflag:s8] =	ssyncset.s32 @!p0 $0xFFFFF086;
	s6 =	sadd.s32 @!p0 s3, s7;
	s7 =	simm.s32 @!p0 $0x108  }
0x21: {  	s3 =	sadd.s32 s3, s9;
	s6 =	sadd.s32 @!p0 $0x88, s6;
	s7 =	simm.s32 @p2 $0x1082  }
0x22: {  	[simem:s7], [sflag:s8] =	dma.local @!p0 [hbm:s6], $0xF7A  }
0x23: {  	s9 =	sor.u32 $0xD0000000, s2;
	s6 =	simm.s32 $0x108;
	_ =	swait.ge @!p0 [sflag:s8], $0x0  }
0x24: {  	s3 =	sadd.s32 $0x88, s3;
	s6 =	simm.s32 @!p1 $0x1082;
	[sflag:s4] =	ssyncset.s32 $0xFFFFF086  }
0x25: {  	[simem:s6], [sflag:s4] =	dma.local [hbm:s3], $0xF7A  }
0x26: {  	[smem:$0x3F84] =	sst s1;
	(tag) =	ssettag s2;
	_ =	strace s9  }
0x27: {  	s1 =	sld [smem:$0x3F94]  }
0x28: {  	s2 =	sld [smem:$0x3F95]  }
0x29: {  	s4 =	sld [smem:$0x3F97]  }
0x2a: {  	p0 =	seq.s32 s5, $0x0;
	s5 =	sld [smem:$0x3F98]  }
0x2b: {  	s6 =	sld [smem:$0x3F99]  }
0x2c: {  	s7 =	sld [smem:$0x3F9A]  }
0x2d: {  	s3 =	simm.s32 $0x108;
	s8 =	sld [smem:$0x3F9B]  }
0x2e: {  	s3 =	simm.s32 @!p0 $0x1082;
	s9 =	sld [smem:$0x3F9C]  }
0x2f: {  	lr =	sadd.s32 s0, s3;
	s0 =	sld [smem:$0x3F93]  }
0x30: {  	s3 =	sld [smem:$0x3F96]  }
0x31: {  	[smem:$0x3F9F] =	sst s10  }
0x32: {  	s10 =	sld [smem:$0x3F9D];
	_ =	sdelay $0x3  }
0x33: {  	p0 =	seq.s32 s10, $0x1;
	s10 =	sld [smem:$0x3F9F];
	_ =	sdelay $0x3  }
0x34: {  	[smem:$0x3F9F] =	sst s10  }
0x35: {  	s10 =	sld [smem:$0x3F9E];
	_ =	sdelay $0x3  }
0x36: {  	p1 =	seq.s32 s10, $0x1;
	s10 =	sld [smem:$0x3F9F];
	_ =	sdelay $0x3  }
0x37: {  	[smem:$0x3F9F] =	sst s10  }
0x38: {  	s10 =	sld [smem:$0x3FA0]  }
0x39: {  	_ = 	snop;
	(pc) =	sbr.ind lr, $3  }
0x3a: {  	_ = 	snop  }
0x3b: {  	_ = 	snop  }
0x3c: {  	p2 =	seq.s32 s10, $0x1;
	s10 =	sld [smem:$0x3F9F]  }
0x3d: {  	_ =	shalt  }
0x3e: {  	_ =	shalt  }
0x3f: {  	_ =	shalt  }
0x40: {  	_ =	shalt  }
0x41: {  	_ =	shalt  }
0x42: {  	_ =	shalt  }
0x43: {  	_ =	shalt  }
0x44: {  	_ =	shalt  }
0x45: {  	_ =	shalt  }
0x46: {  	_ =	shalt  }
0x47: {  	_ =	shalt  }
0x48: {  	_ =	shalt  }
0x49: {  	_ =	shalt  }
0x4a: {  	_ =	shalt  }
0x4b: {  	_ =	shalt  }
0x4c: {  	_ =	shalt  }
0x4d: {  	_ =	shalt  }
0x4e: {  	_ =	shalt  }
0x4f: {  	_ =	shalt  }
0x50: {  	_ =	shalt  }
0x51: {  	_ =	shalt  }
0x52: {  	_ =	shalt  }
0x53: {  	_ =	shalt  }
0x54: {  	_ =	shalt  }
0x55: {  	_ =	shalt  }
0x56: {  	_ =	shalt  }
0x57: {  	_ =	shalt  }
0x58: {  	_ =	shalt  }
0x59: {  	_ =	shalt  }
0x5a: {  	_ =	shalt  }
0x5b: {  	_ =	shalt  }
0x5c: {  	_ =	shalt  }
0x5d: {  	_ =	shalt  }
0x5e: {  	_ =	shalt  }
0x5f: {  	_ =	shalt  }
0x60: {  	_ =	shalt  }
0x61: {  	_ =	shalt  }
0x62: {  	_ =	shalt  }
0x63: {  	_ =	shalt  }
0x64: {  	_ =	shalt  }
0x65: {  	_ =	shalt  }
0x66: {  	_ =	shalt  }
0x67: {  	_ =	shalt  }
0x68: {  	_ =	shalt  }
0x69: {  	_ =	shalt  }
0x6a: {  	_ =	shalt  }
0x6b: {  	_ =	shalt  }
0x6c: {  	_ =	shalt  }
0x6d: {  	_ =	shalt  }
0x6e: {  	_ =	shalt  }
0x6f: {  	_ =	shalt  }
0x70: {  	_ =	shalt  }
0x71: {  	_ =	shalt  }
0x72: {  	_ =	shalt  }
0x73: {  	_ =	shalt  }
0x74: {  	_ =	shalt  }
0x75: {  	_ =	shalt  }
0x76: {  	_ =	shalt  }
0x77: {  	_ =	shalt  }
0x78: {  	_ =	shalt  }
0x79: {  	_ =	shalt  }
0x7a: {  	_ =	shalt  }
0x7b: {  	_ =	shalt  }
0x7c: {  	_ =	shalt  }
0x7d: {  	_ =	shalt  }
0x7e: {  	_ =	shalt  }
0x7f: {  	_ =	shalt  }
0x80: {  	_ =	shalt  }
0x81: {  	_ =	shalt  }
0x82: {  	_ =	shalt  }
0x83: {  	_ =	shalt  }
0x84: {  	_ =	shalt  }
0x85: {  	_ =	shalt  }
0x86: {  	_ =	shalt  }
0x87: {  	_ =	shalt  }
.Lfunc_end0:
.L_simem_size_0:
called_computation.5_lowered:
.L_overlay_start_0:
0x88: {  	s2 =	sld [smem:$0x3FD9]  }
0x89: {  	s3 =	sld [smem:$0x3FFE];
	_ =	sdelay $0x1  }
0x8a: {  	s1 =	srdreg.scid  }
0x8b: {  	s0 =	sand.u32 $0x1, s1  }
0x8c: {  	s17 =	sshll.u32 s0, $0xA;
	s2 =	sadd.s32 s3, s2  }
0x8d: {  	s2 =	sadd.s32 s2, s17  }
0x8e: {  	[smem:$0x3FAB] =	sst s2  }
0x8f: {  	_ = 	snop  }
0x90: {  	(tm) =	ssettm $0x1  }
0x91: {  	s18 =	sld [smem:$0x3FFB];
	_ =	sdelay $0x3  }
0x92: {  	_ =	strace s18  }
0x93: {  	s2 =	sld [smem:$0x3FFC];
	_ =	sdelay $0x3  }
0x94: {  	_ =	strace s2  }
0x95: {  	s2 =	sld [smem:$0x3FFD];
	_ =	sdelay $0x3  }
0x96: {  	_ =	strace s2  }
0x97: {  	_ =	strace $0x8FFFFFFF  }
0x98: {  	s19 =	sld [smem:$0x3FDB];
	_ =	sdelay $0x1  }
0x99: {  	s20 =	simm.s32 $_scs_section_size  }
0x9a: {  	s4 =	simm.s32 $_size__tile_overlayer_lowered;
	s5 =	simm.s32 $_tile_overlayer_lowered  }
0x9b: {  	s6 =	simm.s32 $0x1BFF;
	s21 =	sshll.u32 s5, $0x1;
	s3 =	sadd.s32 s20, s19  }
0x9c: {  	s22 =	simm.s32 $0x0;
	s4 =	sshll.u32 s4, $0x1;
	s5 =	sadd.s32 s21, s3  }
0x9d: {  	[timem:s22], [sflag:s6] =	dma.local [hbm:s5], s4  }
0x9e: {  	_ =	swait.ge [sflag:s6], s4  }
0x9f: {  	s4 =	ssub.s32 $0x0, s4;
	[sflag:s6] =	ssyncset.done $0x0  }
0xa0: {  	[sflag:s6] =	ssyncadd.s32 s4;
	_ =	sdelay $0x1  }
0xa1: {  	s23 =	simm.s32 $0x1B8B  }
0xa2: {  	_ =	swait.ge [sflag:s23], $0x1  }
0xa3: {  	[sflag:s23] =	ssyncset.done $0x0  }
0xa4: {  	[sflag:s23] =	ssyncadd.s32 $0xFFFFFFFF  }
0xa5: {  	s4 =	sld [smem:$0x0]  }
0xa6: {  	s5 =	sand.u32 $0xFFFFFFFE, s1  }
0xa7: {  	p0 =	sne.s32 s1, s5  }
0xa8: {  	s5 =	sshll.u32 @p0 s5, $0xE  }
0xa9: {  	s5 =	sadd.s32 @p0 $0x11B8D, s5;
	s6 =	sshll.u32 @p0 s4, $0x11  }
0xaa: {  	s5 =	sor.u32 @p0 s6, s5  }
0xab: {  	[sflag:s5] =	ssyncadd.remote.s32 @p0 $0x1;
	_ =	sdelay $0x1  }
0xac: {  	s5 =	simm.s32 @p0 $0x1B8D  }
0xad: {  	_ =	swait.eq @p0 [sflag:s5], $0x1  }
0xae: {  	[sflag:s5] =	ssyncadd.s32 @p0 $0xFFFFFFFF  }
0xaf: {  	s6 =	sshll.u32 @!p0 s1, $0xE  }
0xb0: {  	s6 =	sor.u32 @!p0 $0x4000, s6;
	s5 =	simm.s32 @!p0 $0x1B8D  }
0xb1: {  	s4 =	sshll.u32 @!p0 s4, $0x11;
	s6 =	sadd.s32 @!p0 $0x11B8D, s6;
	_ =	swait.eq @!p0 [sflag:s5], $0x1  }
0xb2: {  	s4 =	sor.u32 @!p0 s4, s6;
	[sflag:s5] =	ssyncadd.s32 @!p0 $0xFFFFFFFF  }
0xb3: {  	s25 =	simm.s32 $0x1B8E;
	s24 =	sld [smem:$0x3FFE];
	[sflag:s4] =	ssyncadd.remote.s32 @!p0 $0x1  }
0xb4: {  	s26 =	simm.s32 $execute0_lowered;
	[smem:$0x3FD2] =	sst s25  }
0xb5: {  	s5 =	sshll.u32 s26, $0x1;
	_ =	strace $0x80000052;
	[dreg:$0x1] =	wrdreg $0xFFFFFFFF  }
0xb6: {  	s28 =	simm.s32 $_size_execute0_lowered;
	s3 =	sadd.s32 s3, s5;
	[dreg:$0x0] =	wrdreg $0x0  }
0xb7: {  	s5 =	sshll.u32 s28, $0x1;
	[dreg:$0x2] =	wrdreg s3  }
0xb8: {  	[dreg:$0x3] =	wrdreg s5  }
0xb9: {  	[dreg:$0x4] =	wrdreg $0xC0  }
0xba: {  	_ =	task [dreg:s22], $0x5FFFF  }
0xbb: {  	[dreg:$0x1] =	wrdreg $0xFFFFFFFF  }
0xbc: {  	[dreg:$0x0] =	wrdreg $0x60  }
0xbd: {  	[dreg:$0x2] =	wrdreg s24  }
0xbe: {  	[dreg:$0x3] =	wrdreg $0x9  }
0xbf: {  	_ =	task.clear_ibuf [dreg:s22], $0x4FFFF;
	_ =	strace $0x90000052  }
0xc0: {  	s29 =	simm.s32 $0x9;
	_ =	strace $0x80000054  }
0xc1: {  	_ =	swait.ge [sflag:s29], $0x1  }
0xc2: {  	[sflag:s29] =	ssyncadd.s32 $0xFFFFFFFF  }
0xc3: {  	_ =	strace $0x90000054  }
0xc4: {  	_ =	sfence  }
0xc5: {  	s30 =	sld [smem:$0x0];
	_ =	sdelay $0x2  }
0xc6: {  	s31 =	sshll.u32 s1, $0xD;
	s1 =	sshrl.u32 s1, $0x2  }
0xc7: {  	s4 =	sand.u32 $0x4000, s31;
	s1 =	sadd.s32 s1, s30  }
0xc8: {  	s0 =	sor.u32 s4, s0;
	s1 =	sshll.u32 s1, $0x11  }
0xc9: {  	s0 =	sor.u32 s1, s0  }
0xca: {  	s0 =	sadd.s32 $0x8F2B, s0  }
0xcb: {  	[sflag:s0] =	ssyncadd.remote.s32 $0x1  }
0xcc: {  	_ =	sfence.sel $0xFFFF  }
0xcd: {  	[dreg:$0x0] =	wrdreg $0xFFFFFFFF;
	(pc) =	sbr.abs _section_cstart, $3  }
0xce: {  	[dreg:$0x1] =	wrdreg $0xFFFFFFFF  }
0xcf: {  	_ =	task.clear_ibuf [dreg:s22], $0x2FFFF;
	_ =	strace $0x9FFFFFFF  }
0xd0: {  	(tm) =	ssettm $0x7FFFFFFF  }
0xd1: {  	_ =	shalt  }
tec
execute0_lowered:
.L_overlay_start_1:
0x0: {  	(tag) =	ssettag $0x1  }
0x1: {  	s4 =	rddreg [dreg:$0x0]  }
0x2: {  	s0 =	rddreg [dreg:$0x1]  }
0x3: {  	s1 =	simm.s32 $0x0;
	s5 =	srdreg.scid;
	s2 =	stileid.u32  }
0x4: {  	s12 =	simm.s32 $0x1;
	s13 =	simm.s32 $0x2;
	s14 =	simm.s32 $0x4100  }
0x5: {  	s15 =	simm.s32 $0x0;
	[smem:$0x7FF] =	sst s1;
	s7 =	sadd.s32 $0x81200, s4  }
0x6: {  	s3 =	sadd.s32 $0x41200, s4;
	s8 =	sand.u32 $0x1, s5;
	s28 =	sshll.u32 s2, $0x1  }
0x7: {  	s9 =	sadd.s32 $0xC5200, s4;
	s30 =	sshll.u32 s2, $0xA;
	s11 =	sshll.u32 s2, $0x11  }
0x8: {  	_ =	strace $0x80000053;
	s29 =	ssub.s32 $0x2, s8;
	s5 =	sor.u32 s8, s28  }
0x9: {  	s31 =	sshll.u32 s8, $0x9;
	s8 =	sshll.u32 s8, $0x10;
	s6 =	sshrl.u32 s29, $0x1  }
0xa: {  	s10 =	sshll.u32 s5, $0x10;
	s5 =	sshll.u32 s5, $0x9;
	s6 =	ssub.s32 s29, s6  }
0xb: {  	s4 =	sadd.s32 s7, s5;
	s10 =	sadd.s32 s9, s10;
	s7 =	sadd.s32 s30, s7  }
0xc: {  	s9 =	sadd.s32 s11, s9;
	s11 =	simm.s32 $0x100;
	s5 =	smax.u32 s6, $0x1  }
0xd: {  	s6 =	sadd.s32 $0xF800, s10;
	s7 =	sadd.s32 s31, s7;
	s8 =	sadd.s32 s8, s9  }
0xe: {  	s9 =	simm.s32 $0x3;
	s10 =	simm.s32 $0x80;
	s7 =	sadd.s32 $0x10, s7  }
.LBB2_1:
0xf: {  	[tilespmem:s1], [sflag:$0x3] =	stream.linear.gather [hbm4b:s4+s1], $0x80, $0x38;
	[tilespmem:$0x8100] =	vst v63  }
0x10: {  	_ =	swait.ge [sflag:s9], $0x80  }
0x11: {  	s16 =	sand.u32 $0x1, s1;
	[sflag:s9] =	ssyncset.done $0x0  }
0x12: {  	s17 =	sxor.u32 $0x1, s16;
	[sflag:s9] =	ssyncadd.s32 $0xFFFFFF80  }
0x13: {  	[tilespmem:s11], [sflag:$0x1] =	stream.indirect.gather [hbm4b:s3+s10], $0x80, s1, s10, $0xb8;
	[tilespmem:$0x8100] =	vst v63  }
0x14: {  	s18 =	sshll.u32 s17, $0x7  }
0x15: {  	[tilespmem:s18], [sflag:$0x3] =	stream.linear.gather [hbm4b:s7+s1], $0x80, $0x38;
	[tilespmem:$0x8100] =	vst v63  }
0x16: {  	_ =	swait.ge [sflag:s9], $0x80  }
0x17: {  	s17 =	sshll.u32 s17, $0xE;
	[sflag:s9] =	ssyncset.done $0x0  }
0x18: {  	s17 =	sor.u32 $0x100, s17;
	[sflag:s9] =	ssyncadd.s32 $0xFFFFFF80  }
0x19: {  	[tilespmem:s17], [sflag:$0x1] =	stream.indirect.gather [hbm4b:s3+s10], $0x80, s18, s10, $0xb8;
	[tilespmem:$0x8100] =	vst v63  }
0x1a: {  	s29 =	simm.s32 $0x1;
	_ =	swait.ge [sflag:s12], $0x4000  }
0x1b: {  	s20 =	simm.s32 $0x2;
	s16 =	sshll.u32 s16, $0xE;
	[sflag:s12] =	ssyncset.done $0x0  }
0x1c: {  	s31 =	sand.u32 $0x1, s29;
	s30 =	sor.u32 $0x100, s16;
	[sflag:s12] =	ssyncadd.s32 $0xFFFFC000  }
0x1d: {  	[hbm4b:s8+s1] =	stream.linear.scatter [tilespmem:s30], [sflag:$0x2], $0x4000, $0x38;
	[tilespmem:$0x8100] =	vst v63  }
0x1e: {  	s16 =	sadd.s32 $0x800, s8;
	s19 =	sxor.u32 $0x1, s31;
	_ =	swait.ge [sflag:s13], $0x4000  }
0x1f: {  	s17 =	sadd.s32 $0x10, s7;
	s18 =	sshll.u32 s31, $0xE;
	[sflag:s13] =	ssyncset.done $0x0  }
.LBB2_2:
0x20: {  	s21 =	sshll.u32 s19, $0x7;
	[sflag:s13] =	ssyncadd.s32 $0xFFFFC000  }
0x21: {  	s22 =	smov.u32 s20;
	s23 =	sadd.s32 $0x1, s20;
	s24 =	smov.u32 s16  }
0x22: {  	[tilespmem:s21], [sflag:$0x3] =	stream.linear.gather [hbm4b:s17+s1], $0x80, $0x38;
	[tilespmem:$0x8100] =	vst v63  }
0x23: {  	p0 =	sne.s32 s20, $0x1E;
	_ =	swait.ge [sflag:s9], $0x80  }
0x24: {  	s19 =	sshll.u32 s19, $0xE;
	[sflag:s9] =	ssyncset.done $0x0  }
0x25: {  	s19 =	sor.u32 $0x100, s19;
	[sflag:s9] =	ssyncadd.s32 $0xFFFFFF80  }
0x26: {  	[tilespmem:s19], [sflag:$0x1] =	stream.indirect.gather [hbm4b:s3+s10], $0x80, s21, s10, $0xb8;
	[tilespmem:$0x8100] =	vst v63  }
0x27: {  	_ =	swait.ge [sflag:s12], $0x4000  }
.Ltmp0:
0x28: {  	s18 =	sor.u32 $0x100, s18;
	[sflag:s12] =	ssyncset.done $0x0;
	(pc) =	sbr.rel @p0 .LBB2_2-.Ltmp0, $4  }
0x29: {  	s16 =	sadd.s32 $0x800, s16;
	s17 =	sadd.s32 $0x10, s17;
	[sflag:s12] =	ssyncadd.s32 $0xFFFFC000  }
0x2a: {  	[hbm4b:s24+s1] =	stream.linear.scatter [tilespmem:s18], [sflag:$0x2], $0x4000, $0x38;
	[tilespmem:$0x8100] =	vst v63  }
0x2b: {  	s20 =	smov.u32 s23;
	s18 =	sand.u32 $0x1, s22;
	_ =	swait.ge [sflag:s13], $0x4000  }
0x2c: {  	s19 =	sxor.u32 $0x1, s18;
	s18 =	sshll.u32 s18, $0xE;
	[sflag:s13] =	ssyncset.done $0x0  }
0x2d: {  	s20 =	sshll.u32 s19, $0x7;
	[sflag:s13] =	ssyncadd.s32 $0xFFFFC000  }
0x2e: {  	[tilespmem:s20], [sflag:$0x3] =	stream.linear.gather [hbm4b:s17+s1], $0x80, $0x38;
	[tilespmem:$0x8100] =	vst v63  }
0x2f: {  	_ =	swait.ge [sflag:s9], $0x80  }
0x30: {  	s30 =	sshll.u32 s19, $0xE;
	[sflag:s9] =	ssyncset.done $0x0  }
0x31: {  	s17 =	sor.u32 $0x100, s30;
	[sflag:s9] =	ssyncadd.s32 $0xFFFFFF80  }
0x32: {  	[tilespmem:s17], [sflag:$0x1] =	stream.indirect.gather [hbm4b:s3+s10], $0x80, s20, s10, $0xb8;
	[tilespmem:$0x8100] =	vst v63  }
0x33: {  	_ =	swait.ge [sflag:s12], $0x4000  }
0x34: {  	[sflag:s12] =	ssyncset.done $0x0  }
0x35: {  	s31 =	sor.u32 $0x100, s18;
	[sflag:s12] =	ssyncadd.s32 $0xFFFFC000  }
0x36: {  	[hbm4b:s16+s1] =	stream.linear.scatter [tilespmem:s31], [sflag:$0x2], $0x4000, $0x38;
	[tilespmem:$0x8100] =	vst v63  }
0x37: {  	_ =	swait.ge [sflag:s13], $0x4000  }
0x38: {  	[sflag:s13] =	ssyncset.done $0x0  }
0x39: {  	[sflag:s13] =	ssyncadd.s32 $0xFFFFC000  }
0x3a: {  	s15 =	sadd.s32 $0x1, s15;
	_ =	swait.ge [sflag:s12], $0x4000  }
0x3b: {  	p0 =	sne.s32 s15, s5;
	[sflag:s12] =	ssyncset.done $0x0  }
.Ltmp1:
0x3c: {  	[sflag:s12] =	ssyncadd.s32 $0xFFFFC000;
	(pc) =	sbr.rel @p0 .LBB2_1-.Ltmp1, $4  }
0x3d: {  	[hbm4b:s6+s1] =	stream.linear.scatter [tilespmem:s14], [sflag:$0x2], $0x4000, $0x38;
	[tilespmem:$0x8100] =	vst v63  }
0x3e: {  	_ =	swait.ge [sflag:s13], $0x4000  }
0x3f: {  	[sflag:s13] =	ssyncset.done $0x0  }
0x40: {  	[sflag:s13] =	ssyncadd.s32 $0xFFFFC000  }
0x41: {  	_ =	sfence.sel $0x180000  }
0x42: {  	[bflag:$0x0] =	sbarrier.arrive $0xFFFF  }
0x43: {  	p0 =	sne.s32 s2, $0x0;
	_ =	strace $0x90000053  }
0x44: {  	s0 =	sadd.s32 @!p0 $0x100000, s0;
	[bflag:$0x2] =	sbarrier.arrive $0xFFFF  }
0x45: {  	[sflag:s0] =	ssyncadd.tile.s32 @!p0 $0x1;
	_ =	shalt  }
.Lfunc_end2:
_tile_overlayer_lowered:
.L_overlay_start_2:
0x46: {  	(tag) =	ssettag $0x2  }
0x47: {  	s0 =	rddreg [dreg:$0x0];
	s2 =	stileid.u32  }
0x48: {  	s1 =	rddreg [dreg:$0x1];
	p0 =	sne.s32 s2, $0x0  }
0x49: {  	s3 =	rddreg [dreg:$0x2];
	[bflag:$0x3] =	sbarrier.arrive $0xFFFF;
	s2 =	simm.s32 @!p0 $0x1C03  }
0x4a: {  	[timem:s3], [sflag:s2] =	dma.local @!p0 [hbm:s0], s1  }
0x4b: {  	s0 =	simm.s32 @!p0 $0x3  }
0x4c: {  	_ =	swait.ge @!p0 [sflag:s0], s1  }
0x4d: {  	s1 =	ssub.s32 @!p0 $0x0, s1;
	[sflag:s0] =	ssyncset.done @!p0 $0x0  }
0x4e: {  	[sflag:s0] =	ssyncadd.s32 @!p0 s1  }
0x4f: {  	[bflag:$0x3] =	sbarrier.arrive $0xFFFF  }
0x50: {  	_ =	shalt  }

// kernel: kernel.50.cloned.1.call-start
scs
__scs_entry_jumppad:
0x0: {  	(pc) =	sbr.rel $0x88, $3  }
0x1: {  	(tag) =	ssettag $0x0;
	lr =	simm.s32 $0x1  }
0x2: {  	[smem:$0x3F84] =	sst lr;
	_ =	strace $0xD0000000  }
0x3: {  	_ = 	snop  }
0x4: {  	_ = 	snop  }
0x5: {  	_ = 	snop  }
0x6: {  	_ = 	snop  }
0x7: {  	_ = 	snop  }
__scs_overlays_trampoline_lowered:
0x8: {  	[smem:$0x3F93] =	sst s0  }
0x9: {  	[smem:$0x3F94] =	sst s1  }
0xa: {  	[smem:$0x3F95] =	sst s2  }
0xb: {  	[smem:$0x3F96] =	sst s3  }
0xc: {  	[smem:$0x3F97] =	sst s4  }
0xd: {  	[smem:$0x3F98] =	sst s5  }
0xe: {  	[smem:$0x3F99] =	sst s6  }
0xf: {  	[smem:$0x3F9A] =	sst s7  }
0x10: {  	[smem:$0x3F9B] =	sst s8  }
0x11: {  	[smem:$0x3F9C] =	sst s9;
	s0 =	simm.s32 @!p0 $0x0  }
0x12: {  	s1 =	sld [smem:$0x3F82];
	s0 =	simm.s32 @p0 $0x1  }
0x13: {  	[smem:$0x3F9D] =	sst s0;
	s0 =	simm.s32 @!p1 $0x0  }
0x14: {  	s2 =	sld [smem:$0x3F81];
	s0 =	simm.s32 @p1 $0x1  }
0x15: {  	[smem:$0x3F9E] =	sst s0;
	s0 =	simm.s32 @!p2 $0x0  }
0x16: {  	s3 =	sld [smem:$0x3FDB];
	s0 =	simm.s32 @p2 $0x1  }
0x17: {  	s4 =	simm.s32 $0x1BF5;
	[smem:$0x3FA0] =	sst s0  }
0x18: {  	s0 =	sld [smem:$0x3F83];
	_ =	swait.ge [sflag:s4], $0x0  }
0x19: {  	s7 =	sld [smem:$0x3F84]  }
0x1a: {  	s8 =	sadd.s32 $0xFFFFE003, lr  }
0x1b: {  	s9 =	sadd.s32 $0xFFFFFEF7, lr;
	s5 =	simm.s32 $0xFFFFFFFF;
	p2 =	slt.u32 s8, $0xFFFFF086  }
0x1c: {  	p1 =	slt.u32 s9, $0xF7A;
	s5 =	simm.s32 @!p2 $0x0  }
0x1d: {  	s5 =	simm.s32 @p1 $0x1;
	p0 =	seq.s32 s7, s2  }
0x1e: {  	s7 =	smul.u32 @!p0 $0xF7A, s2;
	p2 =	seq.s32 @!p0 s5, $0x0  }
0x1f: {  	s9 =	smul.u32 $0xF7A, s1;
	s8 =	simm.s32 @!p0 $0x1BF5;
	p2 =	por !p2, p0  }
0x20: {  	[sflag:s8] =	ssyncset.s32 @!p0 $0xFFFFF086;
	s6 =	sadd.s32 @!p0 s3, s7;
	s7 =	simm.s32 @!p0 $0x108  }
0x21: {  	s3 =	sadd.s32 s3, s9;
	s6 =	sadd.s32 @!p0 $0x88, s6;
	s7 =	simm.s32 @p2 $0x1082  }
0x22: {  	[simem:s7], [sflag:s8] =	dma.local @!p0 [hbm:s6], $0xF7A  }
0x23: {  	s9 =	sor.u32 $0xD0000000, s2;
	s6 =	simm.s32 $0x108;
	_ =	swait.ge @!p0 [sflag:s8], $0x0  }
0x24: {  	s3 =	sadd.s32 $0x88, s3;
	s6 =	simm.s32 @!p1 $0x1082;
	[sflag:s4] =	ssyncset.s32 $0xFFFFF086  }
0x25: {  	[simem:s6], [sflag:s4] =	dma.local [hbm:s3], $0xF7A  }
0x26: {  	[smem:$0x3F84] =	sst s1;
	(tag) =	ssettag s2;
	_ =	strace s9  }
0x27: {  	s1 =	sld [smem:$0x3F94]  }
0x28: {  	s2 =	sld [smem:$0x3F95]  }
0x29: {  	s4 =	sld [smem:$0x3F97]  }
0x2a: {  	p0 =	seq.s32 s5, $0x0;
	s5 =	sld [smem:$0x3F98]  }
0x2b: {  	s6 =	sld [smem:$0x3F99]  }
0x2c: {  	s7 =	sld [smem:$0x3F9A]  }
0x2d: {  	s3 =	simm.s32 $0x108;
	s8 =	sld [smem:$0x3F9B]  }
0x2e: {  	s3 =	simm.s32 @!p0 $0x1082;
	s9 =	sld [smem:$0x3F9C]  }
0x2f: {  	lr =	sadd.s32 s0, s3;
	s0 =	sld [smem:$0x3F93]  }
0x30: {  	s3 =	sld [smem:$0x3F96]  }
0x31: {  	[smem:$0x3F9F] =	sst s10  }
0x32: {  	s10 =	sld [smem:$0x3F9D];
	_ =	sdelay $0x3  }
0x33: {  	p0 =	seq.s32 s10, $0x1;
	s10 =	sld [smem:$0x3F9F];
	_ =	sdelay $0x3  }
0x34: {  	[smem:$0x3F9F] =	sst s10  }
0x35: {  	s10 =	sld [smem:$0x3F9E];
	_ =	sdelay $0x3  }
0x36: {  	p1 =	seq.s32 s10, $0x1;
	s10 =	sld [smem:$0x3F9F];
	_ =	sdelay $0x3  }
0x37: {  	[smem:$0x3F9F] =	sst s10  }
0x38: {  	s10 =	sld [smem:$0x3FA0]  }
0x39: {  	_ = 	snop;
	(pc) =	sbr.ind lr, $3  }
0x3a: {  	_ = 	snop  }
0x3b: {  	_ = 	snop  }
0x3c: {  	p2 =	seq.s32 s10, $0x1;
	s10 =	sld [smem:$0x3F9F]  }
0x3d: {  	_ =	shalt  }
0x3e: {  	_ =	shalt  }
0x3f: {  	_ =	shalt  }
0x40: {  	_ =	shalt  }
0x41: {  	_ =	shalt  }
0x42: {  	_ =	shalt  }
0x43: {  	_ =	shalt  }
0x44: {  	_ =	shalt  }
0x45: {  	_ =	shalt  }
0x46: {  	_ =	shalt  }
0x47: {  	_ =	shalt  }
0x48: {  	_ =	shalt  }
0x49: {  	_ =	shalt  }
0x4a: {  	_ =	shalt  }
0x4b: {  	_ =	shalt  }
0x4c: {  	_ =	shalt  }
0x4d: {  	_ =	shalt  }
0x4e: {  	_ =	shalt  }
0x4f: {  	_ =	shalt  }
0x50: {  	_ =	shalt  }
0x51: {  	_ =	shalt  }
0x52: {  	_ =	shalt  }
0x53: {  	_ =	shalt  }
0x54: {  	_ =	shalt  }
0x55: {  	_ =	shalt  }
0x56: {  	_ =	shalt  }
0x57: {  	_ =	shalt  }
0x58: {  	_ =	shalt  }
0x59: {  	_ =	shalt  }
0x5a: {  	_ =	shalt  }
0x5b: {  	_ =	shalt  }
0x5c: {  	_ =	shalt  }
0x5d: {  	_ =	shalt  }
0x5e: {  	_ =	shalt  }
0x5f: {  	_ =	shalt  }
0x60: {  	_ =	shalt  }
0x61: {  	_ =	shalt  }
0x62: {  	_ =	shalt  }
0x63: {  	_ =	shalt  }
0x64: {  	_ =	shalt  }
0x65: {  	_ =	shalt  }
0x66: {  	_ =	shalt  }
0x67: {  	_ =	shalt  }
0x68: {  	_ =	shalt  }
0x69: {  	_ =	shalt  }
0x6a: {  	_ =	shalt  }
0x6b: {  	_ =	shalt  }
0x6c: {  	_ =	shalt  }
0x6d: {  	_ =	shalt  }
0x6e: {  	_ =	shalt  }
0x6f: {  	_ =	shalt  }
0x70: {  	_ =	shalt  }
0x71: {  	_ =	shalt  }
0x72: {  	_ =	shalt  }
0x73: {  	_ =	shalt  }
0x74: {  	_ =	shalt  }
0x75: {  	_ =	shalt  }
0x76: {  	_ =	shalt  }
0x77: {  	_ =	shalt  }
0x78: {  	_ =	shalt  }
0x79: {  	_ =	shalt  }
0x7a: {  	_ =	shalt  }
0x7b: {  	_ =	shalt  }
0x7c: {  	_ =	shalt  }
0x7d: {  	_ =	shalt  }
0x7e: {  	_ =	shalt  }
0x7f: {  	_ =	shalt  }
0x80: {  	_ =	shalt  }
0x81: {  	_ =	shalt  }
0x82: {  	_ =	shalt  }
0x83: {  	_ =	shalt  }
0x84: {  	_ =	shalt  }
0x85: {  	_ =	shalt  }
0x86: {  	_ =	shalt  }
0x87: {  	_ =	shalt  }
.Lfunc_end0:
.L_simem_size_0:
called_computation.6_lowered:
.L_overlay_start_0:
0x88: {  	s2 =	sld [smem:$0x3FD9]  }
0x89: {  	s3 =	sld [smem:$0x3FFE];
	_ =	sdelay $0x1  }
0x8a: {  	s1 =	srdreg.scid  }
0x8b: {  	s0 =	sand.u32 $0x1, s1  }
0x8c: {  	s17 =	sshll.u32 s0, $0xA;
	s2 =	sadd.s32 s3, s2  }
0x8d: {  	s2 =	sadd.s32 s2, s17  }
0x8e: {  	[smem:$0x3FAB] =	sst s2  }
0x8f: {  	_ = 	snop  }
0x90: {  	(tm) =	ssettm $0x1  }
0x91: {  	s18 =	sld [smem:$0x3FFB];
	_ =	sdelay $0x3  }
0x92: {  	_ =	strace s18  }
0x93: {  	s2 =	sld [smem:$0x3FFC];
	_ =	sdelay $0x3  }
0x94: {  	_ =	strace s2  }
0x95: {  	s2 =	sld [smem:$0x3FFD];
	_ =	sdelay $0x3  }
0x96: {  	_ =	strace s2  }
0x97: {  	_ =	strace $0x8FFFFFFF  }
0x98: {  	s19 =	sld [smem:$0x3FDB];
	_ =	sdelay $0x1  }
0x99: {  	s20 =	simm.s32 $_scs_section_size  }
0x9a: {  	s4 =	simm.s32 $_size__tile_overlayer_lowered;
	s5 =	simm.s32 $_tile_overlayer_lowered  }
0x9b: {  	s6 =	simm.s32 $0x1BFF;
	s21 =	sshll.u32 s5, $0x1;
	s3 =	sadd.s32 s20, s19  }
0x9c: {  	s22 =	simm.s32 $0x0;
	s4 =	sshll.u32 s4, $0x1;
	s5 =	sadd.s32 s21, s3  }
0x9d: {  	[timem:s22], [sflag:s6] =	dma.local [hbm:s5], s4  }
0x9e: {  	_ =	swait.ge [sflag:s6], s4  }
0x9f: {  	s4 =	ssub.s32 $0x0, s4;
	[sflag:s6] =	ssyncset.done $0x0  }
0xa0: {  	[sflag:s6] =	ssyncadd.s32 s4;
	_ =	sdelay $0x1  }
0xa1: {  	s23 =	simm.s32 $0x1B8B  }
0xa2: {  	_ =	swait.ge [sflag:s23], $0x1  }
0xa3: {  	[sflag:s23] =	ssyncset.done $0x0  }
0xa4: {  	[sflag:s23] =	ssyncadd.s32 $0xFFFFFFFF  }
0xa5: {  	s4 =	sld [smem:$0x0]  }
0xa6: {  	s5 =	sand.u32 $0xFFFFFFFE, s1  }
0xa7: {  	p0 =	sne.s32 s1, s5  }
0xa8: {  	s5 =	sshll.u32 @p0 s5, $0xE  }
0xa9: {  	s5 =	sadd.s32 @p0 $0x11B8D, s5;
	s6 =	sshll.u32 @p0 s4, $0x11  }
0xaa: {  	s5 =	sor.u32 @p0 s6, s5  }
0xab: {  	[sflag:s5] =	ssyncadd.remote.s32 @p0 $0x1;
	_ =	sdelay $0x1  }
0xac: {  	s5 =	simm.s32 @p0 $0x1B8D  }
0xad: {  	_ =	swait.eq @p0 [sflag:s5], $0x1  }
0xae: {  	[sflag:s5] =	ssyncadd.s32 @p0 $0xFFFFFFFF  }
0xaf: {  	s6 =	sshll.u32 @!p0 s1, $0xE  }
0xb0: {  	s6 =	sor.u32 @!p0 $0x4000, s6;
	s5 =	simm.s32 @!p0 $0x1B8D  }
0xb1: {  	s4 =	sshll.u32 @!p0 s4, $0x11;
	s6 =	sadd.s32 @!p0 $0x11B8D, s6;
	_ =	swait.eq @!p0 [sflag:s5], $0x1  }
0xb2: {  	s4 =	sor.u32 @!p0 s4, s6;
	[sflag:s5] =	ssyncadd.s32 @!p0 $0xFFFFFFFF  }
0xb3: {  	s25 =	simm.s32 $0x1B8E;
	s24 =	sld [smem:$0x3FFE];
	[sflag:s4] =	ssyncadd.remote.s32 @!p0 $0x1  }
0xb4: {  	s26 =	simm.s32 $execute0_lowered;
	[smem:$0x3FD2] =	sst s25  }
0xb5: {  	s5 =	sshll.u32 s26, $0x1;
	_ =	strace $0x80000055;
	[dreg:$0x1] =	wrdreg $0xFFFFFFFF  }
0xb6: {  	s28 =	simm.s32 $_size_execute0_lowered;
	s3 =	sadd.s32 s3, s5;
	[dreg:$0x0] =	wrdreg $0x0  }
0xb7: {  	s5 =	sshll.u32 s28, $0x1;
	[dreg:$0x2] =	wrdreg s3  }
0xb8: {  	[dreg:$0x3] =	wrdreg s5  }
0xb9: {  	[dreg:$0x4] =	wrdreg $0xC0  }
0xba: {  	_ =	task [dreg:s22], $0x5FFFF  }
0xbb: {  	[dreg:$0x1] =	wrdreg $0xFFFFFFFF  }
0xbc: {  	[dreg:$0x0] =	wrdreg $0x60  }
0xbd: {  	[dreg:$0x2] =	wrdreg s24  }
0xbe: {  	[dreg:$0x3] =	wrdreg $0xA  }
0xbf: {  	_ =	task.clear_ibuf [dreg:s22], $0x4FFFF;
	_ =	strace $0x90000055  }
0xc0: {  	s29 =	simm.s32 $0xA;
	_ =	strace $0x80000057  }
0xc1: {  	_ =	swait.ge [sflag:s29], $0x1  }
0xc2: {  	[sflag:s29] =	ssyncadd.s32 $0xFFFFFFFF  }
0xc3: {  	_ =	strace $0x90000057  }
0xc4: {  	_ =	sfence  }
0xc5: {  	s30 =	sld [smem:$0x0];
	_ =	sdelay $0x2  }
0xc6: {  	s31 =	sshll.u32 s1, $0xD;
	s1 =	sshrl.u32 s1, $0x2  }
0xc7: {  	s4 =	sand.u32 $0x4000, s31;
	s1 =	sadd.s32 s1, s30  }
0xc8: {  	s0 =	sor.u32 s4, s0;
	s1 =	sshll.u32 s1, $0x11  }
0xc9: {  	s0 =	sor.u32 s1, s0  }
0xca: {  	s0 =	sadd.s32 $0x8F2B, s0  }
0xcb: {  	[sflag:s0] =	ssyncadd.remote.s32 $0x1  }
0xcc: {  	_ =	sfence.sel $0xFFFF  }
0xcd: {  	[dreg:$0x0] =	wrdreg $0xFFFFFFFF;
	(pc) =	sbr.abs _section_cstart, $3  }
0xce: {  	[dreg:$0x1] =	wrdreg $0xFFFFFFFF  }
0xcf: {  	_ =	task.clear_ibuf [dreg:s22], $0x2FFFF;
	_ =	strace $0x9FFFFFFF  }
0xd0: {  	(tm) =	ssettm $0x7FFFFFFF  }
0xd1: {  	_ =	shalt  }
tec
execute0_lowered:
.L_overlay_start_1:
0x0: {  	(tag) =	ssettag $0x1  }
0x1: {  	s4 =	rddreg [dreg:$0x0]  }
0x2: {  	s0 =	rddreg [dreg:$0x1]  }
0x3: {  	s1 =	simm.s32 $0x0;
	s5 =	srdreg.scid;
	s2 =	stileid.u32  }
0x4: {  	s12 =	simm.s32 $0x1;
	s13 =	simm.s32 $0x2;
	s14 =	simm.s32 $0x4100  }
0x5: {  	s15 =	simm.s32 $0x0;
	[smem:$0x7FF] =	sst s1;
	s7 =	sadd.s32 $0x85200, s4  }
0x6: {  	s3 =	sadd.s32 $0x1200, s4;
	s8 =	sand.u32 $0x1, s5;
	s28 =	sshll.u32 s2, $0x1  }
0x7: {  	s9 =	sadd.s32 $0x2C5200, s4;
	s30 =	sshll.u32 s2, $0xA;
	s11 =	sshll.u32 s2, $0x11  }
0x8: {  	_ =	strace $0x80000056;
	s29 =	ssub.s32 $0x2, s8;
	s5 =	sor.u32 s8, s28  }
0x9: {  	s31 =	sshll.u32 s8, $0x9;
	s8 =	sshll.u32 s8, $0x10;
	s6 =	sshrl.u32 s29, $0x1  }
0xa: {  	s10 =	sshll.u32 s5, $0x10;
	s5 =	sshll.u32 s5, $0x9;
	s6 =	ssub.s32 s29, s6  }
0xb: {  	s4 =	sadd.s32 s7, s5;
	s10 =	sadd.s32 s9, s10;
	s7 =	sadd.s32 s30, s7  }
0xc: {  	s9 =	sadd.s32 s11, s9;
	s11 =	simm.s32 $0x100;
	s5 =	smax.u32 s6, $0x1  }
0xd: {  	s6 =	sadd.s32 $0xF800, s10;
	s7 =	sadd.s32 s31, s7;
	s8 =	sadd.s32 s8, s9  }
0xe: {  	s9 =	simm.s32 $0x3;
	s10 =	simm.s32 $0x80;
	s7 =	sadd.s32 $0x10, s7  }
.LBB2_1:
0xf: {  	[tilespmem:s1], [sflag:$0x3] =	stream.linear.gather [hbm4b:s4+s1], $0x80, $0x38;
	[tilespmem:$0x8100] =	vst v63  }
0x10: {  	_ =	swait.ge [sflag:s9], $0x80  }
0x11: {  	s16 =	sand.u32 $0x1, s1;
	[sflag:s9] =	ssyncset.done $0x0  }
0x12: {  	s17 =	sxor.u32 $0x1, s16;
	[sflag:s9] =	ssyncadd.s32 $0xFFFFFF80  }
0x13: {  	[tilespmem:s11], [sflag:$0x1] =	stream.indirect.gather [hbm4b:s3+s10], $0x80, s1, s10, $0xb8;
	[tilespmem:$0x8100] =	vst v63  }
0x14: {  	s18 =	sshll.u32 s17, $0x7  }
0x15: {  	[tilespmem:s18], [sflag:$0x3] =	stream.linear.gather [hbm4b:s7+s1], $0x80, $0x38;
	[tilespmem:$0x8100] =	vst v63  }
0x16: {  	_ =	swait.ge [sflag:s9], $0x80  }
0x17: {  	s17 =	sshll.u32 s17, $0xE;
	[sflag:s9] =	ssyncset.done $0x0  }
0x18: {  	s17 =	sor.u32 $0x100, s17;
	[sflag:s9] =	ssyncadd.s32 $0xFFFFFF80  }
0x19: {  	[tilespmem:s17], [sflag:$0x1] =	stream.indirect.gather [hbm4b:s3+s10], $0x80, s18, s10, $0xb8;
	[tilespmem:$0x8100] =	vst v63  }
0x1a: {  	s29 =	simm.s32 $0x1;
	_ =	swait.ge [sflag:s12], $0x4000  }
0x1b: {  	s20 =	simm.s32 $0x2;
	s16 =	sshll.u32 s16, $0xE;
	[sflag:s12] =	ssyncset.done $0x0  }
0x1c: {  	s31 =	sand.u32 $0x1, s29;
	s30 =	sor.u32 $0x100, s16;
	[sflag:s12] =	ssyncadd.s32 $0xFFFFC000  }
0x1d: {  	[hbm4b:s8+s1] =	stream.linear.scatter [tilespmem:s30], [sflag:$0x2], $0x4000, $0x38;
	[tilespmem:$0x8100] =	vst v63  }
0x1e: {  	s16 =	sadd.s32 $0x800, s8;
	s19 =	sxor.u32 $0x1, s31;
	_ =	swait.ge [sflag:s13], $0x4000  }
0x1f: {  	s17 =	sadd.s32 $0x10, s7;
	s18 =	sshll.u32 s31, $0xE;
	[sflag:s13] =	ssyncset.done $0x0  }
.LBB2_2:
0x20: {  	s21 =	sshll.u32 s19, $0x7;
	[sflag:s13] =	ssyncadd.s32 $0xFFFFC000  }
0x21: {  	s22 =	smov.u32 s20;
	s23 =	sadd.s32 $0x1, s20;
	s24 =	smov.u32 s16  }
0x22: {  	[tilespmem:s21], [sflag:$0x3] =	stream.linear.gather [hbm4b:s17+s1], $0x80, $0x38;
	[tilespmem:$0x8100] =	vst v63  }
0x23: {  	p0 =	sne.s32 s20, $0x1E;
	_ =	swait.ge [sflag:s9], $0x80  }
0x24: {  	s19 =	sshll.u32 s19, $0xE;
	[sflag:s9] =	ssyncset.done $0x0  }
0x25: {  	s19 =	sor.u32 $0x100, s19;
	[sflag:s9] =	ssyncadd.s32 $0xFFFFFF80  }
0x26: {  	[tilespmem:s19], [sflag:$0x1] =	stream.indirect.gather [hbm4b:s3+s10], $0x80, s21, s10, $0xb8;
	[tilespmem:$0x8100] =	vst v63  }
0x27: {  	_ =	swait.ge [sflag:s12], $0x4000  }
.Ltmp0:
0x28: {  	s18 =	sor.u32 $0x100, s18;
	[sflag:s12] =	ssyncset.done $0x0;
	(pc) =	sbr.rel @p0 .LBB2_2-.Ltmp0, $4  }
0x29: {  	s16 =	sadd.s32 $0x800, s16;
	s17 =	sadd.s32 $0x10, s17;
	[sflag:s12] =	ssyncadd.s32 $0xFFFFC000  }
0x2a: {  	[hbm4b:s24+s1] =	stream.linear.scatter [tilespmem:s18], [sflag:$0x2], $0x4000, $0x38;
	[tilespmem:$0x8100] =	vst v63  }
0x2b: {  	s20 =	smov.u32 s23;
	s18 =	sand.u32 $0x1, s22;
	_ =	swait.ge [sflag:s13], $0x4000  }
0x2c: {  	s19 =	sxor.u32 $0x1, s18;
	s18 =	sshll.u32 s18, $0xE;
	[sflag:s13] =	ssyncset.done $0x0  }
0x2d: {  	s20 =	sshll.u32 s19, $0x7;
	[sflag:s13] =	ssyncadd.s32 $0xFFFFC000  }
0x2e: {  	[tilespmem:s20], [sflag:$0x3] =	stream.linear.gather [hbm4b:s17+s1], $0x80, $0x38;
	[tilespmem:$0x8100] =	vst v63  }
0x2f: {  	_ =	swait.ge [sflag:s9], $0x80  }
0x30: {  	s30 =	sshll.u32 s19, $0xE;
	[sflag:s9] =	ssyncset.done $0x0  }
0x31: {  	s17 =	sor.u32 $0x100, s30;
	[sflag:s9] =	ssyncadd.s32 $0xFFFFFF80  }
0x32: {  	[tilespmem:s17], [sflag:$0x1] =	stream.indirect.gather [hbm4b:s3+s10], $0x80, s20, s10, $0xb8;
	[tilespmem:$0x8100] =	vst v63  }
0x33: {  	_ =	swait.ge [sflag:s12], $0x4000  }
0x34: {  	[sflag:s12] =	ssyncset.done $0x0  }
0x35: {  	s31 =	sor.u32 $0x100, s18;
	[sflag:s12] =	ssyncadd.s32 $0xFFFFC000  }
0x36: {  	[hbm4b:s16+s1] =	stream.linear.scatter [tilespmem:s31], [sflag:$0x2], $0x4000, $0x38;
	[tilespmem:$0x8100] =	vst v63  }
0x37: {  	_ =	swait.ge [sflag:s13], $0x4000  }
0x38: {  	[sflag:s13] =	ssyncset.done $0x0  }
0x39: {  	[sflag:s13] =	ssyncadd.s32 $0xFFFFC000  }
0x3a: {  	s15 =	sadd.s32 $0x1, s15;
	_ =	swait.ge [sflag:s12], $0x4000  }
0x3b: {  	p0 =	sne.s32 s15, s5;
	[sflag:s12] =	ssyncset.done $0x0  }
.Ltmp1:
0x3c: {  	[sflag:s12] =	ssyncadd.s32 $0xFFFFC000;
	(pc) =	sbr.rel @p0 .LBB2_1-.Ltmp1, $4  }
0x3d: {  	[hbm4b:s6+s1] =	stream.linear.scatter [tilespmem:s14], [sflag:$0x2], $0x4000, $0x38;
	[tilespmem:$0x8100] =	vst v63  }
0x3e: {  	_ =	swait.ge [sflag:s13], $0x4000  }
0x3f: {  	[sflag:s13] =	ssyncset.done $0x0  }
0x40: {  	[sflag:s13] =	ssyncadd.s32 $0xFFFFC000  }
0x41: {  	_ =	sfence.sel $0x180000  }
0x42: {  	[bflag:$0x0] =	sbarrier.arrive $0xFFFF  }
0x43: {  	p0 =	sne.s32 s2, $0x0;
	_ =	strace $0x90000056  }
0x44: {  	s0 =	sadd.s32 @!p0 $0x100000, s0;
	[bflag:$0x2] =	sbarrier.arrive $0xFFFF  }
0x45: {  	[sflag:s0] =	ssyncadd.tile.s32 @!p0 $0x1;
	_ =	shalt  }
.Lfunc_end2:
_tile_overlayer_lowered:
.L_overlay_start_2:
0x46: {  	(tag) =	ssettag $0x2  }
0x47: {  	s0 =	rddreg [dreg:$0x0];
	s2 =	stileid.u32  }
0x48: {  	s1 =	rddreg [dreg:$0x1];
	p0 =	sne.s32 s2, $0x0  }
0x49: {  	s3 =	rddreg [dreg:$0x2];
	[bflag:$0x3] =	sbarrier.arrive $0xFFFF;
	s2 =	simm.s32 @!p0 $0x1C03  }
0x4a: {  	[timem:s3], [sflag:s2] =	dma.local @!p0 [hbm:s0], s1  }
0x4b: {  	s0 =	simm.s32 @!p0 $0x3  }
0x4c: {  	_ =	swait.ge @!p0 [sflag:s0], s1  }
0x4d: {  	s1 =	ssub.s32 @!p0 $0x0, s1;
	[sflag:s0] =	ssyncset.done @!p0 $0x0  }
0x4e: {  	[sflag:s0] =	ssyncadd.s32 @!p0 s1  }
0x4f: {  	[bflag:$0x3] =	sbarrier.arrive $0xFFFF  }
0x50: {  	_ =	shalt  }

// kernel: kernel.53.cloned.1.call-start
scs
__scs_entry_jumppad:
0x0: {  	(pc) =	sbr.rel $0x88, $3  }
0x1: {  	(tag) =	ssettag $0x0;
	lr =	simm.s32 $0x1  }
0x2: {  	[smem:$0x3F84] =	sst lr;
	_ =	strace $0xD0000000  }
0x3: {  	_ = 	snop  }
0x4: {  	_ = 	snop  }
0x5: {  	_ = 	snop  }
0x6: {  	_ = 	snop  }
0x7: {  	_ = 	snop  }
__scs_overlays_trampoline_lowered:
0x8: {  	[smem:$0x3F93] =	sst s0  }
0x9: {  	[smem:$0x3F94] =	sst s1  }
0xa: {  	[smem:$0x3F95] =	sst s2  }
0xb: {  	[smem:$0x3F96] =	sst s3  }
0xc: {  	[smem:$0x3F97] =	sst s4  }
0xd: {  	[smem:$0x3F98] =	sst s5  }
0xe: {  	[smem:$0x3F99] =	sst s6  }
0xf: {  	[smem:$0x3F9A] =	sst s7  }
0x10: {  	[smem:$0x3F9B] =	sst s8  }
0x11: {  	[smem:$0x3F9C] =	sst s9;
	s0 =	simm.s32 @!p0 $0x0  }
0x12: {  	s1 =	sld [smem:$0x3F82];
	s0 =	simm.s32 @p0 $0x1  }
0x13: {  	[smem:$0x3F9D] =	sst s0;
	s0 =	simm.s32 @!p1 $0x0  }
0x14: {  	s2 =	sld [smem:$0x3F81];
	s0 =	simm.s32 @p1 $0x1  }
0x15: {  	[smem:$0x3F9E] =	sst s0;
	s0 =	simm.s32 @!p2 $0x0  }
0x16: {  	s3 =	sld [smem:$0x3FDB];
	s0 =	simm.s32 @p2 $0x1  }
0x17: {  	s4 =	simm.s32 $0x1BF5;
	[smem:$0x3FA0] =	sst s0  }
0x18: {  	s0 =	sld [smem:$0x3F83];
	_ =	swait.ge [sflag:s4], $0x0  }
0x19: {  	s7 =	sld [smem:$0x3F84]  }
0x1a: {  	s8 =	sadd.s32 $0xFFFFE003, lr  }
0x1b: {  	s9 =	sadd.s32 $0xFFFFFEF7, lr;
	s5 =	simm.s32 $0xFFFFFFFF;
	p2 =	slt.u32 s8, $0xFFFFF086  }
0x1c: {  	p1 =	slt.u32 s9, $0xF7A;
	s5 =	simm.s32 @!p2 $0x0  }
0x1d: {  	s5 =	simm.s32 @p1 $0x1;
	p0 =	seq.s32 s7, s2  }
0x1e: {  	s7 =	smul.u32 @!p0 $0xF7A, s2;
	p2 =	seq.s32 @!p0 s5, $0x0  }
0x1f: {  	s9 =	smul.u32 $0xF7A, s1;
	s8 =	simm.s32 @!p0 $0x1BF5;
	p2 =	por !p2, p0  }
0x20: {  	[sflag:s8] =	ssyncset.s32 @!p0 $0xFFFFF086;
	s6 =	sadd.s32 @!p0 s3, s7;
	s7 =	simm.s32 @!p0 $0x108  }
0x21: {  	s3 =	sadd.s32 s3, s9;
	s6 =	sadd.s32 @!p0 $0x88, s6;
	s7 =	simm.s32 @p2 $0x1082  }
0x22: {  	[simem:s7], [sflag:s8] =	dma.local @!p0 [hbm:s6], $0xF7A  }
0x23: {  	s9 =	sor.u32 $0xD0000000, s2;
	s6 =	simm.s32 $0x108;
	_ =	swait.ge @!p0 [sflag:s8], $0x0  }
0x24: {  	s3 =	sadd.s32 $0x88, s3;
	s6 =	simm.s32 @!p1 $0x1082;
	[sflag:s4] =	ssyncset.s32 $0xFFFFF086  }
0x25: {  	[simem:s6], [sflag:s4] =	dma.local [hbm:s3], $0xF7A  }
0x26: {  	[smem:$0x3F84] =	sst s1;
	(tag) =	ssettag s2;
	_ =	strace s9  }
0x27: {  	s1 =	sld [smem:$0x3F94]  }
0x28: {  	s2 =	sld [smem:$0x3F95]  }
0x29: {  	s4 =	sld [smem:$0x3F97]  }
0x2a: {  	p0 =	seq.s32 s5, $0x0;
	s5 =	sld [smem:$0x3F98]  }
0x2b: {  	s6 =	sld [smem:$0x3F99]  }
0x2c: {  	s7 =	sld [smem:$0x3F9A]  }
0x2d: {  	s3 =	simm.s32 $0x108;
	s8 =	sld [smem:$0x3F9B]  }
0x2e: {  	s3 =	simm.s32 @!p0 $0x1082;
	s9 =	sld [smem:$0x3F9C]  }
0x2f: {  	lr =	sadd.s32 s0, s3;
	s0 =	sld [smem:$0x3F93]  }
0x30: {  	s3 =	sld [smem:$0x3F96]  }
0x31: {  	[smem:$0x3F9F] =	sst s10  }
0x32: {  	s10 =	sld [smem:$0x3F9D];
	_ =	sdelay $0x3  }
0x33: {  	p0 =	seq.s32 s10, $0x1;
	s10 =	sld [smem:$0x3F9F];
	_ =	sdelay $0x3  }
0x34: {  	[smem:$0x3F9F] =	sst s10  }
0x35: {  	s10 =	sld [smem:$0x3F9E];
	_ =	sdelay $0x3  }
0x36: {  	p1 =	seq.s32 s10, $0x1;
	s10 =	sld [smem:$0x3F9F];
	_ =	sdelay $0x3  }
0x37: {  	[smem:$0x3F9F] =	sst s10  }
0x38: {  	s10 =	sld [smem:$0x3FA0]  }
0x39: {  	_ = 	snop;
	(pc) =	sbr.ind lr, $3  }
0x3a: {  	_ = 	snop  }
0x3b: {  	_ = 	snop  }
0x3c: {  	p2 =	seq.s32 s10, $0x1;
	s10 =	sld [smem:$0x3F9F]  }
0x3d: {  	_ =	shalt  }
0x3e: {  	_ =	shalt  }
0x3f: {  	_ =	shalt  }
0x40: {  	_ =	shalt  }
0x41: {  	_ =	shalt  }
0x42: {  	_ =	shalt  }
0x43: {  	_ =	shalt  }
0x44: {  	_ =	shalt  }
0x45: {  	_ =	shalt  }
0x46: {  	_ =	shalt  }
0x47: {  	_ =	shalt  }
0x48: {  	_ =	shalt  }
0x49: {  	_ =	shalt  }
0x4a: {  	_ =	shalt  }
0x4b: {  	_ =	shalt  }
0x4c: {  	_ =	shalt  }
0x4d: {  	_ =	shalt  }
0x4e: {  	_ =	shalt  }
0x4f: {  	_ =	shalt  }
0x50: {  	_ =	shalt  }
0x51: {  	_ =	shalt  }
0x52: {  	_ =	shalt  }
0x53: {  	_ =	shalt  }
0x54: {  	_ =	shalt  }
0x55: {  	_ =	shalt  }
0x56: {  	_ =	shalt  }
0x57: {  	_ =	shalt  }
0x58: {  	_ =	shalt  }
0x59: {  	_ =	shalt  }
0x5a: {  	_ =	shalt  }
0x5b: {  	_ =	shalt  }
0x5c: {  	_ =	shalt  }
0x5d: {  	_ =	shalt  }
0x5e: {  	_ =	shalt  }
0x5f: {  	_ =	shalt  }
0x60: {  	_ =	shalt  }
0x61: {  	_ =	shalt  }
0x62: {  	_ =	shalt  }
0x63: {  	_ =	shalt  }
0x64: {  	_ =	shalt  }
0x65: {  	_ =	shalt  }
0x66: {  	_ =	shalt  }
0x67: {  	_ =	shalt  }
0x68: {  	_ =	shalt  }
0x69: {  	_ =	shalt  }
0x6a: {  	_ =	shalt  }
0x6b: {  	_ =	shalt  }
0x6c: {  	_ =	shalt  }
0x6d: {  	_ =	shalt  }
0x6e: {  	_ =	shalt  }
0x6f: {  	_ =	shalt  }
0x70: {  	_ =	shalt  }
0x71: {  	_ =	shalt  }
0x72: {  	_ =	shalt  }
0x73: {  	_ =	shalt  }
0x74: {  	_ =	shalt  }
0x75: {  	_ =	shalt  }
0x76: {  	_ =	shalt  }
0x77: {  	_ =	shalt  }
0x78: {  	_ =	shalt  }
0x79: {  	_ =	shalt  }
0x7a: {  	_ =	shalt  }
0x7b: {  	_ =	shalt  }
0x7c: {  	_ =	shalt  }
0x7d: {  	_ =	shalt  }
0x7e: {  	_ =	shalt  }
0x7f: {  	_ =	shalt  }
0x80: {  	_ =	shalt  }
0x81: {  	_ =	shalt  }
0x82: {  	_ =	shalt  }
0x83: {  	_ =	shalt  }
0x84: {  	_ =	shalt  }
0x85: {  	_ =	shalt  }
0x86: {  	_ =	shalt  }
0x87: {  	_ =	shalt  }
.Lfunc_end0:
.L_simem_size_0:
called_computation.7_lowered:
.L_overlay_start_0:
0x88: {  	s2 =	sld [smem:$0x3FD9]  }
0x89: {  	s3 =	sld [smem:$0x3FFE];
	_ =	sdelay $0x1  }
0x8a: {  	s1 =	srdreg.scid  }
0x8b: {  	s0 =	sand.u32 $0x1, s1  }
0x8c: {  	s17 =	sshll.u32 s0, $0xA;
	s2 =	sadd.s32 s3, s2  }
0x8d: {  	s2 =	sadd.s32 s2, s17  }
0x8e: {  	[smem:$0x3FAB] =	sst s2  }
0x8f: {  	_ = 	snop  }
0x90: {  	(tm) =	ssettm $0x1  }
0x91: {  	s18 =	sld [smem:$0x3FFB];
	_ =	sdelay $0x3  }
0x92: {  	_ =	strace s18  }
0x93: {  	s2 =	sld [smem:$0x3FFC];
	_ =	sdelay $0x3  }
0x94: {  	_ =	strace s2  }
0x95: {  	s2 =	sld [smem:$0x3FFD];
	_ =	sdelay $0x3  }
0x96: {  	_ =	strace s2  }
0x97: {  	_ =	strace $0x8FFFFFFF  }
0x98: {  	s19 =	sld [smem:$0x3FDB];
	_ =	sdelay $0x1  }
0x99: {  	s20 =	simm.s32 $_scs_section_size  }
0x9a: {  	s4 =	simm.s32 $_size__tile_overlayer_lowered;
	s5 =	simm.s32 $_tile_overlayer_lowered  }
0x9b: {  	s6 =	simm.s32 $0x1BFF;
	s21 =	sshll.u32 s5, $0x1;
	s3 =	sadd.s32 s20, s19  }
0x9c: {  	s22 =	simm.s32 $0x0;
	s4 =	sshll.u32 s4, $0x1;
	s5 =	sadd.s32 s21, s3  }
0x9d: {  	[timem:s22], [sflag:s6] =	dma.local [hbm:s5], s4  }
0x9e: {  	_ =	swait.ge [sflag:s6], s4  }
0x9f: {  	s4 =	ssub.s32 $0x0, s4;
	[sflag:s6] =	ssyncset.done $0x0  }
0xa0: {  	[sflag:s6] =	ssyncadd.s32 s4;
	_ =	sdelay $0x1  }
0xa1: {  	s23 =	simm.s32 $0x1B8B  }
0xa2: {  	_ =	swait.ge [sflag:s23], $0x1  }
0xa3: {  	[sflag:s23] =	ssyncset.done $0x0  }
0xa4: {  	[sflag:s23] =	ssyncadd.s32 $0xFFFFFFFF  }
0xa5: {  	s4 =	sld [smem:$0x0]  }
0xa6: {  	s5 =	sand.u32 $0xFFFFFFFE, s1  }
0xa7: {  	p0 =	sne.s32 s1, s5  }
0xa8: {  	s5 =	sshll.u32 @p0 s5, $0xE  }
0xa9: {  	s5 =	sadd.s32 @p0 $0x11B8D, s5;
	s6 =	sshll.u32 @p0 s4, $0x11  }
0xaa: {  	s5 =	sor.u32 @p0 s6, s5  }
0xab: {  	[sflag:s5] =	ssyncadd.remote.s32 @p0 $0x1;
	_ =	sdelay $0x1  }
0xac: {  	s5 =	simm.s32 @p0 $0x1B8D  }
0xad: {  	_ =	swait.eq @p0 [sflag:s5], $0x1  }
0xae: {  	[sflag:s5] =	ssyncadd.s32 @p0 $0xFFFFFFFF  }
0xaf: {  	s6 =	sshll.u32 @!p0 s1, $0xE  }
0xb0: {  	s6 =	sor.u32 @!p0 $0x4000, s6;
	s5 =	simm.s32 @!p0 $0x1B8D  }
0xb1: {  	s4 =	sshll.u32 @!p0 s4, $0x11;
	s6 =	sadd.s32 @!p0 $0x11B8D, s6;
	_ =	swait.eq @!p0 [sflag:s5], $0x1  }
0xb2: {  	s4 =	sor.u32 @!p0 s4, s6;
	[sflag:s5] =	ssyncadd.s32 @!p0 $0xFFFFFFFF  }
0xb3: {  	s25 =	simm.s32 $0x1B8E;
	s24 =	sld [smem:$0x3FFE];
	[sflag:s4] =	ssyncadd.remote.s32 @!p0 $0x1  }
0xb4: {  	s26 =	simm.s32 $execute0_lowered;
	[smem:$0x3FD2] =	sst s25  }
0xb5: {  	s5 =	sshll.u32 s26, $0x1;
	_ =	strace $0x80000058;
	[dreg:$0x1] =	wrdreg $0xFFFFFFFF  }
0xb6: {  	s28 =	simm.s32 $_size_execute0_lowered;
	s3 =	sadd.s32 s3, s5;
	[dreg:$0x0] =	wrdreg $0x0  }
0xb7: {  	s5 =	sshll.u32 s28, $0x1;
	[dreg:$0x2] =	wrdreg s3  }
0xb8: {  	[dreg:$0x3] =	wrdreg s5  }
0xb9: {  	[dreg:$0x4] =	wrdreg $0xC0  }
0xba: {  	_ =	task [dreg:s22], $0x5FFFF  }
0xbb: {  	[dreg:$0x1] =	wrdreg $0xFFFFFFFF  }
0xbc: {  	[dreg:$0x0] =	wrdreg $0x60  }
0xbd: {  	[dreg:$0x2] =	wrdreg s24  }
0xbe: {  	[dreg:$0x3] =	wrdreg $0x9  }
0xbf: {  	_ =	task.clear_ibuf [dreg:s22], $0x4FFFF;
	_ =	strace $0x90000058  }
0xc0: {  	s29 =	simm.s32 $0x9;
	_ =	strace $0x8000005A  }
0xc1: {  	_ =	swait.ge [sflag:s29], $0x1  }
0xc2: {  	[sflag:s29] =	ssyncadd.s32 $0xFFFFFFFF  }
0xc3: {  	_ =	strace $0x9000005A  }
0xc4: {  	_ =	sfence  }
0xc5: {  	s30 =	sld [smem:$0x0];
	_ =	sdelay $0x2  }
0xc6: {  	s31 =	sshll.u32 s1, $0xD;
	s1 =	sshrl.u32 s1, $0x2  }
0xc7: {  	s4 =	sand.u32 $0x4000, s31;
	s1 =	sadd.s32 s1, s30  }
0xc8: {  	s0 =	sor.u32 s4, s0;
	s1 =	sshll.u32 s1, $0x11  }
0xc9: {  	s0 =	sor.u32 s1, s0  }
0xca: {  	s0 =	sadd.s32 $0x8F2B, s0  }
0xcb: {  	[sflag:s0] =	ssyncadd.remote.s32 $0x1  }
0xcc: {  	_ =	sfence.sel $0xFFFF  }
0xcd: {  	[dreg:$0x0] =	wrdreg $0xFFFFFFFF;
	(pc) =	sbr.abs _section_cstart, $3  }
0xce: {  	[dreg:$0x1] =	wrdreg $0xFFFFFFFF  }
0xcf: {  	_ =	task.clear_ibuf [dreg:s22], $0x2FFFF;
	_ =	strace $0x9FFFFFFF  }
0xd0: {  	(tm) =	ssettm $0x7FFFFFFF  }
0xd1: {  	_ =	shalt  }
tec
execute0_lowered:
.L_overlay_start_1:
0x0: {  	(tag) =	ssettag $0x1  }
0x1: {  	s4 =	rddreg [dreg:$0x0]  }
0x2: {  	s0 =	rddreg [dreg:$0x1]  }
0x3: {  	s1 =	simm.s32 $0x0;
	s5 =	srdreg.scid;
	s2 =	stileid.u32  }
0x4: {  	s12 =	simm.s32 $0x1;
	s13 =	simm.s32 $0x2;
	s14 =	simm.s32 $0x4100  }
0x5: {  	s15 =	simm.s32 $0x0;
	[smem:$0x7FF] =	sst s1;
	s7 =	sadd.s32 $0x81200, s4  }
0x6: {  	s3 =	sadd.s32 $0x41200, s4;
	s8 =	sand.u32 $0x1, s5;
	s28 =	sshll.u32 s2, $0x1  }
0x7: {  	s9 =	sadd.s32 $0x4C5200, s4;
	s30 =	sshll.u32 s2, $0xA;
	s11 =	sshll.u32 s2, $0x11  }
0x8: {  	_ =	strace $0x80000059;
	s29 =	ssub.s32 $0x2, s8;
	s5 =	sor.u32 s8, s28  }
0x9: {  	s31 =	sshll.u32 s8, $0x9;
	s8 =	sshll.u32 s8, $0x10;
	s6 =	sshrl.u32 s29, $0x1  }
0xa: {  	s10 =	sshll.u32 s5, $0x10;
	s5 =	sshll.u32 s5, $0x9;
	s6 =	ssub.s32 s29, s6  }
0xb: {  	s4 =	sadd.s32 s7, s5;
	s10 =	sadd.s32 s9, s10;
	s7 =	sadd.s32 s30, s7  }
0xc: {  	s9 =	sadd.s32 s11, s9;
	s11 =	simm.s32 $0x100;
	s5 =	smax.u32 s6, $0x1  }
0xd: {  	s6 =	sadd.s32 $0xF800, s10;
	s7 =	sadd.s32 s31, s7;
	s8 =	sadd.s32 s8, s9  }
0xe: {  	s9 =	simm.s32 $0x3;
	s10 =	simm.s32 $0x80;
	s7 =	sadd.s32 $0x10, s7  }
.LBB2_1:
0xf: {  	[tilespmem:s1], [sflag:$0x3] =	stream.linear.gather [hbm4b:s4+s1], $0x80, $0x38;
	[tilespmem:$0x8100] =	vst v63  }
0x10: {  	_ =	swait.ge [sflag:s9], $0x80  }
0x11: {  	s16 =	sand.u32 $0x1, s1;
	[sflag:s9] =	ssyncset.done $0x0  }
0x12: {  	s17 =	sxor.u32 $0x1, s16;
	[sflag:s9] =	ssyncadd.s32 $0xFFFFFF80  }
0x13: {  	[tilespmem:s11], [sflag:$0x1] =	stream.indirect.gather [hbm4b:s3+s10], $0x80, s1, s10, $0xb8;
	[tilespmem:$0x8100] =	vst v63  }
0x14: {  	s18 =	sshll.u32 s17, $0x7  }
0x15: {  	[tilespmem:s18], [sflag:$0x3] =	stream.linear.gather [hbm4b:s7+s1], $0x80, $0x38;
	[tilespmem:$0x8100] =	vst v63  }
0x16: {  	_ =	swait.ge [sflag:s9], $0x80  }
0x17: {  	s17 =	sshll.u32 s17, $0xE;
	[sflag:s9] =	ssyncset.done $0x0  }
0x18: {  	s17 =	sor.u32 $0x100, s17;
	[sflag:s9] =	ssyncadd.s32 $0xFFFFFF80  }
0x19: {  	[tilespmem:s17], [sflag:$0x1] =	stream.indirect.gather [hbm4b:s3+s10], $0x80, s18, s10, $0xb8;
	[tilespmem:$0x8100] =	vst v63  }
0x1a: {  	s29 =	simm.s32 $0x1;
	_ =	swait.ge [sflag:s12], $0x4000  }
0x1b: {  	s20 =	simm.s32 $0x2;
	s16 =	sshll.u32 s16, $0xE;
	[sflag:s12] =	ssyncset.done $0x0  }
0x1c: {  	s31 =	sand.u32 $0x1, s29;
	s30 =	sor.u32 $0x100, s16;
	[sflag:s12] =	ssyncadd.s32 $0xFFFFC000  }
0x1d: {  	[hbm4b:s8+s1] =	stream.linear.scatter [tilespmem:s30], [sflag:$0x2], $0x4000, $0x38;
	[tilespmem:$0x8100] =	vst v63  }
0x1e: {  	s16 =	sadd.s32 $0x800, s8;
	s19 =	sxor.u32 $0x1, s31;
	_ =	swait.ge [sflag:s13], $0x4000  }
0x1f: {  	s17 =	sadd.s32 $0x10, s7;
	s18 =	sshll.u32 s31, $0xE;
	[sflag:s13] =	ssyncset.done $0x0  }
.LBB2_2:
0x20: {  	s21 =	sshll.u32 s19, $0x7;
	[sflag:s13] =	ssyncadd.s32 $0xFFFFC000  }
0x21: {  	s22 =	smov.u32 s20;
	s23 =	sadd.s32 $0x1, s20;
	s24 =	smov.u32 s16  }
0x22: {  	[tilespmem:s21], [sflag:$0x3] =	stream.linear.gather [hbm4b:s17+s1], $0x80, $0x38;
	[tilespmem:$0x8100] =	vst v63  }
0x23: {  	p0 =	sne.s32 s20, $0x1E;
	_ =	swait.ge [sflag:s9], $0x80  }
0x24: {  	s19 =	sshll.u32 s19, $0xE;
	[sflag:s9] =	ssyncset.done $0x0  }
0x25: {  	s19 =	sor.u32 $0x100, s19;
	[sflag:s9] =	ssyncadd.s32 $0xFFFFFF80  }
0x26: {  	[tilespmem:s19], [sflag:$0x1] =	stream.indirect.gather [hbm4b:s3+s10], $0x80, s21, s10, $0xb8;
	[tilespmem:$0x8100] =	vst v63  }
0x27: {  	_ =	swait.ge [sflag:s12], $0x4000  }
.Ltmp0:
0x28: {  	s18 =	sor.u32 $0x100, s18;
	[sflag:s12] =	ssyncset.done $0x0;
	(pc) =	sbr.rel @p0 .LBB2_2-.Ltmp0, $4  }
0x29: {  	s16 =	sadd.s32 $0x800, s16;
	s17 =	sadd.s32 $0x10, s17;
	[sflag:s12] =	ssyncadd.s32 $0xFFFFC000  }
0x2a: {  	[hbm4b:s24+s1] =	stream.linear.scatter [tilespmem:s18], [sflag:$0x2], $0x4000, $0x38;
	[tilespmem:$0x8100] =	vst v63  }
0x2b: {  	s20 =	smov.u32 s23;
	s18 =	sand.u32 $0x1, s22;
	_ =	swait.ge [sflag:s13], $0x4000  }
0x2c: {  	s19 =	sxor.u32 $0x1, s18;
	s18 =	sshll.u32 s18, $0xE;
	[sflag:s13] =	ssyncset.done $0x0  }
0x2d: {  	s20 =	sshll.u32 s19, $0x7;
	[sflag:s13] =	ssyncadd.s32 $0xFFFFC000  }
0x2e: {  	[tilespmem:s20], [sflag:$0x3] =	stream.linear.gather [hbm4b:s17+s1], $0x80, $0x38;
	[tilespmem:$0x8100] =	vst v63  }
0x2f: {  	_ =	swait.ge [sflag:s9], $0x80  }
0x30: {  	s30 =	sshll.u32 s19, $0xE;
	[sflag:s9] =	ssyncset.done $0x0  }
0x31: {  	s17 =	sor.u32 $0x100, s30;
	[sflag:s9] =	ssyncadd.s32 $0xFFFFFF80  }
0x32: {  	[tilespmem:s17], [sflag:$0x1] =	stream.indirect.gather [hbm4b:s3+s10], $0x80, s20, s10, $0xb8;
	[tilespmem:$0x8100] =	vst v63  }
0x33: {  	_ =	swait.ge [sflag:s12], $0x4000  }
0x34: {  	[sflag:s12] =	ssyncset.done $0x0  }
0x35: {  	s31 =	sor.u32 $0x100, s18;
	[sflag:s12] =	ssyncadd.s32 $0xFFFFC000  }
0x36: {  	[hbm4b:s16+s1] =	stream.linear.scatter [tilespmem:s31], [sflag:$0x2], $0x4000, $0x38;
	[tilespmem:$0x8100] =	vst v63  }
0x37: {  	_ =	swait.ge [sflag:s13], $0x4000  }
0x38: {  	[sflag:s13] =	ssyncset.done $0x0  }
0x39: {  	[sflag:s13] =	ssyncadd.s32 $0xFFFFC000  }
0x3a: {  	s15 =	sadd.s32 $0x1, s15;
	_ =	swait.ge [sflag:s12], $0x4000  }
0x3b: {  	p0 =	sne.s32 s15, s5;
	[sflag:s12] =	ssyncset.done $0x0  }
.Ltmp1:
0x3c: {  	[sflag:s12] =	ssyncadd.s32 $0xFFFFC000;
	(pc) =	sbr.rel @p0 .LBB2_1-.Ltmp1, $4  }
0x3d: {  	[hbm4b:s6+s1] =	stream.linear.scatter [tilespmem:s14], [sflag:$0x2], $0x4000, $0x38;
	[tilespmem:$0x8100] =	vst v63  }
0x3e: {  	_ =	swait.ge [sflag:s13], $0x4000  }
0x3f: {  	[sflag:s13] =	ssyncset.done $0x0  }
0x40: {  	[sflag:s13] =	ssyncadd.s32 $0xFFFFC000  }
0x41: {  	_ =	sfence.sel $0x180000  }
0x42: {  	[bflag:$0x0] =	sbarrier.arrive $0xFFFF  }
0x43: {  	p0 =	sne.s32 s2, $0x0;
	_ =	strace $0x90000059  }
0x44: {  	s0 =	sadd.s32 @!p0 $0x100000, s0;
	[bflag:$0x2] =	sbarrier.arrive $0xFFFF  }
0x45: {  	[sflag:s0] =	ssyncadd.tile.s32 @!p0 $0x1;
	_ =	shalt  }
.Lfunc_end2:
_tile_overlayer_lowered:
.L_overlay_start_2:
0x46: {  	(tag) =	ssettag $0x2  }
0x47: {  	s0 =	rddreg [dreg:$0x0];
	s2 =	stileid.u32  }
0x48: {  	s1 =	rddreg [dreg:$0x1];
	p0 =	sne.s32 s2, $0x0  }
0x49: {  	s3 =	rddreg [dreg:$0x2];
	[bflag:$0x3] =	sbarrier.arrive $0xFFFF;
	s2 =	simm.s32 @!p0 $0x1C03  }
0x4a: {  	[timem:s3], [sflag:s2] =	dma.local @!p0 [hbm:s0], s1  }
0x4b: {  	s0 =	simm.s32 @!p0 $0x3  }
0x4c: {  	_ =	swait.ge @!p0 [sflag:s0], s1  }
0x4d: {  	s1 =	ssub.s32 @!p0 $0x0, s1;
	[sflag:s0] =	ssyncset.done @!p0 $0x0  }
0x4e: {  	[sflag:s0] =	ssyncadd.s32 @!p0 s1  }
0x4f: {  	[bflag:$0x3] =	sbarrier.arrive $0xFFFF  }
0x50: {  	_ =	shalt  }

// kernel: kernel.56.cloned.1.call-start
scs
__scs_entry_jumppad:
0x0: {  	(pc) =	sbr.rel $0x88, $3  }
0x1: {  	(tag) =	ssettag $0x0;
	lr =	simm.s32 $0x1  }
0x2: {  	[smem:$0x3F84] =	sst lr;
	_ =	strace $0xD0000000  }
0x3: {  	_ = 	snop  }
0x4: {  	_ = 	snop  }
0x5: {  	_ = 	snop  }
0x6: {  	_ = 	snop  }
0x7: {  	_ = 	snop  }
__scs_overlays_trampoline_lowered:
0x8: {  	[smem:$0x3F93] =	sst s0  }
0x9: {  	[smem:$0x3F94] =	sst s1  }
0xa: {  	[smem:$0x3F95] =	sst s2  }
0xb: {  	[smem:$0x3F96] =	sst s3  }
0xc: {  	[smem:$0x3F97] =	sst s4  }
0xd: {  	[smem:$0x3F98] =	sst s5  }
0xe: {  	[smem:$0x3F99] =	sst s6  }
0xf: {  	[smem:$0x3F9A] =	sst s7  }
0x10: {  	[smem:$0x3F9B] =	sst s8  }
0x11: {  	[smem:$0x3F9C] =	sst s9;
	s0 =	simm.s32 @!p0 $0x0  }
0x12: {  	s1 =	sld [smem:$0x3F82];
	s0 =	simm.s32 @p0 $0x1  }
0x13: {  	[smem:$0x3F9D] =	sst s0;
	s0 =	simm.s32 @!p1 $0x0  }
0x14: {  	s2 =	sld [smem:$0x3F81];
	s0 =	simm.s32 @p1 $0x1  }
0x15: {  	[smem:$0x3F9E] =	sst s0;
	s0 =	simm.s32 @!p2 $0x0  }
0x16: {  	s3 =	sld [smem:$0x3FDB];
	s0 =	simm.s32 @p2 $0x1  }
0x17: {  	s4 =	simm.s32 $0x1BF5;
	[smem:$0x3FA0] =	sst s0  }
0x18: {  	s0 =	sld [smem:$0x3F83];
	_ =	swait.ge [sflag:s4], $0x0  }
0x19: {  	s7 =	sld [smem:$0x3F84]  }
0x1a: {  	s8 =	sadd.s32 $0xFFFFE003, lr  }
0x1b: {  	s9 =	sadd.s32 $0xFFFFFEF7, lr;
	s5 =	simm.s32 $0xFFFFFFFF;
	p2 =	slt.u32 s8, $0xFFFFF086  }
0x1c: {  	p1 =	slt.u32 s9, $0xF7A;
	s5 =	simm.s32 @!p2 $0x0  }
0x1d: {  	s5 =	simm.s32 @p1 $0x1;
	p0 =	seq.s32 s7, s2  }
0x1e: {  	s7 =	smul.u32 @!p0 $0xF7A, s2;
	p2 =	seq.s32 @!p0 s5, $0x0  }
0x1f: {  	s9 =	smul.u32 $0xF7A, s1;
	s8 =	simm.s32 @!p0 $0x1BF5;
	p2 =	por !p2, p0  }
0x20: {  	[sflag:s8] =	ssyncset.s32 @!p0 $0xFFFFF086;
	s6 =	sadd.s32 @!p0 s3, s7;
	s7 =	simm.s32 @!p0 $0x108  }
0x21: {  	s3 =	sadd.s32 s3, s9;
	s6 =	sadd.s32 @!p0 $0x88, s6;
	s7 =	simm.s32 @p2 $0x1082  }
0x22: {  	[simem:s7], [sflag:s8] =	dma.local @!p0 [hbm:s6], $0xF7A  }
0x23: {  	s9 =	sor.u32 $0xD0000000, s2;
	s6 =	simm.s32 $0x108;
	_ =	swait.ge @!p0 [sflag:s8], $0x0  }
0x24: {  	s3 =	sadd.s32 $0x88, s3;
	s6 =	simm.s32 @!p1 $0x1082;
	[sflag:s4] =	ssyncset.s32 $0xFFFFF086  }
0x25: {  	[simem:s6], [sflag:s4] =	dma.local [hbm:s3], $0xF7A  }
0x26: {  	[smem:$0x3F84] =	sst s1;
	(tag) =	ssettag s2;
	_ =	strace s9  }
0x27: {  	s1 =	sld [smem:$0x3F94]  }
0x28: {  	s2 =	sld [smem:$0x3F95]  }
0x29: {  	s4 =	sld [smem:$0x3F97]  }
0x2a: {  	p0 =	seq.s32 s5, $0x0;
	s5 =	sld [smem:$0x3F98]  }
0x2b: {  	s6 =	sld [smem:$0x3F99]  }
0x2c: {  	s7 =	sld [smem:$0x3F9A]  }
0x2d: {  	s3 =	simm.s32 $0x108;
	s8 =	sld [smem:$0x3F9B]  }
0x2e: {  	s3 =	simm.s32 @!p0 $0x1082;
	s9 =	sld [smem:$0x3F9C]  }
0x2f: {  	lr =	sadd.s32 s0, s3;
	s0 =	sld [smem:$0x3F93]  }
0x30: {  	s3 =	sld [smem:$0x3F96]  }
0x31: {  	[smem:$0x3F9F] =	sst s10  }
0x32: {  	s10 =	sld [smem:$0x3F9D];
	_ =	sdelay $0x3  }
0x33: {  	p0 =	seq.s32 s10, $0x1;
	s10 =	sld [smem:$0x3F9F];
	_ =	sdelay $0x3  }
0x34: {  	[smem:$0x3F9F] =	sst s10  }
0x35: {  	s10 =	sld [smem:$0x3F9E];
	_ =	sdelay $0x3  }
0x36: {  	p1 =	seq.s32 s10, $0x1;
	s10 =	sld [smem:$0x3F9F];
	_ =	sdelay $0x3  }
0x37: {  	[smem:$0x3F9F] =	sst s10  }
0x38: {  	s10 =	sld [smem:$0x3FA0]  }
0x39: {  	_ = 	snop;
	(pc) =	sbr.ind lr, $3  }
0x3a: {  	_ = 	snop  }
0x3b: {  	_ = 	snop  }
0x3c: {  	p2 =	seq.s32 s10, $0x1;
	s10 =	sld [smem:$0x3F9F]  }
0x3d: {  	_ =	shalt  }
0x3e: {  	_ =	shalt  }
0x3f: {  	_ =	shalt  }
0x40: {  	_ =	shalt  }
0x41: {  	_ =	shalt  }
0x42: {  	_ =	shalt  }
0x43: {  	_ =	shalt  }
0x44: {  	_ =	shalt  }
0x45: {  	_ =	shalt  }
0x46: {  	_ =	shalt  }
0x47: {  	_ =	shalt  }
0x48: {  	_ =	shalt  }
0x49: {  	_ =	shalt  }
0x4a: {  	_ =	shalt  }
0x4b: {  	_ =	shalt  }
0x4c: {  	_ =	shalt  }
0x4d: {  	_ =	shalt  }
0x4e: {  	_ =	shalt  }
0x4f: {  	_ =	shalt  }
0x50: {  	_ =	shalt  }
0x51: {  	_ =	shalt  }
0x52: {  	_ =	shalt  }
0x53: {  	_ =	shalt  }
0x54: {  	_ =	shalt  }
0x55: {  	_ =	shalt  }
0x56: {  	_ =	shalt  }
0x57: {  	_ =	shalt  }
0x58: {  	_ =	shalt  }
0x59: {  	_ =	shalt  }
0x5a: {  	_ =	shalt  }
0x5b: {  	_ =	shalt  }
0x5c: {  	_ =	shalt  }
0x5d: {  	_ =	shalt  }
0x5e: {  	_ =	shalt  }
0x5f: {  	_ =	shalt  }
0x60: {  	_ =	shalt  }
0x61: {  	_ =	shalt  }
0x62: {  	_ =	shalt  }
0x63: {  	_ =	shalt  }
0x64: {  	_ =	shalt  }
0x65: {  	_ =	shalt  }
0x66: {  	_ =	shalt  }
0x67: {  	_ =	shalt  }
0x68: {  	_ =	shalt  }
0x69: {  	_ =	shalt  }
0x6a: {  	_ =	shalt  }
0x6b: {  	_ =	shalt  }
0x6c: {  	_ =	shalt  }
0x6d: {  	_ =	shalt  }
0x6e: {  	_ =	shalt  }
0x6f: {  	_ =	shalt  }
0x70: {  	_ =	shalt  }
0x71: {  	_ =	shalt  }
0x72: {  	_ =	shalt  }
0x73: {  	_ =	shalt  }
0x74: {  	_ =	shalt  }
0x75: {  	_ =	shalt  }
0x76: {  	_ =	shalt  }
0x77: {  	_ =	shalt  }
0x78: {  	_ =	shalt  }
0x79: {  	_ =	shalt  }
0x7a: {  	_ =	shalt  }
0x7b: {  	_ =	shalt  }
0x7c: {  	_ =	shalt  }
0x7d: {  	_ =	shalt  }
0x7e: {  	_ =	shalt  }
0x7f: {  	_ =	shalt  }
0x80: {  	_ =	shalt  }
0x81: {  	_ =	shalt  }
0x82: {  	_ =	shalt  }
0x83: {  	_ =	shalt  }
0x84: {  	_ =	shalt  }
0x85: {  	_ =	shalt  }
0x86: {  	_ =	shalt  }
0x87: {  	_ =	shalt  }
.Lfunc_end0:
.L_simem_size_0:
called_computation.8_lowered:
.L_overlay_start_0:
0x88: {  	s2 =	sld [smem:$0x3FD9]  }
0x89: {  	s3 =	sld [smem:$0x3FFE];
	_ =	sdelay $0x1  }
0x8a: {  	s1 =	srdreg.scid  }
0x8b: {  	s0 =	sand.u32 $0x1, s1  }
0x8c: {  	s16 =	sshll.u32 s0, $0xA;
	s2 =	sadd.s32 s3, s2  }
0x8d: {  	s2 =	sadd.s32 s2, s16  }
0x8e: {  	[smem:$0x3FAB] =	sst s2  }
0x8f: {  	_ = 	snop  }
0x90: {  	(tm) =	ssettm $0x1  }
0x91: {  	s17 =	sld [smem:$0x3FFB];
	_ =	sdelay $0x3  }
0x92: {  	_ =	strace s17  }
0x93: {  	s2 =	sld [smem:$0x3FFC];
	_ =	sdelay $0x3  }
0x94: {  	_ =	strace s2  }
0x95: {  	s2 =	sld [smem:$0x3FFD];
	_ =	sdelay $0x3  }
0x96: {  	_ =	strace s2  }
0x97: {  	_ =	strace $0x8FFFFFFF  }
0x98: {  	s18 =	sld [smem:$0x3FDB];
	_ =	sdelay $0x1  }
0x99: {  	s19 =	simm.s32 $_scs_section_size  }
0x9a: {  	s4 =	simm.s32 $_size__tile_overlayer_lowered;
	s5 =	simm.s32 $_tile_overlayer_lowered  }
0x9b: {  	s22 =	simm.s32 $0x1BFF;
	s21 =	sshll.u32 s5, $0x1;
	s2 =	sadd.s32 s19, s18  }
0x9c: {  	s6 =	simm.s32 $0x0;
	s20 =	sshll.u32 s4, $0x1;
	s4 =	sadd.s32 s21, s2  }
0x9d: {  	[timem:s6], [sflag:s22] =	dma.local [hbm:s4], s20  }
0x9e: {  	_ =	swait.ge [sflag:s22], s20  }
0x9f: {  	s3 =	ssub.s32 $0x0, s20;
	[sflag:s22] =	ssyncset.done $0x0  }
0xa0: {  	[sflag:s22] =	ssyncadd.s32 s3;
	_ =	sdelay $0x1  }
0xa1: {  	s23 =	simm.s32 $0x1B8B  }
0xa2: {  	_ =	swait.ge [sflag:s23], $0x1  }
0xa3: {  	[sflag:s23] =	ssyncset.done $0x0  }
0xa4: {  	s25 =	simm.s32 $0x1B8E;
	s24 =	sld [smem:$0x3FFE];
	[sflag:s23] =	ssyncadd.s32 $0xFFFFFFFF  }
0xa5: {  	s26 =	simm.s32 $execute0_lowered;
	[smem:$0x3FD2] =	sst s25  }
0xa6: {  	s4 =	sshll.u32 s26, $0x1;
	_ =	strace $0x8000005B;
	[dreg:$0x1] =	wrdreg $0xFFFFFFFF  }
0xa7: {  	s28 =	simm.s32 $_size_execute0_lowered;
	s2 =	sadd.s32 s2, s4;
	[dreg:$0x0] =	wrdreg $0x0  }
0xa8: {  	s4 =	sshll.u32 s28, $0x1;
	[dreg:$0x2] =	wrdreg s2  }
0xa9: {  	[dreg:$0x3] =	wrdreg s4  }
0xaa: {  	[dreg:$0x4] =	wrdreg $0xC0  }
0xab: {  	_ =	task [dreg:s6], $0x5FFFF  }
0xac: {  	[dreg:$0x1] =	wrdreg $0xFFFFFFFF  }
0xad: {  	[dreg:$0x0] =	wrdreg $0x60  }
0xae: {  	[dreg:$0x2] =	wrdreg s24  }
0xaf: {  	[dreg:$0x3] =	wrdreg $0x9  }
0xb0: {  	_ =	task.clear_ibuf [dreg:s6], $0x4FFFF;
	_ =	strace $0x9000005B  }
0xb1: {  	s29 =	simm.s32 $0x9;
	_ =	strace $0x8000005D  }
0xb2: {  	_ =	swait.ge [sflag:s29], $0x1  }
0xb3: {  	[sflag:s29] =	ssyncadd.s32 $0xFFFFFFFF  }
0xb4: {  	_ =	strace $0x9000005D  }
0xb5: {  	_ =	sfence  }
0xb6: {  	s30 =	sld [smem:$0x0];
	_ =	sdelay $0x2  }
0xb7: {  	s31 =	sshll.u32 s1, $0xD;
	s1 =	sshrl.u32 s1, $0x2  }
0xb8: {  	s3 =	sand.u32 $0x4000, s31;
	s1 =	sadd.s32 s1, s30  }
0xb9: {  	s0 =	sor.u32 s3, s0;
	s1 =	sshll.u32 s1, $0x11  }
0xba: {  	s0 =	sor.u32 s1, s0  }
0xbb: {  	s0 =	sadd.s32 $0x8F2B, s0  }
0xbc: {  	[sflag:s0] =	ssyncadd.remote.s32 $0x1  }
0xbd: {  	_ =	sfence.sel $0xFFFF  }
0xbe: {  	[dreg:$0x0] =	wrdreg $0xFFFFFFFF;
	(pc) =	sbr.abs _section_cstart, $3  }
0xbf: {  	[dreg:$0x1] =	wrdreg $0xFFFFFFFF  }
0xc0: {  	_ =	task.clear_ibuf [dreg:s6], $0x2FFFF;
	_ =	strace $0x9FFFFFFF  }
0xc1: {  	(tm) =	ssettm $0x7FFFFFFF  }
tec
execute0_lowered:
.L_overlay_start_1:
0x0: {  	(tag) =	ssettag $0x1  }
0x1: {  	s0 =	rddreg [dreg:$0x0];
	s2 =	simm.s32 $0x0  }
0x2: {  	s7 =	stileid.u32;
	s1 =	srdreg.scid;
	s11 =	simm.s32 $0x1100  }
0x3: {  	s12 =	simm.s32 $0x1900;
	s13 =	simm.s32 $0x2100;
	s14 =	simm.s32 $0x2900  }
0x4: {  	s15 =	simm.s32 $0x3100;
	s16 =	simm.s32 $0x3900;
	s17 =	simm.s32 $0x4100  }
0x5: {  	s18 =	simm.s32 $0x4900;
	s19 =	simm.s32 $0x5100;
	s20 =	simm.s32 $0x5900  }
0x6: {  	s21 =	simm.s32 $0x6100;
	s22 =	simm.s32 $0x6900;
	s23 =	simm.s32 $0x7100  }
0x7: {  	s24 =	simm.s32 $0x7900;
	s25 =	simm.s32 $0x1;
	s26 =	simm.s32 $0x2  }
0x8: {  	s28 =	simm.s32 $0x0;
	[smem:$0x7FF] =	sst s2;
	s4 =	sadd.s32 $0x81200, s0  }
0x9: {  	s5 =	sshll.u32 s7, $0x12;
	s1 =	sand.u32 $0x1, s1;
	s3 =	sadd.s32 $0x41200, s0  }
0xa: {  	s7 =	sshll.u32 s7, $0xA;
	_ =	strace $0x8000005C;
	s0 =	sadd.s32 s5, s0  }
.Ltmp0:
0xb: {  	s29 =	ssub.s32 $0x2, s1;
	s8 =	sshll.u32 s1, $0x9;
	(pc) =	sbr.rel .LBB2_1-.Ltmp0, $4  }
0xc: {  	s1 =	sshll.u32 s1, $0x11;
	s6 =	sshrl.u32 s29, $0x1;
	s30 =	sor.u32 s8, s7  }
0xd: {  	v2 =	vlaneseq.u32;
	s7 =	sadd.s32 s7, s4;
	s0 =	sadd.s32 s1, s0;
	s5 =	ssub.s32 s29, s6  }
0xe: {  	vm0 =	vmmov $0xffff;
	v1 =	vshrl.u32 v2, $0x3;
	s4 =	sadd.s32 s4, s30;
	s31 =	sadd.s32 s8, s7;
	s7 =	sadd.s32 $0x85200, s0  }
0xf: {  	v0 =	vand.u32 $0x7, v2;
	v2 =	vor.u32 $0x8, v2;
	v1 =	vmul.u32 $0x8, v1;
	s8 =	simm.s32 $0x3;
	s5 =	smax.u32 s5, $0x1;
	s6 =	sadd.s32 $0x10, s31  }
.LBB2_5:
0x10: {  	s28 =	sadd.s32 $0x1, s28  }
0x11: {  	p0 =	sne.s32 s28, s5  }
.Ltmp1:
0x12: {  	_ = 	snop;
	(pc) =	sbr.rel @!p0 .LBB2_6-.Ltmp1, $1  }
0x13: {  	_ =	sdelay $0x3  }
.LBB2_1:
0x14: {  	[tilespmem:s2], [sflag:$0x3] =	stream.linear.gather [hbm4b:s4+s2], $0x80, $0x38;
	[tilespmem:$0x10100] =	vst v63  }
0x15: {  	_ =	swait.ge [sflag:s8], $0x80  }
0x16: {  	[sflag:s8] =	ssyncset.done $0x0  }
0x17: {  	[sflag:s8] =	ssyncadd.s32 $0xFFFFFF80  }
0x18: {  	v3 =	vld [tilespmem:$0x0];
	_ =	sdelay $0x4  }
0x19: {  	v4 =	vshll.u32 v3, $0x1  }
0x1a: {  	v3 =	vand.u32 $0x7, v3;
	v4 =	vand.u32 $0xFFFFFFF0, v4  }
0x1b: {  	v3 =	vor.u32 v3, v4  }
0x1c: {  	v4 =	vperm.xlane v3, v0;
	_ =	sdelay $0x1  }
0x1d: {  	v3 =	vperm.xlane v3, v2;
	v4 =	vadd.s32 v1, v4;
	_ =	sdelay $0x1  }
0x1e: {  	v3 =	vadd.s32 v1, v3;
	_ =	sdelay $0x1  }
0x1f: {  	s0 =	simm.s32 $0x100  }
0x20: {  	[tilespmem:s0], [sflag:$0x1] =	stream.indirect_vreg.gather [hbm4b:s3+s2], $0x80, v4, vm0, $0xb8;
	[tilespmem:$0x10100] =	vst v63  }
0x21: {  	s10 =	simm.s32 $0x900  }
0x22: {  	[tilespmem:s10], [sflag:$0x1] =	stream.indirect_vreg.gather [hbm4b:s3+s2], $0x80, v3, vm0, $0xb8;
	[tilespmem:$0x10100] =	vst v63  }
0x23: {  	v3 =	vld [tilespmem:$0x10];
	_ =	sdelay $0x4  }
0x24: {  	v57 =	vshll.u32 v3, $0x1  }
0x25: {  	v3 =	vand.u32 $0x7, v3;
	v4 =	vand.u32 $0xFFFFFFF0, v57  }
0x26: {  	v3 =	vor.u32 v3, v4  }
0x27: {  	v4 =	vperm.xlane v3, v0;
	_ =	sdelay $0x1  }
0x28: {  	v3 =	vperm.xlane v3, v2;
	v4 =	vadd.s32 v1, v4;
	_ =	sdelay $0x1  }
0x29: {  	v3 =	vadd.s32 v1, v3;
	_ =	sdelay $0x2  }
0x2a: {  	[tilespmem:s11], [sflag:$0x1] =	stream.indirect_vreg.gather [hbm4b:s3+s2], $0x80, v4, vm0, $0xb8;
	[tilespmem:$0x10100] =	vst v63  }
0x2b: {  	_ = 	snop  }
0x2c: {  	[tilespmem:s12], [sflag:$0x1] =	stream.indirect_vreg.gather [hbm4b:s3+s2], $0x80, v3, vm0, $0xb8;
	[tilespmem:$0x10100] =	vst v63  }
0x2d: {  	v3 =	vld [tilespmem:$0x20];
	_ =	sdelay $0x4  }
0x2e: {  	v58 =	vshll.u32 v3, $0x1  }
0x2f: {  	v3 =	vand.u32 $0x7, v3;
	v4 =	vand.u32 $0xFFFFFFF0, v58  }
0x30: {  	v3 =	vor.u32 v3, v4  }
0x31: {  	v4 =	vperm.xlane v3, v0;
	_ =	sdelay $0x1  }
0x32: {  	v3 =	vperm.xlane v3, v2;
	v4 =	vadd.s32 v1, v4;
	_ =	sdelay $0x1  }
0x33: {  	v3 =	vadd.s32 v1, v3;
	_ =	sdelay $0x2  }
0x34: {  	[tilespmem:s13], [sflag:$0x1] =	stream.indirect_vreg.gather [hbm4b:s3+s2], $0x80, v4, vm0, $0xb8;
	[tilespmem:$0x10100] =	vst v63  }
0x35: {  	_ = 	snop  }
0x36: {  	[tilespmem:s14], [sflag:$0x1] =	stream.indirect_vreg.gather [hbm4b:s3+s2], $0x80, v3, vm0, $0xb8;
	[tilespmem:$0x10100] =	vst v63  }
0x37: {  	v3 =	vld [tilespmem:$0x30];
	_ =	sdelay $0x4  }
0x38: {  	v59 =	vshll.u32 v3, $0x1  }
0x39: {  	v3 =	vand.u32 $0x7, v3;
	v4 =	vand.u32 $0xFFFFFFF0, v59  }
0x3a: {  	v3 =	vor.u32 v3, v4  }
0x3b: {  	v4 =	vperm.xlane v3, v0;
	_ =	sdelay $0x1  }
0x3c: {  	v3 =	vperm.xlane v3, v2;
	v4 =	vadd.s32 v1, v4;
	_ =	sdelay $0x1  }
0x3d: {  	v3 =	vadd.s32 v1, v3;
	_ =	sdelay $0x2  }
0x3e: {  	[tilespmem:s15], [sflag:$0x1] =	stream.indirect_vreg.gather [hbm4b:s3+s2], $0x80, v4, vm0, $0xb8;
	[tilespmem:$0x10100] =	vst v63  }
0x3f: {  	_ = 	snop  }
0x40: {  	[tilespmem:s16], [sflag:$0x1] =	stream.indirect_vreg.gather [hbm4b:s3+s2], $0x80, v3, vm0, $0xb8;
	[tilespmem:$0x10100] =	vst v63  }
0x41: {  	v3 =	vld [tilespmem:$0x40];
	_ =	sdelay $0x4  }
0x42: {  	v60 =	vshll.u32 v3, $0x1  }
0x43: {  	v3 =	vand.u32 $0x7, v3;
	v4 =	vand.u32 $0xFFFFFFF0, v60  }
0x44: {  	v3 =	vor.u32 v3, v4  }
0x45: {  	v4 =	vperm.xlane v3, v0;
	_ =	sdelay $0x1  }
0x46: {  	v3 =	vperm.xlane v3, v2;
	v4 =	vadd.s32 v1, v4;
	_ =	sdelay $0x1  }
0x47: {  	v3 =	vadd.s32 v1, v3;
	_ =	sdelay $0x2  }
0x48: {  	[tilespmem:s17], [sflag:$0x1] =	stream.indirect_vreg.gather [hbm4b:s3+s2], $0x80, v4, vm0, $0xb8;
	[tilespmem:$0x10100] =	vst v63  }
0x49: {  	_ = 	snop  }
0x4a: {  	[tilespmem:s18], [sflag:$0x1] =	stream.indirect_vreg.gather [hbm4b:s3+s2], $0x80, v3, vm0, $0xb8;
	[tilespmem:$0x10100] =	vst v63  }
0x4b: {  	v3 =	vld [tilespmem:$0x50];
	_ =	sdelay $0x4  }
0x4c: {  	v61 =	vshll.u32 v3, $0x1  }
0x4d: {  	v3 =	vand.u32 $0x7, v3;
	v4 =	vand.u32 $0xFFFFFFF0, v61  }
0x4e: {  	v3 =	vor.u32 v3, v4  }
0x4f: {  	v4 =	vperm.xlane v3, v0;
	_ =	sdelay $0x1  }
0x50: {  	v3 =	vperm.xlane v3, v2;
	v4 =	vadd.s32 v1, v4;
	_ =	sdelay $0x1  }
0x51: {  	v3 =	vadd.s32 v1, v3;
	_ =	sdelay $0x2  }
0x52: {  	[tilespmem:s19], [sflag:$0x1] =	stream.indirect_vreg.gather [hbm4b:s3+s2], $0x80, v4, vm0, $0xb8;
	[tilespmem:$0x10100] =	vst v63  }
0x53: {  	_ = 	snop  }
0x54: {  	[tilespmem:s20], [sflag:$0x1] =	stream.indirect_vreg.gather [hbm4b:s3+s2], $0x80, v3, vm0, $0xb8;
	[tilespmem:$0x10100] =	vst v63  }
0x55: {  	v3 =	vld [tilespmem:$0x60];
	_ =	sdelay $0x4  }
0x56: {  	v62 =	vshll.u32 v3, $0x1  }
0x57: {  	v3 =	vand.u32 $0x7, v3;
	v4 =	vand.u32 $0xFFFFFFF0, v62  }
0x58: {  	v3 =	vor.u32 v3, v4  }
0x59: {  	v4 =	vperm.xlane v3, v0;
	_ =	sdelay $0x1  }
0x5a: {  	v3 =	vperm.xlane v3, v2;
	v4 =	vadd.s32 v1, v4;
	_ =	sdelay $0x1  }
0x5b: {  	v3 =	vadd.s32 v1, v3;
	_ =	sdelay $0x2  }
0x5c: {  	[tilespmem:s21], [sflag:$0x1] =	stream.indirect_vreg.gather [hbm4b:s3+s2], $0x80, v4, vm0, $0xb8;
	[tilespmem:$0x10100] =	vst v63  }
0x5d: {  	_ = 	snop  }
0x5e: {  	[tilespmem:s22], [sflag:$0x1] =	stream.indirect_vreg.gather [hbm4b:s3+s2], $0x80, v3, vm0, $0xb8;
	[tilespmem:$0x10100] =	vst v63  }
0x5f: {  	v3 =	vld [tilespmem:$0x70];
	_ =	sdelay $0x4  }
0x60: {  	v63 =	vshll.u32 v3, $0x1  }
0x61: {  	v3 =	vand.u32 $0x7, v3;
	v4 =	vand.u32 $0xFFFFFFF0, v63  }
0x62: {  	v3 =	vor.u32 v3, v4  }
0x63: {  	v4 =	vperm.xlane v3, v0;
	_ =	sdelay $0x1  }
0x64: {  	v3 =	vperm.xlane v3, v2;
	v4 =	vadd.s32 v1, v4;
	_ =	sdelay $0x1  }
0x65: {  	v3 =	vadd.s32 v1, v3  }
.Ltmp2:
0x66: {  	_ = 	snop;
	(pc) =	sbr.rel .LBB2_2-.Ltmp2, $4  }
0x67: {  	_ = 	snop  }
0x68: {  	[tilespmem:s23], [sflag:$0x1] =	stream.indirect_vreg.gather [hbm4b:s3+s2], $0x80, v4, vm0, $0xb8;
	[tilespmem:$0x10100] =	vst v63  }
0x69: {  	s29 =	smov.u32 s7;
	s30 =	smov.u32 s6;
	s31 =	simm.s32 $0x0  }
0x6a: {  	[tilespmem:s24], [sflag:$0x1] =	stream.indirect_vreg.gather [hbm4b:s3+s2], $0x80, v3, vm0, $0xb8;
	[tilespmem:$0x10100] =	vst v63  }
.LBB2_4:
0x6b: {  	_ =	swait.ge [sflag:s25], $0x8000;
	s31 =	sadd.s32 $0x1, s31  }
0x6c: {  	s0 =	sshll.u32 s0, $0xF;
	[sflag:s25] =	ssyncset.done $0x0;
	p0 =	sne.s32 s31, $0x20  }
.Ltmp3:
0x6d: {  	s0 =	sor.u32 $0x100, s0;
	[sflag:s25] =	ssyncadd.s32 $0xFFFF8000;
	(pc) =	sbr.rel @!p0 .LBB2_5-.Ltmp3, $4  }
0x6e: {  	[hbm4b:s29+s2] =	stream.linear.scatter [tilespmem:s0], [sflag:$0x2], $0x8000, $0x38;
	[tilespmem:$0x10100] =	vst v63  }
0x6f: {  	_ =	swait.ge [sflag:s26], $0x8000  }
0x70: {  	[sflag:s26] =	ssyncset.done $0x0  }
0x71: {  	s30 =	sadd.s32 $0x10, s30;
	s29 =	sadd.s32 $0x1000, s29;
	[sflag:s26] =	ssyncadd.s32 $0xFFFF8000  }
.LBB2_2:
0x72: {  	p0 =	seq.s32 s31, $0x1F  }
.Ltmp4:
0x73: {  	_ = 	snop;
	(pc) =	sbr.rel @p0 .LBB2_4-.Ltmp4, $2  }
0x74: {  	_ =	sdelay $0x2  }
0x75: {  	s0 =	sand.u32 $0x1, s31  }
0x76: {  	s9 =	sxor.u32 $0x1, s0  }
0x77: {  	s1 =	sshll.u32 s9, $0x7  }
0x78: {  	[tilespmem:s1], [sflag:$0x3] =	stream.linear.gather [hbm4b:s30+s2], $0x80, $0x38;
	[tilespmem:$0x10100] =	vst v63  }
0x79: {  	_ =	swait.ge [sflag:s8], $0x80  }
0x7a: {  	[sflag:s8] =	ssyncset.done $0x0  }
0x7b: {  	[sflag:s8] =	ssyncadd.s32 $0xFFFFFF80  }
0x7c: {  	v3 =	vld [tilespmem:s1+$0x0];
	_ =	sdelay $0x4  }
0x7d: {  	v4 =	vshll.u32 v3, $0x1  }
0x7e: {  	v3 =	vand.u32 $0x7, v3;
	v4 =	vand.u32 $0xFFFFFFF0, v4  }
0x7f: {  	v3 =	vor.u32 v3, v4  }
0x80: {  	v4 =	vperm.xlane v3, v0;
	_ =	sdelay $0x1  }
0x81: {  	v3 =	vperm.xlane v3, v2;
	v4 =	vadd.s32 v1, v4;
	_ =	sdelay $0x1  }
0x82: {  	v3 =	vadd.s32 v1, v3  }
0x83: {  	s9 =	sshll.u32 s9, $0xF  }
0x84: {  	s10 =	sor.u32 $0x100, s9  }
0x85: {  	[tilespmem:s10], [sflag:$0x1] =	stream.indirect_vreg.gather [hbm4b:s3+s2], $0x80, v4, vm0, $0xb8;
	[tilespmem:$0x10100] =	vst v63  }
0x86: {  	s10 =	sor.u32 $0x900, s9  }
0x87: {  	[tilespmem:s10], [sflag:$0x1] =	stream.indirect_vreg.gather [hbm4b:s3+s2], $0x80, v3, vm0, $0xb8;
	[tilespmem:$0x10100] =	vst v63  }
0x88: {  	v3 =	vld [tilespmem:s1+$0x10];
	_ =	sdelay $0x4  }
0x89: {  	v57 =	vshll.u32 v3, $0x1  }
0x8a: {  	v3 =	vand.u32 $0x7, v3;
	v4 =	vand.u32 $0xFFFFFFF0, v57  }
0x8b: {  	v3 =	vor.u32 v3, v4  }
0x8c: {  	v4 =	vperm.xlane v3, v0;
	_ =	sdelay $0x1  }
0x8d: {  	v3 =	vperm.xlane v3, v2;
	v4 =	vadd.s32 v1, v4;
	_ =	sdelay $0x1  }
0x8e: {  	v3 =	vadd.s32 v1, v3;
	_ =	sdelay $0x1  }
0x8f: {  	s10 =	sor.u32 $0x1100, s9  }
0x90: {  	[tilespmem:s10], [sflag:$0x1] =	stream.indirect_vreg.gather [hbm4b:s3+s2], $0x80, v4, vm0, $0xb8;
	[tilespmem:$0x10100] =	vst v63  }
0x91: {  	s10 =	sor.u32 $0x1900, s9  }
0x92: {  	[tilespmem:s10], [sflag:$0x1] =	stream.indirect_vreg.gather [hbm4b:s3+s2], $0x80, v3, vm0, $0xb8;
	[tilespmem:$0x10100] =	vst v63  }
0x93: {  	v3 =	vld [tilespmem:s1+$0x20];
	_ =	sdelay $0x4  }
0x94: {  	v58 =	vshll.u32 v3, $0x1  }
0x95: {  	v3 =	vand.u32 $0x7, v3;
	v4 =	vand.u32 $0xFFFFFFF0, v58  }
0x96: {  	v3 =	vor.u32 v3, v4  }
0x97: {  	v4 =	vperm.xlane v3, v0;
	_ =	sdelay $0x1  }
0x98: {  	v3 =	vperm.xlane v3, v2;
	v4 =	vadd.s32 v1, v4;
	_ =	sdelay $0x1  }
0x99: {  	v3 =	vadd.s32 v1, v3;
	_ =	sdelay $0x1  }
0x9a: {  	s10 =	sor.u32 $0x2100, s9  }
0x9b: {  	[tilespmem:s10], [sflag:$0x1] =	stream.indirect_vreg.gather [hbm4b:s3+s2], $0x80, v4, vm0, $0xb8;
	[tilespmem:$0x10100] =	vst v63  }
0x9c: {  	s10 =	sor.u32 $0x2900, s9  }
0x9d: {  	[tilespmem:s10], [sflag:$0x1] =	stream.indirect_vreg.gather [hbm4b:s3+s2], $0x80, v3, vm0, $0xb8;
	[tilespmem:$0x10100] =	vst v63  }
0x9e: {  	v3 =	vld [tilespmem:s1+$0x30];
	_ =	sdelay $0x4  }
0x9f: {  	v59 =	vshll.u32 v3, $0x1  }
0xa0: {  	v3 =	vand.u32 $0x7, v3;
	v4 =	vand.u32 $0xFFFFFFF0, v59  }
0xa1: {  	v3 =	vor.u32 v3, v4  }
0xa2: {  	v4 =	vperm.xlane v3, v0;
	_ =	sdelay $0x1  }
0xa3: {  	v3 =	vperm.xlane v3, v2;
	v4 =	vadd.s32 v1, v4;
	_ =	sdelay $0x1  }
0xa4: {  	v3 =	vadd.s32 v1, v3;
	_ =	sdelay $0x1  }
0xa5: {  	s10 =	sor.u32 $0x3100, s9  }
0xa6: {  	[tilespmem:s10], [sflag:$0x1] =	stream.indirect_vreg.gather [hbm4b:s3+s2], $0x80, v4, vm0, $0xb8;
	[tilespmem:$0x10100] =	vst v63  }
0xa7: {  	s10 =	sor.u32 $0x3900, s9  }
0xa8: {  	[tilespmem:s10], [sflag:$0x1] =	stream.indirect_vreg.gather [hbm4b:s3+s2], $0x80, v3, vm0, $0xb8;
	[tilespmem:$0x10100] =	vst v63  }
0xa9: {  	v3 =	vld [tilespmem:s1+$0x40];
	_ =	sdelay $0x4  }
0xaa: {  	v60 =	vshll.u32 v3, $0x1  }
0xab: {  	v3 =	vand.u32 $0x7, v3;
	v4 =	vand.u32 $0xFFFFFFF0, v60  }
0xac: {  	v3 =	vor.u32 v3, v4  }
0xad: {  	v4 =	vperm.xlane v3, v0;
	_ =	sdelay $0x1  }
0xae: {  	v3 =	vperm.xlane v3, v2;
	v4 =	vadd.s32 v1, v4;
	_ =	sdelay $0x1  }
0xaf: {  	v3 =	vadd.s32 v1, v3;
	_ =	sdelay $0x1  }
0xb0: {  	s10 =	sor.u32 $0x4100, s9  }
0xb1: {  	[tilespmem:s10], [sflag:$0x1] =	stream.indirect_vreg.gather [hbm4b:s3+s2], $0x80, v4, vm0, $0xb8;
	[tilespmem:$0x10100] =	vst v63  }
0xb2: {  	s10 =	sor.u32 $0x4900, s9  }
0xb3: {  	[tilespmem:s10], [sflag:$0x1] =	stream.indirect_vreg.gather [hbm4b:s3+s2], $0x80, v3, vm0, $0xb8;
	[tilespmem:$0x10100] =	vst v63  }
0xb4: {  	v3 =	vld [tilespmem:s1+$0x50];
	_ =	sdelay $0x4  }
0xb5: {  	v61 =	vshll.u32 v3, $0x1  }
0xb6: {  	v3 =	vand.u32 $0x7, v3;
	v4 =	vand.u32 $0xFFFFFFF0, v61  }
0xb7: {  	v3 =	vor.u32 v3, v4  }
0xb8: {  	v4 =	vperm.xlane v3, v0;
	_ =	sdelay $0x1  }
0xb9: {  	v3 =	vperm.xlane v3, v2;
	v4 =	vadd.s32 v1, v4;
	_ =	sdelay $0x1  }
0xba: {  	v3 =	vadd.s32 v1, v3;
	_ =	sdelay $0x1  }
0xbb: {  	s10 =	sor.u32 $0x5100, s9  }
0xbc: {  	[tilespmem:s10], [sflag:$0x1] =	stream.indirect_vreg.gather [hbm4b:s3+s2], $0x80, v4, vm0, $0xb8;
	[tilespmem:$0x10100] =	vst v63  }
0xbd: {  	s10 =	sor.u32 $0x5900, s9  }
0xbe: {  	[tilespmem:s10], [sflag:$0x1] =	stream.indirect_vreg.gather [hbm4b:s3+s2], $0x80, v3, vm0, $0xb8;
	[tilespmem:$0x10100] =	vst v63  }
0xbf: {  	v3 =	vld [tilespmem:s1+$0x60];
	_ =	sdelay $0x4  }
0xc0: {  	v62 =	vshll.u32 v3, $0x1  }
0xc1: {  	v3 =	vand.u32 $0x7, v3;
	v4 =	vand.u32 $0xFFFFFFF0, v62  }
0xc2: {  	v3 =	vor.u32 v3, v4  }
0xc3: {  	v4 =	vperm.xlane v3, v0;
	_ =	sdelay $0x1  }
0xc4: {  	v3 =	vperm.xlane v3, v2;
	v4 =	vadd.s32 v1, v4;
	_ =	sdelay $0x1  }
0xc5: {  	v3 =	vadd.s32 v1, v3;
	_ =	sdelay $0x1  }
0xc6: {  	s10 =	sor.u32 $0x6100, s9  }
0xc7: {  	[tilespmem:s10], [sflag:$0x1] =	stream.indirect_vreg.gather [hbm4b:s3+s2], $0x80, v4, vm0, $0xb8;
	[tilespmem:$0x10100] =	vst v63  }
0xc8: {  	s10 =	sor.u32 $0x6900, s9  }
0xc9: {  	[tilespmem:s10], [sflag:$0x1] =	stream.indirect_vreg.gather [hbm4b:s3+s2], $0x80, v3, vm0, $0xb8;
	[tilespmem:$0x10100] =	vst v63  }
0xca: {  	v3 =	vld [tilespmem:s1+$0x70];
	_ =	sdelay $0x4  }
0xcb: {  	v63 =	vshll.u32 v3, $0x1  }
0xcc: {  	v3 =	vand.u32 $0x7, v3;
	v4 =	vand.u32 $0xFFFFFFF0, v63  }
0xcd: {  	v3 =	vor.u32 v3, v4  }
0xce: {  	v4 =	vperm.xlane v3, v0;
	_ =	sdelay $0x1  }
0xcf: {  	v3 =	vperm.xlane v3, v2;
	v4 =	vadd.s32 v1, v4;
	_ =	sdelay $0x1  }
0xd0: {  	v3 =	vadd.s32 v1, v3  }
.Ltmp5:
0xd1: {  	_ = 	snop;
	(pc) =	sbr.rel .LBB2_4-.Ltmp5, $4  }
0xd2: {  	s10 =	sor.u32 $0x7100, s9  }
0xd3: {  	[tilespmem:s10], [sflag:$0x1] =	stream.indirect_vreg.gather [hbm4b:s3+s2], $0x80, v4, vm0, $0xb8;
	[tilespmem:$0x10100] =	vst v63  }
0xd4: {  	s10 =	sor.u32 $0x7900, s9  }
0xd5: {  	[tilespmem:s10], [sflag:$0x1] =	stream.indirect_vreg.gather [hbm4b:s3+s2], $0x80, v3, vm0, $0xb8;
	[tilespmem:$0x10100] =	vst v63  }
.LBB2_6:
0xd6: {  	_ =	sfence.sel $0x180000  }
0xd7: {  	[bflag:$0x0] =	sbarrier.arrive $0xFFFF  }
0xd8: {  	_ =	strace $0x9000005C  }
0xd9: {  	s0 =	stileid.u32;
	[bflag:$0x2] =	sbarrier.arrive $0xFFFF  }
0xda: {  	p0 =	sne.s32 s0, $0x0;
	s0 =	rddreg [dreg:$0x1]  }
0xdb: {  	s0 =	sadd.s32 @!p0 $0x100000, s0  }
0xdc: {  	[sflag:s0] =	ssyncadd.tile.s32 @!p0 $0x1;
	_ =	shalt  }
.Lfunc_end2:
_tile_overlayer_lowered:
.L_overlay_start_2:
0xdd: {  	(tag) =	ssettag $0x2  }
0xde: {  	s0 =	rddreg [dreg:$0x0];
	s2 =	stileid.u32  }
0xdf: {  	s1 =	rddreg [dreg:$0x1];
	p0 =	sne.s32 s2, $0x0  }
0xe0: {  	s3 =	rddreg [dreg:$0x2];
	[bflag:$0x3] =	sbarrier.arrive $0xFFFF;
	s2 =	simm.s32 @!p0 $0x1C03  }
0xe1: {  	[timem:s3], [sflag:s2] =	dma.local @!p0 [hbm:s0], s1  }
0xe2: {  	s0 =	simm.s32 @!p0 $0x3  }
0xe3: {  	_ =	swait.ge @!p0 [sflag:s0], s1  }
0xe4: {  	s1 =	ssub.s32 @!p0 $0x0, s1;
	[sflag:s0] =	ssyncset.done @!p0 $0x0  }
0xe5: {  	[sflag:s0] =	ssyncadd.s32 @!p0 s1  }
0xe6: {  	[bflag:$0x3] =	sbarrier.arrive $0xFFFF  }
0xe7: {  	_ =	shalt  }

// kernel: kernel.59.cloned.1.call-start
scs
__scs_entry_jumppad:
0x0: {  	(pc) =	sbr.rel $0x88, $3  }
0x1: {  	(tag) =	ssettag $0x0;
	lr =	simm.s32 $0x1  }
0x2: {  	[smem:$0x3F84] =	sst lr;
	_ =	strace $0xD0000000  }
0x3: {  	_ = 	snop  }
0x4: {  	_ = 	snop  }
0x5: {  	_ = 	snop  }
0x6: {  	_ = 	snop  }
0x7: {  	_ = 	snop  }
__scs_overlays_trampoline_lowered:
0x8: {  	[smem:$0x3F93] =	sst s0  }
0x9: {  	[smem:$0x3F94] =	sst s1  }
0xa: {  	[smem:$0x3F95] =	sst s2  }
0xb: {  	[smem:$0x3F96] =	sst s3  }
0xc: {  	[smem:$0x3F97] =	sst s4  }
0xd: {  	[smem:$0x3F98] =	sst s5  }
0xe: {  	[smem:$0x3F99] =	sst s6  }
0xf: {  	[smem:$0x3F9A] =	sst s7  }
0x10: {  	[smem:$0x3F9B] =	sst s8  }
0x11: {  	[smem:$0x3F9C] =	sst s9;
	s0 =	simm.s32 @!p0 $0x0  }
0x12: {  	s1 =	sld [smem:$0x3F82];
	s0 =	simm.s32 @p0 $0x1  }
0x13: {  	[smem:$0x3F9D] =	sst s0;
	s0 =	simm.s32 @!p1 $0x0  }
0x14: {  	s2 =	sld [smem:$0x3F81];
	s0 =	simm.s32 @p1 $0x1  }
0x15: {  	[smem:$0x3F9E] =	sst s0;
	s0 =	simm.s32 @!p2 $0x0  }
0x16: {  	s3 =	sld [smem:$0x3FDB];
	s0 =	simm.s32 @p2 $0x1  }
0x17: {  	s4 =	simm.s32 $0x1BF5;
	[smem:$0x3FA0] =	sst s0  }
0x18: {  	s0 =	sld [smem:$0x3F83];
	_ =	swait.ge [sflag:s4], $0x0  }
0x19: {  	s7 =	sld [smem:$0x3F84]  }
0x1a: {  	s8 =	sadd.s32 $0xFFFFE003, lr  }
0x1b: {  	s9 =	sadd.s32 $0xFFFFFEF7, lr;
	s5 =	simm.s32 $0xFFFFFFFF;
	p2 =	slt.u32 s8, $0xFFFFF086  }
0x1c: {  	p1 =	slt.u32 s9, $0xF7A;
	s5 =	simm.s32 @!p2 $0x0  }
0x1d: {  	s5 =	simm.s32 @p1 $0x1;
	p0 =	seq.s32 s7, s2  }
0x1e: {  	s7 =	smul.u32 @!p0 $0xF7A, s2;
	p2 =	seq.s32 @!p0 s5, $0x0  }
0x1f: {  	s9 =	smul.u32 $0xF7A, s1;
	s8 =	simm.s32 @!p0 $0x1BF5;
	p2 =	por !p2, p0  }
0x20: {  	[sflag:s8] =	ssyncset.s32 @!p0 $0xFFFFF086;
	s6 =	sadd.s32 @!p0 s3, s7;
	s7 =	simm.s32 @!p0 $0x108  }
0x21: {  	s3 =	sadd.s32 s3, s9;
	s6 =	sadd.s32 @!p0 $0x88, s6;
	s7 =	simm.s32 @p2 $0x1082  }
0x22: {  	[simem:s7], [sflag:s8] =	dma.local @!p0 [hbm:s6], $0xF7A  }
0x23: {  	s9 =	sor.u32 $0xD0000000, s2;
	s6 =	simm.s32 $0x108;
	_ =	swait.ge @!p0 [sflag:s8], $0x0  }
0x24: {  	s3 =	sadd.s32 $0x88, s3;
	s6 =	simm.s32 @!p1 $0x1082;
	[sflag:s4] =	ssyncset.s32 $0xFFFFF086  }
0x25: {  	[simem:s6], [sflag:s4] =	dma.local [hbm:s3], $0xF7A  }
0x26: {  	[smem:$0x3F84] =	sst s1;
	(tag) =	ssettag s2;
	_ =	strace s9  }
0x27: {  	s1 =	sld [smem:$0x3F94]  }
0x28: {  	s2 =	sld [smem:$0x3F95]  }
0x29: {  	s4 =	sld [smem:$0x3F97]  }
0x2a: {  	p0 =	seq.s32 s5, $0x0;
	s5 =	sld [smem:$0x3F98]  }
0x2b: {  	s6 =	sld [smem:$0x3F99]  }
0x2c: {  	s7 =	sld [smem:$0x3F9A]  }
0x2d: {  	s3 =	simm.s32 $0x108;
	s8 =	sld [smem:$0x3F9B]  }
0x2e: {  	s3 =	simm.s32 @!p0 $0x1082;
	s9 =	sld [smem:$0x3F9C]  }
0x2f: {  	lr =	sadd.s32 s0, s3;
	s0 =	sld [smem:$0x3F93]  }
0x30: {  	s3 =	sld [smem:$0x3F96]  }
0x31: {  	[smem:$0x3F9F] =	sst s10  }
0x32: {  	s10 =	sld [smem:$0x3F9D];
	_ =	sdelay $0x3  }
0x33: {  	p0 =	seq.s32 s10, $0x1;
	s10 =	sld [smem:$0x3F9F];
	_ =	sdelay $0x3  }
0x34: {  	[smem:$0x3F9F] =	sst s10  }
0x35: {  	s10 =	sld [smem:$0x3F9E];
	_ =	sdelay $0x3  }
0x36: {  	p1 =	seq.s32 s10, $0x1;
	s10 =	sld [smem:$0x3F9F];
	_ =	sdelay $0x3  }
0x37: {  	[smem:$0x3F9F] =	sst s10  }
0x38: {  	s10 =	sld [smem:$0x3FA0]  }
0x39: {  	_ = 	snop;
	(pc) =	sbr.ind lr, $3  }
0x3a: {  	_ = 	snop  }
0x3b: {  	_ = 	snop  }
0x3c: {  	p2 =	seq.s32 s10, $0x1;
	s10 =	sld [smem:$0x3F9F]  }
0x3d: {  	_ =	shalt  }
0x3e: {  	_ =	shalt  }
0x3f: {  	_ =	shalt  }
0x40: {  	_ =	shalt  }
0x41: {  	_ =	shalt  }
0x42: {  	_ =	shalt  }
0x43: {  	_ =	shalt  }
0x44: {  	_ =	shalt  }
0x45: {  	_ =	shalt  }
0x46: {  	_ =	shalt  }
0x47: {  	_ =	shalt  }
0x48: {  	_ =	shalt  }
0x49: {  	_ =	shalt  }
0x4a: {  	_ =	shalt  }
0x4b: {  	_ =	shalt  }
0x4c: {  	_ =	shalt  }
0x4d: {  	_ =	shalt  }
0x4e: {  	_ =	shalt  }
0x4f: {  	_ =	shalt  }
0x50: {  	_ =	shalt  }
0x51: {  	_ =	shalt  }
0x52: {  	_ =	shalt  }
0x53: {  	_ =	shalt  }
0x54: {  	_ =	shalt  }
0x55: {  	_ =	shalt  }
0x56: {  	_ =	shalt  }
0x57: {  	_ =	shalt  }
0x58: {  	_ =	shalt  }
0x59: {  	_ =	shalt  }
0x5a: {  	_ =	shalt  }
0x5b: {  	_ =	shalt  }
0x5c: {  	_ =	shalt  }
0x5d: {  	_ =	shalt  }
0x5e: {  	_ =	shalt  }
0x5f: {  	_ =	shalt  }
0x60: {  	_ =	shalt  }
0x61: {  	_ =	shalt  }
0x62: {  	_ =	shalt  }
0x63: {  	_ =	shalt  }
0x64: {  	_ =	shalt  }
0x65: {  	_ =	shalt  }
0x66: {  	_ =	shalt  }
0x67: {  	_ =	shalt  }
0x68: {  	_ =	shalt  }
0x69: {  	_ =	shalt  }
0x6a: {  	_ =	shalt  }
0x6b: {  	_ =	shalt  }
0x6c: {  	_ =	shalt  }
0x6d: {  	_ =	shalt  }
0x6e: {  	_ =	shalt  }
0x6f: {  	_ =	shalt  }
0x70: {  	_ =	shalt  }
0x71: {  	_ =	shalt  }
0x72: {  	_ =	shalt  }
0x73: {  	_ =	shalt  }
0x74: {  	_ =	shalt  }
0x75: {  	_ =	shalt  }
0x76: {  	_ =	shalt  }
0x77: {  	_ =	shalt  }
0x78: {  	_ =	shalt  }
0x79: {  	_ =	shalt  }
0x7a: {  	_ =	shalt  }
0x7b: {  	_ =	shalt  }
0x7c: {  	_ =	shalt  }
0x7d: {  	_ =	shalt  }
0x7e: {  	_ =	shalt  }
0x7f: {  	_ =	shalt  }
0x80: {  	_ =	shalt  }
0x81: {  	_ =	shalt  }
0x82: {  	_ =	shalt  }
0x83: {  	_ =	shalt  }
0x84: {  	_ =	shalt  }
0x85: {  	_ =	shalt  }
0x86: {  	_ =	shalt  }
0x87: {  	_ =	shalt  }
.Lfunc_end0:
.L_simem_size_0:
called_computation.9_lowered:
.L_overlay_start_0:
0x88: {  	s2 =	sld [smem:$0x3FD9]  }
0x89: {  	s3 =	sld [smem:$0x3FFE];
	_ =	sdelay $0x1  }
0x8a: {  	s1 =	srdreg.scid  }
0x8b: {  	s0 =	sand.u32 $0x1, s1  }
0x8c: {  	s16 =	sshll.u32 s0, $0xA;
	s2 =	sadd.s32 s3, s2  }
0x8d: {  	s2 =	sadd.s32 s2, s16  }
0x8e: {  	[smem:$0x3FAB] =	sst s2  }
0x8f: {  	_ = 	snop  }
0x90: {  	(tm) =	ssettm $0x1  }
0x91: {  	s17 =	sld [smem:$0x3FFB];
	_ =	sdelay $0x3  }
0x92: {  	_ =	strace s17  }
0x93: {  	s2 =	sld [smem:$0x3FFC];
	_ =	sdelay $0x3  }
0x94: {  	_ =	strace s2  }
0x95: {  	s2 =	sld [smem:$0x3FFD];
	_ =	sdelay $0x3  }
0x96: {  	_ =	strace s2  }
0x97: {  	_ =	strace $0x8FFFFFFF  }
0x98: {  	s18 =	sld [smem:$0x3FDB];
	_ =	sdelay $0x1  }
0x99: {  	s19 =	simm.s32 $_scs_section_size  }
0x9a: {  	s4 =	simm.s32 $_size__tile_overlayer_lowered;
	s5 =	simm.s32 $_tile_overlayer_lowered  }
0x9b: {  	s22 =	simm.s32 $0x1BFF;
	s21 =	sshll.u32 s5, $0x1;
	s2 =	sadd.s32 s19, s18  }
0x9c: {  	s6 =	simm.s32 $0x0;
	s20 =	sshll.u32 s4, $0x1;
	s4 =	sadd.s32 s21, s2  }
0x9d: {  	[timem:s6], [sflag:s22] =	dma.local [hbm:s4], s20  }
0x9e: {  	_ =	swait.ge [sflag:s22], s20  }
0x9f: {  	s3 =	ssub.s32 $0x0, s20;
	[sflag:s22] =	ssyncset.done $0x0  }
0xa0: {  	[sflag:s22] =	ssyncadd.s32 s3;
	_ =	sdelay $0x1  }
0xa1: {  	s23 =	simm.s32 $0x1B8B  }
0xa2: {  	_ =	swait.ge [sflag:s23], $0x1  }
0xa3: {  	[sflag:s23] =	ssyncset.done $0x0  }
0xa4: {  	s25 =	simm.s32 $0x1B8E;
	s24 =	sld [smem:$0x3FFE];
	[sflag:s23] =	ssyncadd.s32 $0xFFFFFFFF  }
0xa5: {  	s26 =	simm.s32 $execute0_lowered;
	[smem:$0x3FD2] =	sst s25  }
0xa6: {  	s4 =	sshll.u32 s26, $0x1;
	_ =	strace $0x80000061;
	[dreg:$0x1] =	wrdreg $0xFFFFFFFF  }
0xa7: {  	s28 =	simm.s32 $_size_execute0_lowered;
	s2 =	sadd.s32 s2, s4;
	[dreg:$0x0] =	wrdreg $0x0  }
0xa8: {  	s4 =	sshll.u32 s28, $0x1;
	[dreg:$0x2] =	wrdreg s2  }
0xa9: {  	[dreg:$0x3] =	wrdreg s4  }
0xaa: {  	[dreg:$0x4] =	wrdreg $0xC0  }
0xab: {  	_ =	task [dreg:s6], $0x5FFFF  }
0xac: {  	[dreg:$0x1] =	wrdreg $0xFFFFFFFF  }
0xad: {  	[dreg:$0x0] =	wrdreg $0x60  }
0xae: {  	[dreg:$0x2] =	wrdreg s24  }
0xaf: {  	[dreg:$0x3] =	wrdreg $0x9  }
0xb0: {  	_ =	task.clear_ibuf [dreg:s6], $0x4FFFF;
	_ =	strace $0x90000061  }
0xb1: {  	s29 =	simm.s32 $0x9;
	_ =	strace $0x80000063  }
0xb2: {  	_ =	swait.ge [sflag:s29], $0x1  }
0xb3: {  	[sflag:s29] =	ssyncadd.s32 $0xFFFFFFFF  }
0xb4: {  	_ =	strace $0x90000063  }
0xb5: {  	_ =	sfence  }
0xb6: {  	s30 =	sld [smem:$0x0];
	_ =	sdelay $0x2  }
0xb7: {  	s31 =	sshll.u32 s1, $0xD;
	s1 =	sshrl.u32 s1, $0x2  }
0xb8: {  	s3 =	sand.u32 $0x4000, s31;
	s1 =	sadd.s32 s1, s30  }
0xb9: {  	s0 =	sor.u32 s3, s0;
	s1 =	sshll.u32 s1, $0x11  }
0xba: {  	s0 =	sor.u32 s1, s0  }
0xbb: {  	s0 =	sadd.s32 $0x8F2B, s0  }
0xbc: {  	[sflag:s0] =	ssyncadd.remote.s32 $0x1  }
0xbd: {  	_ =	sfence.sel $0xFFFF  }
0xbe: {  	[dreg:$0x0] =	wrdreg $0xFFFFFFFF;
	(pc) =	sbr.abs _section_cstart, $3  }
0xbf: {  	[dreg:$0x1] =	wrdreg $0xFFFFFFFF  }
0xc0: {  	_ =	task.clear_ibuf [dreg:s6], $0x2FFFF;
	_ =	strace $0x9FFFFFFF  }
0xc1: {  	(tm) =	ssettm $0x7FFFFFFF  }
tec
execute0_lowered:
.L_overlay_start_1:
0x0: {  	(tag) =	ssettag $0x1  }
0x1: {  	s4 =	rddreg [dreg:$0x0]  }
0x2: {  	s0 =	rddreg [dreg:$0x1]  }
0x3: {  	s1 =	simm.s32 $0x0;
	s5 =	srdreg.scid;
	s2 =	stileid.u32  }
0x4: {  	s12 =	simm.s32 $0x1;
	s13 =	simm.s32 $0x2;
	s14 =	simm.s32 $0x4100  }
0x5: {  	s15 =	simm.s32 $0x0;
	[smem:$0x7FF] =	sst s1;
	s7 =	sadd.s32 $0x21200, s4  }
0x6: {  	s3 =	sadd.s32 $0x1200, s4;
	s8 =	sand.u32 $0x1, s5;
	s28 =	sshll.u32 s2, $0x1  }
0x7: {  	s9 =	sadd.s32 $0x25200, s4;
	s30 =	sshll.u32 s2, $0xA;
	s11 =	sshll.u32 s2, $0x11  }
0x8: {  	_ =	strace $0x80000062;
	s29 =	ssub.s32 $0x2, s8;
	s5 =	sor.u32 s8, s28  }
0x9: {  	s31 =	sshll.u32 s8, $0x9;
	s8 =	sshll.u32 s8, $0x10;
	s6 =	sshrl.u32 s29, $0x1  }
0xa: {  	s10 =	sshll.u32 s5, $0x10;
	s5 =	sshll.u32 s5, $0x9;
	s6 =	ssub.s32 s29, s6  }
0xb: {  	s4 =	sadd.s32 s7, s5;
	s10 =	sadd.s32 s9, s10;
	s7 =	sadd.s32 s30, s7  }
0xc: {  	s9 =	sadd.s32 s11, s9;
	s11 =	simm.s32 $0x100;
	s5 =	smax.u32 s6, $0x1  }
0xd: {  	s6 =	sadd.s32 $0xF800, s10;
	s7 =	sadd.s32 s31, s7;
	s8 =	sadd.s32 s8, s9  }
0xe: {  	s9 =	simm.s32 $0x3;
	s10 =	simm.s32 $0x80;
	s7 =	sadd.s32 $0x10, s7  }
.LBB2_1:
0xf: {  	[tilespmem:s1], [sflag:$0x3] =	stream.linear.gather [hbm4b:s4+s1], $0x80, $0x38;
	[tilespmem:$0x8100] =	vst v63  }
0x10: {  	_ =	swait.ge [sflag:s9], $0x80  }
0x11: {  	s16 =	sand.u32 $0x1, s1;
	[sflag:s9] =	ssyncset.done $0x0  }
0x12: {  	s17 =	sxor.u32 $0x1, s16;
	[sflag:s9] =	ssyncadd.s32 $0xFFFFFF80  }
0x13: {  	[tilespmem:s11], [sflag:$0x1] =	stream.indirect.gather [hbm4b:s3+s10], $0x80, s1, s10, $0xb8;
	[tilespmem:$0x8100] =	vst v63  }
0x14: {  	s18 =	sshll.u32 s17, $0x7  }
0x15: {  	[tilespmem:s18], [sflag:$0x3] =	stream.linear.gather [hbm4b:s7+s1], $0x80, $0x38;
	[tilespmem:$0x8100] =	vst v63  }
0x16: {  	_ =	swait.ge [sflag:s9], $0x80  }
0x17: {  	s17 =	sshll.u32 s17, $0xE;
	[sflag:s9] =	ssyncset.done $0x0  }
0x18: {  	s17 =	sor.u32 $0x100, s17;
	[sflag:s9] =	ssyncadd.s32 $0xFFFFFF80  }
0x19: {  	[tilespmem:s17], [sflag:$0x1] =	stream.indirect.gather [hbm4b:s3+s10], $0x80, s18, s10, $0xb8;
	[tilespmem:$0x8100] =	vst v63  }
0x1a: {  	s29 =	simm.s32 $0x1;
	_ =	swait.ge [sflag:s12], $0x4000  }
0x1b: {  	s20 =	simm.s32 $0x2;
	s16 =	sshll.u32 s16, $0xE;
	[sflag:s12] =	ssyncset.done $0x0  }
0x1c: {  	s31 =	sand.u32 $0x1, s29;
	s30 =	sor.u32 $0x100, s16;
	[sflag:s12] =	ssyncadd.s32 $0xFFFFC000  }
0x1d: {  	[hbm4b:s8+s1] =	stream.linear.scatter [tilespmem:s30], [sflag:$0x2], $0x4000, $0x38;
	[tilespmem:$0x8100] =	vst v63  }
0x1e: {  	s16 =	sadd.s32 $0x800, s8;
	s19 =	sxor.u32 $0x1, s31;
	_ =	swait.ge [sflag:s13], $0x4000  }
0x1f: {  	s17 =	sadd.s32 $0x10, s7;
	s18 =	sshll.u32 s31, $0xE;
	[sflag:s13] =	ssyncset.done $0x0  }
.LBB2_2:
0x20: {  	s21 =	sshll.u32 s19, $0x7;
	[sflag:s13] =	ssyncadd.s32 $0xFFFFC000  }
0x21: {  	s22 =	smov.u32 s20;
	s23 =	sadd.s32 $0x1, s20;
	s24 =	smov.u32 s16  }
0x22: {  	[tilespmem:s21], [sflag:$0x3] =	stream.linear.gather [hbm4b:s17+s1], $0x80, $0x38;
	[tilespmem:$0x8100] =	vst v63  }
0x23: {  	p0 =	sne.s32 s20, $0x1E;
	_ =	swait.ge [sflag:s9], $0x80  }
0x24: {  	s19 =	sshll.u32 s19, $0xE;
	[sflag:s9] =	ssyncset.done $0x0  }
0x25: {  	s19 =	sor.u32 $0x100, s19;
	[sflag:s9] =	ssyncadd.s32 $0xFFFFFF80  }
0x26: {  	[tilespmem:s19], [sflag:$0x1] =	stream.indirect.gather [hbm4b:s3+s10], $0x80, s21, s10, $0xb8;
	[tilespmem:$0x8100] =	vst v63  }
0x27: {  	_ =	swait.ge [sflag:s12], $0x4000  }
.Ltmp0:
0x28: {  	s18 =	sor.u32 $0x100, s18;
	[sflag:s12] =	ssyncset.done $0x0;
	(pc) =	sbr.rel @p0 .LBB2_2-.Ltmp0, $4  }
0x29: {  	s16 =	sadd.s32 $0x800, s16;
	s17 =	sadd.s32 $0x10, s17;
	[sflag:s12] =	ssyncadd.s32 $0xFFFFC000  }
0x2a: {  	[hbm4b:s24+s1] =	stream.linear.scatter [tilespmem:s18], [sflag:$0x2], $0x4000, $0x38;
	[tilespmem:$0x8100] =	vst v63  }
0x2b: {  	s20 =	smov.u32 s23;
	s18 =	sand.u32 $0x1, s22;
	_ =	swait.ge [sflag:s13], $0x4000  }
0x2c: {  	s19 =	sxor.u32 $0x1, s18;
	s18 =	sshll.u32 s18, $0xE;
	[sflag:s13] =	ssyncset.done $0x0  }
0x2d: {  	s20 =	sshll.u32 s19, $0x7;
	[sflag:s13] =	ssyncadd.s32 $0xFFFFC000  }
0x2e: {  	[tilespmem:s20], [sflag:$0x3] =	stream.linear.gather [hbm4b:s17+s1], $0x80, $0x38;
	[tilespmem:$0x8100] =	vst v63  }
0x2f: {  	_ =	swait.ge [sflag:s9], $0x80  }
0x30: {  	s30 =	sshll.u32 s19, $0xE;
	[sflag:s9] =	ssyncset.done $0x0  }
0x31: {  	s17 =	sor.u32 $0x100, s30;
	[sflag:s9] =	ssyncadd.s32 $0xFFFFFF80  }
0x32: {  	[tilespmem:s17], [sflag:$0x1] =	stream.indirect.gather [hbm4b:s3+s10], $0x80, s20, s10, $0xb8;
	[tilespmem:$0x8100] =	vst v63  }
0x33: {  	_ =	swait.ge [sflag:s12], $0x4000  }
0x34: {  	[sflag:s12] =	ssyncset.done $0x0  }
0x35: {  	s31 =	sor.u32 $0x100, s18;
	[sflag:s12] =	ssyncadd.s32 $0xFFFFC000  }
0x36: {  	[hbm4b:s16+s1] =	stream.linear.scatter [tilespmem:s31], [sflag:$0x2], $0x4000, $0x38;
	[tilespmem:$0x8100] =	vst v63  }
0x37: {  	_ =	swait.ge [sflag:s13], $0x4000  }
0x38: {  	[sflag:s13] =	ssyncset.done $0x0  }
0x39: {  	[sflag:s13] =	ssyncadd.s32 $0xFFFFC000  }
0x3a: {  	s15 =	sadd.s32 $0x1, s15;
	_ =	swait.ge [sflag:s12], $0x4000  }
0x3b: {  	p0 =	sne.s32 s15, s5;
	[sflag:s12] =	ssyncset.done $0x0  }
.Ltmp1:
0x3c: {  	[sflag:s12] =	ssyncadd.s32 $0xFFFFC000;
	(pc) =	sbr.rel @p0 .LBB2_1-.Ltmp1, $4  }
0x3d: {  	[hbm4b:s6+s1] =	stream.linear.scatter [tilespmem:s14], [sflag:$0x2], $0x4000, $0x38;
	[tilespmem:$0x8100] =	vst v63  }
0x3e: {  	_ =	swait.ge [sflag:s13], $0x4000  }
0x3f: {  	[sflag:s13] =	ssyncset.done $0x0  }
0x40: {  	[sflag:s13] =	ssyncadd.s32 $0xFFFFC000  }
0x41: {  	_ =	sfence.sel $0x180000  }
0x42: {  	[bflag:$0x0] =	sbarrier.arrive $0xFFFF  }
0x43: {  	p0 =	sne.s32 s2, $0x0;
	_ =	strace $0x90000062  }
0x44: {  	s0 =	sadd.s32 @!p0 $0x100000, s0;
	[bflag:$0x2] =	sbarrier.arrive $0xFFFF  }
0x45: {  	[sflag:s0] =	ssyncadd.tile.s32 @!p0 $0x1;
	_ =	shalt  }
.Lfunc_end2:
_tile_overlayer_lowered:
.L_overlay_start_2:
0x46: {  	(tag) =	ssettag $0x2  }
0x47: {  	s0 =	rddreg [dreg:$0x0];
	s2 =	stileid.u32  }
0x48: {  	s1 =	rddreg [dreg:$0x1];
	p0 =	sne.s32 s2, $0x0  }
0x49: {  	s3 =	rddreg [dreg:$0x2];
	[bflag:$0x3] =	sbarrier.arrive $0xFFFF;
	s2 =	simm.s32 @!p0 $0x1C03  }
0x4a: {  	[timem:s3], [sflag:s2] =	dma.local @!p0 [hbm:s0], s1  }
0x4b: {  	s0 =	simm.s32 @!p0 $0x3  }
0x4c: {  	_ =	swait.ge @!p0 [sflag:s0], s1  }
0x4d: {  	s1 =	ssub.s32 @!p0 $0x0, s1;
	[sflag:s0] =	ssyncset.done @!p0 $0x0  }
0x4e: {  	[sflag:s0] =	ssyncadd.s32 @!p0 s1  }
0x4f: {  	[bflag:$0x3] =	sbarrier.arrive $0xFFFF  }
0x50: {  	_ =	shalt  }

// kernel: kernel.62.cloned.1.call-start
scs
__scs_entry_jumppad:
0x0: {  	(pc) =	sbr.rel $0x88, $3  }
0x1: {  	(tag) =	ssettag $0x0;
	lr =	simm.s32 $0x1  }
0x2: {  	[smem:$0x3F84] =	sst lr;
	_ =	strace $0xD0000000  }
0x3: {  	_ = 	snop  }
0x4: {  	_ = 	snop  }
0x5: {  	_ = 	snop  }
0x6: {  	_ = 	snop  }
0x7: {  	_ = 	snop  }
__scs_overlays_trampoline_lowered:
0x8: {  	[smem:$0x3F93] =	sst s0  }
0x9: {  	[smem:$0x3F94] =	sst s1  }
0xa: {  	[smem:$0x3F95] =	sst s2  }
0xb: {  	[smem:$0x3F96] =	sst s3  }
0xc: {  	[smem:$0x3F97] =	sst s4  }
0xd: {  	[smem:$0x3F98] =	sst s5  }
0xe: {  	[smem:$0x3F99] =	sst s6  }
0xf: {  	[smem:$0x3F9A] =	sst s7  }
0x10: {  	[smem:$0x3F9B] =	sst s8  }
0x11: {  	[smem:$0x3F9C] =	sst s9;
	s0 =	simm.s32 @!p0 $0x0  }
0x12: {  	s1 =	sld [smem:$0x3F82];
	s0 =	simm.s32 @p0 $0x1  }
0x13: {  	[smem:$0x3F9D] =	sst s0;
	s0 =	simm.s32 @!p1 $0x0  }
0x14: {  	s2 =	sld [smem:$0x3F81];
	s0 =	simm.s32 @p1 $0x1  }
0x15: {  	[smem:$0x3F9E] =	sst s0;
	s0 =	simm.s32 @!p2 $0x0  }
0x16: {  	s3 =	sld [smem:$0x3FDB];
	s0 =	simm.s32 @p2 $0x1  }
0x17: {  	s4 =	simm.s32 $0x1BF5;
	[smem:$0x3FA0] =	sst s0  }
0x18: {  	s0 =	sld [smem:$0x3F83];
	_ =	swait.ge [sflag:s4], $0x0  }
0x19: {  	s7 =	sld [smem:$0x3F84]  }
0x1a: {  	s8 =	sadd.s32 $0xFFFFE003, lr  }
0x1b: {  	s9 =	sadd.s32 $0xFFFFFEF7, lr;
	s5 =	simm.s32 $0xFFFFFFFF;
	p2 =	slt.u32 s8, $0xFFFFF086  }
0x1c: {  	p1 =	slt.u32 s9, $0xF7A;
	s5 =	simm.s32 @!p2 $0x0  }
0x1d: {  	s5 =	simm.s32 @p1 $0x1;
	p0 =	seq.s32 s7, s2  }
0x1e: {  	s7 =	smul.u32 @!p0 $0xF7A, s2;
	p2 =	seq.s32 @!p0 s5, $0x0  }
0x1f: {  	s9 =	smul.u32 $0xF7A, s1;
	s8 =	simm.s32 @!p0 $0x1BF5;
	p2 =	por !p2, p0  }
0x20: {  	[sflag:s8] =	ssyncset.s32 @!p0 $0xFFFFF086;
	s6 =	sadd.s32 @!p0 s3, s7;
	s7 =	simm.s32 @!p0 $0x108  }
0x21: {  	s3 =	sadd.s32 s3, s9;
	s6 =	sadd.s32 @!p0 $0x88, s6;
	s7 =	simm.s32 @p2 $0x1082  }
0x22: {  	[simem:s7], [sflag:s8] =	dma.local @!p0 [hbm:s6], $0xF7A  }
0x23: {  	s9 =	sor.u32 $0xD0000000, s2;
	s6 =	simm.s32 $0x108;
	_ =	swait.ge @!p0 [sflag:s8], $0x0  }
0x24: {  	s3 =	sadd.s32 $0x88, s3;
	s6 =	simm.s32 @!p1 $0x1082;
	[sflag:s4] =	ssyncset.s32 $0xFFFFF086  }
0x25: {  	[simem:s6], [sflag:s4] =	dma.local [hbm:s3], $0xF7A  }
0x26: {  	[smem:$0x3F84] =	sst s1;
	(tag) =	ssettag s2;
	_ =	strace s9  }
0x27: {  	s1 =	sld [smem:$0x3F94]  }
0x28: {  	s2 =	sld [smem:$0x3F95]  }
0x29: {  	s4 =	sld [smem:$0x3F97]  }
0x2a: {  	p0 =	seq.s32 s5, $0x0;
	s5 =	sld [smem:$0x3F98]  }
0x2b: {  	s6 =	sld [smem:$0x3F99]  }
0x2c: {  	s7 =	sld [smem:$0x3F9A]  }
0x2d: {  	s3 =	simm.s32 $0x108;
	s8 =	sld [smem:$0x3F9B]  }
0x2e: {  	s3 =	simm.s32 @!p0 $0x1082;
	s9 =	sld [smem:$0x3F9C]  }
0x2f: {  	lr =	sadd.s32 s0, s3;
	s0 =	sld [smem:$0x3F93]  }
0x30: {  	s3 =	sld [smem:$0x3F96]  }
0x31: {  	[smem:$0x3F9F] =	sst s10  }
0x32: {  	s10 =	sld [smem:$0x3F9D];
	_ =	sdelay $0x3  }
0x33: {  	p0 =	seq.s32 s10, $0x1;
	s10 =	sld [smem:$0x3F9F];
	_ =	sdelay $0x3  }
0x34: {  	[smem:$0x3F9F] =	sst s10  }
0x35: {  	s10 =	sld [smem:$0x3F9E];
	_ =	sdelay $0x3  }
0x36: {  	p1 =	seq.s32 s10, $0x1;
	s10 =	sld [smem:$0x3F9F];
	_ =	sdelay $0x3  }
0x37: {  	[smem:$0x3F9F] =	sst s10  }
0x38: {  	s10 =	sld [smem:$0x3FA0]  }
0x39: {  	_ = 	snop;
	(pc) =	sbr.ind lr, $3  }
0x3a: {  	_ = 	snop  }
0x3b: {  	_ = 	snop  }
0x3c: {  	p2 =	seq.s32 s10, $0x1;
	s10 =	sld [smem:$0x3F9F]  }
0x3d: {  	_ =	shalt  }
0x3e: {  	_ =	shalt  }
0x3f: {  	_ =	shalt  }
0x40: {  	_ =	shalt  }
0x41: {  	_ =	shalt  }
0x42: {  	_ =	shalt  }
0x43: {  	_ =	shalt  }
0x44: {  	_ =	shalt  }
0x45: {  	_ =	shalt  }
0x46: {  	_ =	shalt  }
0x47: {  	_ =	shalt  }
0x48: {  	_ =	shalt  }
0x49: {  	_ =	shalt  }
0x4a: {  	_ =	shalt  }
0x4b: {  	_ =	shalt  }
0x4c: {  	_ =	shalt  }
0x4d: {  	_ =	shalt  }
0x4e: {  	_ =	shalt  }
0x4f: {  	_ =	shalt  }
0x50: {  	_ =	shalt  }
0x51: {  	_ =	shalt  }
0x52: {  	_ =	shalt  }
0x53: {  	_ =	shalt  }
0x54: {  	_ =	shalt  }
0x55: {  	_ =	shalt  }
0x56: {  	_ =	shalt  }
0x57: {  	_ =	shalt  }
0x58: {  	_ =	shalt  }
0x59: {  	_ =	shalt  }
0x5a: {  	_ =	shalt  }
0x5b: {  	_ =	shalt  }
0x5c: {  	_ =	shalt  }
0x5d: {  	_ =	shalt  }
0x5e: {  	_ =	shalt  }
0x5f: {  	_ =	shalt  }
0x60: {  	_ =	shalt  }
0x61: {  	_ =	shalt  }
0x62: {  	_ =	shalt  }
0x63: {  	_ =	shalt  }
0x64: {  	_ =	shalt  }
0x65: {  	_ =	shalt  }
0x66: {  	_ =	shalt  }
0x67: {  	_ =	shalt  }
0x68: {  	_ =	shalt  }
0x69: {  	_ =	shalt  }
0x6a: {  	_ =	shalt  }
0x6b: {  	_ =	shalt  }
0x6c: {  	_ =	shalt  }
0x6d: {  	_ =	shalt  }
0x6e: {  	_ =	shalt  }
0x6f: {  	_ =	shalt  }
0x70: {  	_ =	shalt  }
0x71: {  	_ =	shalt  }
0x72: {  	_ =	shalt  }
0x73: {  	_ =	shalt  }
0x74: {  	_ =	shalt  }
0x75: {  	_ =	shalt  }
0x76: {  	_ =	shalt  }
0x77: {  	_ =	shalt  }
0x78: {  	_ =	shalt  }
0x79: {  	_ =	shalt  }
0x7a: {  	_ =	shalt  }
0x7b: {  	_ =	shalt  }
0x7c: {  	_ =	shalt  }
0x7d: {  	_ =	shalt  }
0x7e: {  	_ =	shalt  }
0x7f: {  	_ =	shalt  }
0x80: {  	_ =	shalt  }
0x81: {  	_ =	shalt  }
0x82: {  	_ =	shalt  }
0x83: {  	_ =	shalt  }
0x84: {  	_ =	shalt  }
0x85: {  	_ =	shalt  }
0x86: {  	_ =	shalt  }
0x87: {  	_ =	shalt  }
.Lfunc_end0:
.L_simem_size_0:
called_computation.10_lowered:
.L_overlay_start_0:
0x88: {  	s2 =	sld [smem:$0x3FD9]  }
0x89: {  	s3 =	sld [smem:$0x3FFE];
	_ =	sdelay $0x1  }
0x8a: {  	s1 =	srdreg.scid  }
0x8b: {  	s0 =	sand.u32 $0x1, s1  }
0x8c: {  	s16 =	sshll.u32 s0, $0xA;
	s2 =	sadd.s32 s3, s2  }
0x8d: {  	s2 =	sadd.s32 s2, s16  }
0x8e: {  	[smem:$0x3FAB] =	sst s2  }
0x8f: {  	_ = 	snop  }
0x90: {  	(tm) =	ssettm $0x1  }
0x91: {  	s17 =	sld [smem:$0x3FFB];
	_ =	sdelay $0x3  }
0x92: {  	_ =	strace s17  }
0x93: {  	s2 =	sld [smem:$0x3FFC];
	_ =	sdelay $0x3  }
0x94: {  	_ =	strace s2  }
0x95: {  	s2 =	sld [smem:$0x3FFD];
	_ =	sdelay $0x3  }
0x96: {  	_ =	strace s2  }
0x97: {  	_ =	strace $0x8FFFFFFF  }
0x98: {  	s18 =	sld [smem:$0x3FDB];
	_ =	sdelay $0x1  }
0x99: {  	s19 =	simm.s32 $_scs_section_size  }
0x9a: {  	s4 =	simm.s32 $_size__tile_overlayer_lowered;
	s5 =	simm.s32 $_tile_overlayer_lowered  }
0x9b: {  	s22 =	simm.s32 $0x1BFF;
	s21 =	sshll.u32 s5, $0x1;
	s2 =	sadd.s32 s19, s18  }
0x9c: {  	s6 =	simm.s32 $0x0;
	s20 =	sshll.u32 s4, $0x1;
	s4 =	sadd.s32 s21, s2  }
0x9d: {  	[timem:s6], [sflag:s22] =	dma.local [hbm:s4], s20  }
0x9e: {  	_ =	swait.ge [sflag:s22], s20  }
0x9f: {  	s3 =	ssub.s32 $0x0, s20;
	[sflag:s22] =	ssyncset.done $0x0  }
0xa0: {  	[sflag:s22] =	ssyncadd.s32 s3;
	_ =	sdelay $0x1  }
0xa1: {  	s23 =	simm.s32 $0x1B8B  }
0xa2: {  	_ =	swait.ge [sflag:s23], $0x1  }
0xa3: {  	[sflag:s23] =	ssyncset.done $0x0  }
0xa4: {  	s25 =	simm.s32 $0x1B8E;
	s24 =	sld [smem:$0x3FFE];
	[sflag:s23] =	ssyncadd.s32 $0xFFFFFFFF  }
0xa5: {  	s26 =	simm.s32 $execute0_lowered;
	[smem:$0x3FD2] =	sst s25  }
0xa6: {  	s4 =	sshll.u32 s26, $0x1;
	_ =	strace $0x80000064;
	[dreg:$0x1] =	wrdreg $0xFFFFFFFF  }
0xa7: {  	s28 =	simm.s32 $_size_execute0_lowered;
	s2 =	sadd.s32 s2, s4;
	[dreg:$0x0] =	wrdreg $0x0  }
0xa8: {  	s4 =	sshll.u32 s28, $0x1;
	[dreg:$0x2] =	wrdreg s2  }
0xa9: {  	[dreg:$0x3] =	wrdreg s4  }
0xaa: {  	[dreg:$0x4] =	wrdreg $0xC0  }
0xab: {  	_ =	task [dreg:s6], $0x5FFFF  }
0xac: {  	[dreg:$0x1] =	wrdreg $0xFFFFFFFF  }
0xad: {  	[dreg:$0x0] =	wrdreg $0x60  }
0xae: {  	[dreg:$0x2] =	wrdreg s24  }
0xaf: {  	[dreg:$0x3] =	wrdreg $0x9  }
0xb0: {  	_ =	task.clear_ibuf [dreg:s6], $0x4FFFF;
	_ =	strace $0x90000064  }
0xb1: {  	s29 =	simm.s32 $0x9;
	_ =	strace $0x80000066  }
0xb2: {  	_ =	swait.ge [sflag:s29], $0x1  }
0xb3: {  	[sflag:s29] =	ssyncadd.s32 $0xFFFFFFFF  }
0xb4: {  	_ =	strace $0x90000066  }
0xb5: {  	_ =	sfence  }
0xb6: {  	s30 =	sld [smem:$0x0];
	_ =	sdelay $0x2  }
0xb7: {  	s31 =	sshll.u32 s1, $0xD;
	s1 =	sshrl.u32 s1, $0x2  }
0xb8: {  	s3 =	sand.u32 $0x4000, s31;
	s1 =	sadd.s32 s1, s30  }
0xb9: {  	s0 =	sor.u32 s3, s0;
	s1 =	sshll.u32 s1, $0x11  }
0xba: {  	s0 =	sor.u32 s1, s0  }
0xbb: {  	s0 =	sadd.s32 $0x8F2B, s0  }
0xbc: {  	[sflag:s0] =	ssyncadd.remote.s32 $0x1  }
0xbd: {  	_ =	sfence.sel $0xFFFF  }
0xbe: {  	[dreg:$0x0] =	wrdreg $0xFFFFFFFF;
	(pc) =	sbr.abs _section_cstart, $3  }
0xbf: {  	[dreg:$0x1] =	wrdreg $0xFFFFFFFF  }
0xc0: {  	_ =	task.clear_ibuf [dreg:s6], $0x2FFFF;
	_ =	strace $0x9FFFFFFF  }
0xc1: {  	(tm) =	ssettm $0x7FFFFFFF  }
tec
execute0_lowered:
.L_overlay_start_1:
0x0: {  	(tag) =	ssettag $0x1  }
0x1: {  	s4 =	rddreg [dreg:$0x0]  }
0x2: {  	s0 =	rddreg [dreg:$0x1]  }
0x3: {  	s1 =	simm.s32 $0x0;
	s5 =	srdreg.scid;
	s2 =	stileid.u32  }
0x4: {  	s12 =	simm.s32 $0x1;
	s13 =	simm.s32 $0x2;
	s14 =	simm.s32 $0x4100  }
0x5: {  	s15 =	simm.s32 $0x0;
	[smem:$0x7FF] =	sst s1;
	s7 =	sadd.s32 $0x21200, s4  }
0x6: {  	s3 =	sadd.s32 $0x1200, s4;
	s8 =	sand.u32 $0x1, s5;
	s28 =	sshll.u32 s2, $0x1  }
0x7: {  	s9 =	sadd.s32 $0x25200, s4;
	s30 =	sshll.u32 s2, $0xA;
	s11 =	sshll.u32 s2, $0x11  }
0x8: {  	_ =	strace $0x80000065;
	s29 =	ssub.s32 $0x2, s8;
	s5 =	sor.u32 s8, s28  }
0x9: {  	s31 =	sshll.u32 s8, $0x9;
	s8 =	sshll.u32 s8, $0x10;
	s6 =	sshrl.u32 s29, $0x1  }
0xa: {  	s10 =	sshll.u32 s5, $0x10;
	s5 =	sshll.u32 s5, $0x9;
	s6 =	ssub.s32 s29, s6  }
0xb: {  	s4 =	sadd.s32 s7, s5;
	s10 =	sadd.s32 s9, s10;
	s7 =	sadd.s32 s30, s7  }
0xc: {  	s9 =	sadd.s32 s11, s9;
	s11 =	simm.s32 $0x100;
	s5 =	smax.u32 s6, $0x1  }
0xd: {  	s6 =	sadd.s32 $0xF800, s10;
	s7 =	sadd.s32 s31, s7;
	s8 =	sadd.s32 s8, s9  }
0xe: {  	s9 =	simm.s32 $0x3;
	s10 =	simm.s32 $0x80;
	s7 =	sadd.s32 $0x10, s7  }
.LBB2_1:
0xf: {  	[tilespmem:s1], [sflag:$0x3] =	stream.linear.gather [hbm4b:s4+s1], $0x80, $0x38;
	[tilespmem:$0x8100] =	vst v63  }
0x10: {  	_ =	swait.ge [sflag:s9], $0x80  }
0x11: {  	s16 =	sand.u32 $0x1, s1;
	[sflag:s9] =	ssyncset.done $0x0  }
0x12: {  	s17 =	sxor.u32 $0x1, s16;
	[sflag:s9] =	ssyncadd.s32 $0xFFFFFF80  }
0x13: {  	[tilespmem:s11], [sflag:$0x1] =	stream.indirect.gather [hbm4b:s3+s10], $0x80, s1, s10, $0xb8;
	[tilespmem:$0x8100] =	vst v63  }
0x14: {  	s18 =	sshll.u32 s17, $0x7  }
0x15: {  	[tilespmem:s18], [sflag:$0x3] =	stream.linear.gather [hbm4b:s7+s1], $0x80, $0x38;
	[tilespmem:$0x8100] =	vst v63  }
0x16: {  	_ =	swait.ge [sflag:s9], $0x80  }
0x17: {  	s17 =	sshll.u32 s17, $0xE;
	[sflag:s9] =	ssyncset.done $0x0  }
0x18: {  	s17 =	sor.u32 $0x100, s17;
	[sflag:s9] =	ssyncadd.s32 $0xFFFFFF80  }
0x19: {  	[tilespmem:s17], [sflag:$0x1] =	stream.indirect.gather [hbm4b:s3+s10], $0x80, s18, s10, $0xb8;
	[tilespmem:$0x8100] =	vst v63  }
0x1a: {  	s29 =	simm.s32 $0x1;
	_ =	swait.ge [sflag:s12], $0x4000  }
0x1b: {  	s20 =	simm.s32 $0x2;
	s16 =	sshll.u32 s16, $0xE;
	[sflag:s12] =	ssyncset.done $0x0  }
0x1c: {  	s31 =	sand.u32 $0x1, s29;
	s30 =	sor.u32 $0x100, s16;
	[sflag:s12] =	ssyncadd.s32 $0xFFFFC000  }
0x1d: {  	[hbm4b:s8+s1] =	stream.linear.scatter [tilespmem:s30], [sflag:$0x2], $0x4000, $0x38;
	[tilespmem:$0x8100] =	vst v63  }
0x1e: {  	s16 =	sadd.s32 $0x800, s8;
	s19 =	sxor.u32 $0x1, s31;
	_ =	swait.ge [sflag:s13], $0x4000  }
0x1f: {  	s17 =	sadd.s32 $0x10, s7;
	s18 =	sshll.u32 s31, $0xE;
	[sflag:s13] =	ssyncset.done $0x0  }
.LBB2_2:
0x20: {  	s21 =	sshll.u32 s19, $0x7;
	[sflag:s13] =	ssyncadd.s32 $0xFFFFC000  }
0x21: {  	s22 =	smov.u32 s20;
	s23 =	sadd.s32 $0x1, s20;
	s24 =	smov.u32 s16  }
0x22: {  	[tilespmem:s21], [sflag:$0x3] =	stream.linear.gather [hbm4b:s17+s1], $0x80, $0x38;
	[tilespmem:$0x8100] =	vst v63  }
0x23: {  	p0 =	sne.s32 s20, $0x1E;
	_ =	swait.ge [sflag:s9], $0x80  }
0x24: {  	s19 =	sshll.u32 s19, $0xE;
	[sflag:s9] =	ssyncset.done $0x0  }
0x25: {  	s19 =	sor.u32 $0x100, s19;
	[sflag:s9] =	ssyncadd.s32 $0xFFFFFF80  }
0x26: {  	[tilespmem:s19], [sflag:$0x1] =	stream.indirect.gather [hbm4b:s3+s10], $0x80, s21, s10, $0xb8;
	[tilespmem:$0x8100] =	vst v63  }
0x27: {  	_ =	swait.ge [sflag:s12], $0x4000  }
.Ltmp0:
0x28: {  	s18 =	sor.u32 $0x100, s18;
	[sflag:s12] =	ssyncset.done $0x0;
	(pc) =	sbr.rel @p0 .LBB2_2-.Ltmp0, $4  }
0x29: {  	s16 =	sadd.s32 $0x800, s16;
	s17 =	sadd.s32 $0x10, s17;
	[sflag:s12] =	ssyncadd.s32 $0xFFFFC000  }
0x2a: {  	[hbm4b:s24+s1] =	stream.linear.scatter [tilespmem:s18], [sflag:$0x2], $0x4000, $0x38;
	[tilespmem:$0x8100] =	vst v63  }
0x2b: {  	s20 =	smov.u32 s23;
	s18 =	sand.u32 $0x1, s22;
	_ =	swait.ge [sflag:s13], $0x4000  }
0x2c: {  	s19 =	sxor.u32 $0x1, s18;
	s18 =	sshll.u32 s18, $0xE;
	[sflag:s13] =	ssyncset.done $0x0  }
0x2d: {  	s20 =	sshll.u32 s19, $0x7;
	[sflag:s13] =	ssyncadd.s32 $0xFFFFC000  }
0x2e: {  	[tilespmem:s20], [sflag:$0x3] =	stream.linear.gather [hbm4b:s17+s1], $0x80, $0x38;
	[tilespmem:$0x8100] =	vst v63  }
0x2f: {  	_ =	swait.ge [sflag:s9], $0x80  }
0x30: {  	s30 =	sshll.u32 s19, $0xE;
	[sflag:s9] =	ssyncset.done $0x0  }
0x31: {  	s17 =	sor.u32 $0x100, s30;
	[sflag:s9] =	ssyncadd.s32 $0xFFFFFF80  }
0x32: {  	[tilespmem:s17], [sflag:$0x1] =	stream.indirect.gather [hbm4b:s3+s10], $0x80, s20, s10, $0xb8;
	[tilespmem:$0x8100] =	vst v63  }
0x33: {  	_ =	swait.ge [sflag:s12], $0x4000  }
0x34: {  	[sflag:s12] =	ssyncset.done $0x0  }
0x35: {  	s31 =	sor.u32 $0x100, s18;
	[sflag:s12] =	ssyncadd.s32 $0xFFFFC000  }
0x36: {  	[hbm4b:s16+s1] =	stream.linear.scatter [tilespmem:s31], [sflag:$0x2], $0x4000, $0x38;
	[tilespmem:$0x8100] =	vst v63  }
0x37: {  	_ =	swait.ge [sflag:s13], $0x4000  }
0x38: {  	[sflag:s13] =	ssyncset.done $0x0  }
0x39: {  	[sflag:s13] =	ssyncadd.s32 $0xFFFFC000  }
0x3a: {  	s15 =	sadd.s32 $0x1, s15;
	_ =	swait.ge [sflag:s12], $0x4000  }
0x3b: {  	p0 =	sne.s32 s15, s5;
	[sflag:s12] =	ssyncset.done $0x0  }
.Ltmp1:
0x3c: {  	[sflag:s12] =	ssyncadd.s32 $0xFFFFC000;
	(pc) =	sbr.rel @p0 .LBB2_1-.Ltmp1, $4  }
0x3d: {  	[hbm4b:s6+s1] =	stream.linear.scatter [tilespmem:s14], [sflag:$0x2], $0x4000, $0x38;
	[tilespmem:$0x8100] =	vst v63  }
0x3e: {  	_ =	swait.ge [sflag:s13], $0x4000  }
0x3f: {  	[sflag:s13] =	ssyncset.done $0x0  }
0x40: {  	[sflag:s13] =	ssyncadd.s32 $0xFFFFC000  }
0x41: {  	_ =	sfence.sel $0x180000  }
0x42: {  	[bflag:$0x0] =	sbarrier.arrive $0xFFFF  }
0x43: {  	p0 =	sne.s32 s2, $0x0;
	_ =	strace $0x90000065  }
0x44: {  	s0 =	sadd.s32 @!p0 $0x100000, s0;
	[bflag:$0x2] =	sbarrier.arrive $0xFFFF  }
0x45: {  	[sflag:s0] =	ssyncadd.tile.s32 @!p0 $0x1;
	_ =	shalt  }
.Lfunc_end2:
_tile_overlayer_lowered:
.L_overlay_start_2:
0x46: {  	(tag) =	ssettag $0x2  }
0x47: {  	s0 =	rddreg [dreg:$0x0];
	s2 =	stileid.u32  }
0x48: {  	s1 =	rddreg [dreg:$0x1];
	p0 =	sne.s32 s2, $0x0  }
0x49: {  	s3 =	rddreg [dreg:$0x2];
	[bflag:$0x3] =	sbarrier.arrive $0xFFFF;
	s2 =	simm.s32 @!p0 $0x1C03  }
0x4a: {  	[timem:s3], [sflag:s2] =	dma.local @!p0 [hbm:s0], s1  }
0x4b: {  	s0 =	simm.s32 @!p0 $0x3  }
0x4c: {  	_ =	swait.ge @!p0 [sflag:s0], s1  }
0x4d: {  	s1 =	ssub.s32 @!p0 $0x0, s1;
	[sflag:s0] =	ssyncset.done @!p0 $0x0  }
0x4e: {  	[sflag:s0] =	ssyncadd.s32 @!p0 s1  }
0x4f: {  	[bflag:$0x3] =	sbarrier.arrive $0xFFFF  }
0x50: {  	_ =	shalt  }

// kernel: sparse-core-data-format-call.1.cloned.1.call-start
scs
called_computation.1_lowered:
.L_overlay_start_0:
0x0: {  	s2 =	sld [smem:$0x3FD9]  }
0x1: {  	s3 =	sld [smem:$0x3FFE];
	_ =	sdelay $0x1  }
0x2: {  	s1 =	srdreg.scid  }
0x3: {  	s0 =	sand.u32 $0x1, s1  }
0x4: {  	s18 =	sshll.u32 s0, $0xA;
	s2 =	sadd.s32 s3, s2  }
0x5: {  	s2 =	sadd.s32 s2, s18  }
0x6: {  	[smem:$0x3FAB] =	sst s2  }
0x7: {  	_ = 	snop  }
0x8: {  	(tm) =	ssettm $0x1  }
0x9: {  	s19 =	sld [smem:$0x3FFB];
	_ =	sdelay $0x3  }
0xa: {  	_ =	strace s19  }
0xb: {  	s2 =	sld [smem:$0x3FFC];
	_ =	sdelay $0x3  }
0xc: {  	_ =	strace s2  }
0xd: {  	s2 =	sld [smem:$0x3FFD];
	_ =	sdelay $0x3  }
0xe: {  	_ =	strace s2  }
0xf: {  	_ =	strace $0x8FFFFFFF  }
0x10: {  	s20 =	sld [smem:$0x3FDB];
	_ =	sdelay $0x1  }
0x11: {  	s21 =	simm.s32 $_scs_section_size  }
0x12: {  	s4 =	simm.s32 $_size__tile_overlayer_lowered;
	s5 =	simm.s32 $_tile_overlayer_lowered  }
0x13: {  	s6 =	simm.s32 $0x1BFF;
	s22 =	sshll.u32 s5, $0x1;
	s3 =	sadd.s32 s21, s20  }
0x14: {  	s23 =	simm.s32 $0x0;
	s4 =	sshll.u32 s4, $0x1;
	s5 =	sadd.s32 s22, s3  }
0x15: {  	[timem:s23], [sflag:s6] =	dma.local [hbm:s5], s4  }
0x16: {  	_ =	swait.ge [sflag:s6], s4  }
0x17: {  	s4 =	ssub.s32 $0x0, s4;
	[sflag:s6] =	ssyncset.done $0x0  }
0x18: {  	[sflag:s6] =	ssyncadd.s32 s4;
	_ =	sdelay $0x1  }
0x19: {  	s24 =	simm.s32 $0x1B8B  }
0x1a: {  	_ =	swait.ge [sflag:s24], $0x1  }
0x1b: {  	[sflag:s24] =	ssyncset.done $0x0  }
0x1c: {  	[sflag:s24] =	ssyncadd.s32 $0xFFFFFFFF  }
0x1d: {  	s4 =	sld [smem:$0x0]  }
0x1e: {  	s5 =	sand.u32 $0xFFFFFFFE, s1  }
0x1f: {  	p0 =	sne.s32 s1, s5  }
0x20: {  	s5 =	sshll.u32 @p0 s5, $0xE  }
0x21: {  	s5 =	sadd.s32 @p0 $0x11B8D, s5;
	s6 =	sshll.u32 @p0 s4, $0x11  }
0x22: {  	s5 =	sor.u32 @p0 s6, s5  }
0x23: {  	[sflag:s5] =	ssyncadd.remote.s32 @p0 $0x1;
	_ =	sdelay $0x1  }
0x24: {  	s5 =	simm.s32 @p0 $0x1B8D  }
0x25: {  	_ =	swait.eq @p0 [sflag:s5], $0x1  }
0x26: {  	[sflag:s5] =	ssyncadd.s32 @p0 $0xFFFFFFFF  }
0x27: {  	s6 =	sshll.u32 @!p0 s1, $0xE  }
0x28: {  	s6 =	sor.u32 @!p0 $0x4000, s6;
	s5 =	simm.s32 @!p0 $0x1B8D  }
0x29: {  	s4 =	sshll.u32 @!p0 s4, $0x11;
	s6 =	sadd.s32 @!p0 $0x11B8D, s6;
	_ =	swait.eq @!p0 [sflag:s5], $0x1  }
0x2a: {  	s4 =	sor.u32 @!p0 s4, s6;
	[sflag:s5] =	ssyncadd.s32 @!p0 $0xFFFFFFFF  }
0x2b: {  	s26 =	simm.s32 $0x1B8E;
	s25 =	sld [smem:$0x3FFE];
	[sflag:s4] =	ssyncadd.remote.s32 @!p0 $0x1  }
0x2c: {  	s27 =	simm.s32 $execute0_lowered;
	[smem:$0x3FD2] =	sst s26  }
0x2d: {  	s5 =	sshll.u32 s27, $0x1;
	_ =	strace $0x8000004C;
	[dreg:$0x1] =	wrdreg $0xFFFFFFFF  }
0x2e: {  	s28 =	simm.s32 $_size_execute0_lowered;
	s3 =	sadd.s32 s3, s5;
	[dreg:$0x0] =	wrdreg $0x0  }
0x2f: {  	s5 =	sshll.u32 s28, $0x1;
	[dreg:$0x2] =	wrdreg s3  }
0x30: {  	[dreg:$0x3] =	wrdreg s5  }
0x31: {  	[dreg:$0x4] =	wrdreg $0xC0  }
0x32: {  	_ =	task [dreg:s23], $0x5FFFF  }
0x33: {  	[dreg:$0x1] =	wrdreg $0xFFFFFFFF  }
0x34: {  	[dreg:$0x0] =	wrdreg $0x60  }
0x35: {  	[dreg:$0x2] =	wrdreg s25  }
0x36: {  	[dreg:$0x3] =	wrdreg $0x9  }
0x37: {  	_ =	task.clear_ibuf [dreg:s23], $0x4FFFF;
	_ =	strace $0x9000004C  }
0x38: {  	s29 =	simm.s32 $0x9;
	_ =	strace $0x8000004E  }
0x39: {  	_ =	swait.ge [sflag:s29], $0x1  }
0x3a: {  	[sflag:s29] =	ssyncadd.s32 $0xFFFFFFFF  }
0x3b: {  	_ =	strace $0x9000004E  }
0x3c: {  	_ =	sfence  }
0x3d: {  	s30 =	sld [smem:$0x0];
	_ =	sdelay $0x2  }
0x3e: {  	s31 =	sshll.u32 s1, $0xD;
	s1 =	sshrl.u32 s1, $0x2  }
0x3f: {  	s4 =	sand.u32 $0x4000, s31;
	s1 =	sadd.s32 s1, s30  }
0x40: {  	s0 =	sor.u32 s4, s0;
	s1 =	sshll.u32 s1, $0x11  }
0x41: {  	s0 =	sor.u32 s1, s0  }
0x42: {  	s0 =	sadd.s32 $0x8F2B, s0  }
0x43: {  	[sflag:s0] =	ssyncadd.remote.s32 $0x1  }
0x44: {  	_ =	sfence.sel $0xFFFF  }
0x45: {  	[dreg:$0x0] =	wrdreg $0xFFFFFFFF;
	(pc) =	sbr.abs _section_cstart, $3  }
0x46: {  	[dreg:$0x1] =	wrdreg $0xFFFFFFFF  }
0x47: {  	_ =	task.clear_ibuf [dreg:s23], $0x2FFFF;
	_ =	strace $0x9FFFFFFF  }
0x48: {  	(tm) =	ssettm $0x7FFFFFFF  }
0x49: {  	_ =	shalt  }
tec
execute0_lowered:
.L_overlay_start_1:
0x0: {  	(tag) =	ssettag $0x1  }
0x1: {  	s0 =	stileid.u32  }
0x2: {  	s1 =	srdreg.scid;
	s4 =	rddreg [dreg:$0x0]  }
0x3: {  	_ =	strace $0x8000004D;
	s7 =	simm.s32 $0x1;
	s31 =	simm.s32 $0x2  }
0x4: {  	s19 =	simm.s32 $0x0;
	s21 =	simm.s32 $0x0;
	s20 =	simm.s32 $0x0  }
0x5: {  	s22 =	simm.s32 $0x0;
	s2 =	sshll.u32 s0, $0x5;
	s1 =	sshll.u32 s1, $0x9  }
0x6: {  	s10 =	simm.s32 $0x0;
	s12 =	simm.s32 $0x0;
	s1 =	sor.u32 s2, s1  }
0x7: {  	s13 =	simm.s32 $0x0;
	s14 =	simm.s32 $0x0;
	s2 =	sand.u32 $0x380, s1  }
0x8: {  	s15 =	simm.s32 $0x0;
	s18 =	simm.s32 $0x0;
	s5 =	ssub.s32 $0x800, s2  }
0x9: {  	s3 =	sadd.s32 $0xC5200, s4;
	s4 =	sadd.s32 $0x6C9200, s4;
	s6 =	sand.u32 $0x380, s5  }
.Ltmp0:
0xa: {  	s1 =	simm.s32 $0x0;
	p0 =	sne.s32 s6, $0x0;
	(pc) =	sbr.rel .LBB1_1-.Ltmp0, $4  }
0xb: {  	s16 =	smov.u32 s2;
	s8 =	sshrl.u32 s5, $0xA;
	s7 =	simm.s32 @!p0 $0x0  }
0xc: {  	s5 =	sand.u32 $0x3, s0;
	s6 =	simm.s32 $0x1;
	s7 =	sadd.s32 s7, s8  }
0xd: {  	s17 =	smov.u32 s5;
	[sflag:s6] =	ssyncpa.u1 $0x0;
	s7 =	sshll.u32 s7, $0x5  }
0xe: {  	p0 =	por $0x0, $0x0;
	[sflag:s31] =	ssyncpa.u1 $0x0;
	s8 =	sor.u32 $0x1, s7  }
.LBB1_4:
0xf: {  	v5 =	vld [tilespmem:s24+$0xFFFFFFD0]  }
0x10: {  	v58 =	vld [tilespmem:s24+$0xFFFFFFE0]  }
0x11: {  	v59 =	vld [tilespmem:s24+$0xFFFFFFF0]  }
0x12: {  	s27 =	sshra.s32 s27, $0x2;
	v60 =	vld [tilespmem:s24+$0x0]  }
0x13: {  	s9 =	sshll.u32 s10, $0xB;
	p1 =	sgt.s32 s13, $0x3;
	s28 =	smov.u32 s13;
	v61 =	vld [tilespmem:s24+$0x10]  }
0x14: {  	s29 =	sshra.s32 s13, $0x1F;
	s30 =	sshll.u32 s12, $0x3;
	s11 =	sand.u32 $0x78, s12;
	v62 =	vld [tilespmem:s24+$0x20]  }
0x15: {  	v63 =	vld [tilespmem:s24+$0xFFFFFFC0];
	s24 =	smul.u32 $0x88000, s13;
	s26 =	sadd.s32 s27, s26;
	s28 =	simm.s32 @!p1 $0x3  }
0x16: {  	s29 =	sand.u32 s29, s13;
	s27 =	sand.u32 $0xFFFFC000, s9;
	s31 =	sand.u32 $0xFFFFFC00, s30  }
0x17: {  	s30 =	sand.u32 $0x400, s30;
	s9 =	sshra.s32 s12, $0x1F;
	s28 =	ssub.s32 s28, s29  }
0x18: {  	s27 =	sadd.s32 s31, s27;
	s29 =	sor.u32 s11, s30;
	s30 =	smov.u32 s12  }
0x19: {  	s11 =	smov.u32 s1;
	s31 =	sand.u32 s9, s12;
	s0 =	sadd.s32 $0xFFFFFFFD, s28  }
0x1a: {  	s9 =	sshra.s32 s10, $0x1F;
	s28 =	ssub.s32 $0x4, s28;
	p1 =	sgt.s32 s0, $0x0  }
0x1b: {  	s27 =	sshrl.u32 s27, $0xB;
	s28 =	simm.s32 @p1 $0x0;
	p1 =	sgt.s32 s12, $0x780  }
0x1c: {  	s0 =	sshra.s32 s1, $0x1F;
	s30 =	simm.s32 @!p1 $0x780;
	p1 =	sgt.s32 s1, $0xF  }
0x1d: {  	s9 =	sand.u32 s9, s10;
	s0 =	sand.u32 s0, s1;
	s11 =	simm.s32 @!p1 $0xF  }
0x1e: {  	s30 =	ssub.s32 s30, s31;
	p1 =	sgt.s32 s10, $0x8;
	s0 =	ssub.s32 s11, s0  }
0x1f: {  	[tilespmem:s25+$0x2040 ss:$0x81] =	vst.msk $0xffff, v4;
	s11 =	smov.u32 s10;
	s31 =	sadd.s32 $0xFFFFF880, s30;
	s30 =	ssub.s32 $0x800, s30  }
0x20: {  	[tilespmem:s25+$0x2850 ss:$0x81] =	vst.msk $0xffff, v3;
	s11 =	simm.s32 @!p1 $0x8;
	p1 =	sgt.s32 s31, $0x7F;
	s31 =	sadd.s32 $0xFFFFFFF1, s0  }
0x21: {  	[tilespmem:s25+$0x3060 ss:$0x81] =	vst.msk $0xffff, v2;
	s30 =	simm.s32 @p1 $0x0;
	p1 =	sgt.s32 s31, $0x0;
	s31 =	smulhi.u32 $0x1E1E1E2, s27  }
0x22: {  	[tilespmem:s25+$0x0 ss:$0x81] =	vst.msk $0xffff, v1;
	s0 =	ssub.s32 $0x10, s0;
	s9 =	ssub.s32 s11, s9;
	s11 =	smul.u32 s28, s30  }
0x23: {  	[tilespmem:s26+$0x3870 ss:$0x81] =	vst.msk $0xffff, v0;
	s30 =	sshll.u32 s10, $0x7;
	s0 =	simm.s32 @p1 $0x0;
	s28 =	smul.u32 $0x88, s31  }
0x24: {  	[tilespmem:s26+$0x810 ss:$0x81] =	vst.msk $0xffff, v5;
	s25 =	sand.u32 $0x380, s30;
	s31 =	sadd.s32 $0xFFFFFFF8, s9;
	s9 =	ssub.s32 $0x88, s9  }
0x25: {  	[tilespmem:s26+$0x1020 ss:$0x81] =	vst.msk $0xffff, v58;
	s0 =	smul.u32 s0, s11;
	p1 =	sgt.s32 s31, $0x7F;
	s30 =	sor.u32 s25, s29  }
0x26: {  	[tilespmem:s26+$0x1830 ss:$0x81] =	vst.msk $0xffff, v59;
	s31 =	smul.u32 $0x8800, s1;
	s11 =	sadd.s32 s4, s24;
	s9 =	simm.s32 @p1 $0x0  }
0x27: {  	[tilespmem:s26+$0x2040 ss:$0x81] =	vst.msk $0xffff, v60;
	s27 =	ssub.s32 s27, s28;
	s24 =	sshrl.u32 s30, $0x3;
	s28 =	sand.u32 $0x7, s12  }
0x28: {  	[tilespmem:s26+$0x2850 ss:$0x81] =	vst.msk $0xffff, v61;
	s0 =	smul.u32 s9, s0;
	s9 =	sadd.s32 s31, s11;
	s29 =	sshll.u32 s27, $0x8  }
0x29: {  	[tilespmem:s26+$0x3060 ss:$0x81] =	vst.msk $0xffff, v62;
	s30 =	sshll.u32 s28, $0x12;
	s31 =	simm.s32 $0x4000;
	s9 =	sadd.s32 s24, s9  }
0x2a: {  	[tilespmem:s26+$0x0 ss:$0x81] =	vst.msk $0xffff, v63;
	s11 =	sor.u32 $0x400, s30;
	s0 =	sand.u32 $0x3FFFFFFF, s0;
	s9 =	sadd.s32 s29, s9  }
0x2b: {  	[hbm4b:s9+s11] =	stream.strided.scatter [tilespmem:s23], [sflag:$0x2], s0, s31, s11, $0x20;
	[tilespmem:$0x10100] =	vst v63  }
.LBB1_5:
0x2c: {  	p1 =	slt.u32 s18, $0x2;
	s0 =	smov.u32 s22  }
0x2d: {  	s23 =	sadd.s32 $0x80, s14;
	s24 =	smov.u32 s16;
	s25 =	smov.u32 s17  }
0x2e: {  	p0 =	por !p0, !p0;
	p2 =	sgt.s32 @!p1 s22, $0x3;
	s9 =	sshra.s32 @!p1 s22, $0x1F  }
0x2f: {  	s11 =	sshra.s32 @!p1 s21, $0x1F;
	p3 =	sgt.s32 @!p1 s20, $0x780;
	p2 =	por !p2, p1  }
0x30: {  	s9 =	sand.u32 @!p1 s9, s22;
	s11 =	sand.u32 @!p1 s11, s21;
	s0 =	simm.s32 @p2 $0x3  }
0x31: {  	p3 =	por !p3, p1;
	p2 =	sgt.s32 @!p1 s21, $0xF;
	s0 =	ssub.s32 @!p1 s0, s9  }
0x32: {  	p2 =	por !p2, p1;
	s9 =	smov.u32 s21;
	s21 =	sadd.s32 @!p1 $0xFFFFFFFD, s0  }
0x33: {  	s9 =	simm.s32 @p2 $0xF;
	s0 =	ssub.s32 @!p1 $0x4, s0;
	p2 =	sgt.s32 @!p1 s21, $0x0  }
0x34: {  	s9 =	ssub.s32 @!p1 s9, s11;
	s21 =	sshra.s32 @!p1 s20, $0x1F;
	p2 =	por !p2, p1  }
0x35: {  	s11 =	sadd.s32 @!p1 $0xFFFFFFF1, s9;
	s9 =	ssub.s32 @!p1 $0x10, s9;
	s0 =	simm.s32 @!p2 $0x0  }
0x36: {  	p2 =	sgt.s32 @!p1 s11, $0x0;
	s11 =	smov.u32 s20;
	s20 =	sand.u32 @!p1 s21, s20  }
0x37: {  	s21 =	sshra.s32 @!p1 s19, $0x1F;
	s11 =	simm.s32 @p3 $0x780;
	p3 =	sgt.s32 @!p1 s19, $0x8  }
0x38: {  	p2 =	por !p2, p1;
	s11 =	ssub.s32 @!p1 s11, s20;
	p3 =	por !p3, p1  }
0x39: {  	s20 =	smov.u32 s19;
	s19 =	sand.u32 @!p1 s21, s19;
	s21 =	sadd.s32 @!p1 $0xFFFFF880, s11  }
0x3a: {  	s9 =	simm.s32 @!p2 $0x0;
	s20 =	simm.s32 @p3 $0x8;
	p2 =	sgt.s32 @!p1 s21, $0x7F  }
0x3b: {  	s11 =	ssub.s32 @!p1 $0x800, s11;
	s19 =	ssub.s32 @!p1 s20, s19;
	p2 =	por !p2, p1  }
0x3c: {  	s22 =	smov.u32 s13;
	s20 =	sadd.s32 @!p1 $0xFFFFFFF8, s19;
	s11 =	simm.s32 @!p2 $0x0  }
0x3d: {  	p2 =	sgt.s32 s23, $0x82;
	s0 =	smul.u32 @!p1 s0, s11;
	s11 =	simm.s32 $0x1  }
0x3e: {  	s19 =	ssub.s32 @!p1 $0x88, s19;
	p3 =	sgt.s32 @!p1 s20, $0x7F;
	s11 =	simm.s32 @!p2 $0x0  }
0x3f: {  	p3 =	por !p3, p1;
	s0 =	smul.u32 @!p1 s9, s0;
	s9 =	sadd.s32 s11, s15  }
0x40: {  	s19 =	simm.s32 @!p3 $0x0;
	s11 =	sadd.s32 $0x400, s16;
	p3 =	sgt.s32 s9, $0xF  }
0x41: {  	s13 =	smov.u32 s17;
	s21 =	smov.u32 s1;
	s24 =	smov.u32 @p3 s11  }
0x42: {  	s23 =	simm.s32 @p2 $0x0;
	s11 =	sadd.s32 $0x4, s17;
	p2 =	sgt.s32 s24, $0x7FF  }
0x43: {  	s1 =	smov.u32 s15;
	s20 =	smov.u32 s12;
	s25 =	smov.u32 @p2 s11  }
0x44: {  	s12 =	smov.u32 s16;
	s24 =	smov.u32 @p2 s2;
	p2 =	sgt.s32 s25, $0x3  }
0x45: {  	s0 =	smul.u32 @!p1 s19, s0;
	s25 =	smov.u32 @p2 s5;
	p2 =	sne.s32 s18, s8  }
.Ltmp1:
0x46: {  	s9 =	simm.s32 @p3 $0x0;
	s19 =	smov.u32 s10;
	(pc) =	sbr.rel @!p2 .LBB1_6-.Ltmp1, $4  }
0x47: {  	s10 =	smov.u32 s14;
	s0 =	sand.u32 @!p1 $0x3FFFFFFF, s0;
	s11 =	simm.s32 @!p1 $0x2  }
0x48: {  	s14 =	smov.u32 s23;
	s15 =	smov.u32 s9;
	_ =	swait.ge @!p1 [sflag:s11], s0  }
0x49: {  	s0 =	ssub.s32 @!p1 $0x0, s0;
	s16 =	smov.u32 s24;
	[sflag:s11] =	ssyncset.done @!p1 $0x0  }
0x4a: {  	s18 =	sadd.s32 $0x1, s18;
	[sflag:s11] =	ssyncadd.s32 @!p1 s0;
	s17 =	smov.u32 s25  }
.LBB1_1:
0x4b: {  	p1 =	sge.u32 s18, s7;
	s31 =	sadd.s32 $0xFFFFFFFF, s18  }
0x4c: {  	s23 =	sxor.u32 @!p1 $0xFFFFFFFF, s18;
	s24 =	sand.u32 @!p1 $0x78, s14;
	s25 =	sshll.u32 @!p1 s15, $0x8  }
0x4d: {  	s26 =	sshll.u32 @!p1 s14, $0x3;
	s27 =	sshll.u32 @!p1 s15, $0x7;
	s23 =	sshll.u32 @!p1 s23, $0xE  }
0x4e: {  	s25 =	sand.u32 @!p1 $0x800, s25;
	s26 =	sand.u32 @!p1 $0xC00, s26;
	s23 =	sand.u32 @!p1 $0x4000, s23  }
0x4f: {  	s25 =	sadd.s32 @!p1 s25, s26;
	s26 =	sand.u32 @!p1 $0x300, s27;
	s27 =	sand.u32 @!p1 $0x80, s27  }
0x50: {  	s25 =	sor.u32 @!p1 s26, s25;
	s24 =	sor.u32 @!p1 s24, s27;
	s26 =	sshll.u32 @!p1 s17, $0x14  }
0x51: {  	s27 =	sshll.u32 @!p1 s16, $0x9;
	s25 =	sshrl.u32 @!p1 s25, $0x3;
	s26 =	sadd.s32 @!p1 s3, s26  }
0x52: {  	s24 =	sshrl.u32 @!p1 s24, $0x3;
	s26 =	sadd.s32 @!p1 s27, s26;
	s27 =	sand.u32 @!p1 $0x7, s14  }
0x53: {  	s25 =	sand.u32 @!p1 $0x1E0, s25;
	s24 =	sadd.s32 @!p1 s24, s26;
	s26 =	sshll.u32 @!p1 s27, $0x12  }
0x54: {  	s24 =	sadd.s32 @!p1 s25, s24;
	s25 =	sor.u32 @!p1 $0x80, s26;
	s26 =	simm.s32 @!p1 $0x1000  }
0x55: {  	[tilespmem:s23], [sflag:$0x1] =	stream.strided.gather @!p1 [hbm4b:s24+s25], $0x4000, s26, s25, $0x38;
	[tilespmem:$0x10100] =	vst v63  }
0x56: {  	p1 =	sge.u32 s31, s7  }
.Ltmp2:
0x57: {  	_ = 	snop;
	(pc) =	sbr.rel @p1 .LBB1_5-.Ltmp2, $1  }
0x58: {  	_ =	sdelay $0x3  }
0x59: {  	s23 =	simm.s32 $0x1  }
0x5a: {  	_ =	swait.ge [sflag:s6], $0x4000;
	s23 =	simm.s32 @!p0 $0x0  }
0x5b: {  	[sflag:s6] =	ssyncset.done $0x0;
	s24 =	sshll.u32 s23, $0xE  }
0x5c: {  	[sflag:s6] =	ssyncadd.s32 $0xFFFFC000;
	s24 =	sor.u32 $0x40, s24  }
0x5d: {  	s23 =	smul.u32 $0x10200, s23;
	v0 =	vld [tilespmem:s24+$0x30]  }
0x5e: {  	v1 =	vld [tilespmem:s24+$0xFFFFFFD0]  }
0x5f: {  	s23 =	sshrl.u32 s23, $0x2;
	v5 =	vld [tilespmem:s24+$0xFFFFFFE0]  }
0x60: {  	v6 =	vld [tilespmem:s24+$0xFFFFFFF0];
	s26 =	sor.u32 $0x8000, s23  }
0x61: {  	s31 =	sand.u32 $0x1, s18;
	v4 =	vld [tilespmem:s24+$0x0];
	s25 =	sadd.s32 $0x0, s26  }
0x62: {  	v3 =	vld [tilespmem:s24+$0x10];
	s23 =	smul.u32 $0x10200, s31;
	[tilespmem:s25+$0x3870 ss:$0x81] =	vst.msk $0xffff, v0  }
0x63: {  	v2 =	vld [tilespmem:s24+$0x20];
	[tilespmem:s25+$0x810 ss:$0x81] =	vst.msk $0xffff, v1  }
0x64: {  	s23 =	sshrl.u32 s23, $0x2;
	v1 =	vld [tilespmem:s24+$0xFFFFFFC0];
	[tilespmem:s25+$0x1020 ss:$0x81] =	vst.msk $0xffff, v5;
	s24 =	sadd.s32 $0x80, s24  }
0x65: {  	s27 =	simm.s32 $0x4;
	s28 =	simm.s32 $0x8;
	s23 =	sor.u32 $0x8000, s23;
	[tilespmem:s25+$0x1830 ss:$0x81] =	vst.msk $0xffff, v6;
	v0 =	vld [tilespmem:s24+$0x30]  }
.LBB1_3:
0x66: {  	p1 =	sne.s32 s28, $0x1FC;
	v5 =	vld [tilespmem:s24+$0xFFFFFFD0];
	[tilespmem:s25+$0x2040 ss:$0x81] =	vst.msk $0xffff, v4  }
0x67: {  	v6 =	vld [tilespmem:s24+$0xFFFFFFE0];
	[tilespmem:s25+$0x2850 ss:$0x81] =	vst.msk $0xffff, v3  }
0x68: {  	s29 =	sshra.s32 s27, $0x2;
	s27 =	smov.u32 s28;
	v7 =	vld [tilespmem:s24+$0xFFFFFFF0];
	[tilespmem:s25+$0x3060 ss:$0x81] =	vst.msk $0xffff, v2  }
.Ltmp3:
0x69: {  	v4 =	vld [tilespmem:s24+$0x0];
	[tilespmem:s25+$0x0 ss:$0x81] =	vst.msk $0xffff, v1;
	s25 =	sadd.s32 s29, s26;
	(pc) =	sbr.rel @p1 .LBB1_3-.Ltmp3, $4  }
0x6a: {  	v3 =	vld [tilespmem:s24+$0x10];
	[tilespmem:s25+$0x3870 ss:$0x81] =	vst.msk $0xffff, v0  }
0x6b: {  	[tilespmem:s25+$0x810 ss:$0x81] =	vst.msk $0xffff, v5;
	v2 =	vld [tilespmem:s24+$0x20]  }
0x6c: {  	v1 =	vld [tilespmem:s24+$0xFFFFFFC0];
	[tilespmem:s25+$0x1020 ss:$0x81] =	vst.msk $0xffff, v6;
	s24 =	sadd.s32 $0x80, s24  }
0x6d: {  	s28 =	sadd.s32 $0x4, s28;
	v0 =	vld [tilespmem:s24+$0x30];
	[tilespmem:s25+$0x1830 ss:$0x81] =	vst.msk $0xffff, v7  }
.Ltmp4:
0x6e: {  	_ = 	snop;
	(pc) =	sbr.rel .LBB1_4-.Ltmp4, $1  }
0x6f: {  	_ =	sdelay $0x3  }
.LBB1_6:
0x70: {  	_ =	sfence.sel $0x180000  }
0x71: {  	s0 =	simm.s32 $0x1;
	[bflag:$0x0] =	sbarrier.arrive $0xFFFF  }
0x72: {  	s30 =	simm.s32 $0x2;
	[sflag:s0] =	ssyncpa.u1 $0x1  }
0x73: {  	[sflag:s30] =	ssyncpa.u1 $0x1  }
0x74: {  	_ =	strace $0x9000004D  }
0x75: {  	s31 =	stileid.u32;
	[bflag:$0x2] =	sbarrier.arrive $0xFFFF  }
0x76: {  	p0 =	sne.s32 s31, $0x0;
	s0 =	rddreg [dreg:$0x1]  }
0x77: {  	s0 =	sadd.s32 @!p0 $0x100000, s0  }
0x78: {  	[sflag:s0] =	ssyncadd.tile.s32 @!p0 $0x1;
	_ =	shalt  }
.Lfunc_end1:
_tile_overlayer_lowered:
.L_overlay_start_2:
0x79: {  	(tag) =	ssettag $0x2  }
0x7a: {  	s0 =	rddreg [dreg:$0x0];
	s2 =	stileid.u32  }
0x7b: {  	s1 =	rddreg [dreg:$0x1];
	p0 =	sne.s32 s2, $0x0  }
0x7c: {  	s3 =	rddreg [dreg:$0x2];
	[bflag:$0x3] =	sbarrier.arrive $0xFFFF;
	s2 =	simm.s32 @!p0 $0x1C01  }
0x7d: {  	[timem:s3], [sflag:s2] =	dma.local @!p0 [hbm:s0], s1  }
0x7e: {  	s0 =	simm.s32 @!p0 $0x1  }
0x7f: {  	_ =	swait.ge @!p0 [sflag:s0], s1  }
0x80: {  	s1 =	ssub.s32 @!p0 $0x0, s1;
	[sflag:s0] =	ssyncset.done @!p0 $0x0  }
0x81: {  	[sflag:s0] =	ssyncadd.s32 @!p0 s1  }
0x82: {  	[bflag:$0x3] =	sbarrier.arrive $0xFFFF  }
0x83: {  	_ =	shalt  }

// kernel: sparse-core-data-format-call.cloned.1.call-start
scs
called_computation_lowered:
.L_overlay_start_0:
0x0: {  	s1 =	sld [smem:$0x3FD9]  }
0x1: {  	s2 =	sld [smem:$0x3FFE];
	_ =	sdelay $0x1  }
0x2: {  	s3 =	srdreg.scid  }
0x3: {  	s0 =	sand.u32 $0x1, s3  }
0x4: {  	s17 =	sshll.u32 s0, $0xA;
	s1 =	sadd.s32 s2, s1  }
0x5: {  	s1 =	sadd.s32 s1, s17  }
0x6: {  	[smem:$0x3FAB] =	sst s1  }
0x7: {  	_ = 	snop  }
0x8: {  	(tm) =	ssettm $0x1  }
0x9: {  	s18 =	sld [smem:$0x3FFB];
	_ =	sdelay $0x3  }
0xa: {  	_ =	strace s18  }
0xb: {  	s1 =	sld [smem:$0x3FFC];
	_ =	sdelay $0x3  }
0xc: {  	_ =	strace s1  }
0xd: {  	s1 =	sld [smem:$0x3FFD];
	_ =	sdelay $0x3  }
0xe: {  	_ =	strace s1  }
0xf: {  	_ =	strace $0x8FFFFFFF  }
0x10: {  	s19 =	sld [smem:$0x3FDB];
	_ =	sdelay $0x1  }
0x11: {  	s20 =	simm.s32 $_scs_section_size  }
0x12: {  	s4 =	simm.s32 $_size__tile_overlayer_lowered;
	s5 =	simm.s32 $_tile_overlayer_lowered  }
0x13: {  	s23 =	simm.s32 $0x1BFF;
	s22 =	sshll.u32 s5, $0x1;
	s1 =	sadd.s32 s20, s19  }
0x14: {  	s6 =	simm.s32 $0x0;
	s21 =	sshll.u32 s4, $0x1;
	s4 =	sadd.s32 s22, s1  }
0x15: {  	[timem:s6], [sflag:s23] =	dma.local [hbm:s4], s21  }
0x16: {  	_ =	swait.ge [sflag:s23], s21  }
0x17: {  	s2 =	ssub.s32 $0x0, s21;
	[sflag:s23] =	ssyncset.done $0x0  }
0x18: {  	[sflag:s23] =	ssyncadd.s32 s2;
	_ =	sdelay $0x1  }
0x19: {  	s24 =	simm.s32 $0x1B8B  }
0x1a: {  	_ =	swait.ge [sflag:s24], $0x1  }
0x1b: {  	[sflag:s24] =	ssyncset.done $0x0  }
0x1c: {  	s26 =	simm.s32 $0x1B8E;
	s25 =	sld [smem:$0x3FFE];
	[sflag:s24] =	ssyncadd.s32 $0xFFFFFFFF  }
0x1d: {  	s27 =	simm.s32 $execute0_lowered;
	[smem:$0x3FD2] =	sst s26  }
0x1e: {  	s4 =	sshll.u32 s27, $0x1;
	_ =	strace $0x8000005E;
	[dreg:$0x1] =	wrdreg $0xFFFFFFFF  }
0x1f: {  	s28 =	simm.s32 $_size_execute0_lowered;
	s1 =	sadd.s32 s1, s4;
	[dreg:$0x0] =	wrdreg $0x0  }
0x20: {  	s4 =	sshll.u32 s28, $0x1;
	[dreg:$0x2] =	wrdreg s1  }
0x21: {  	[dreg:$0x3] =	wrdreg s4  }
0x22: {  	[dreg:$0x4] =	wrdreg $0xC0  }
0x23: {  	_ =	task [dreg:s6], $0x5FFFF  }
0x24: {  	[dreg:$0x1] =	wrdreg $0xFFFFFFFF  }
0x25: {  	[dreg:$0x0] =	wrdreg $0x60  }
0x26: {  	[dreg:$0x2] =	wrdreg s25  }
0x27: {  	[dreg:$0x3] =	wrdreg $0x9  }
0x28: {  	_ =	task.clear_ibuf [dreg:s6], $0x4FFFF;
	_ =	strace $0x9000005E  }
0x29: {  	s29 =	simm.s32 $0x9;
	_ =	strace $0x80000060  }
0x2a: {  	_ =	swait.ge [sflag:s29], $0x1  }
0x2b: {  	[sflag:s29] =	ssyncadd.s32 $0xFFFFFFFF  }
0x2c: {  	_ =	strace $0x90000060  }
0x2d: {  	_ =	sfence  }
0x2e: {  	s30 =	sld [smem:$0x0];
	_ =	sdelay $0x2  }
0x2f: {  	s31 =	sshll.u32 s3, $0xD;
	s3 =	sshrl.u32 s3, $0x2  }
0x30: {  	s2 =	sand.u32 $0x4000, s31;
	s1 =	sadd.s32 s3, s30  }
0x31: {  	s0 =	sor.u32 s2, s0;
	s1 =	sshll.u32 s1, $0x11  }
0x32: {  	s0 =	sor.u32 s1, s0  }
0x33: {  	s0 =	sadd.s32 $0x8F2B, s0  }
0x34: {  	[sflag:s0] =	ssyncadd.remote.s32 $0x1  }
0x35: {  	_ =	sfence.sel $0xFFFF  }
0x36: {  	[dreg:$0x0] =	wrdreg $0xFFFFFFFF;
	(pc) =	sbr.abs _section_cstart, $3  }
0x37: {  	[dreg:$0x1] =	wrdreg $0xFFFFFFFF  }
0x38: {  	_ =	task.clear_ibuf [dreg:s6], $0x2FFFF;
	_ =	strace $0x9FFFFFFF  }
0x39: {  	(tm) =	ssettm $0x7FFFFFFF  }
tec
execute0_lowered:
.L_overlay_start_1:
0x0: {  	(tag) =	ssettag $0x1  }
0x1: {  	s0 =	stileid.u32  }
0x2: {  	s1 =	srdreg.scid;
	s4 =	rddreg [dreg:$0x0]  }
0x3: {  	_ =	strace $0x8000005F;
	s7 =	simm.s32 $0x1;
	s31 =	simm.s32 $0x2  }
0x4: {  	s19 =	simm.s32 $0x0;
	s21 =	simm.s32 $0x0;
	s20 =	simm.s32 $0x0  }
0x5: {  	s22 =	simm.s32 $0x0;
	s2 =	sshll.u32 s0, $0x5;
	s1 =	sshll.u32 s1, $0x9  }
0x6: {  	s10 =	simm.s32 $0x0;
	s12 =	simm.s32 $0x0;
	s1 =	sor.u32 s2, s1  }
0x7: {  	s13 =	simm.s32 $0x0;
	s14 =	simm.s32 $0x0;
	s2 =	sand.u32 $0x380, s1  }
0x8: {  	s15 =	simm.s32 $0x0;
	s18 =	simm.s32 $0x0;
	s5 =	ssub.s32 $0x800, s2  }
0x9: {  	s3 =	sadd.s32 $0x85200, s4;
	s4 =	sadd.s32 $0x485200, s4;
	s6 =	sand.u32 $0x380, s5  }
.Ltmp0:
0xa: {  	s1 =	simm.s32 $0x0;
	p0 =	sne.s32 s6, $0x0;
	(pc) =	sbr.rel .LBB1_1-.Ltmp0, $4  }
0xb: {  	s16 =	smov.u32 s2;
	s8 =	sshrl.u32 s5, $0xA;
	s7 =	simm.s32 @!p0 $0x0  }
0xc: {  	s5 =	sand.u32 $0x3, s0;
	s6 =	simm.s32 $0x1;
	s7 =	sadd.s32 s7, s8  }
0xd: {  	s17 =	smov.u32 s5;
	[sflag:s6] =	ssyncpa.u1 $0x0;
	s7 =	sshll.u32 s7, $0x5  }
0xe: {  	p0 =	por $0x0, $0x0;
	[sflag:s31] =	ssyncpa.u1 $0x0;
	s8 =	sor.u32 $0x1, s7  }
.LBB1_4:
0xf: {  	v5 =	vld [tilespmem:s24+$0xFFFFFFD0]  }
0x10: {  	v58 =	vld [tilespmem:s24+$0xFFFFFFE0]  }
0x11: {  	v59 =	vld [tilespmem:s24+$0xFFFFFFF0]  }
0x12: {  	s27 =	sshra.s32 s27, $0x2;
	v60 =	vld [tilespmem:s24+$0x0]  }
0x13: {  	s9 =	sshll.u32 s10, $0xB;
	p1 =	sgt.s32 s13, $0x3;
	s28 =	smov.u32 s13;
	v61 =	vld [tilespmem:s24+$0x10]  }
0x14: {  	s29 =	sshra.s32 s13, $0x1F;
	s30 =	sshll.u32 s12, $0x3;
	s11 =	sand.u32 $0x78, s12;
	v62 =	vld [tilespmem:s24+$0x20]  }
0x15: {  	v63 =	vld [tilespmem:s24+$0xFFFFFFC0];
	s24 =	smul.u32 $0x88000, s13;
	s26 =	sadd.s32 s27, s26;
	s28 =	simm.s32 @!p1 $0x3  }
0x16: {  	s29 =	sand.u32 s29, s13;
	s27 =	sand.u32 $0xFFFFC000, s9;
	s31 =	sand.u32 $0xFFFFFC00, s30  }
0x17: {  	s30 =	sand.u32 $0x400, s30;
	s9 =	sshra.s32 s12, $0x1F;
	s28 =	ssub.s32 s28, s29  }
0x18: {  	s27 =	sadd.s32 s31, s27;
	s29 =	sor.u32 s11, s30;
	s30 =	smov.u32 s12  }
0x19: {  	s11 =	smov.u32 s1;
	s31 =	sand.u32 s9, s12;
	s0 =	sadd.s32 $0xFFFFFFFD, s28  }
0x1a: {  	s9 =	sshra.s32 s10, $0x1F;
	s28 =	ssub.s32 $0x4, s28;
	p1 =	sgt.s32 s0, $0x0  }
0x1b: {  	s27 =	sshrl.u32 s27, $0xB;
	s28 =	simm.s32 @p1 $0x0;
	p1 =	sgt.s32 s12, $0x780  }
0x1c: {  	s0 =	sshra.s32 s1, $0x1F;
	s30 =	simm.s32 @!p1 $0x780;
	p1 =	sgt.s32 s1, $0xF  }
0x1d: {  	s9 =	sand.u32 s9, s10;
	s0 =	sand.u32 s0, s1;
	s11 =	simm.s32 @!p1 $0xF  }
0x1e: {  	s30 =	ssub.s32 s30, s31;
	p1 =	sgt.s32 s10, $0x8;
	s0 =	ssub.s32 s11, s0  }
0x1f: {  	[tilespmem:s25+$0x2040 ss:$0x81] =	vst.msk $0xffff, v4;
	s11 =	smov.u32 s10;
	s31 =	sadd.s32 $0xFFFFF880, s30;
	s30 =	ssub.s32 $0x800, s30  }
0x20: {  	[tilespmem:s25+$0x2850 ss:$0x81] =	vst.msk $0xffff, v3;
	s11 =	simm.s32 @!p1 $0x8;
	p1 =	sgt.s32 s31, $0x7F;
	s31 =	sadd.s32 $0xFFFFFFF1, s0  }
0x21: {  	[tilespmem:s25+$0x3060 ss:$0x81] =	vst.msk $0xffff, v2;
	s30 =	simm.s32 @p1 $0x0;
	p1 =	sgt.s32 s31, $0x0;
	s31 =	smulhi.u32 $0x1E1E1E2, s27  }
0x22: {  	[tilespmem:s25+$0x0 ss:$0x81] =	vst.msk $0xffff, v1;
	s0 =	ssub.s32 $0x10, s0;
	s9 =	ssub.s32 s11, s9;
	s11 =	smul.u32 s28, s30  }
0x23: {  	[tilespmem:s26+$0x3870 ss:$0x81] =	vst.msk $0xffff, v0;
	s30 =	sshll.u32 s10, $0x7;
	s0 =	simm.s32 @p1 $0x0;
	s28 =	smul.u32 $0x88, s31  }
0x24: {  	[tilespmem:s26+$0x810 ss:$0x81] =	vst.msk $0xffff, v5;
	s25 =	sand.u32 $0x380, s30;
	s31 =	sadd.s32 $0xFFFFFFF8, s9;
	s9 =	ssub.s32 $0x88, s9  }
0x25: {  	[tilespmem:s26+$0x1020 ss:$0x81] =	vst.msk $0xffff, v58;
	s0 =	smul.u32 s0, s11;
	p1 =	sgt.s32 s31, $0x7F;
	s30 =	sor.u32 s25, s29  }
0x26: {  	[tilespmem:s26+$0x1830 ss:$0x81] =	vst.msk $0xffff, v59;
	s31 =	smul.u32 $0x8800, s1;
	s11 =	sadd.s32 s4, s24;
	s9 =	simm.s32 @p1 $0x0  }
0x27: {  	[tilespmem:s26+$0x2040 ss:$0x81] =	vst.msk $0xffff, v60;
	s27 =	ssub.s32 s27, s28;
	s24 =	sshrl.u32 s30, $0x3;
	s28 =	sand.u32 $0x7, s12  }
0x28: {  	[tilespmem:s26+$0x2850 ss:$0x81] =	vst.msk $0xffff, v61;
	s0 =	smul.u32 s9, s0;
	s9 =	sadd.s32 s31, s11;
	s29 =	sshll.u32 s27, $0x8  }
0x29: {  	[tilespmem:s26+$0x3060 ss:$0x81] =	vst.msk $0xffff, v62;
	s30 =	sshll.u32 s28, $0x12;
	s31 =	simm.s32 $0x4000;
	s9 =	sadd.s32 s24, s9  }
0x2a: {  	[tilespmem:s26+$0x0 ss:$0x81] =	vst.msk $0xffff, v63;
	s11 =	sor.u32 $0x400, s30;
	s0 =	sand.u32 $0x3FFFFFFF, s0;
	s9 =	sadd.s32 s29, s9  }
0x2b: {  	[hbm4b:s9+s11] =	stream.strided.scatter [tilespmem:s23], [sflag:$0x2], s0, s31, s11, $0x20;
	[tilespmem:$0x10100] =	vst v63  }
.LBB1_5:
0x2c: {  	p1 =	slt.u32 s18, $0x2;
	s0 =	smov.u32 s22  }
0x2d: {  	s23 =	sadd.s32 $0x80, s14;
	s24 =	smov.u32 s16;
	s25 =	smov.u32 s17  }
0x2e: {  	p0 =	por !p0, !p0;
	p2 =	sgt.s32 @!p1 s22, $0x3;
	s9 =	sshra.s32 @!p1 s22, $0x1F  }
0x2f: {  	s11 =	sshra.s32 @!p1 s21, $0x1F;
	p3 =	sgt.s32 @!p1 s20, $0x780;
	p2 =	por !p2, p1  }
0x30: {  	s9 =	sand.u32 @!p1 s9, s22;
	s11 =	sand.u32 @!p1 s11, s21;
	s0 =	simm.s32 @p2 $0x3  }
0x31: {  	p3 =	por !p3, p1;
	p2 =	sgt.s32 @!p1 s21, $0xF;
	s0 =	ssub.s32 @!p1 s0, s9  }
0x32: {  	p2 =	por !p2, p1;
	s9 =	smov.u32 s21;
	s21 =	sadd.s32 @!p1 $0xFFFFFFFD, s0  }
0x33: {  	s9 =	simm.s32 @p2 $0xF;
	s0 =	ssub.s32 @!p1 $0x4, s0;
	p2 =	sgt.s32 @!p1 s21, $0x0  }
0x34: {  	s9 =	ssub.s32 @!p1 s9, s11;
	s21 =	sshra.s32 @!p1 s20, $0x1F;
	p2 =	por !p2, p1  }
0x35: {  	s11 =	sadd.s32 @!p1 $0xFFFFFFF1, s9;
	s9 =	ssub.s32 @!p1 $0x10, s9;
	s0 =	simm.s32 @!p2 $0x0  }
0x36: {  	p2 =	sgt.s32 @!p1 s11, $0x0;
	s11 =	smov.u32 s20;
	s20 =	sand.u32 @!p1 s21, s20  }
0x37: {  	s21 =	sshra.s32 @!p1 s19, $0x1F;
	s11 =	simm.s32 @p3 $0x780;
	p3 =	sgt.s32 @!p1 s19, $0x8  }
0x38: {  	p2 =	por !p2, p1;
	s11 =	ssub.s32 @!p1 s11, s20;
	p3 =	por !p3, p1  }
0x39: {  	s20 =	smov.u32 s19;
	s19 =	sand.u32 @!p1 s21, s19;
	s21 =	sadd.s32 @!p1 $0xFFFFF880, s11  }
0x3a: {  	s9 =	simm.s32 @!p2 $0x0;
	s20 =	simm.s32 @p3 $0x8;
	p2 =	sgt.s32 @!p1 s21, $0x7F  }
0x3b: {  	s11 =	ssub.s32 @!p1 $0x800, s11;
	s19 =	ssub.s32 @!p1 s20, s19;
	p2 =	por !p2, p1  }
0x3c: {  	s22 =	smov.u32 s13;
	s20 =	sadd.s32 @!p1 $0xFFFFFFF8, s19;
	s11 =	simm.s32 @!p2 $0x0  }
0x3d: {  	p2 =	sgt.s32 s23, $0x83;
	s0 =	smul.u32 @!p1 s0, s11;
	s11 =	simm.s32 $0x1  }
0x3e: {  	s19 =	ssub.s32 @!p1 $0x88, s19;
	p3 =	sgt.s32 @!p1 s20, $0x7F;
	s11 =	simm.s32 @!p2 $0x0  }
0x3f: {  	p3 =	por !p3, p1;
	s0 =	smul.u32 @!p1 s9, s0;
	s9 =	sadd.s32 s11, s15  }
0x40: {  	s19 =	simm.s32 @!p3 $0x0;
	s11 =	sadd.s32 $0x400, s16;
	p3 =	sgt.s32 s9, $0xF  }
0x41: {  	s13 =	smov.u32 s17;
	s21 =	smov.u32 s1;
	s24 =	smov.u32 @p3 s11  }
0x42: {  	s23 =	simm.s32 @p2 $0x0;
	s11 =	sadd.s32 $0x4, s17;
	p2 =	sgt.s32 s24, $0x7FF  }
0x43: {  	s1 =	smov.u32 s15;
	s20 =	smov.u32 s12;
	s25 =	smov.u32 @p2 s11  }
0x44: {  	s12 =	smov.u32 s16;
	s24 =	smov.u32 @p2 s2;
	p2 =	sgt.s32 s25, $0x3  }
0x45: {  	s0 =	smul.u32 @!p1 s19, s0;
	s25 =	smov.u32 @p2 s5;
	p2 =	sne.s32 s18, s8  }
.Ltmp1:
0x46: {  	s9 =	simm.s32 @p3 $0x0;
	s19 =	smov.u32 s10;
	(pc) =	sbr.rel @!p2 .LBB1_6-.Ltmp1, $4  }
0x47: {  	s10 =	smov.u32 s14;
	s0 =	sand.u32 @!p1 $0x3FFFFFFF, s0;
	s11 =	simm.s32 @!p1 $0x2  }
0x48: {  	s14 =	smov.u32 s23;
	s15 =	smov.u32 s9;
	_ =	swait.ge @!p1 [sflag:s11], s0  }
0x49: {  	s0 =	ssub.s32 @!p1 $0x0, s0;
	s16 =	smov.u32 s24;
	[sflag:s11] =	ssyncset.done @!p1 $0x0  }
0x4a: {  	s18 =	sadd.s32 $0x1, s18;
	[sflag:s11] =	ssyncadd.s32 @!p1 s0;
	s17 =	smov.u32 s25  }
.LBB1_1:
0x4b: {  	p1 =	sge.u32 s18, s7;
	s31 =	sadd.s32 $0xFFFFFFFF, s18  }
0x4c: {  	s23 =	sxor.u32 @!p1 $0xFFFFFFFF, s18;
	s24 =	sand.u32 @!p1 $0x78, s14;
	s25 =	sshll.u32 @!p1 s15, $0x8  }
0x4d: {  	s26 =	sshll.u32 @!p1 s14, $0x3;
	s27 =	sshll.u32 @!p1 s15, $0x7;
	s23 =	sshll.u32 @!p1 s23, $0xE  }
0x4e: {  	s25 =	sand.u32 @!p1 $0x800, s25;
	s26 =	sand.u32 @!p1 $0xC00, s26;
	s23 =	sand.u32 @!p1 $0x4000, s23  }
0x4f: {  	s25 =	sadd.s32 @!p1 s25, s26;
	s26 =	sand.u32 @!p1 $0x300, s27;
	s27 =	sand.u32 @!p1 $0x80, s27  }
0x50: {  	s25 =	sor.u32 @!p1 s26, s25;
	s24 =	sor.u32 @!p1 s24, s27;
	s26 =	sshll.u32 @!p1 s17, $0x14  }
0x51: {  	s27 =	sshll.u32 @!p1 s16, $0x9;
	s25 =	sshrl.u32 @!p1 s25, $0x3;
	s26 =	sadd.s32 @!p1 s3, s26  }
0x52: {  	s24 =	sshrl.u32 @!p1 s24, $0x3;
	s26 =	sadd.s32 @!p1 s27, s26;
	s27 =	sand.u32 @!p1 $0x7, s14  }
0x53: {  	s25 =	sand.u32 @!p1 $0x1E0, s25;
	s24 =	sadd.s32 @!p1 s24, s26;
	s26 =	sshll.u32 @!p1 s27, $0x12  }
0x54: {  	s24 =	sadd.s32 @!p1 s25, s24;
	s25 =	sor.u32 @!p1 $0x80, s26;
	s26 =	simm.s32 @!p1 $0x1000  }
0x55: {  	[tilespmem:s23], [sflag:$0x1] =	stream.strided.gather @!p1 [hbm4b:s24+s25], $0x4000, s26, s25, $0x38;
	[tilespmem:$0x10100] =	vst v63  }
0x56: {  	p1 =	sge.u32 s31, s7  }
.Ltmp2:
0x57: {  	_ = 	snop;
	(pc) =	sbr.rel @p1 .LBB1_5-.Ltmp2, $1  }
0x58: {  	_ =	sdelay $0x3  }
0x59: {  	s23 =	simm.s32 $0x1  }
0x5a: {  	_ =	swait.ge [sflag:s6], $0x4000;
	s23 =	simm.s32 @!p0 $0x0  }
0x5b: {  	[sflag:s6] =	ssyncset.done $0x0;
	s24 =	sshll.u32 s23, $0xE  }
0x5c: {  	[sflag:s6] =	ssyncadd.s32 $0xFFFFC000;
	s24 =	sor.u32 $0x40, s24  }
0x5d: {  	s23 =	smul.u32 $0x10200, s23;
	v0 =	vld [tilespmem:s24+$0x30]  }
0x5e: {  	v1 =	vld [tilespmem:s24+$0xFFFFFFD0]  }
0x5f: {  	s23 =	sshrl.u32 s23, $0x2;
	v5 =	vld [tilespmem:s24+$0xFFFFFFE0]  }
0x60: {  	v6 =	vld [tilespmem:s24+$0xFFFFFFF0];
	s26 =	sor.u32 $0x8000, s23  }
0x61: {  	s31 =	sand.u32 $0x1, s18;
	v4 =	vld [tilespmem:s24+$0x0];
	s25 =	sadd.s32 $0x0, s26  }
0x62: {  	v3 =	vld [tilespmem:s24+$0x10];
	s23 =	smul.u32 $0x10200, s31;
	[tilespmem:s25+$0x3870 ss:$0x81] =	vst.msk $0xffff, v0  }
0x63: {  	v2 =	vld [tilespmem:s24+$0x20];
	[tilespmem:s25+$0x810 ss:$0x81] =	vst.msk $0xffff, v1  }
0x64: {  	s23 =	sshrl.u32 s23, $0x2;
	v1 =	vld [tilespmem:s24+$0xFFFFFFC0];
	[tilespmem:s25+$0x1020 ss:$0x81] =	vst.msk $0xffff, v5;
	s24 =	sadd.s32 $0x80, s24  }
0x65: {  	s27 =	simm.s32 $0x4;
	s28 =	simm.s32 $0x8;
	s23 =	sor.u32 $0x8000, s23;
	[tilespmem:s25+$0x1830 ss:$0x81] =	vst.msk $0xffff, v6;
	v0 =	vld [tilespmem:s24+$0x30]  }
.LBB1_3:
0x66: {  	p1 =	sne.s32 s28, $0x1FC;
	v5 =	vld [tilespmem:s24+$0xFFFFFFD0];
	[tilespmem:s25+$0x2040 ss:$0x81] =	vst.msk $0xffff, v4  }
0x67: {  	v6 =	vld [tilespmem:s24+$0xFFFFFFE0];
	[tilespmem:s25+$0x2850 ss:$0x81] =	vst.msk $0xffff, v3  }
0x68: {  	s29 =	sshra.s32 s27, $0x2;
	s27 =	smov.u32 s28;
	v7 =	vld [tilespmem:s24+$0xFFFFFFF0];
	[tilespmem:s25+$0x3060 ss:$0x81] =	vst.msk $0xffff, v2  }
.Ltmp3:
0x69: {  	v4 =	vld [tilespmem:s24+$0x0];
	[tilespmem:s25+$0x0 ss:$0x81] =	vst.msk $0xffff, v1;
	s25 =	sadd.s32 s29, s26;
	(pc) =	sbr.rel @p1 .LBB1_3-.Ltmp3, $4  }
0x6a: {  	v3 =	vld [tilespmem:s24+$0x10];
	[tilespmem:s25+$0x3870 ss:$0x81] =	vst.msk $0xffff, v0  }
0x6b: {  	[tilespmem:s25+$0x810 ss:$0x81] =	vst.msk $0xffff, v5;
	v2 =	vld [tilespmem:s24+$0x20]  }
0x6c: {  	v1 =	vld [tilespmem:s24+$0xFFFFFFC0];
	[tilespmem:s25+$0x1020 ss:$0x81] =	vst.msk $0xffff, v6;
	s24 =	sadd.s32 $0x80, s24  }
0x6d: {  	s28 =	sadd.s32 $0x4, s28;
	v0 =	vld [tilespmem:s24+$0x30];
	[tilespmem:s25+$0x1830 ss:$0x81] =	vst.msk $0xffff, v7  }
.Ltmp4:
0x6e: {  	_ = 	snop;
	(pc) =	sbr.rel .LBB1_4-.Ltmp4, $1  }
0x6f: {  	_ =	sdelay $0x3  }
.LBB1_6:
0x70: {  	_ =	sfence.sel $0x180000  }
0x71: {  	s0 =	simm.s32 $0x1;
	[bflag:$0x0] =	sbarrier.arrive $0xFFFF  }
0x72: {  	s30 =	simm.s32 $0x2;
	[sflag:s0] =	ssyncpa.u1 $0x1  }
0x73: {  	[sflag:s30] =	ssyncpa.u1 $0x1  }
0x74: {  	_ =	strace $0x9000005F  }
0x75: {  	s31 =	stileid.u32;
	[bflag:$0x2] =	sbarrier.arrive $0xFFFF  }
0x76: {  	p0 =	sne.s32 s31, $0x0;
	s0 =	rddreg [dreg:$0x1]  }
0x77: {  	s0 =	sadd.s32 @!p0 $0x100000, s0  }
0x78: {  	[sflag:s0] =	ssyncadd.tile.s32 @!p0 $0x1;
	_ =	shalt  }
.Lfunc_end1:
_tile_overlayer_lowered:
.L_overlay_start_2:
0x79: {  	(tag) =	ssettag $0x2  }
0x7a: {  	s0 =	rddreg [dreg:$0x0];
	s2 =	stileid.u32  }
0x7b: {  	s1 =	rddreg [dreg:$0x1];
	p0 =	sne.s32 s2, $0x0  }
0x7c: {  	s3 =	rddreg [dreg:$0x2];
	[bflag:$0x3] =	sbarrier.arrive $0xFFFF;
	s2 =	simm.s32 @!p0 $0x1C01  }
0x7d: {  	[timem:s3], [sflag:s2] =	dma.local @!p0 [hbm:s0], s1  }
0x7e: {  	s0 =	simm.s32 @!p0 $0x1  }
0x7f: {  	_ =	swait.ge @!p0 [sflag:s0], s1  }
0x80: {  	s1 =	ssub.s32 @!p0 $0x0, s1;
	[sflag:s0] =	ssyncset.done @!p0 $0x0  }
0x81: {  	[sflag:s0] =	ssyncadd.s32 @!p0 s1  }
0x82: {  	[bflag:$0x3] =	sbarrier.arrive $0xFFFF  }
0x83: {  	_ =	shalt  }

</sc_bundles>
